<compile_context>
chip_gen: v7x
topology: tpu7x:2x2x1
jax: 0.10.2.dev20260603
libtpu: 0.0.44.dev20260713+nightly
codegen_flags: <defaults>
</compile_context>

<pallas_src>
import jax
import jax.numpy as jnp
from jax import lax
from jax.experimental import pallas as pl
from jax.experimental.pallas import tpu as pltpu
from jax.experimental.pallas import tpu_sc as plsc

B = 4096
H = 50
D = 64
N = B * H
NC = 2
NS = 16
NW = NC * NS
PER_W = N // NW
R = 400
NBUF = 2

SIZES = [R] * 16
OFFS = [sum(SIZES[:i]) for i in range(len(SIZES))]
NCHUNK = len(SIZES)
assert sum(SIZES) == PER_W
UNIFORM = 16


def _sc_body(sid_hbm, fid_hbm, stab_hbm, ftab_hbm, out_hbm,
             sidx_v, fidx_v, s0, s1, f0, f1, out_v,
             sem_s0, sem_s1, sem_f0, sem_f1):
    wid = lax.axis_index("s") * NC + lax.axis_index("c")

    sbufs = (s0, s1)
    fbufs = (f0, f1)
    ssems = (sem_s0, sem_s1)
    fsems = (sem_f0, sem_f1)

    pltpu.sync_copy(sid_hbm.at[wid], sidx_v)
    pltpu.sync_copy(fid_hbm.at[wid], fidx_v)

    lane = lax.iota(jnp.int32, 16)
    masks = tuple(lane == j for j in range(16))

    def start_dyn(off, k):
        pltpu.async_copy(stab_hbm.at[sidx_v.at[pl.ds(off, R)]],
                         sbufs[k], ssems[k])
        pltpu.async_copy(ftab_hbm.at[fidx_v.at[pl.ds(off, R)]],
                         fbufs[k], fsems[k])

    def wait_dyn(off, k):
        pltpu.make_async_copy(stab_hbm.at[sidx_v.at[pl.ds(off, R)]],
                              sbufs[k], ssems[k]).wait()
        pltpu.make_async_copy(ftab_hbm.at[fidx_v.at[pl.ds(off, R)]],
                              fbufs[k], fsems[k]).wait()

    def _dst(buf, sz):
        return buf if sz == R else buf.at[pl.ds(0, sz)]

    def start_tail(c, k):
        off, sz = OFFS[c], SIZES[c]
        pltpu.async_copy(stab_hbm.at[sidx_v.at[pl.ds(off, sz)]],
                         _dst(sbufs[k], sz), ssems[k])
        pltpu.async_copy(ftab_hbm.at[fidx_v.at[pl.ds(off, sz)]],
                         _dst(fbufs[k], sz), fsems[k])

    def wait_tail(c, k):
        off, sz = OFFS[c], SIZES[c]
        pltpu.make_async_copy(stab_hbm.at[sidx_v.at[pl.ds(off, sz)]],
                              _dst(sbufs[k], sz), ssems[k]).wait()
        pltpu.make_async_copy(ftab_hbm.at[fidx_v.at[pl.ds(off, sz)]],
                              _dst(fbufs[k], sz), fsems[k]).wait()

    def compute(off, sz, k):
        sbuf, fbuf = sbufs[k], fbufs[k]

        def group(g, carry):
            r0 = g * 16
            acc = jnp.zeros((16,), jnp.float32)
            for j in range(16):
                r = r0 + j
                p = (sbuf[r, pl.ds(0, 16)] * fbuf[r, pl.ds(0, 16)]
                     + sbuf[r, pl.ds(16, 16)] * fbuf[r, pl.ds(16, 16)]
                     + sbuf[r, pl.ds(32, 16)] * fbuf[r, pl.ds(32, 16)]
                     + sbuf[r, pl.ds(48, 16)] * fbuf[r, pl.ds(48, 16)])
                acc = jnp.where(masks[j], jnp.sum(p), acc)
            out_v[pl.ds(off + r0, 16)] = acc
            return carry

        lax.fori_loop(0, sz // 16, group, 0)

    for k in range(NBUF):
        start_tail(k, k)

    M = (UNIFORM - NBUF) // NBUF

    def rotation(i, carry):
        for k in range(NBUF):
            off = (NBUF * i + k) * R
            wait_dyn(off, k)
            compute(off, R, k)
            start_dyn(off + NBUF * R, k)
        return carry

    lax.fori_loop(0, M, rotation, 0)

    for c in range(M * NBUF, NCHUNK):
        wait_tail(c, c % NBUF)
        compute(OFFS[c], SIZES[c], c % NBUF)
        if c + NBUF < NCHUNK:
            start_tail(c + NBUF, c % NBUF)

    pltpu.sync_copy(out_v, out_hbm.at[pl.ds(wid * PER_W, PER_W)])


@jax.jit
def kernel(sample_id, filename, sample_table, filename_table):
    sid = sample_id.reshape(NW, PER_W).astype(jnp.int32)
    fid = filename.reshape(NW, PER_W).astype(jnp.int32)
    mesh = plsc.VectorSubcoreMesh(core_axis_name="c", subcore_axis_name="s")
    run = pl.kernel(
        _sc_body,
        out_type=jax.ShapeDtypeStruct((N,), jnp.float32),
        mesh=mesh,
        scratch_types=[
            pltpu.VMEM((PER_W,), jnp.int32),
            pltpu.VMEM((PER_W,), jnp.int32),
        ] + [pltpu.VMEM((R, D), jnp.float32)] * (2 * NBUF) + [
            pltpu.VMEM((PER_W,), jnp.float32),
        ] + [pltpu.SemaphoreType.DMA] * (2 * NBUF),
        compiler_params=pltpu.CompilerParams(
            needs_layout_passes=False, use_tc_tiling_on_sc=False),
    )
    out = run(sid, fid, sample_table, filename_table)
    return out.reshape(B, H)

# --- scband reference (transcript-rebuilt; emitter-appended) ---
"""Pipeline reference for scband-lens-ranking-model-45689862095149 (READ-ONLY COPY).

The authoritative reference and input builder live on the scoring server;
editing this copy changes nothing except your own understanding.
"""

import jax, jax.numpy as jnp
import numpy as np

VOCAB = 100000
EMBED_DIM = 64
BATCH = 4096
HIST = 50

def setup_inputs(seed: int = 0) -> dict:
    key = jax.random.key(seed)
    k1, k2, k3, k4 = jax.random.split(key, 4)
    sample_id = jax.random.randint(k1, (BATCH, HIST), 0, VOCAB, dtype=jnp.int64 if jax.config.read('jax_enable_x64') else jnp.int32)
    filename = jax.random.randint(k2, (BATCH, HIST), 0, VOCAB, dtype=jnp.int64 if jax.config.read('jax_enable_x64') else jnp.int32)
    sample_table = jax.random.normal(k3, (VOCAB, EMBED_DIM), dtype=jnp.float32) * 0.05
    filename_table = jax.random.normal(k4, (VOCAB, EMBED_DIM), dtype=jnp.float32) * 0.05
    return {"sample_id": sample_id, "filename": filename, "sample_table": sample_table, "filename_table": filename_table}

def reference(sample_id, filename, sample_table, filename_table):
    # sample_embed lookup: [B, L, 64]
    sample_embeddings = jnp.take(sample_table, sample_id, axis=0)
    # filename_embed lookup: [B, L, 64]
    filename_embeddings = jnp.take(filename_table, filename, axis=0)
    # elementwise product, reduce over embedding dim (axis=2) -> [B, L]
    return jnp.sum(sample_embeddings * filename_embeddings, axis=2)

if __name__ == "__main__":
    import jax
    _d = setup_inputs()
    print(jax.jit(kernel)(*tuple(_d.values())))

</pallas_src>

<mosaic_0001>
#map = affine_map<(d0, d1) -> (0, 0)>
#map1 = affine_map<(d0, d1) -> (0)>
module attributes {stable_mosaic.version = 14 : i64} {
  func.func @_sc_body(%arg0: i32, %arg1: i32, %arg2: memref<32x6400xi32, #tpu.memory_space<hbm>>, %arg3: memref<32x6400xi32, #tpu.memory_space<hbm>>, %arg4: memref<100000x64xf32, #tpu.memory_space<hbm>>, %arg5: memref<100000x64xf32, #tpu.memory_space<hbm>>, %arg6: memref<204800xf32, #tpu.memory_space<hbm>>, %arg7: memref<6400xi32, #tpu.memory_space<vmem>>, %arg8: memref<6400xi32, #tpu.memory_space<vmem>>, %arg9: memref<400x64xf32, #tpu.memory_space<vmem>>, %arg10: memref<400x64xf32, #tpu.memory_space<vmem>>, %arg11: memref<400x64xf32, #tpu.memory_space<vmem>>, %arg12: memref<400x64xf32, #tpu.memory_space<vmem>>, %arg13: memref<6400xf32, #tpu.memory_space<vmem>>, %arg14: memref<!tpu.dma_semaphore, #tpu.memory_space<semaphore_mem>>, %arg15: memref<!tpu.dma_semaphore, #tpu.memory_space<semaphore_mem>>, %arg16: memref<!tpu.dma_semaphore, #tpu.memory_space<semaphore_mem>>, %arg17: memref<!tpu.dma_semaphore, #tpu.memory_space<semaphore_mem>>) attributes {dimension_semantics = [#tpu.dimension_semantics<core_parallel>, #tpu.dimension_semantics<subcore_parallel>], iteration_bounds = array<i64: 2, 16>, scalar_prefetch = 0 : i64, scratch_operands = 11 : i64, tpu.core_type = #tpu.core_type<sc_vector_subcore>, window_params = [{transform_indices = #map}, {transform_indices = #map}, {transform_indices = #map}, {transform_indices = #map}, {transform_indices = #map1}]} {
    %mul3A = arith.constant 2 : i32
    %mul3A_0 = arith.muli %arg1, %mul3A : i32
    %add3A = arith.addi %mul3A_0, %arg0 : i32
    "tpu.region"() ({
      %run_scoped3A = tpu.sem_alloc : memref<!tpu.dma_semaphore, #tpu.memory_space<semaphore_mem>>
      %dma_start3A_105 = arith.constant 0 : i32
      %dma_start3A_106 = tpu.memref_slice %arg2[%add3A, %dma_start3A_105] : memref<32x6400xi32, #tpu.memory_space<hbm>> -> memref<1x6400xi32, #tpu.memory_space<hbm>>
      %dma_start3A_107 = tpu.memref_squeeze %dma_start3A_106 : memref<1x6400xi32, #tpu.memory_space<hbm>> -> memref<6400xi32, #tpu.memory_space<hbm>>
      %dma_start3A_108 = arith.constant 0 : i32
      %dma_start3A_109 = tpu.memref_slice %arg2[%add3A, %dma_start3A_108] : memref<32x6400xi32, #tpu.memory_space<hbm>> -> memref<1x6400xi32, #tpu.memory_space<hbm>>
      %dma_start3A_110 = tpu.memref_squeeze %dma_start3A_109 : memref<1x6400xi32, #tpu.memory_space<hbm>> -> memref<6400xi32, #tpu.memory_space<hbm>>
      tpu.enqueue_dma source(%dma_start3A_110 : memref<6400xi32, #tpu.memory_space<hbm>>) target(%arg7 : memref<6400xi32, #tpu.memory_space<vmem>>) target_semaphore(%run_scoped3A : memref<!tpu.dma_semaphore, #tpu.memory_space<semaphore_mem>>)
      %dma_wait3A_111 = arith.constant 0 : i32
      %dma_wait3A_112 = tpu.memref_slice %arg2[%add3A, %dma_wait3A_111] : memref<32x6400xi32, #tpu.memory_space<hbm>> -> memref<1x6400xi32, #tpu.memory_space<hbm>>
      %dma_wait3A_113 = tpu.memref_squeeze %dma_wait3A_112 : memref<1x6400xi32, #tpu.memory_space<hbm>> -> memref<6400xi32, #tpu.memory_space<hbm>>
      %dma_wait3A_114 = arith.constant 0 : i32
      %dma_wait3A_115 = tpu.memref_slice %arg2[%add3A, %dma_wait3A_114] : memref<32x6400xi32, #tpu.memory_space<hbm>> -> memref<1x6400xi32, #tpu.memory_space<hbm>>
      %dma_wait3A_116 = tpu.memref_squeeze %dma_wait3A_115 : memref<1x6400xi32, #tpu.memory_space<hbm>> -> memref<6400xi32, #tpu.memory_space<hbm>>
      tpu.wait_dma2 semaphore(%run_scoped3A : memref<!tpu.dma_semaphore, #tpu.memory_space<semaphore_mem>>) src(%dma_wait3A_116 : memref<6400xi32, #tpu.memory_space<hbm>>) dst(%arg7 : memref<6400xi32, #tpu.memory_space<vmem>>)
      tpu.yield
    }) : () -> ()
    "tpu.region"() ({
      %run_scoped3A = tpu.sem_alloc : memref<!tpu.dma_semaphore, #tpu.memory_space<semaphore_mem>>
      %dma_start3A_105 = arith.constant 0 : i32
      %dma_start3A_106 = tpu.memref_slice %arg3[%add3A, %dma_start3A_105] : memref<32x6400xi32, #tpu.memory_space<hbm>> -> memref<1x6400xi32, #tpu.memory_space<hbm>>
      %dma_start3A_107 = tpu.memref_squeeze %dma_start3A_106 : memref<1x6400xi32, #tpu.memory_space<hbm>> -> memref<6400xi32, #tpu.memory_space<hbm>>
      %dma_start3A_108 = arith.constant 0 : i32
      %dma_start3A_109 = tpu.memref_slice %arg3[%add3A, %dma_start3A_108] : memref<32x6400xi32, #tpu.memory_space<hbm>> -> memref<1x6400xi32, #tpu.memory_space<hbm>>
      %dma_start3A_110 = tpu.memref_squeeze %dma_start3A_109 : memref<1x6400xi32, #tpu.memory_space<hbm>> -> memref<6400xi32, #tpu.memory_space<hbm>>
      tpu.enqueue_dma source(%dma_start3A_110 : memref<6400xi32, #tpu.memory_space<hbm>>) target(%arg8 : memref<6400xi32, #tpu.memory_space<vmem>>) target_semaphore(%run_scoped3A : memref<!tpu.dma_semaphore, #tpu.memory_space<semaphore_mem>>)
      %dma_wait3A_111 = arith.constant 0 : i32
      %dma_wait3A_112 = tpu.memref_slice %arg3[%add3A, %dma_wait3A_111] : memref<32x6400xi32, #tpu.memory_space<hbm>> -> memref<1x6400xi32, #tpu.memory_space<hbm>>
      %dma_wait3A_113 = tpu.memref_squeeze %dma_wait3A_112 : memref<1x6400xi32, #tpu.memory_space<hbm>> -> memref<6400xi32, #tpu.memory_space<hbm>>
      %dma_wait3A_114 = arith.constant 0 : i32
      %dma_wait3A_115 = tpu.memref_slice %arg3[%add3A, %dma_wait3A_114] : memref<32x6400xi32, #tpu.memory_space<hbm>> -> memref<1x6400xi32, #tpu.memory_space<hbm>>
      %dma_wait3A_116 = tpu.memref_squeeze %dma_wait3A_115 : memref<1x6400xi32, #tpu.memory_space<hbm>> -> memref<6400xi32, #tpu.memory_space<hbm>>
      tpu.wait_dma2 semaphore(%run_scoped3A : memref<!tpu.dma_semaphore, #tpu.memory_space<semaphore_mem>>) src(%dma_wait3A_116 : memref<6400xi32, #tpu.memory_space<hbm>>) dst(%arg8 : memref<6400xi32, #tpu.memory_space<vmem>>)
      tpu.yield
    }) : () -> ()
    %iota3A = tpu.iota {dimensions = array<i32: 0>} : vector<16xi32>
    %eq3A = arith.constant 0 : i32
    %eq3A_1 = vector.broadcast %eq3A : i32 to vector<16xi32>
    %eq3A_2 = arith.cmpi eq, %iota3A, %eq3A_1 : vector<16xi32>
    %eq3A_3 = arith.constant 1 : i32
    %eq3A_4 = vector.broadcast %eq3A_3 : i32 to vector<16xi32>
    %eq3A_5 = arith.cmpi eq, %iota3A, %eq3A_4 : vector<16xi32>
    %eq3A_6 = arith.constant 2 : i32
    %eq3A_7 = vector.broadcast %eq3A_6 : i32 to vector<16xi32>
    %eq3A_8 = arith.cmpi eq, %iota3A, %eq3A_7 : vector<16xi32>
    %eq3A_9 = arith.constant 3 : i32
    %eq3A_10 = vector.broadcast %eq3A_9 : i32 to vector<16xi32>
    %eq3A_11 = arith.cmpi eq, %iota3A, %eq3A_10 : vector<16xi32>
    %eq3A_12 = arith.constant 4 : i32
    %eq3A_13 = vector.broadcast %eq3A_12 : i32 to vector<16xi32>
    %eq3A_14 = arith.cmpi eq, %iota3A, %eq3A_13 : vector<16xi32>
    %eq3A_15 = arith.constant 5 : i32
    %eq3A_16 = vector.broadcast %eq3A_15 : i32 to vector<16xi32>
    %eq3A_17 = arith.cmpi eq, %iota3A, %eq3A_16 : vector<16xi32>
    %eq3A_18 = arith.constant 6 : i32
    %eq3A_19 = vector.broadcast %eq3A_18 : i32 to vector<16xi32>
    %eq3A_20 = arith.cmpi eq, %iota3A, %eq3A_19 : vector<16xi32>
    %eq3A_21 = arith.constant 7 : i32
    %eq3A_22 = vector.broadcast %eq3A_21 : i32 to vector<16xi32>
    %eq3A_23 = arith.cmpi eq, %iota3A, %eq3A_22 : vector<16xi32>
    %eq3A_24 = arith.constant 8 : i32
    %eq3A_25 = vector.broadcast %eq3A_24 : i32 to vector<16xi32>
    %eq3A_26 = arith.cmpi eq, %iota3A, %eq3A_25 : vector<16xi32>
    %eq3A_27 = arith.constant 9 : i32
    %eq3A_28 = vector.broadcast %eq3A_27 : i32 to vector<16xi32>
    %eq3A_29 = arith.cmpi eq, %iota3A, %eq3A_28 : vector<16xi32>
    %eq3A_30 = arith.constant 10 : i32
    %eq3A_31 = vector.broadcast %eq3A_30 : i32 to vector<16xi32>
    %eq3A_32 = arith.cmpi eq, %iota3A, %eq3A_31 : vector<16xi32>
    %eq3A_33 = arith.constant 11 : i32
    %eq3A_34 = vector.broadcast %eq3A_33 : i32 to vector<16xi32>
    %eq3A_35 = arith.cmpi eq, %iota3A, %eq3A_34 : vector<16xi32>
    %eq3A_36 = arith.constant 12 : i32
    %eq3A_37 = vector.broadcast %eq3A_36 : i32 to vector<16xi32>
    %eq3A_38 = arith.cmpi eq, %iota3A, %eq3A_37 : vector<16xi32>
    %eq3A_39 = arith.constant 13 : i32
    %eq3A_40 = vector.broadcast %eq3A_39 : i32 to vector<16xi32>
    %eq3A_41 = arith.cmpi eq, %iota3A, %eq3A_40 : vector<16xi32>
    %eq3A_42 = arith.constant 14 : i32
    %eq3A_43 = vector.broadcast %eq3A_42 : i32 to vector<16xi32>
    %eq3A_44 = arith.cmpi eq, %iota3A, %eq3A_43 : vector<16xi32>
    %eq3A_45 = arith.constant 15 : i32
    %eq3A_46 = vector.broadcast %eq3A_45 : i32 to vector<16xi32>
    %eq3A_47 = arith.cmpi eq, %iota3A, %eq3A_46 : vector<16xi32>
    %dma_start3A = arith.constant 0 : i32
    %dma_start3A_48 = tpu.memref_slice %arg7[%dma_start3A] : memref<6400xi32, #tpu.memory_space<vmem>> -> memref<400xi32, #tpu.memory_space<vmem>>
    %dma_start3A_49 = arith.constant 0 : i32
    %dma_start3A_50 = arith.constant 0 : i32
    %dma_start3A_51 = tpu.memref_slice %arg4[%dma_start3A_49, %dma_start3A_50] : memref<100000x64xf32, #tpu.memory_space<hbm>> -> memref<100000x64xf32, #tpu.memory_space<hbm>>
    tpu.enqueue_indirect_dma source(%dma_start3A_51 : memref<100000x64xf32, #tpu.memory_space<hbm>>) target(%arg9 : memref<400x64xf32, #tpu.memory_space<vmem>>) offsets(%dma_start3A_48 : memref<400xi32, #tpu.memory_space<vmem>>) semaphore(%arg14 : memref<!tpu.dma_semaphore, #tpu.memory_space<semaphore_mem>>)
    %dma_start3A_52 = arith.constant 0 : i32
    %dma_start3A_53 = tpu.memref_slice %arg8[%dma_start3A_52] : memref<6400xi32, #tpu.memory_space<vmem>> -> memref<400xi32, #tpu.memory_space<vmem>>
    %dma_start3A_54 = arith.constant 0 : i32
    %dma_start3A_55 = arith.constant 0 : i32
    %dma_start3A_56 = tpu.memref_slice %arg5[%dma_start3A_54, %dma_start3A_55] : memref<100000x64xf32, #tpu.memory_space<hbm>> -> memref<100000x64xf32, #tpu.memory_space<hbm>>
    tpu.enqueue_indirect_dma source(%dma_start3A_56 : memref<100000x64xf32, #tpu.memory_space<hbm>>) target(%arg11 : memref<400x64xf32, #tpu.memory_space<vmem>>) offsets(%dma_start3A_53 : memref<400xi32, #tpu.memory_space<vmem>>) semaphore(%arg16 : memref<!tpu.dma_semaphore, #tpu.memory_space<semaphore_mem>>)
    %dma_start3A_57 = arith.constant 400 : i32
    %dma_start3A_58 = tpu.memref_slice %arg7[%dma_start3A_57] : memref<6400xi32, #tpu.memory_space<vmem>> -> memref<400xi32, #tpu.memory_space<vmem>>
    %dma_start3A_59 = arith.constant 0 : i32
    %dma_start3A_60 = arith.constant 0 : i32
    %dma_start3A_61 = tpu.memref_slice %arg4[%dma_start3A_59, %dma_start3A_60] : memref<100000x64xf32, #tpu.memory_space<hbm>> -> memref<100000x64xf32, #tpu.memory_space<hbm>>
    tpu.enqueue_indirect_dma source(%dma_start3A_61 : memref<100000x64xf32, #tpu.memory_space<hbm>>) target(%arg10 : memref<400x64xf32, #tpu.memory_space<vmem>>) offsets(%dma_start3A_58 : memref<400xi32, #tpu.memory_space<vmem>>) semaphore(%arg15 : memref<!tpu.dma_semaphore, #tpu.memory_space<semaphore_mem>>)
    %dma_start3A_62 = arith.constant 400 : i32
    %dma_start3A_63 = tpu.memref_slice %arg8[%dma_start3A_62] : memref<6400xi32, #tpu.memory_space<vmem>> -> memref<400xi32, #tpu.memory_space<vmem>>
    %dma_start3A_64 = arith.constant 0 : i32
    %dma_start3A_65 = arith.constant 0 : i32
    %dma_start3A_66 = tpu.memref_slice %arg5[%dma_start3A_64, %dma_start3A_65] : memref<100000x64xf32, #tpu.memory_space<hbm>> -> memref<100000x64xf32, #tpu.memory_space<hbm>>
    tpu.enqueue_indirect_dma source(%dma_start3A_66 : memref<100000x64xf32, #tpu.memory_space<hbm>>) target(%arg12 : memref<400x64xf32, #tpu.memory_space<vmem>>) offsets(%dma_start3A_63 : memref<400xi32, #tpu.memory_space<vmem>>) semaphore(%arg17 : memref<!tpu.dma_semaphore, #tpu.memory_space<semaphore_mem>>)
    %scan3A = arith.constant 0 : i32
    %scan3A_67 = arith.constant 0 : i32
    %scan3A_68 = arith.constant 7 : i32
    %scan3A_69 = arith.addi %scan3A_67, %scan3A_68 : i32
    %scan3A_70 = arith.constant 1 : i32
    scf.for %scan3A_105 = %scan3A_67 to %scan3A_69 step %scan3A_70  : i32 {
      %mul3A_106 = arith.constant 2 : i32
      %mul3A_107 = arith.muli %mul3A_106, %scan3A_105 : i32
      %add3A_108 = arith.constant 0 : i32
      %add3A_109 = arith.addi %mul3A_107, %add3A_108 : i32
      %mul3A_110 = arith.constant 400 : i32
      %mul3A_111 = arith.muli %add3A_109, %mul3A_110 : i32
      %dma_wait3A_112 = tpu.memref_slice %arg7[%mul3A_111] : memref<6400xi32, #tpu.memory_space<vmem>> -> memref<400xi32, #tpu.memory_space<vmem>>
      %dma_wait3A_113 = arith.constant 0 : i32
      %dma_wait3A_114 = arith.constant 0 : i32
      %dma_wait3A_115 = tpu.memref_slice %arg4[%dma_wait3A_113, %dma_wait3A_114] : memref<100000x64xf32, #tpu.memory_space<hbm>> -> memref<100000x64xf32, #tpu.memory_space<hbm>>
      tpu.wait_indirect_dma semaphore(%arg14 : memref<!tpu.dma_semaphore, #tpu.memory_space<semaphore_mem>>) src(%dma_wait3A_115 : memref<100000x64xf32, #tpu.memory_space<hbm>>) dst(%arg9 : memref<400x64xf32, #tpu.memory_space<vmem>>)
      %dma_wait3A_116 = tpu.memref_slice %arg8[%mul3A_111] : memref<6400xi32, #tpu.memory_space<vmem>> -> memref<400xi32, #tpu.memory_space<vmem>>
      %dma_wait3A_117 = arith.constant 0 : i32
      %dma_wait3A_118 = arith.constant 0 : i32
      %dma_wait3A_119 = tpu.memref_slice %arg5[%dma_wait3A_117, %dma_wait3A_118] : memref<100000x64xf32, #tpu.memory_space<hbm>> -> memref<100000x64xf32, #tpu.memory_space<hbm>>
      tpu.wait_indirect_dma semaphore(%arg16 : memref<!tpu.dma_semaphore, #tpu.memory_space<semaphore_mem>>) src(%dma_wait3A_119 : memref<100000x64xf32, #tpu.memory_space<hbm>>) dst(%arg11 : memref<400x64xf32, #tpu.memory_space<vmem>>)
      %scan3A_120 = arith.constant 0 : i32
      %scan3A_121 = arith.constant 0 : i32
      %scan3A_122 = arith.constant 25 : i32
      %scan3A_123 = arith.addi %scan3A_121, %scan3A_122 : i32
      %scan3A_124 = arith.constant 1 : i32
      scf.for %scan3A_166 = %scan3A_121 to %scan3A_123 step %scan3A_124  : i32 {
        %mul3A_167 = arith.constant 16 : i32
        %mul3A_168 = arith.muli %scan3A_166, %mul3A_167 : i32
        %broadcast_in_dim3A = arith.constant 0.000000e+00 : f32
        %broadcast_in_dim3A_169 = vector.broadcast %broadcast_in_dim3A : f32 to vector<16xf32>
        %add3A_170 = arith.constant 0 : i32
        %add3A_171 = arith.addi %mul3A_168, %add3A_170 : i32
        %get3A = arith.index_cast %add3A_171 : i32 to index
        %get3A_172 = arith.constant 0 : index
        %get3A_173 = tpu.vector_load %arg9[%get3A, %get3A_172] {strides = array<i32>} : memref<400x64xf32, #tpu.memory_space<vmem>>, vector<16xf32>,
        %get3A_174 = arith.index_cast %add3A_171 : i32 to index
        %get3A_175 = arith.constant 0 : index
        %get3A_176 = tpu.vector_load %arg11[%get3A_174, %get3A_175] {strides = array<i32>} : memref<400x64xf32, #tpu.memory_space<vmem>>, vector<16xf32>,
        %mul3A_177 = arith.mulf %get3A_173, %get3A_176 : vector<16xf32>
        %get3A_178 = arith.index_cast %add3A_171 : i32 to index
        %get3A_179 = arith.constant 16 : index
        %get3A_180 = tpu.vector_load %arg9[%get3A_178, %get3A_179] {strides = array<i32>} : memref<400x64xf32, #tpu.memory_space<vmem>>, vector<16xf32>,
        %get3A_181 = arith.index_cast %add3A_171 : i32 to index
        %get3A_182 = arith.constant 16 : index
        %get3A_183 = tpu.vector_load %arg11[%get3A_181, %get3A_182] {strides = array<i32>} : memref<400x64xf32, #tpu.memory_space<vmem>>, vector<16xf32>,
        %mul3A_184 = arith.mulf %get3A_180, %get3A_183 : vector<16xf32>
        %add3A_185 = arith.addf %mul3A_177, %mul3A_184 : vector<16xf32>
        %get3A_186 = arith.index_cast %add3A_171 : i32 to index
        %get3A_187 = arith.constant 32 : index
        %get3A_188 = tpu.vector_load %arg9[%get3A_186, %get3A_187] {strides = array<i32>} : memref<400x64xf32, #tpu.memory_space<vmem>>, vector<16xf32>,
        %get3A_189 = arith.index_cast %add3A_171 : i32 to index
        %get3A_190 = arith.constant 32 : index
        %get3A_191 = tpu.vector_load %arg11[%get3A_189, %get3A_190] {strides = array<i32>} : memref<400x64xf32, #tpu.memory_space<vmem>>, vector<16xf32>,
        %mul3A_192 = arith.mulf %get3A_188, %get3A_191 : vector<16xf32>
        %add3A_193 = arith.addf %add3A_185, %mul3A_192 : vector<16xf32>
        %get3A_194 = arith.index_cast %add3A_171 : i32 to index
        %get3A_195 = arith.constant 48 : index
        %get3A_196 = tpu.vector_load %arg9[%get3A_194, %get3A_195] {strides = array<i32>} : memref<400x64xf32, #tpu.memory_space<vmem>>, vector<16xf32>,
        %get3A_197 = arith.index_cast %add3A_171 : i32 to index
        %get3A_198 = arith.constant 48 : index
        %get3A_199 = tpu.vector_load %arg11[%get3A_197, %get3A_198] {strides = array<i32>} : memref<400x64xf32, #tpu.memory_space<vmem>>, vector<16xf32>,
        %mul3A_200 = arith.mulf %get3A_196, %get3A_199 : vector<16xf32>
        %add3A_201 = arith.addf %add3A_193, %mul3A_200 : vector<16xf32>
        %reduce_sum3A = arith.constant true
        %reduce_sum3A_202 = vector.broadcast %reduce_sum3A : i1 to vector<16xi1>
        %reduce_sum3A_203 = tpu.scan <sum>, %add3A_201 masked %reduce_sum3A_202 : vector<16xf32>, vector<16xi1> -> vector<16xf32>
        %reduce_sum3A_204 = vector.extract %reduce_sum3A_203[15] : f32 from vector<16xf32>
        %broadcast_in_dim3A_205 = vector.broadcast %reduce_sum3A_204 : f32 to vector<16xf32>
        %select_n3A = arith.select %eq3A_2, %broadcast_in_dim3A_205, %broadcast_in_dim3A_169 : vector<16xi1>, vector<16xf32>
        %add3A_206 = arith.constant 1 : i32
        %add3A_207 = arith.addi %mul3A_168, %add3A_206 : i32
        %get3A_208 = arith.index_cast %add3A_207 : i32 to index
        %get3A_209 = arith.constant 0 : index
        %get3A_210 = tpu.vector_load %arg9[%get3A_208, %get3A_209] {strides = array<i32>} : memref<400x64xf32, #tpu.memory_space<vmem>>, vector<16xf32>,
        %get3A_211 = arith.index_cast %add3A_207 : i32 to index
        %get3A_212 = arith.constant 0 : index
        %get3A_213 = tpu.vector_load %arg11[%get3A_211, %get3A_212] {strides = array<i32>} : memref<400x64xf32, #tpu.memory_space<vmem>>, vector<16xf32>,
        %mul3A_214 = arith.mulf %get3A_210, %get3A_213 : vector<16xf32>
        %get3A_215 = arith.index_cast %add3A_207 : i32 to index
        %get3A_216 = arith.constant 16 : index
        %get3A_217 = tpu.vector_load %arg9[%get3A_215, %get3A_216] {strides = array<i32>} : memref<400x64xf32, #tpu.memory_space<vmem>>, vector<16xf32>,
        %get3A_218 = arith.index_cast %add3A_207 : i32 to index
        %get3A_219 = arith.constant 16 : index
        %get3A_220 = tpu.vector_load %arg11[%get3A_218, %get3A_219] {strides = array<i32>} : memref<400x64xf32, #tpu.memory_space<vmem>>, vector<16xf32>,
        %mul3A_221 = arith.mulf %get3A_217, %get3A_220 : vector<16xf32>
        %add3A_222 = arith.addf %mul3A_214, %mul3A_221 : vector<16xf32>
        %get3A_223 = arith.index_cast %add3A_207 : i32 to index
        %get3A_224 = arith.constant 32 : index
        %get3A_225 = tpu.vector_load %arg9[%get3A_223, %get3A_224] {strides = array<i32>} : memref<400x64xf32, #tpu.memory_space<vmem>>, vector<16xf32>,
        %get3A_226 = arith.index_cast %add3A_207 : i32 to index
        %get3A_227 = arith.constant 32 : index
        %get3A_228 = tpu.vector_load %arg11[%get3A_226, %get3A_227] {strides = array<i32>} : memref<400x64xf32, #tpu.memory_space<vmem>>, vector<16xf32>,
        %mul3A_229 = arith.mulf %get3A_225, %get3A_228 : vector<16xf32>
        %add3A_230 = arith.addf %add3A_222, %mul3A_229 : vector<16xf32>
        %get3A_231 = arith.index_cast %add3A_207 : i32 to index
        %get3A_232 = arith.constant 48 : index
        %get3A_233 = tpu.vector_load %arg9[%get3A_231, %get3A_232] {strides = array<i32>} : memref<400x64xf32, #tpu.memory_space<vmem>>, vector<16xf32>,
        %get3A_234 = arith.index_cast %add3A_207 : i32 to index
        %get3A_235 = arith.constant 48 : index
        %get3A_236 = tpu.vector_load %arg11[%get3A_234, %get3A_235] {strides = array<i32>} : memref<400x64xf32, #tpu.memory_space<vmem>>, vector<16xf32>,
        %mul3A_237 = arith.mulf %get3A_233, %get3A_236 : vector<16xf32>
        %add3A_238 = arith.addf %add3A_230, %mul3A_237 : vector<16xf32>
        %reduce_sum3A_239 = arith.constant true
        %reduce_sum3A_240 = vector.broadcast %reduce_sum3A_239 : i1 to vector<16xi1>
        %reduce_sum3A_241 = tpu.scan <sum>, %add3A_238 masked %reduce_sum3A_240 : vector<16xf32>, vector<16xi1> -> vector<16xf32>
        %reduce_sum3A_242 = vector.extract %reduce_sum3A_241[15] : f32 from vector<16xf32>
        %broadcast_in_dim3A_243 = vector.broadcast %reduce_sum3A_242 : f32 to vector<16xf32>
        %select_n3A_244 = arith.select %eq3A_5, %broadcast_in_dim3A_243, %select_n3A : vector<16xi1>, vector<16xf32>
        %add3A_245 = arith.constant 2 : i32
        %add3A_246 = arith.addi %mul3A_168, %add3A_245 : i32
        %get3A_247 = arith.index_cast %add3A_246 : i32 to index
        %get3A_248 = arith.constant 0 : index
        %get3A_249 = tpu.vector_load %arg9[%get3A_247, %get3A_248] {strides = array<i32>} : memref<400x64xf32, #tpu.memory_space<vmem>>, vector<16xf32>,
        %get3A_250 = arith.index_cast %add3A_246 : i32 to index
        %get3A_251 = arith.constant 0 : index
        %get3A_252 = tpu.vector_load %arg11[%get3A_250, %get3A_251] {strides = array<i32>} : memref<400x64xf32, #tpu.memory_space<vmem>>, vector<16xf32>,
        %mul3A_253 = arith.mulf %get3A_249, %get3A_252 : vector<16xf32>
        %get3A_254 = arith.index_cast %add3A_246 : i32 to index
        %get3A_255 = arith.constant 16 : index
        %get3A_256 = tpu.vector_load %arg9[%get3A_254, %get3A_255] {strides = array<i32>} : memref<400x64xf32, #tpu.memory_space<vmem>>, vector<16xf32>,
        %get3A_257 = arith.index_cast %add3A_246 : i32 to index
        %get3A_258 = arith.constant 16 : index
        %get3A_259 = tpu.vector_load %arg11[%get3A_257, %get3A_258] {strides = array<i32>} : memref<400x64xf32, #tpu.memory_space<vmem>>, vector<16xf32>,
        %mul3A_260 = arith.mulf %get3A_256, %get3A_259 : vector<16xf32>
        %add3A_261 = arith.addf %mul3A_253, %mul3A_260 : vector<16xf32>
        %get3A_262 = arith.index_cast %add3A_246 : i32 to index
        %get3A_263 = arith.constant 32 : index
        %get3A_264 = tpu.vector_load %arg9[%get3A_262, %get3A_263] {strides = array<i32>} : memref<400x64xf32, #tpu.memory_space<vmem>>, vector<16xf32>,
        %get3A_265 = arith.index_cast %add3A_246 : i32 to index
        %get3A_266 = arith.constant 32 : index
        %get3A_267 = tpu.vector_load %arg11[%get3A_265, %get3A_266] {strides = array<i32>} : memref<400x64xf32, #tpu.memory_space<vmem>>, vector<16xf32>,
        %mul3A_268 = arith.mulf %get3A_264, %get3A_267 : vector<16xf32>
        %add3A_269 = arith.addf %add3A_261, %mul3A_268 : vector<16xf32>
        %get3A_270 = arith.index_cast %add3A_246 : i32 to index
        %get3A_271 = arith.constant 48 : index
        %get3A_272 = tpu.vector_load %arg9[%get3A_270, %get3A_271] {strides = array<i32>} : memref<400x64xf32, #tpu.memory_space<vmem>>, vector<16xf32>,
        %get3A_273 = arith.index_cast %add3A_246 : i32 to index
        %get3A_274 = arith.constant 48 : index
        %get3A_275 = tpu.vector_load %arg11[%get3A_273, %get3A_274] {strides = array<i32>} : memref<400x64xf32, #tpu.memory_space<vmem>>, vector<16xf32>,
        %mul3A_276 = arith.mulf %get3A_272, %get3A_275 : vector<16xf32>
        %add3A_277 = arith.addf %add3A_269, %mul3A_276 : vector<16xf32>
        %reduce_sum3A_278 = arith.constant true
        %reduce_sum3A_279 = vector.broadcast %reduce_sum3A_278 : i1 to vector<16xi1>
        %reduce_sum3A_280 = tpu.scan <sum>, %add3A_277 masked %reduce_sum3A_279 : vector<16xf32>, vector<16xi1> -> vector<16xf32>
        %reduce_sum3A_281 = vector.extract %reduce_sum3A_280[15] : f32 from vector<16xf32>
        %broadcast_in_dim3A_282 = vector.broadcast %reduce_sum3A_281 : f32 to vector<16xf32>
        %select_n3A_283 = arith.select %eq3A_8, %broadcast_in_dim3A_282, %select_n3A_244 : vector<16xi1>, vector<16xf32>
        %add3A_284 = arith.constant 3 : i32
        %add3A_285 = arith.addi %mul3A_168, %add3A_284 : i32
        %get3A_286 = arith.index_cast %add3A_285 : i32 to index
        %get3A_287 = arith.constant 0 : index
        %get3A_288 = tpu.vector_load %arg9[%get3A_286, %get3A_287] {strides = array<i32>} : memref<400x64xf32, #tpu.memory_space<vmem>>, vector<16xf32>,
        %get3A_289 = arith.index_cast %add3A_285 : i32 to index
        %get3A_290 = arith.constant 0 : index
        %get3A_291 = tpu.vector_load %arg11[%get3A_289, %get3A_290] {strides = array<i32>} : memref<400x64xf32, #tpu.memory_space<vmem>>, vector<16xf32>,
        %mul3A_292 = arith.mulf %get3A_288, %get3A_291 : vector<16xf32>
        %get3A_293 = arith.index_cast %add3A_285 : i32 to index
        %get3A_294 = arith.constant 16 : index
        %get3A_295 = tpu.vector_load %arg9[%get3A_293, %get3A_294] {strides = array<i32>} : memref<400x64xf32, #tpu.memory_space<vmem>>, vector<16xf32>,
        %get3A_296 = arith.index_cast %add3A_285 : i32 to index
        %get3A_297 = arith.constant 16 : index
        %get3A_298 = tpu.vector_load %arg11[%get3A_296, %get3A_297] {strides = array<i32>} : memref<400x64xf32, #tpu.memory_space<vmem>>, vector<16xf32>,
        %mul3A_299 = arith.mulf %get3A_295, %get3A_298 : vector<16xf32>
        %add3A_300 = arith.addf %mul3A_292, %mul3A_299 : vector<16xf32>
        %get3A_301 = arith.index_cast %add3A_285 : i32 to index
        %get3A_302 = arith.constant 32 : index
        %get3A_303 = tpu.vector_load %arg9[%get3A_301, %get3A_302] {strides = array<i32>} : memref<400x64xf32, #tpu.memory_space<vmem>>, vector<16xf32>,
        %get3A_304 = arith.index_cast %add3A_285 : i32 to index
        %get3A_305 = arith.constant 32 : index
        %get3A_306 = tpu.vector_load %arg11[%get3A_304, %get3A_305] {strides = array<i32>} : memref<400x64xf32, #tpu.memory_space<vmem>>, vector<16xf32>,
        %mul3A_307 = arith.mulf %get3A_303, %get3A_306 : vector<16xf32>
        %add3A_308 = arith.addf %add3A_300, %mul3A_307 : vector<16xf32>
        %get3A_309 = arith.index_cast %add3A_285 : i32 to index
        %get3A_310 = arith.constant 48 : index
        %get3A_311 = tpu.vector_load %arg9[%get3A_309, %get3A_310] {strides = array<i32>} : memref<400x64xf32, #tpu.memory_space<vmem>>, vector<16xf32>,
        %get3A_312 = arith.index_cast %add3A_285 : i32 to index
        %get3A_313 = arith.constant 48 : index
        %get3A_314 = tpu.vector_load %arg11[%get3A_312, %get3A_313] {strides = array<i32>} : memref<400x64xf32, #tpu.memory_space<vmem>>, vector<16xf32>,
        %mul3A_315 = arith.mulf %get3A_311, %get3A_314 : vector<16xf32>
        %add3A_316 = arith.addf %add3A_308, %mul3A_315 : vector<16xf32>
        %reduce_sum3A_317 = arith.constant true
        %reduce_sum3A_318 = vector.broadcast %reduce_sum3A_317 : i1 to vector<16xi1>
        %reduce_sum3A_319 = tpu.scan <sum>, %add3A_316 masked %reduce_sum3A_318 : vector<16xf32>, vector<16xi1> -> vector<16xf32>
        %reduce_sum3A_320 = vector.extract %reduce_sum3A_319[15] : f32 from vector<16xf32>
        %broadcast_in_dim3A_321 = vector.broadcast %reduce_sum3A_320 : f32 to vector<16xf32>
        %select_n3A_322 = arith.select %eq3A_11, %broadcast_in_dim3A_321, %select_n3A_283 : vector<16xi1>, vector<16xf32>
        %add3A_323 = arith.constant 4 : i32
        %add3A_324 = arith.addi %mul3A_168, %add3A_323 : i32
        %get3A_325 = arith.index_cast %add3A_324 : i32 to index
        %get3A_326 = arith.constant 0 : index
        %get3A_327 = tpu.vector_load %arg9[%get3A_325, %get3A_326] {strides = array<i32>} : memref<400x64xf32, #tpu.memory_space<vmem>>, vector<16xf32>,
        %get3A_328 = arith.index_cast %add3A_324 : i32 to index
        %get3A_329 = arith.constant 0 : index
        %get3A_330 = tpu.vector_load %arg11[%get3A_328, %get3A_329] {strides = array<i32>} : memref<400x64xf32, #tpu.memory_space<vmem>>, vector<16xf32>,
        %mul3A_331 = arith.mulf %get3A_327, %get3A_330 : vector<16xf32>
        %get3A_332 = arith.index_cast %add3A_324 : i32 to index
        %get3A_333 = arith.constant 16 : index
        %get3A_334 = tpu.vector_load %arg9[%get3A_332, %get3A_333] {strides = array<i32>} : memref<400x64xf32, #tpu.memory_space<vmem>>, vector<16xf32>,
        %get3A_335 = arith.index_cast %add3A_324 : i32 to index
        %get3A_336 = arith.constant 16 : index
        %get3A_337 = tpu.vector_load %arg11[%get3A_335, %get3A_336] {strides = array<i32>} : memref<400x64xf32, #tpu.memory_space<vmem>>, vector<16xf32>,
        %mul3A_338 = arith.mulf %get3A_334, %get3A_337 : vector<16xf32>
        %add3A_339 = arith.addf %mul3A_331, %mul3A_338 : vector<16xf32>
        %get3A_340 = arith.index_cast %add3A_324 : i32 to index
        %get3A_341 = arith.constant 32 : index
        %get3A_342 = tpu.vector_load %arg9[%get3A_340, %get3A_341] {strides = array<i32>} : memref<400x64xf32, #tpu.memory_space<vmem>>, vector<16xf32>,
        %get3A_343 = arith.index_cast %add3A_324 : i32 to index
        %get3A_344 = arith.constant 32 : index
        %get3A_345 = tpu.vector_load %arg11[%get3A_343, %get3A_344] {strides = array<i32>} : memref<400x64xf32, #tpu.memory_space<vmem>>, vector<16xf32>,
        %mul3A_346 = arith.mulf %get3A_342, %get3A_345 : vector<16xf32>
        %add3A_347 = arith.addf %add3A_339, %mul3A_346 : vector<16xf32>
        %get3A_348 = arith.index_cast %add3A_324 : i32 to index
        %get3A_349 = arith.constant 48 : index
        %get3A_350 = tpu.vector_load %arg9[%get3A_348, %get3A_349] {strides = array<i32>} : memref<400x64xf32, #tpu.memory_space<vmem>>, vector<16xf32>,
        %get3A_351 = arith.index_cast %add3A_324 : i32 to index
        %get3A_352 = arith.constant 48 : index
        %get3A_353 = tpu.vector_load %arg11[%get3A_351, %get3A_352] {strides = array<i32>} : memref<400x64xf32, #tpu.memory_space<vmem>>, vector<16xf32>,
        %mul3A_354 = arith.mulf %get3A_350, %get3A_353 : vector<16xf32>
        %add3A_355 = arith.addf %add3A_347, %mul3A_354 : vector<16xf32>
        %reduce_sum3A_356 = arith.constant true
        %reduce_sum3A_357 = vector.broadcast %reduce_sum3A_356 : i1 to vector<16xi1>
        %reduce_sum3A_358 = tpu.scan <sum>, %add3A_355 masked %reduce_sum3A_357 : vector<16xf32>, vector<16xi1> -> vector<16xf32>
        %reduce_sum3A_359 = vector.extract %reduce_sum3A_358[15] : f32 from vector<16xf32>
        %broadcast_in_dim3A_360 = vector.broadcast %reduce_sum3A_359 : f32 to vector<16xf32>
        %select_n3A_361 = arith.select %eq3A_14, %broadcast_in_dim3A_360, %select_n3A_322 : vector<16xi1>, vector<16xf32>
        %add3A_362 = arith.constant 5 : i32
        %add3A_363 = arith.addi %mul3A_168, %add3A_362 : i32
        %get3A_364 = arith.index_cast %add3A_363 : i32 to index
        %get3A_365 = arith.constant 0 : index
        %get3A_366 = tpu.vector_load %arg9[%get3A_364, %get3A_365] {strides = array<i32>} : memref<400x64xf32, #tpu.memory_space<vmem>>, vector<16xf32>,
        %get3A_367 = arith.index_cast %add3A_363 : i32 to index
        %get3A_368 = arith.constant 0 : index
        %get3A_369 = tpu.vector_load %arg11[%get3A_367, %get3A_368] {strides = array<i32>} : memref<400x64xf32, #tpu.memory_space<vmem>>, vector<16xf32>,
        %mul3A_370 = arith.mulf %get3A_366, %get3A_369 : vector<16xf32>
        %get3A_371 = arith.index_cast %add3A_363 : i32 to index
        %get3A_372 = arith.constant 16 : index
        %get3A_373 = tpu.vector_load %arg9[%get3A_371, %get3A_372] {strides = array<i32>} : memref<400x64xf32, #tpu.memory_space<vmem>>, vector<16xf32>,
        %get3A_374 = arith.index_cast %add3A_363 : i32 to index
        %get3A_375 = arith.constant 16 : index
        %get3A_376 = tpu.vector_load %arg11[%get3A_374, %get3A_375] {strides = array<i32>} : memref<400x64xf32, #tpu.memory_space<vmem>>, vector<16xf32>,
        %mul3A_377 = arith.mulf %get3A_373, %get3A_376 : vector<16xf32>
        %add3A_378 = arith.addf %mul3A_370, %mul3A_377 : vector<16xf32>
        %get3A_379 = arith.index_cast %add3A_363 : i32 to index
        %get3A_380 = arith.constant 32 : index
        %get3A_381 = tpu.vector_load %arg9[%get3A_379, %get3A_380] {strides = array<i32>} : memref<400x64xf32, #tpu.memory_space<vmem>>, vector<16xf32>,
        %get3A_382 = arith.index_cast %add3A_363 : i32 to index
        %get3A_383 = arith.constant 32 : index
        %get3A_384 = tpu.vector_load %arg11[%get3A_382, %get3A_383] {strides = array<i32>} : memref<400x64xf32, #tpu.memory_space<vmem>>, vector<16xf32>,
        %mul3A_385 = arith.mulf %get3A_381, %get3A_384 : vector<16xf32>
        %add3A_386 = arith.addf %add3A_378, %mul3A_385 : vector<16xf32>
        %get3A_387 = arith.index_cast %add3A_363 : i32 to index
        %get3A_388 = arith.constant 48 : index
        %get3A_389 = tpu.vector_load %arg9[%get3A_387, %get3A_388] {strides = array<i32>} : memref<400x64xf32, #tpu.memory_space<vmem>>, vector<16xf32>,
        %get3A_390 = arith.index_cast %add3A_363 : i32 to index
        %get3A_391 = arith.constant 48 : index
        %get3A_392 = tpu.vector_load %arg11[%get3A_390, %get3A_391] {strides = array<i32>} : memref<400x64xf32, #tpu.memory_space<vmem>>, vector<16xf32>,
        %mul3A_393 = arith.mulf %get3A_389, %get3A_392 : vector<16xf32>
        %add3A_394 = arith.addf %add3A_386, %mul3A_393 : vector<16xf32>
        %reduce_sum3A_395 = arith.constant true
        %reduce_sum3A_396 = vector.broadcast %reduce_sum3A_395 : i1 to vector<16xi1>
        %reduce_sum3A_397 = tpu.scan <sum>, %add3A_394 masked %reduce_sum3A_396 : vector<16xf32>, vector<16xi1> -> vector<16xf32>
        %reduce_sum3A_398 = vector.extract %reduce_sum3A_397[15] : f32 from vector<16xf32>
        %broadcast_in_dim3A_399 = vector.broadcast %reduce_sum3A_398 : f32 to vector<16xf32>
        %select_n3A_400 = arith.select %eq3A_17, %broadcast_in_dim3A_399, %select_n3A_361 : vector<16xi1>, vector<16xf32>
        %add3A_401 = arith.constant 6 : i32
        %add3A_402 = arith.addi %mul3A_168, %add3A_401 : i32
        %get3A_403 = arith.index_cast %add3A_402 : i32 to index
        %get3A_404 = arith.constant 0 : index
        %get3A_405 = tpu.vector_load %arg9[%get3A_403, %get3A_404] {strides = array<i32>} : memref<400x64xf32, #tpu.memory_space<vmem>>, vector<16xf32>,
        %get3A_406 = arith.index_cast %add3A_402 : i32 to index
        %get3A_407 = arith.constant 0 : index
        %get3A_408 = tpu.vector_load %arg11[%get3A_406, %get3A_407] {strides = array<i32>} : memref<400x64xf32, #tpu.memory_space<vmem>>, vector<16xf32>,
        %mul3A_409 = arith.mulf %get3A_405, %get3A_408 : vector<16xf32>
        %get3A_410 = arith.index_cast %add3A_402 : i32 to index
        %get3A_411 = arith.constant 16 : index
        %get3A_412 = tpu.vector_load %arg9[%get3A_410, %get3A_411] {strides = array<i32>} : memref<400x64xf32, #tpu.memory_space<vmem>>, vector<16xf32>,
        %get3A_413 = arith.index_cast %add3A_402 : i32 to index
        %get3A_414 = arith.constant 16 : index
        %get3A_415 = tpu.vector_load %arg11[%get3A_413, %get3A_414] {strides = array<i32>} : memref<400x64xf32, #tpu.memory_space<vmem>>, vector<16xf32>,
        %mul3A_416 = arith.mulf %get3A_412, %get3A_415 : vector<16xf32>
        %add3A_417 = arith.addf %mul3A_409, %mul3A_416 : vector<16xf32>
        %get3A_418 = arith.index_cast %add3A_402 : i32 to index
        %get3A_419 = arith.constant 32 : index
        %get3A_420 = tpu.vector_load %arg9[%get3A_418, %get3A_419] {strides = array<i32>} : memref<400x64xf32, #tpu.memory_space<vmem>>, vector<16xf32>,
        %get3A_421 = arith.index_cast %add3A_402 : i32 to index
        %get3A_422 = arith.constant 32 : index
        %get3A_423 = tpu.vector_load %arg11[%get3A_421, %get3A_422] {strides = array<i32>} : memref<400x64xf32, #tpu.memory_space<vmem>>, vector<16xf32>,
        %mul3A_424 = arith.mulf %get3A_420, %get3A_423 : vector<16xf32>
        %add3A_425 = arith.addf %add3A_417, %mul3A_424 : vector<16xf32>
        %get3A_426 = arith.index_cast %add3A_402 : i32 to index
        %get3A_427 = arith.constant 48 : index
        %get3A_428 = tpu.vector_load %arg9[%get3A_426, %get3A_427] {strides = array<i32>} : memref<400x64xf32, #tpu.memory_space<vmem>>, vector<16xf32>,
        %get3A_429 = arith.index_cast %add3A_402 : i32 to index
        %get3A_430 = arith.constant 48 : index
        %get3A_431 = tpu.vector_load %arg11[%get3A_429, %get3A_430] {strides = array<i32>} : memref<400x64xf32, #tpu.memory_space<vmem>>, vector<16xf32>,
        %mul3A_432 = arith.mulf %get3A_428, %get3A_431 : vector<16xf32>
        %add3A_433 = arith.addf %add3A_425, %mul3A_432 : vector<16xf32>
        %reduce_sum3A_434 = arith.constant true
        %reduce_sum3A_435 = vector.broadcast %reduce_sum3A_434 : i1 to vector<16xi1>
        %reduce_sum3A_436 = tpu.scan <sum>, %add3A_433 masked %reduce_sum3A_435 : vector<16xf32>, vector<16xi1> -> vector<16xf32>
        %reduce_sum3A_437 = vector.extract %reduce_sum3A_436[15] : f32 from vector<16xf32>
        %broadcast_in_dim3A_438 = vector.broadcast %reduce_sum3A_437 : f32 to vector<16xf32>
        %select_n3A_439 = arith.select %eq3A_20, %broadcast_in_dim3A_438, %select_n3A_400 : vector<16xi1>, vector<16xf32>
        %add3A_440 = arith.constant 7 : i32
        %add3A_441 = arith.addi %mul3A_168, %add3A_440 : i32
        %get3A_442 = arith.index_cast %add3A_441 : i32 to index
        %get3A_443 = arith.constant 0 : index
        %get3A_444 = tpu.vector_load %arg9[%get3A_442, %get3A_443] {strides = array<i32>} : memref<400x64xf32, #tpu.memory_space<vmem>>, vector<16xf32>,
        %get3A_445 = arith.index_cast %add3A_441 : i32 to index
        %get3A_446 = arith.constant 0 : index
        %get3A_447 = tpu.vector_load %arg11[%get3A_445, %get3A_446] {strides = array<i32>} : memref<400x64xf32, #tpu.memory_space<vmem>>, vector<16xf32>,
        %mul3A_448 = arith.mulf %get3A_444, %get3A_447 : vector<16xf32>
        %get3A_449 = arith.index_cast %add3A_441 : i32 to index
        %get3A_450 = arith.constant 16 : index
        %get3A_451 = tpu.vector_load %arg9[%get3A_449, %get3A_450] {strides = array<i32>} : memref<400x64xf32, #tpu.memory_space<vmem>>, vector<16xf32>,
        %get3A_452 = arith.index_cast %add3A_441 : i32 to index
        %get3A_453 = arith.constant 16 : index
        %get3A_454 = tpu.vector_load %arg11[%get3A_452, %get3A_453] {strides = array<i32>} : memref<400x64xf32, #tpu.memory_space<vmem>>, vector<16xf32>,
        %mul3A_455 = arith.mulf %get3A_451, %get3A_454 : vector<16xf32>
        %add3A_456 = arith.addf %mul3A_448, %mul3A_455 : vector<16xf32>
        %get3A_457 = arith.index_cast %add3A_441 : i32 to index
        %get3A_458 = arith.constant 32 : index
        %get3A_459 = tpu.vector_load %arg9[%get3A_457, %get3A_458] {strides = array<i32>} : memref<400x64xf32, #tpu.memory_space<vmem>>, vector<16xf32>,
        %get3A_460 = arith.index_cast %add3A_441 : i32 to index
        %get3A_461 = arith.constant 32 : index
        %get3A_462 = tpu.vector_load %arg11[%get3A_460, %get3A_461] {strides = array<i32>} : memref<400x64xf32, #tpu.memory_space<vmem>>, vector<16xf32>,
        %mul3A_463 = arith.mulf %get3A_459, %get3A_462 : vector<16xf32>
        %add3A_464 = arith.addf %add3A_456, %mul3A_463 : vector<16xf32>
        %get3A_465 = arith.index_cast %add3A_441 : i32 to index
        %get3A_466 = arith.constant 48 : index
        %get3A_467 = tpu.vector_load %arg9[%get3A_465, %get3A_466] {strides = array<i32>} : memref<400x64xf32, #tpu.memory_space<vmem>>, vector<16xf32>,
        %get3A_468 = arith.index_cast %add3A_441 : i32 to index
        %get3A_469 = arith.constant 48 : index
        %get3A_470 = tpu.vector_load %arg11[%get3A_468, %get3A_469] {strides = array<i32>} : memref<400x64xf32, #tpu.memory_space<vmem>>, vector<16xf32>,
        %mul3A_471 = arith.mulf %get3A_467, %get3A_470 : vector<16xf32>
        %add3A_472 = arith.addf %add3A_464, %mul3A_471 : vector<16xf32>
        %reduce_sum3A_473 = arith.constant true
        %reduce_sum3A_474 = vector.broadcast %reduce_sum3A_473 : i1 to vector<16xi1>
        %reduce_sum3A_475 = tpu.scan <sum>, %add3A_472 masked %reduce_sum3A_474 : vector<16xf32>, vector<16xi1> -> vector<16xf32>
        %reduce_sum3A_476 = vector.extract %reduce_sum3A_475[15] : f32 from vector<16xf32>
        %broadcast_in_dim3A_477 = vector.broadcast %reduce_sum3A_476 : f32 to vector<16xf32>
        %select_n3A_478 = arith.select %eq3A_23, %broadcast_in_dim3A_477, %select_n3A_439 : vector<16xi1>, vector<16xf32>
        %add3A_479 = arith.constant 8 : i32
        %add3A_480 = arith.addi %mul3A_168, %add3A_479 : i32
        %get3A_481 = arith.index_cast %add3A_480 : i32 to index
        %get3A_482 = arith.constant 0 : index
        %get3A_483 = tpu.vector_load %arg9[%get3A_481, %get3A_482] {strides = array<i32>} : memref<400x64xf32, #tpu.memory_space<vmem>>, vector<16xf32>,
        %get3A_484 = arith.index_cast %add3A_480 : i32 to index
        %get3A_485 = arith.constant 0 : index
        %get3A_486 = tpu.vector_load %arg11[%get3A_484, %get3A_485] {strides = array<i32>} : memref<400x64xf32, #tpu.memory_space<vmem>>, vector<16xf32>,
        %mul3A_487 = arith.mulf %get3A_483, %get3A_486 : vector<16xf32>
        %get3A_488 = arith.index_cast %add3A_480 : i32 to index
        %get3A_489 = arith.constant 16 : index
        %get3A_490 = tpu.vector_load %arg9[%get3A_488, %get3A_489] {strides = array<i32>} : memref<400x64xf32, #tpu.memory_space<vmem>>, vector<16xf32>,
        %get3A_491 = arith.index_cast %add3A_480 : i32 to index
        %get3A_492 = arith.constant 16 : index
        %get3A_493 = tpu.vector_load %arg11[%get3A_491, %get3A_492] {strides = array<i32>} : memref<400x64xf32, #tpu.memory_space<vmem>>, vector<16xf32>,
        %mul3A_494 = arith.mulf %get3A_490, %get3A_493 : vector<16xf32>
        %add3A_495 = arith.addf %mul3A_487, %mul3A_494 : vector<16xf32>
        %get3A_496 = arith.index_cast %add3A_480 : i32 to index
        %get3A_497 = arith.constant 32 : index
        %get3A_498 = tpu.vector_load %arg9[%get3A_496, %get3A_497] {strides = array<i32>} : memref<400x64xf32, #tpu.memory_space<vmem>>, vector<16xf32>,
        %get3A_499 = arith.index_cast %add3A_480 : i32 to index
        %get3A_500 = arith.constant 32 : index
        %get3A_501 = tpu.vector_load %arg11[%get3A_499, %get3A_500] {strides = array<i32>} : memref<400x64xf32, #tpu.memory_space<vmem>>, vector<16xf32>,
        %mul3A_502 = arith.mulf %get3A_498, %get3A_501 : vector<16xf32>
        %add3A_503 = arith.addf %add3A_495, %mul3A_502 : vector<16xf32>
        %get3A_504 = arith.index_cast %add3A_480 : i32 to index
        %get3A_505 = arith.constant 48 : index
        %get3A_506 = tpu.vector_load %arg9[%get3A_504, %get3A_505] {strides = array<i32>} : memref<400x64xf32, #tpu.memory_space<vmem>>, vector<16xf32>,
        %get3A_507 = arith.index_cast %add3A_480 : i32 to index
        %get3A_508 = arith.constant 48 : index
        %get3A_509 = tpu.vector_load %arg11[%get3A_507, %get3A_508] {strides = array<i32>} : memref<400x64xf32, #tpu.memory_space<vmem>>, vector<16xf32>,
        %mul3A_510 = arith.mulf %get3A_506, %get3A_509 : vector<16xf32>
        %add3A_511 = arith.addf %add3A_503, %mul3A_510 : vector<16xf32>
        %reduce_sum3A_512 = arith.constant true
        %reduce_sum3A_513 = vector.broadcast %reduce_sum3A_512 : i1 to vector<16xi1>
        %reduce_sum3A_514 = tpu.scan <sum>, %add3A_511 masked %reduce_sum3A_513 : vector<16xf32>, vector<16xi1> -> vector<16xf32>
        %reduce_sum3A_515 = vector.extract %reduce_sum3A_514[15] : f32 from vector<16xf32>
        %broadcast_in_dim3A_516 = vector.broadcast %reduce_sum3A_515 : f32 to vector<16xf32>
        %select_n3A_517 = arith.select %eq3A_26, %broadcast_in_dim3A_516, %select_n3A_478 : vector<16xi1>, vector<16xf32>
        %add3A_518 = arith.constant 9 : i32
        %add3A_519 = arith.addi %mul3A_168, %add3A_518 : i32
        %get3A_520 = arith.index_cast %add3A_519 : i32 to index
        %get3A_521 = arith.constant 0 : index
        %get3A_522 = tpu.vector_load %arg9[%get3A_520, %get3A_521] {strides = array<i32>} : memref<400x64xf32, #tpu.memory_space<vmem>>, vector<16xf32>,
        %get3A_523 = arith.index_cast %add3A_519 : i32 to index
        %get3A_524 = arith.constant 0 : index
        %get3A_525 = tpu.vector_load %arg11[%get3A_523, %get3A_524] {strides = array<i32>} : memref<400x64xf32, #tpu.memory_space<vmem>>, vector<16xf32>,
        %mul3A_526 = arith.mulf %get3A_522, %get3A_525 : vector<16xf32>
        %get3A_527 = arith.index_cast %add3A_519 : i32 to index
        %get3A_528 = arith.constant 16 : index
        %get3A_529 = tpu.vector_load %arg9[%get3A_527, %get3A_528] {strides = array<i32>} : memref<400x64xf32, #tpu.memory_space<vmem>>, vector<16xf32>,
        %get3A_530 = arith.index_cast %add3A_519 : i32 to index
        %get3A_531 = arith.constant 16 : index
        %get3A_532 = tpu.vector_load %arg11[%get3A_530, %get3A_531] {strides = array<i32>} : memref<400x64xf32, #tpu.memory_space<vmem>>, vector<16xf32>,
        %mul3A_533 = arith.mulf %get3A_529, %get3A_532 : vector<16xf32>
        %add3A_534 = arith.addf %mul3A_526, %mul3A_533 : vector<16xf32>
        %get3A_535 = arith.index_cast %add3A_519 : i32 to index
        %get3A_536 = arith.constant 32 : index
        %get3A_537 = tpu.vector_load %arg9[%get3A_535, %get3A_536] {strides = array<i32>} : memref<400x64xf32, #tpu.memory_space<vmem>>, vector<16xf32>,
        %get3A_538 = arith.index_cast %add3A_519 : i32 to index
        %get3A_539 = arith.constant 32 : index
        %get3A_540 = tpu.vector_load %arg11[%get3A_538, %get3A_539] {strides = array<i32>} : memref<400x64xf32, #tpu.memory_space<vmem>>, vector<16xf32>,
        %mul3A_541 = arith.mulf %get3A_537, %get3A_540 : vector<16xf32>
        %add3A_542 = arith.addf %add3A_534, %mul3A_541 : vector<16xf32>
        %get3A_543 = arith.index_cast %add3A_519 : i32 to index
        %get3A_544 = arith.constant 48 : index
        %get3A_545 = tpu.vector_load %arg9[%get3A_543, %get3A_544] {strides = array<i32>} : memref<400x64xf32, #tpu.memory_space<vmem>>, vector<16xf32>,
        %get3A_546 = arith.index_cast %add3A_519 : i32 to index
        %get3A_547 = arith.constant 48 : index
        %get3A_548 = tpu.vector_load %arg11[%get3A_546, %get3A_547] {strides = array<i32>} : memref<400x64xf32, #tpu.memory_space<vmem>>, vector<16xf32>,
        %mul3A_549 = arith.mulf %get3A_545, %get3A_548 : vector<16xf32>
        %add3A_550 = arith.addf %add3A_542, %mul3A_549 : vector<16xf32>
        %reduce_sum3A_551 = arith.constant true
        %reduce_sum3A_552 = vector.broadcast %reduce_sum3A_551 : i1 to vector<16xi1>
        %reduce_sum3A_553 = tpu.scan <sum>, %add3A_550 masked %reduce_sum3A_552 : vector<16xf32>, vector<16xi1> -> vector<16xf32>
        %reduce_sum3A_554 = vector.extract %reduce_sum3A_553[15] : f32 from vector<16xf32>
        %broadcast_in_dim3A_555 = vector.broadcast %reduce_sum3A_554 : f32 to vector<16xf32>
        %select_n3A_556 = arith.select %eq3A_29, %broadcast_in_dim3A_555, %select_n3A_517 : vector<16xi1>, vector<16xf32>
        %add3A_557 = arith.constant 10 : i32
        %add3A_558 = arith.addi %mul3A_168, %add3A_557 : i32
        %get3A_559 = arith.index_cast %add3A_558 : i32 to index
        %get3A_560 = arith.constant 0 : index
        %get3A_561 = tpu.vector_load %arg9[%get3A_559, %get3A_560] {strides = array<i32>} : memref<400x64xf32, #tpu.memory_space<vmem>>, vector<16xf32>,
        %get3A_562 = arith.index_cast %add3A_558 : i32 to index
        %get3A_563 = arith.constant 0 : index
        %get3A_564 = tpu.vector_load %arg11[%get3A_562, %get3A_563] {strides = array<i32>} : memref<400x64xf32, #tpu.memory_space<vmem>>, vector<16xf32>,
        %mul3A_565 = arith.mulf %get3A_561, %get3A_564 : vector<16xf32>
        %get3A_566 = arith.index_cast %add3A_558 : i32 to index
        %get3A_567 = arith.constant 16 : index
        %get3A_568 = tpu.vector_load %arg9[%get3A_566, %get3A_567] {strides = array<i32>} : memref<400x64xf32, #tpu.memory_space<vmem>>, vector<16xf32>,
        %get3A_569 = arith.index_cast %add3A_558 : i32 to index
        %get3A_570 = arith.constant 16 : index
        %get3A_571 = tpu.vector_load %arg11[%get3A_569, %get3A_570] {strides = array<i32>} : memref<400x64xf32, #tpu.memory_space<vmem>>, vector<16xf32>,
        %mul3A_572 = arith.mulf %get3A_568, %get3A_571 : vector<16xf32>
        %add3A_573 = arith.addf %mul3A_565, %mul3A_572 : vector<16xf32>
        %get3A_574 = arith.index_cast %add3A_558 : i32 to index
        %get3A_575 = arith.constant 32 : index
        %get3A_576 = tpu.vector_load %arg9[%get3A_574, %get3A_575] {strides = array<i32>} : memref<400x64xf32, #tpu.memory_space<vmem>>, vector<16xf32>,
        %get3A_577 = arith.index_cast %add3A_558 : i32 to index
        %get3A_578 = arith.constant 32 : index
        %get3A_579 = tpu.vector_load %arg11[%get3A_577, %get3A_578] {strides = array<i32>} : memref<400x64xf32, #tpu.memory_space<vmem>>, vector<16xf32>,
        %mul3A_580 = arith.mulf %get3A_576, %get3A_579 : vector<16xf32>
        %add3A_581 = arith.addf %add3A_573, %mul3A_580 : vector<16xf32>
        %get3A_582 = arith.index_cast %add3A_558 : i32 to index
        %get3A_583 = arith.constant 48 : index
        %get3A_584 = tpu.vector_load %arg9[%get3A_582, %get3A_583] {strides = array<i32>} : memref<400x64xf32, #tpu.memory_space<vmem>>, vector<16xf32>,
        %get3A_585 = arith.index_cast %add3A_558 : i32 to index
        %get3A_586 = arith.constant 48 : index
        %get3A_587 = tpu.vector_load %arg11[%get3A_585, %get3A_586] {strides = array<i32>} : memref<400x64xf32, #tpu.memory_space<vmem>>, vector<16xf32>,
        %mul3A_588 = arith.mulf %get3A_584, %get3A_587 : vector<16xf32>
        %add3A_589 = arith.addf %add3A_581, %mul3A_588 : vector<16xf32>
        %reduce_sum3A_590 = arith.constant true
        %reduce_sum3A_591 = vector.broadcast %reduce_sum3A_590 : i1 to vector<16xi1>
        %reduce_sum3A_592 = tpu.scan <sum>, %add3A_589 masked %reduce_sum3A_591 : vector<16xf32>, vector<16xi1> -> vector<16xf32>
        %reduce_sum3A_593 = vector.extract %reduce_sum3A_592[15] : f32 from vector<16xf32>
        %broadcast_in_dim3A_594 = vector.broadcast %reduce_sum3A_593 : f32 to vector<16xf32>
        %select_n3A_595 = arith.select %eq3A_32, %broadcast_in_dim3A_594, %select_n3A_556 : vector<16xi1>, vector<16xf32>
        %add3A_596 = arith.constant 11 : i32
        %add3A_597 = arith.addi %mul3A_168, %add3A_596 : i32
        %get3A_598 = arith.index_cast %add3A_597 : i32 to index
        %get3A_599 = arith.constant 0 : index
        %get3A_600 = tpu.vector_load %arg9[%get3A_598, %get3A_599] {strides = array<i32>} : memref<400x64xf32, #tpu.memory_space<vmem>>, vector<16xf32>,
        %get3A_601 = arith.index_cast %add3A_597 : i32 to index
        %get3A_602 = arith.constant 0 : index
        %get3A_603 = tpu.vector_load %arg11[%get3A_601, %get3A_602] {strides = array<i32>} : memref<400x64xf32, #tpu.memory_space<vmem>>, vector<16xf32>,
        %mul3A_604 = arith.mulf %get3A_600, %get3A_603 : vector<16xf32>
        %get3A_605 = arith.index_cast %add3A_597 : i32 to index
        %get3A_606 = arith.constant 16 : index
        %get3A_607 = tpu.vector_load %arg9[%get3A_605, %get3A_606] {strides = array<i32>} : memref<400x64xf32, #tpu.memory_space<vmem>>, vector<16xf32>,
        %get3A_608 = arith.index_cast %add3A_597 : i32 to index
        %get3A_609 = arith.constant 16 : index
        %get3A_610 = tpu.vector_load %arg11[%get3A_608, %get3A_609] {strides = array<i32>} : memref<400x64xf32, #tpu.memory_space<vmem>>, vector<16xf32>,
        %mul3A_611 = arith.mulf %get3A_607, %get3A_610 : vector<16xf32>
        %add3A_612 = arith.addf %mul3A_604, %mul3A_611 : vector<16xf32>
        %get3A_613 = arith.index_cast %add3A_597 : i32 to index
        %get3A_614 = arith.constant 32 : index
        %get3A_615 = tpu.vector_load %arg9[%get3A_613, %get3A_614] {strides = array<i32>} : memref<400x64xf32, #tpu.memory_space<vmem>>, vector<16xf32>,
        %get3A_616 = arith.index_cast %add3A_597 : i32 to index
        %get3A_617 = arith.constant 32 : index
        %get3A_618 = tpu.vector_load %arg11[%get3A_616, %get3A_617] {strides = array<i32>} : memref<400x64xf32, #tpu.memory_space<vmem>>, vector<16xf32>,
        %mul3A_619 = arith.mulf %get3A_615, %get3A_618 : vector<16xf32>
        %add3A_620 = arith.addf %add3A_612, %mul3A_619 : vector<16xf32>
        %get3A_621 = arith.index_cast %add3A_597 : i32 to index
        %get3A_622 = arith.constant 48 : index
        %get3A_623 = tpu.vector_load %arg9[%get3A_621, %get3A_622] {strides = array<i32>} : memref<400x64xf32, #tpu.memory_space<vmem>>, vector<16xf32>,
        %get3A_624 = arith.index_cast %add3A_597 : i32 to index
        %get3A_625 = arith.constant 48 : index
        %get3A_626 = tpu.vector_load %arg11[%get3A_624, %get3A_625] {strides = array<i32>} : memref<400x64xf32, #tpu.memory_space<vmem>>, vector<16xf32>,
        %mul3A_627 = arith.mulf %get3A_623, %get3A_626 : vector<16xf32>
        %add3A_628 = arith.addf %add3A_620, %mul3A_627 : vector<16xf32>
        %reduce_sum3A_629 = arith.constant true
        %reduce_sum3A_630 = vector.broadcast %reduce_sum3A_629 : i1 to vector<16xi1>
        %reduce_sum3A_631 = tpu.scan <sum>, %add3A_628 masked %reduce_sum3A_630 : vector<16xf32>, vector<16xi1> -> vector<16xf32>
        %reduce_sum3A_632 = vector.extract %reduce_sum3A_631[15] : f32 from vector<16xf32>
        %broadcast_in_dim3A_633 = vector.broadcast %reduce_sum3A_632 : f32 to vector<16xf32>
        %select_n3A_634 = arith.select %eq3A_35, %broadcast_in_dim3A_633, %select_n3A_595 : vector<16xi1>, vector<16xf32>
        %add3A_635 = arith.constant 12 : i32
        %add3A_636 = arith.addi %mul3A_168, %add3A_635 : i32
        %get3A_637 = arith.index_cast %add3A_636 : i32 to index
        %get3A_638 = arith.constant 0 : index
        %get3A_639 = tpu.vector_load %arg9[%get3A_637, %get3A_638] {strides = array<i32>} : memref<400x64xf32, #tpu.memory_space<vmem>>, vector<16xf32>,
        %get3A_640 = arith.index_cast %add3A_636 : i32 to index
        %get3A_641 = arith.constant 0 : index
        %get3A_642 = tpu.vector_load %arg11[%get3A_640, %get3A_641] {strides = array<i32>} : memref<400x64xf32, #tpu.memory_space<vmem>>, vector<16xf32>,
        %mul3A_643 = arith.mulf %get3A_639, %get3A_642 : vector<16xf32>
        %get3A_644 = arith.index_cast %add3A_636 : i32 to index
        %get3A_645 = arith.constant 16 : index
        %get3A_646 = tpu.vector_load %arg9[%get3A_644, %get3A_645] {strides = array<i32>} : memref<400x64xf32, #tpu.memory_space<vmem>>, vector<16xf32>,
        %get3A_647 = arith.index_cast %add3A_636 : i32 to index
        %get3A_648 = arith.constant 16 : index
        %get3A_649 = tpu.vector_load %arg11[%get3A_647, %get3A_648] {strides = array<i32>} : memref<400x64xf32, #tpu.memory_space<vmem>>, vector<16xf32>,
        %mul3A_650 = arith.mulf %get3A_646, %get3A_649 : vector<16xf32>
        %add3A_651 = arith.addf %mul3A_643, %mul3A_650 : vector<16xf32>
        %get3A_652 = arith.index_cast %add3A_636 : i32 to index
        %get3A_653 = arith.constant 32 : index
        %get3A_654 = tpu.vector_load %arg9[%get3A_652, %get3A_653] {strides = array<i32>} : memref<400x64xf32, #tpu.memory_space<vmem>>, vector<16xf32>,
        %get3A_655 = arith.index_cast %add3A_636 : i32 to index
        %get3A_656 = arith.constant 32 : index
        %get3A_657 = tpu.vector_load %arg11[%get3A_655, %get3A_656] {strides = array<i32>} : memref<400x64xf32, #tpu.memory_space<vmem>>, vector<16xf32>,
        %mul3A_658 = arith.mulf %get3A_654, %get3A_657 : vector<16xf32>
        %add3A_659 = arith.addf %add3A_651, %mul3A_658 : vector<16xf32>
        %get3A_660 = arith.index_cast %add3A_636 : i32 to index
        %get3A_661 = arith.constant 48 : index
        %get3A_662 = tpu.vector_load %arg9[%get3A_660, %get3A_661] {strides = array<i32>} : memref<400x64xf32, #tpu.memory_space<vmem>>, vector<16xf32>,
        %get3A_663 = arith.index_cast %add3A_636 : i32 to index
        %get3A_664 = arith.constant 48 : index
        %get3A_665 = tpu.vector_load %arg11[%get3A_663, %get3A_664] {strides = array<i32>} : memref<400x64xf32, #tpu.memory_space<vmem>>, vector<16xf32>,
        %mul3A_666 = arith.mulf %get3A_662, %get3A_665 : vector<16xf32>
        %add3A_667 = arith.addf %add3A_659, %mul3A_666 : vector<16xf32>
        %reduce_sum3A_668 = arith.constant true
        %reduce_sum3A_669 = vector.broadcast %reduce_sum3A_668 : i1 to vector<16xi1>
        %reduce_sum3A_670 = tpu.scan <sum>, %add3A_667 masked %reduce_sum3A_669 : vector<16xf32>, vector<16xi1> -> vector<16xf32>
        %reduce_sum3A_671 = vector.extract %reduce_sum3A_670[15] : f32 from vector<16xf32>
        %broadcast_in_dim3A_672 = vector.broadcast %reduce_sum3A_671 : f32 to vector<16xf32>
        %select_n3A_673 = arith.select %eq3A_38, %broadcast_in_dim3A_672, %select_n3A_634 : vector<16xi1>, vector<16xf32>
        %add3A_674 = arith.constant 13 : i32
        %add3A_675 = arith.addi %mul3A_168, %add3A_674 : i32
        %get3A_676 = arith.index_cast %add3A_675 : i32 to index
        %get3A_677 = arith.constant 0 : index
        %get3A_678 = tpu.vector_load %arg9[%get3A_676, %get3A_677] {strides = array<i32>} : memref<400x64xf32, #tpu.memory_space<vmem>>, vector<16xf32>,
        %get3A_679 = arith.index_cast %add3A_675 : i32 to index
        %get3A_680 = arith.constant 0 : index
        %get3A_681 = tpu.vector_load %arg11[%get3A_679, %get3A_680] {strides = array<i32>} : memref<400x64xf32, #tpu.memory_space<vmem>>, vector<16xf32>,
        %mul3A_682 = arith.mulf %get3A_678, %get3A_681 : vector<16xf32>
        %get3A_683 = arith.index_cast %add3A_675 : i32 to index
        %get3A_684 = arith.constant 16 : index
        %get3A_685 = tpu.vector_load %arg9[%get3A_683, %get3A_684] {strides = array<i32>} : memref<400x64xf32, #tpu.memory_space<vmem>>, vector<16xf32>,
        %get3A_686 = arith.index_cast %add3A_675 : i32 to index
        %get3A_687 = arith.constant 16 : index
        %get3A_688 = tpu.vector_load %arg11[%get3A_686, %get3A_687] {strides = array<i32>} : memref<400x64xf32, #tpu.memory_space<vmem>>, vector<16xf32>,
        %mul3A_689 = arith.mulf %get3A_685, %get3A_688 : vector<16xf32>
        %add3A_690 = arith.addf %mul3A_682, %mul3A_689 : vector<16xf32>
        %get3A_691 = arith.index_cast %add3A_675 : i32 to index
        %get3A_692 = arith.constant 32 : index
        %get3A_693 = tpu.vector_load %arg9[%get3A_691, %get3A_692] {strides = array<i32>} : memref<400x64xf32, #tpu.memory_space<vmem>>, vector<16xf32>,
        %get3A_694 = arith.index_cast %add3A_675 : i32 to index
        %get3A_695 = arith.constant 32 : index
        %get3A_696 = tpu.vector_load %arg11[%get3A_694, %get3A_695] {strides = array<i32>} : memref<400x64xf32, #tpu.memory_space<vmem>>, vector<16xf32>,
        %mul3A_697 = arith.mulf %get3A_693, %get3A_696 : vector<16xf32>
        %add3A_698 = arith.addf %add3A_690, %mul3A_697 : vector<16xf32>
        %get3A_699 = arith.index_cast %add3A_675 : i32 to index
        %get3A_700 = arith.constant 48 : index
        %get3A_701 = tpu.vector_load %arg9[%get3A_699, %get3A_700] {strides = array<i32>} : memref<400x64xf32, #tpu.memory_space<vmem>>, vector<16xf32>,
        %get3A_702 = arith.index_cast %add3A_675 : i32 to index
        %get3A_703 = arith.constant 48 : index
        %get3A_704 = tpu.vector_load %arg11[%get3A_702, %get3A_703] {strides = array<i32>} : memref<400x64xf32, #tpu.memory_space<vmem>>, vector<16xf32>,
        %mul3A_705 = arith.mulf %get3A_701, %get3A_704 : vector<16xf32>
        %add3A_706 = arith.addf %add3A_698, %mul3A_705 : vector<16xf32>
        %reduce_sum3A_707 = arith.constant true
        %reduce_sum3A_708 = vector.broadcast %reduce_sum3A_707 : i1 to vector<16xi1>
        %reduce_sum3A_709 = tpu.scan <sum>, %add3A_706 masked %reduce_sum3A_708 : vector<16xf32>, vector<16xi1> -> vector<16xf32>
        %reduce_sum3A_710 = vector.extract %reduce_sum3A_709[15] : f32 from vector<16xf32>
        %broadcast_in_dim3A_711 = vector.broadcast %reduce_sum3A_710 : f32 to vector<16xf32>
        %select_n3A_712 = arith.select %eq3A_41, %broadcast_in_dim3A_711, %select_n3A_673 : vector<16xi1>, vector<16xf32>
        %add3A_713 = arith.constant 14 : i32
        %add3A_714 = arith.addi %mul3A_168, %add3A_713 : i32
        %get3A_715 = arith.index_cast %add3A_714 : i32 to index
        %get3A_716 = arith.constant 0 : index
        %get3A_717 = tpu.vector_load %arg9[%get3A_715, %get3A_716] {strides = array<i32>} : memref<400x64xf32, #tpu.memory_space<vmem>>, vector<16xf32>,
        %get3A_718 = arith.index_cast %add3A_714 : i32 to index
        %get3A_719 = arith.constant 0 : index
        %get3A_720 = tpu.vector_load %arg11[%get3A_718, %get3A_719] {strides = array<i32>} : memref<400x64xf32, #tpu.memory_space<vmem>>, vector<16xf32>,
        %mul3A_721 = arith.mulf %get3A_717, %get3A_720 : vector<16xf32>
        %get3A_722 = arith.index_cast %add3A_714 : i32 to index
        %get3A_723 = arith.constant 16 : index
        %get3A_724 = tpu.vector_load %arg9[%get3A_722, %get3A_723] {strides = array<i32>} : memref<400x64xf32, #tpu.memory_space<vmem>>, vector<16xf32>,
        %get3A_725 = arith.index_cast %add3A_714 : i32 to index
        %get3A_726 = arith.constant 16 : index
        %get3A_727 = tpu.vector_load %arg11[%get3A_725, %get3A_726] {strides = array<i32>} : memref<400x64xf32, #tpu.memory_space<vmem>>, vector<16xf32>,
        %mul3A_728 = arith.mulf %get3A_724, %get3A_727 : vector<16xf32>
        %add3A_729 = arith.addf %mul3A_721, %mul3A_728 : vector<16xf32>
        %get3A_730 = arith.index_cast %add3A_714 : i32 to index
        %get3A_731 = arith.constant 32 : index
        %get3A_732 = tpu.vector_load %arg9[%get3A_730, %get3A_731] {strides = array<i32>} : memref<400x64xf32, #tpu.memory_space<vmem>>, vector<16xf32>,
        %get3A_733 = arith.index_cast %add3A_714 : i32 to index
        %get3A_734 = arith.constant 32 : index
        %get3A_735 = tpu.vector_load %arg11[%get3A_733, %get3A_734] {strides = array<i32>} : memref<400x64xf32, #tpu.memory_space<vmem>>, vector<16xf32>,
        %mul3A_736 = arith.mulf %get3A_732, %get3A_735 : vector<16xf32>
        %add3A_737 = arith.addf %add3A_729, %mul3A_736 : vector<16xf32>
        %get3A_738 = arith.index_cast %add3A_714 : i32 to index
        %get3A_739 = arith.constant 48 : index
        %get3A_740 = tpu.vector_load %arg9[%get3A_738, %get3A_739] {strides = array<i32>} : memref<400x64xf32, #tpu.memory_space<vmem>>, vector<16xf32>,
        %get3A_741 = arith.index_cast %add3A_714 : i32 to index
        %get3A_742 = arith.constant 48 : index
        %get3A_743 = tpu.vector_load %arg11[%get3A_741, %get3A_742] {strides = array<i32>} : memref<400x64xf32, #tpu.memory_space<vmem>>, vector<16xf32>,
        %mul3A_744 = arith.mulf %get3A_740, %get3A_743 : vector<16xf32>
        %add3A_745 = arith.addf %add3A_737, %mul3A_744 : vector<16xf32>
        %reduce_sum3A_746 = arith.constant true
        %reduce_sum3A_747 = vector.broadcast %reduce_sum3A_746 : i1 to vector<16xi1>
        %reduce_sum3A_748 = tpu.scan <sum>, %add3A_745 masked %reduce_sum3A_747 : vector<16xf32>, vector<16xi1> -> vector<16xf32>
        %reduce_sum3A_749 = vector.extract %reduce_sum3A_748[15] : f32 from vector<16xf32>
        %broadcast_in_dim3A_750 = vector.broadcast %reduce_sum3A_749 : f32 to vector<16xf32>
        %select_n3A_751 = arith.select %eq3A_44, %broadcast_in_dim3A_750, %select_n3A_712 : vector<16xi1>, vector<16xf32>
        %add3A_752 = arith.constant 15 : i32
        %add3A_753 = arith.addi %mul3A_168, %add3A_752 : i32
        %get3A_754 = arith.index_cast %add3A_753 : i32 to index
        %get3A_755 = arith.constant 0 : index
        %get3A_756 = tpu.vector_load %arg9[%get3A_754, %get3A_755] {strides = array<i32>} : memref<400x64xf32, #tpu.memory_space<vmem>>, vector<16xf32>,
        %get3A_757 = arith.index_cast %add3A_753 : i32 to index
        %get3A_758 = arith.constant 0 : index
        %get3A_759 = tpu.vector_load %arg11[%get3A_757, %get3A_758] {strides = array<i32>} : memref<400x64xf32, #tpu.memory_space<vmem>>, vector<16xf32>,
        %mul3A_760 = arith.mulf %get3A_756, %get3A_759 : vector<16xf32>
        %get3A_761 = arith.index_cast %add3A_753 : i32 to index
        %get3A_762 = arith.constant 16 : index
        %get3A_763 = tpu.vector_load %arg9[%get3A_761, %get3A_762] {strides = array<i32>} : memref<400x64xf32, #tpu.memory_space<vmem>>, vector<16xf32>,
        %get3A_764 = arith.index_cast %add3A_753 : i32 to index
        %get3A_765 = arith.constant 16 : index
        %get3A_766 = tpu.vector_load %arg11[%get3A_764, %get3A_765] {strides = array<i32>} : memref<400x64xf32, #tpu.memory_space<vmem>>, vector<16xf32>,
        %mul3A_767 = arith.mulf %get3A_763, %get3A_766 : vector<16xf32>
        %add3A_768 = arith.addf %mul3A_760, %mul3A_767 : vector<16xf32>
        %get3A_769 = arith.index_cast %add3A_753 : i32 to index
        %get3A_770 = arith.constant 32 : index
        %get3A_771 = tpu.vector_load %arg9[%get3A_769, %get3A_770] {strides = array<i32>} : memref<400x64xf32, #tpu.memory_space<vmem>>, vector<16xf32>,
        %get3A_772 = arith.index_cast %add3A_753 : i32 to index
        %get3A_773 = arith.constant 32 : index
        %get3A_774 = tpu.vector_load %arg11[%get3A_772, %get3A_773] {strides = array<i32>} : memref<400x64xf32, #tpu.memory_space<vmem>>, vector<16xf32>,
        %mul3A_775 = arith.mulf %get3A_771, %get3A_774 : vector<16xf32>
        %add3A_776 = arith.addf %add3A_768, %mul3A_775 : vector<16xf32>
        %get3A_777 = arith.index_cast %add3A_753 : i32 to index
        %get3A_778 = arith.constant 48 : index
        %get3A_779 = tpu.vector_load %arg9[%get3A_777, %get3A_778] {strides = array<i32>} : memref<400x64xf32, #tpu.memory_space<vmem>>, vector<16xf32>,
        %get3A_780 = arith.index_cast %add3A_753 : i32 to index
        %get3A_781 = arith.constant 48 : index
        %get3A_782 = tpu.vector_load %arg11[%get3A_780, %get3A_781] {strides = array<i32>} : memref<400x64xf32, #tpu.memory_space<vmem>>, vector<16xf32>,
        %mul3A_783 = arith.mulf %get3A_779, %get3A_782 : vector<16xf32>
        %add3A_784 = arith.addf %add3A_776, %mul3A_783 : vector<16xf32>
        %reduce_sum3A_785 = arith.constant true
        %reduce_sum3A_786 = vector.broadcast %reduce_sum3A_785 : i1 to vector<16xi1>
        %reduce_sum3A_787 = tpu.scan <sum>, %add3A_784 masked %reduce_sum3A_786 : vector<16xf32>, vector<16xi1> -> vector<16xf32>
        %reduce_sum3A_788 = vector.extract %reduce_sum3A_787[15] : f32 from vector<16xf32>
        %broadcast_in_dim3A_789 = vector.broadcast %reduce_sum3A_788 : f32 to vector<16xf32>
        %select_n3A_790 = arith.select %eq3A_47, %broadcast_in_dim3A_789, %select_n3A_751 : vector<16xi1>, vector<16xf32>
        %add3A_791 = arith.addi %mul3A_111, %mul3A_168 : i32
        %swap3A = arith.index_cast %add3A_791 : i32 to index
        %swap3A_792 = tpu.vector_load %arg13[%swap3A] {strides = array<i32>} : memref<6400xf32, #tpu.memory_space<vmem>>, vector<16xf32>,
        tpu.vector_store %arg13[%swap3A], %select_n3A_790 {strides = array<i32>} : memref<6400xf32, #tpu.memory_space<vmem>>, vector<16xf32>,
      }
      %scan3A_125 = arith.constant 25 : i32
      %add3A_126 = arith.constant 800 : i32
      %add3A_127 = arith.addi %mul3A_111, %add3A_126 : i32
      %dma_start3A_128 = tpu.memref_slice %arg7[%add3A_127] : memref<6400xi32, #tpu.memory_space<vmem>> -> memref<400xi32, #tpu.memory_space<vmem>>
      %dma_start3A_129 = arith.constant 0 : i32
      %dma_start3A_130 = arith.constant 0 : i32
      %dma_start3A_131 = tpu.memref_slice %arg4[%dma_start3A_129, %dma_start3A_130] : memref<100000x64xf32, #tpu.memory_space<hbm>> -> memref<100000x64xf32, #tpu.memory_space<hbm>>
      tpu.enqueue_indirect_dma source(%dma_start3A_131 : memref<100000x64xf32, #tpu.memory_space<hbm>>) target(%arg9 : memref<400x64xf32, #tpu.memory_space<vmem>>) offsets(%dma_start3A_128 : memref<400xi32, #tpu.memory_space<vmem>>) semaphore(%arg14 : memref<!tpu.dma_semaphore, #tpu.memory_space<semaphore_mem>>)
      %dma_start3A_132 = tpu.memref_slice %arg8[%add3A_127] : memref<6400xi32, #tpu.memory_space<vmem>> -> memref<400xi32, #tpu.memory_space<vmem>>
      %dma_start3A_133 = arith.constant 0 : i32
      %dma_start3A_134 = arith.constant 0 : i32
      %dma_start3A_135 = tpu.memref_slice %arg5[%dma_start3A_133, %dma_start3A_134] : memref<100000x64xf32, #tpu.memory_space<hbm>> -> memref<100000x64xf32, #tpu.memory_space<hbm>>
      tpu.enqueue_indirect_dma source(%dma_start3A_135 : memref<100000x64xf32, #tpu.memory_space<hbm>>) target(%arg11 : memref<400x64xf32, #tpu.memory_space<vmem>>) offsets(%dma_start3A_132 : memref<400xi32, #tpu.memory_space<vmem>>) semaphore(%arg16 : memref<!tpu.dma_semaphore, #tpu.memory_space<semaphore_mem>>)
      %mul3A_136 = arith.constant 2 : i32
      %mul3A_137 = arith.muli %mul3A_136, %scan3A_105 : i32
      %add3A_138 = arith.constant 1 : i32
      %add3A_139 = arith.addi %mul3A_137, %add3A_138 : i32
      %mul3A_140 = arith.constant 400 : i32
      %mul3A_141 = arith.muli %add3A_139, %mul3A_140 : i32
      %dma_wait3A_142 = tpu.memref_slice %arg7[%mul3A_141] : memref<6400xi32, #tpu.memory_space<vmem>> -> memref<400xi32, #tpu.memory_space<vmem>>
      %dma_wait3A_143 = arith.constant 0 : i32
      %dma_wait3A_144 = arith.constant 0 : i32
      %dma_wait3A_145 = tpu.memref_slice %arg4[%dma_wait3A_143, %dma_wait3A_144] : memref<100000x64xf32, #tpu.memory_space<hbm>> -> memref<100000x64xf32, #tpu.memory_space<hbm>>
      tpu.wait_indirect_dma semaphore(%arg15 : memref<!tpu.dma_semaphore, #tpu.memory_space<semaphore_mem>>) src(%dma_wait3A_145 : memref<100000x64xf32, #tpu.memory_space<hbm>>) dst(%arg10 : memref<400x64xf32, #tpu.memory_space<vmem>>)
      %dma_wait3A_146 = tpu.memref_slice %arg8[%mul3A_141] : memref<6400xi32, #tpu.memory_space<vmem>> -> memref<400xi32, #tpu.memory_space<vmem>>
      %dma_wait3A_147 = arith.constant 0 : i32
      %dma_wait3A_148 = arith.constant 0 : i32
      %dma_wait3A_149 = tpu.memref_slice %arg5[%dma_wait3A_147, %dma_wait3A_148] : memref<100000x64xf32, #tpu.memory_space<hbm>> -> memref<100000x64xf32, #tpu.memory_space<hbm>>
      tpu.wait_indirect_dma semaphore(%arg17 : memref<!tpu.dma_semaphore, #tpu.memory_space<semaphore_mem>>) src(%dma_wait3A_149 : memref<100000x64xf32, #tpu.memory_space<hbm>>) dst(%arg12 : memref<400x64xf32, #tpu.memory_space<vmem>>)
      %scan3A_150 = arith.constant 0 : i32
      %scan3A_151 = arith.constant 0 : i32
      %scan3A_152 = arith.constant 25 : i32
      %scan3A_153 = arith.addi %scan3A_151, %scan3A_152 : i32
      %scan3A_154 = arith.constant 1 : i32
      scf.for %scan3A_166 = %scan3A_151 to %scan3A_153 step %scan3A_154  : i32 {
        %mul3A_167 = arith.constant 16 : i32
        %mul3A_168 = arith.muli %scan3A_166, %mul3A_167 : i32
        %broadcast_in_dim3A = arith.constant 0.000000e+00 : f32
        %broadcast_in_dim3A_169 = vector.broadcast %broadcast_in_dim3A : f32 to vector<16xf32>
        %add3A_170 = arith.constant 0 : i32
        %add3A_171 = arith.addi %mul3A_168, %add3A_170 : i32
        %get3A = arith.index_cast %add3A_171 : i32 to index
        %get3A_172 = arith.constant 0 : index
        %get3A_173 = tpu.vector_load %arg10[%get3A, %get3A_172] {strides = array<i32>} : memref<400x64xf32, #tpu.memory_space<vmem>>, vector<16xf32>,
        %get3A_174 = arith.index_cast %add3A_171 : i32 to index
        %get3A_175 = arith.constant 0 : index
        %get3A_176 = tpu.vector_load %arg12[%get3A_174, %get3A_175] {strides = array<i32>} : memref<400x64xf32, #tpu.memory_space<vmem>>, vector<16xf32>,
        %mul3A_177 = arith.mulf %get3A_173, %get3A_176 : vector<16xf32>
        %get3A_178 = arith.index_cast %add3A_171 : i32 to index
        %get3A_179 = arith.constant 16 : index
        %get3A_180 = tpu.vector_load %arg10[%get3A_178, %get3A_179] {strides = array<i32>} : memref<400x64xf32, #tpu.memory_space<vmem>>, vector<16xf32>,
        %get3A_181 = arith.index_cast %add3A_171 : i32 to index
        %get3A_182 = arith.constant 16 : index
        %get3A_183 = tpu.vector_load %arg12[%get3A_181, %get3A_182] {strides = array<i32>} : memref<400x64xf32, #tpu.memory_space<vmem>>, vector<16xf32>,
        %mul3A_184 = arith.mulf %get3A_180, %get3A_183 : vector<16xf32>
        %add3A_185 = arith.addf %mul3A_177, %mul3A_184 : vector<16xf32>
        %get3A_186 = arith.index_cast %add3A_171 : i32 to index
        %get3A_187 = arith.constant 32 : index
        %get3A_188 = tpu.vector_load %arg10[%get3A_186, %get3A_187] {strides = array<i32>} : memref<400x64xf32, #tpu.memory_space<vmem>>, vector<16xf32>,
        %get3A_189 = arith.index_cast %add3A_171 : i32 to index
        %get3A_190 = arith.constant 32 : index
        %get3A_191 = tpu.vector_load %arg12[%get3A_189, %get3A_190] {strides = array<i32>} : memref<400x64xf32, #tpu.memory_space<vmem>>, vector<16xf32>,
        %mul3A_192 = arith.mulf %get3A_188, %get3A_191 : vector<16xf32>
        %add3A_193 = arith.addf %add3A_185, %mul3A_192 : vector<16xf32>
        %get3A_194 = arith.index_cast %add3A_171 : i32 to index
        %get3A_195 = arith.constant 48 : index
        %get3A_196 = tpu.vector_load %arg10[%get3A_194, %get3A_195] {strides = array<i32>} : memref<400x64xf32, #tpu.memory_space<vmem>>, vector<16xf32>,
        %get3A_197 = arith.index_cast %add3A_171 : i32 to index
        %get3A_198 = arith.constant 48 : index
        %get3A_199 = tpu.vector_load %arg12[%get3A_197, %get3A_198] {strides = array<i32>} : memref<400x64xf32, #tpu.memory_space<vmem>>, vector<16xf32>,
        %mul3A_200 = arith.mulf %get3A_196, %get3A_199 : vector<16xf32>
        %add3A_201 = arith.addf %add3A_193, %mul3A_200 : vector<16xf32>
        %reduce_sum3A = arith.constant true
        %reduce_sum3A_202 = vector.broadcast %reduce_sum3A : i1 to vector<16xi1>
        %reduce_sum3A_203 = tpu.scan <sum>, %add3A_201 masked %reduce_sum3A_202 : vector<16xf32>, vector<16xi1> -> vector<16xf32>
        %reduce_sum3A_204 = vector.extract %reduce_sum3A_203[15] : f32 from vector<16xf32>
        %broadcast_in_dim3A_205 = vector.broadcast %reduce_sum3A_204 : f32 to vector<16xf32>
        %select_n3A = arith.select %eq3A_2, %broadcast_in_dim3A_205, %broadcast_in_dim3A_169 : vector<16xi1>, vector<16xf32>
        %add3A_206 = arith.constant 1 : i32
        %add3A_207 = arith.addi %mul3A_168, %add3A_206 : i32
        %get3A_208 = arith.index_cast %add3A_207 : i32 to index
        %get3A_209 = arith.constant 0 : index
        %get3A_210 = tpu.vector_load %arg10[%get3A_208, %get3A_209] {strides = array<i32>} : memref<400x64xf32, #tpu.memory_space<vmem>>, vector<16xf32>,
        %get3A_211 = arith.index_cast %add3A_207 : i32 to index
        %get3A_212 = arith.constant 0 : index
        %get3A_213 = tpu.vector_load %arg12[%get3A_211, %get3A_212] {strides = array<i32>} : memref<400x64xf32, #tpu.memory_space<vmem>>, vector<16xf32>,
        %mul3A_214 = arith.mulf %get3A_210, %get3A_213 : vector<16xf32>
        %get3A_215 = arith.index_cast %add3A_207 : i32 to index
        %get3A_216 = arith.constant 16 : index
        %get3A_217 = tpu.vector_load %arg10[%get3A_215, %get3A_216] {strides = array<i32>} : memref<400x64xf32, #tpu.memory_space<vmem>>, vector<16xf32>,
        %get3A_218 = arith.index_cast %add3A_207 : i32 to index
        %get3A_219 = arith.constant 16 : index
        %get3A_220 = tpu.vector_load %arg12[%get3A_218, %get3A_219] {strides = array<i32>} : memref<400x64xf32, #tpu.memory_space<vmem>>, vector<16xf32>,
        %mul3A_221 = arith.mulf %get3A_217, %get3A_220 : vector<16xf32>
        %add3A_222 = arith.addf %mul3A_214, %mul3A_221 : vector<16xf32>
        %get3A_223 = arith.index_cast %add3A_207 : i32 to index
        %get3A_224 = arith.constant 32 : index
        %get3A_225 = tpu.vector_load %arg10[%get3A_223, %get3A_224] {strides = array<i32>} : memref<400x64xf32, #tpu.memory_space<vmem>>, vector<16xf32>,
        %get3A_226 = arith.index_cast %add3A_207 : i32 to index
        %get3A_227 = arith.constant 32 : index
        %get3A_228 = tpu.vector_load %arg12[%get3A_226, %get3A_227] {strides = array<i32>} : memref<400x64xf32, #tpu.memory_space<vmem>>, vector<16xf32>,
        %mul3A_229 = arith.mulf %get3A_225, %get3A_228 : vector<16xf32>
        %add3A_230 = arith.addf %add3A_222, %mul3A_229 : vector<16xf32>
        %get3A_231 = arith.index_cast %add3A_207 : i32 to index
        %get3A_232 = arith.constant 48 : index
        %get3A_233 = tpu.vector_load %arg10[%get3A_231, %get3A_232] {strides = array<i32>} : memref<400x64xf32, #tpu.memory_space<vmem>>, vector<16xf32>,
        %get3A_234 = arith.index_cast %add3A_207 : i32 to index
        %get3A_235 = arith.constant 48 : index
        %get3A_236 = tpu.vector_load %arg12[%get3A_234, %get3A_235] {strides = array<i32>} : memref<400x64xf32, #tpu.memory_space<vmem>>, vector<16xf32>,
        %mul3A_237 = arith.mulf %get3A_233, %get3A_236 : vector<16xf32>
        %add3A_238 = arith.addf %add3A_230, %mul3A_237 : vector<16xf32>
        %reduce_sum3A_239 = arith.constant true
        %reduce_sum3A_240 = vector.broadcast %reduce_sum3A_239 : i1 to vector<16xi1>
        %reduce_sum3A_241 = tpu.scan <sum>, %add3A_238 masked %reduce_sum3A_240 : vector<16xf32>, vector<16xi1> -> vector<16xf32>
        %reduce_sum3A_242 = vector.extract %reduce_sum3A_241[15] : f32 from vector<16xf32>
        %broadcast_in_dim3A_243 = vector.broadcast %reduce_sum3A_242 : f32 to vector<16xf32>
        %select_n3A_244 = arith.select %eq3A_5, %broadcast_in_dim3A_243, %select_n3A : vector<16xi1>, vector<16xf32>
        %add3A_245 = arith.constant 2 : i32
        %add3A_246 = arith.addi %mul3A_168, %add3A_245 : i32
        %get3A_247 = arith.index_cast %add3A_246 : i32 to index
        %get3A_248 = arith.constant 0 : index
        %get3A_249 = tpu.vector_load %arg10[%get3A_247, %get3A_248] {strides = array<i32>} : memref<400x64xf32, #tpu.memory_space<vmem>>, vector<16xf32>,
        %get3A_250 = arith.index_cast %add3A_246 : i32 to index
        %get3A_251 = arith.constant 0 : index
        %get3A_252 = tpu.vector_load %arg12[%get3A_250, %get3A_251] {strides = array<i32>} : memref<400x64xf32, #tpu.memory_space<vmem>>, vector<16xf32>,
        %mul3A_253 = arith.mulf %get3A_249, %get3A_252 : vector<16xf32>
        %get3A_254 = arith.index_cast %add3A_246 : i32 to index
        %get3A_255 = arith.constant 16 : index
        %get3A_256 = tpu.vector_load %arg10[%get3A_254, %get3A_255] {strides = array<i32>} : memref<400x64xf32, #tpu.memory_space<vmem>>, vector<16xf32>,
        %get3A_257 = arith.index_cast %add3A_246 : i32 to index
        %get3A_258 = arith.constant 16 : index
        %get3A_259 = tpu.vector_load %arg12[%get3A_257, %get3A_258] {strides = array<i32>} : memref<400x64xf32, #tpu.memory_space<vmem>>, vector<16xf32>,
        %mul3A_260 = arith.mulf %get3A_256, %get3A_259 : vector<16xf32>
        %add3A_261 = arith.addf %mul3A_253, %mul3A_260 : vector<16xf32>
        %get3A_262 = arith.index_cast %add3A_246 : i32 to index
        %get3A_263 = arith.constant 32 : index
        %get3A_264 = tpu.vector_load %arg10[%get3A_262, %get3A_263] {strides = array<i32>} : memref<400x64xf32, #tpu.memory_space<vmem>>, vector<16xf32>,
        %get3A_265 = arith.index_cast %add3A_246 : i32 to index
        %get3A_266 = arith.constant 32 : index
        %get3A_267 = tpu.vector_load %arg12[%get3A_265, %get3A_266] {strides = array<i32>} : memref<400x64xf32, #tpu.memory_space<vmem>>, vector<16xf32>,
        %mul3A_268 = arith.mulf %get3A_264, %get3A_267 : vector<16xf32>
        %add3A_269 = arith.addf %add3A_261, %mul3A_268 : vector<16xf32>
        %get3A_270 = arith.index_cast %add3A_246 : i32 to index
        %get3A_271 = arith.constant 48 : index
        %get3A_272 = tpu.vector_load %arg10[%get3A_270, %get3A_271] {strides = array<i32>} : memref<400x64xf32, #tpu.memory_space<vmem>>, vector<16xf32>,
        %get3A_273 = arith.index_cast %add3A_246 : i32 to index
        %get3A_274 = arith.constant 48 : index
        %get3A_275 = tpu.vector_load %arg12[%get3A_273, %get3A_274] {strides = array<i32>} : memref<400x64xf32, #tpu.memory_space<vmem>>, vector<16xf32>,
        %mul3A_276 = arith.mulf %get3A_272, %get3A_275 : vector<16xf32>
        %add3A_277 = arith.addf %add3A_269, %mul3A_276 : vector<16xf32>
        %reduce_sum3A_278 = arith.constant true
        %reduce_sum3A_279 = vector.broadcast %reduce_sum3A_278 : i1 to vector<16xi1>
        %reduce_sum3A_280 = tpu.scan <sum>, %add3A_277 masked %reduce_sum3A_279 : vector<16xf32>, vector<16xi1> -> vector<16xf32>
        %reduce_sum3A_281 = vector.extract %reduce_sum3A_280[15] : f32 from vector<16xf32>
        %broadcast_in_dim3A_282 = vector.broadcast %reduce_sum3A_281 : f32 to vector<16xf32>
        %select_n3A_283 = arith.select %eq3A_8, %broadcast_in_dim3A_282, %select_n3A_244 : vector<16xi1>, vector<16xf32>
        %add3A_284 = arith.constant 3 : i32
        %add3A_285 = arith.addi %mul3A_168, %add3A_284 : i32
        %get3A_286 = arith.index_cast %add3A_285 : i32 to index
        %get3A_287 = arith.constant 0 : index
        %get3A_288 = tpu.vector_load %arg10[%get3A_286, %get3A_287] {strides = array<i32>} : memref<400x64xf32, #tpu.memory_space<vmem>>, vector<16xf32>,
        %get3A_289 = arith.index_cast %add3A_285 : i32 to index
        %get3A_290 = arith.constant 0 : index
        %get3A_291 = tpu.vector_load %arg12[%get3A_289, %get3A_290] {strides = array<i32>} : memref<400x64xf32, #tpu.memory_space<vmem>>, vector<16xf32>,
        %mul3A_292 = arith.mulf %get3A_288, %get3A_291 : vector<16xf32>
        %get3A_293 = arith.index_cast %add3A_285 : i32 to index
        %get3A_294 = arith.constant 16 : index
        %get3A_295 = tpu.vector_load %arg10[%get3A_293, %get3A_294] {strides = array<i32>} : memref<400x64xf32, #tpu.memory_space<vmem>>, vector<16xf32>,
        %get3A_296 = arith.index_cast %add3A_285 : i32 to index
        %get3A_297 = arith.constant 16 : index
        %get3A_298 = tpu.vector_load %arg12[%get3A_296, %get3A_297] {strides = array<i32>} : memref<400x64xf32, #tpu.memory_space<vmem>>, vector<16xf32>,
        %mul3A_299 = arith.mulf %get3A_295, %get3A_298 : vector<16xf32>
        %add3A_300 = arith.addf %mul3A_292, %mul3A_299 : vector<16xf32>
        %get3A_301 = arith.index_cast %add3A_285 : i32 to index
        %get3A_302 = arith.constant 32 : index
        %get3A_303 = tpu.vector_load %arg10[%get3A_301, %get3A_302] {strides = array<i32>} : memref<400x64xf32, #tpu.memory_space<vmem>>, vector<16xf32>,
        %get3A_304 = arith.index_cast %add3A_285 : i32 to index
        %get3A_305 = arith.constant 32 : index
        %get3A_306 = tpu.vector_load %arg12[%get3A_304, %get3A_305] {strides = array<i32>} : memref<400x64xf32, #tpu.memory_space<vmem>>, vector<16xf32>,
        %mul3A_307 = arith.mulf %get3A_303, %get3A_306 : vector<16xf32>
        %add3A_308 = arith.addf %add3A_300, %mul3A_307 : vector<16xf32>
        %get3A_309 = arith.index_cast %add3A_285 : i32 to index
        %get3A_310 = arith.constant 48 : index
        %get3A_311 = tpu.vector_load %arg10[%get3A_309, %get3A_310] {strides = array<i32>} : memref<400x64xf32, #tpu.memory_space<vmem>>, vector<16xf32>,
        %get3A_312 = arith.index_cast %add3A_285 : i32 to index
        %get3A_313 = arith.constant 48 : index
        %get3A_314 = tpu.vector_load %arg12[%get3A_312, %get3A_313] {strides = array<i32>} : memref<400x64xf32, #tpu.memory_space<vmem>>, vector<16xf32>,
        %mul3A_315 = arith.mulf %get3A_311, %get3A_314 : vector<16xf32>
        %add3A_316 = arith.addf %add3A_308, %mul3A_315 : vector<16xf32>
        %reduce_sum3A_317 = arith.constant true
        %reduce_sum3A_318 = vector.broadcast %reduce_sum3A_317 : i1 to vector<16xi1>
        %reduce_sum3A_319 = tpu.scan <sum>, %add3A_316 masked %reduce_sum3A_318 : vector<16xf32>, vector<16xi1> -> vector<16xf32>
        %reduce_sum3A_320 = vector.extract %reduce_sum3A_319[15] : f32 from vector<16xf32>
        %broadcast_in_dim3A_321 = vector.broadcast %reduce_sum3A_320 : f32 to vector<16xf32>
        %select_n3A_322 = arith.select %eq3A_11, %broadcast_in_dim3A_321, %select_n3A_283 : vector<16xi1>, vector<16xf32>
        %add3A_323 = arith.constant 4 : i32
        %add3A_324 = arith.addi %mul3A_168, %add3A_323 : i32
        %get3A_325 = arith.index_cast %add3A_324 : i32 to index
        %get3A_326 = arith.constant 0 : index
        %get3A_327 = tpu.vector_load %arg10[%get3A_325, %get3A_326] {strides = array<i32>} : memref<400x64xf32, #tpu.memory_space<vmem>>, vector<16xf32>,
        %get3A_328 = arith.index_cast %add3A_324 : i32 to index
        %get3A_329 = arith.constant 0 : index
        %get3A_330 = tpu.vector_load %arg12[%get3A_328, %get3A_329] {strides = array<i32>} : memref<400x64xf32, #tpu.memory_space<vmem>>, vector<16xf32>,
        %mul3A_331 = arith.mulf %get3A_327, %get3A_330 : vector<16xf32>
        %get3A_332 = arith.index_cast %add3A_324 : i32 to index
        %get3A_333 = arith.constant 16 : index
        %get3A_334 = tpu.vector_load %arg10[%get3A_332, %get3A_333] {strides = array<i32>} : memref<400x64xf32, #tpu.memory_space<vmem>>, vector<16xf32>,
        %get3A_335 = arith.index_cast %add3A_324 : i32 to index
        %get3A_336 = arith.constant 16 : index
        %get3A_337 = tpu.vector_load %arg12[%get3A_335, %get3A_336] {strides = array<i32>} : memref<400x64xf32, #tpu.memory_space<vmem>>, vector<16xf32>,
        %mul3A_338 = arith.mulf %get3A_334, %get3A_337 : vector<16xf32>
        %add3A_339 = arith.addf %mul3A_331, %mul3A_338 : vector<16xf32>
        %get3A_340 = arith.index_cast %add3A_324 : i32 to index
        %get3A_341 = arith.constant 32 : index
        %get3A_342 = tpu.vector_load %arg10[%get3A_340, %get3A_341] {strides = array<i32>} : memref<400x64xf32, #tpu.memory_space<vmem>>, vector<16xf32>,
        %get3A_343 = arith.index_cast %add3A_324 : i32 to index
        %get3A_344 = arith.constant 32 : index
        %get3A_345 = tpu.vector_load %arg12[%get3A_343, %get3A_344] {strides = array<i32>} : memref<400x64xf32, #tpu.memory_space<vmem>>, vector<16xf32>,
        %mul3A_346 = arith.mulf %get3A_342, %get3A_345 : vector<16xf32>
        %add3A_347 = arith.addf %add3A_339, %mul3A_346 : vector<16xf32>
        %get3A_348 = arith.index_cast %add3A_324 : i32 to index
        %get3A_349 = arith.constant 48 : index
        %get3A_350 = tpu.vector_load %arg10[%get3A_348, %get3A_349] {strides = array<i32>} : memref<400x64xf32, #tpu.memory_space<vmem>>, vector<16xf32>,
        %get3A_351 = arith.index_cast %add3A_324 : i32 to index
        %get3A_352 = arith.constant 48 : index
        %get3A_353 = tpu.vector_load %arg12[%get3A_351, %get3A_352] {strides = array<i32>} : memref<400x64xf32, #tpu.memory_space<vmem>>, vector<16xf32>,
        %mul3A_354 = arith.mulf %get3A_350, %get3A_353 : vector<16xf32>
        %add3A_355 = arith.addf %add3A_347, %mul3A_354 : vector<16xf32>
        %reduce_sum3A_356 = arith.constant true
        %reduce_sum3A_357 = vector.broadcast %reduce_sum3A_356 : i1 to vector<16xi1>
        %reduce_sum3A_358 = tpu.scan <sum>, %add3A_355 masked %reduce_sum3A_357 : vector<16xf32>, vector<16xi1> -> vector<16xf32>
        %reduce_sum3A_359 = vector.extract %reduce_sum3A_358[15] : f32 from vector<16xf32>
        %broadcast_in_dim3A_360 = vector.broadcast %reduce_sum3A_359 : f32 to vector<16xf32>
        %select_n3A_361 = arith.select %eq3A_14, %broadcast_in_dim3A_360, %select_n3A_322 : vector<16xi1>, vector<16xf32>
        %add3A_362 = arith.constant 5 : i32
        %add3A_363 = arith.addi %mul3A_168, %add3A_362 : i32
        %get3A_364 = arith.index_cast %add3A_363 : i32 to index
        %get3A_365 = arith.constant 0 : index
        %get3A_366 = tpu.vector_load %arg10[%get3A_364, %get3A_365] {strides = array<i32>} : memref<400x64xf32, #tpu.memory_space<vmem>>, vector<16xf32>,
        %get3A_367 = arith.index_cast %add3A_363 : i32 to index
        %get3A_368 = arith.constant 0 : index
        %get3A_369 = tpu.vector_load %arg12[%get3A_367, %get3A_368] {strides = array<i32>} : memref<400x64xf32, #tpu.memory_space<vmem>>, vector<16xf32>,
        %mul3A_370 = arith.mulf %get3A_366, %get3A_369 : vector<16xf32>
        %get3A_371 = arith.index_cast %add3A_363 : i32 to index
        %get3A_372 = arith.constant 16 : index
        %get3A_373 = tpu.vector_load %arg10[%get3A_371, %get3A_372] {strides = array<i32>} : memref<400x64xf32, #tpu.memory_space<vmem>>, vector<16xf32>,
        %get3A_374 = arith.index_cast %add3A_363 : i32 to index
        %get3A_375 = arith.constant 16 : index
        %get3A_376 = tpu.vector_load %arg12[%get3A_374, %get3A_375] {strides = array<i32>} : memref<400x64xf32, #tpu.memory_space<vmem>>, vector<16xf32>,
        %mul3A_377 = arith.mulf %get3A_373, %get3A_376 : vector<16xf32>
        %add3A_378 = arith.addf %mul3A_370, %mul3A_377 : vector<16xf32>
        %get3A_379 = arith.index_cast %add3A_363 : i32 to index
        %get3A_380 = arith.constant 32 : index
        %get3A_381 = tpu.vector_load %arg10[%get3A_379, %get3A_380] {strides = array<i32>} : memref<400x64xf32, #tpu.memory_space<vmem>>, vector<16xf32>,
        %get3A_382 = arith.index_cast %add3A_363 : i32 to index
        %get3A_383 = arith.constant 32 : index
        %get3A_384 = tpu.vector_load %arg12[%get3A_382, %get3A_383] {strides = array<i32>} : memref<400x64xf32, #tpu.memory_space<vmem>>, vector<16xf32>,
        %mul3A_385 = arith.mulf %get3A_381, %get3A_384 : vector<16xf32>
        %add3A_386 = arith.addf %add3A_378, %mul3A_385 : vector<16xf32>
        %get3A_387 = arith.index_cast %add3A_363 : i32 to index
        %get3A_388 = arith.constant 48 : index
        %get3A_389 = tpu.vector_load %arg10[%get3A_387, %get3A_388] {strides = array<i32>} : memref<400x64xf32, #tpu.memory_space<vmem>>, vector<16xf32>,
        %get3A_390 = arith.index_cast %add3A_363 : i32 to index
        %get3A_391 = arith.constant 48 : index
        %get3A_392 = tpu.vector_load %arg12[%get3A_390, %get3A_391] {strides = array<i32>} : memref<400x64xf32, #tpu.memory_space<vmem>>, vector<16xf32>,
        %mul3A_393 = arith.mulf %get3A_389, %get3A_392 : vector<16xf32>
        %add3A_394 = arith.addf %add3A_386, %mul3A_393 : vector<16xf32>
        %reduce_sum3A_395 = arith.constant true
        %reduce_sum3A_396 = vector.broadcast %reduce_sum3A_395 : i1 to vector<16xi1>
        %reduce_sum3A_397 = tpu.scan <sum>, %add3A_394 masked %reduce_sum3A_396 : vector<16xf32>, vector<16xi1> -> vector<16xf32>
        %reduce_sum3A_398 = vector.extract %reduce_sum3A_397[15] : f32 from vector<16xf32>
        %broadcast_in_dim3A_399 = vector.broadcast %reduce_sum3A_398 : f32 to vector<16xf32>
        %select_n3A_400 = arith.select %eq3A_17, %broadcast_in_dim3A_399, %select_n3A_361 : vector<16xi1>, vector<16xf32>
        %add3A_401 = arith.constant 6 : i32
        %add3A_402 = arith.addi %mul3A_168, %add3A_401 : i32
        %get3A_403 = arith.index_cast %add3A_402 : i32 to index
        %get3A_404 = arith.constant 0 : index
        %get3A_405 = tpu.vector_load %arg10[%get3A_403, %get3A_404] {strides = array<i32>} : memref<400x64xf32, #tpu.memory_space<vmem>>, vector<16xf32>,
        %get3A_406 = arith.index_cast %add3A_402 : i32 to index
        %get3A_407 = arith.constant 0 : index
        %get3A_408 = tpu.vector_load %arg12[%get3A_406, %get3A_407] {strides = array<i32>} : memref<400x64xf32, #tpu.memory_space<vmem>>, vector<16xf32>,
        %mul3A_409 = arith.mulf %get3A_405, %get3A_408 : vector<16xf32>
        %get3A_410 = arith.index_cast %add3A_402 : i32 to index
        %get3A_411 = arith.constant 16 : index
        %get3A_412 = tpu.vector_load %arg10[%get3A_410, %get3A_411] {strides = array<i32>} : memref<400x64xf32, #tpu.memory_space<vmem>>, vector<16xf32>,
        %get3A_413 = arith.index_cast %add3A_402 : i32 to index
        %get3A_414 = arith.constant 16 : index
        %get3A_415 = tpu.vector_load %arg12[%get3A_413, %get3A_414] {strides = array<i32>} : memref<400x64xf32, #tpu.memory_space<vmem>>, vector<16xf32>,
        %mul3A_416 = arith.mulf %get3A_412, %get3A_415 : vector<16xf32>
        %add3A_417 = arith.addf %mul3A_409, %mul3A_416 : vector<16xf32>
        %get3A_418 = arith.index_cast %add3A_402 : i32 to index
        %get3A_419 = arith.constant 32 : index
        %get3A_420 = tpu.vector_load %arg10[%get3A_418, %get3A_419] {strides = array<i32>} : memref<400x64xf32, #tpu.memory_space<vmem>>, vector<16xf32>,
        %get3A_421 = arith.index_cast %add3A_402 : i32 to index
        %get3A_422 = arith.constant 32 : index
        %get3A_423 = tpu.vector_load %arg12[%get3A_421, %get3A_422] {strides = array<i32>} : memref<400x64xf32, #tpu.memory_space<vmem>>, vector<16xf32>,
        %mul3A_424 = arith.mulf %get3A_420, %get3A_423 : vector<16xf32>
        %add3A_425 = arith.addf %add3A_417, %mul3A_424 : vector<16xf32>
        %get3A_426 = arith.index_cast %add3A_402 : i32 to index
        %get3A_427 = arith.constant 48 : index
        %get3A_428 = tpu.vector_load %arg10[%get3A_426, %get3A_427] {strides = array<i32>} : memref<400x64xf32, #tpu.memory_space<vmem>>, vector<16xf32>,
        %get3A_429 = arith.index_cast %add3A_402 : i32 to index
        %get3A_430 = arith.constant 48 : index
        %get3A_431 = tpu.vector_load %arg12[%get3A_429, %get3A_430] {strides = array<i32>} : memref<400x64xf32, #tpu.memory_space<vmem>>, vector<16xf32>,
        %mul3A_432 = arith.mulf %get3A_428, %get3A_431 : vector<16xf32>
        %add3A_433 = arith.addf %add3A_425, %mul3A_432 : vector<16xf32>
        %reduce_sum3A_434 = arith.constant true
        %reduce_sum3A_435 = vector.broadcast %reduce_sum3A_434 : i1 to vector<16xi1>
        %reduce_sum3A_436 = tpu.scan <sum>, %add3A_433 masked %reduce_sum3A_435 : vector<16xf32>, vector<16xi1> -> vector<16xf32>
        %reduce_sum3A_437 = vector.extract %reduce_sum3A_436[15] : f32 from vector<16xf32>
        %broadcast_in_dim3A_438 = vector.broadcast %reduce_sum3A_437 : f32 to vector<16xf32>
        %select_n3A_439 = arith.select %eq3A_20, %broadcast_in_dim3A_438, %select_n3A_400 : vector<16xi1>, vector<16xf32>
        %add3A_440 = arith.constant 7 : i32
        %add3A_441 = arith.addi %mul3A_168, %add3A_440 : i32
        %get3A_442 = arith.index_cast %add3A_441 : i32 to index
        %get3A_443 = arith.constant 0 : index
        %get3A_444 = tpu.vector_load %arg10[%get3A_442, %get3A_443] {strides = array<i32>} : memref<400x64xf32, #tpu.memory_space<vmem>>, vector<16xf32>,
        %get3A_445 = arith.index_cast %add3A_441 : i32 to index
        %get3A_446 = arith.constant 0 : index
        %get3A_447 = tpu.vector_load %arg12[%get3A_445, %get3A_446] {strides = array<i32>} : memref<400x64xf32, #tpu.memory_space<vmem>>, vector<16xf32>,
        %mul3A_448 = arith.mulf %get3A_444, %get3A_447 : vector<16xf32>
        %get3A_449 = arith.index_cast %add3A_441 : i32 to index
        %get3A_450 = arith.constant 16 : index
        %get3A_451 = tpu.vector_load %arg10[%get3A_449, %get3A_450] {strides = array<i32>} : memref<400x64xf32, #tpu.memory_space<vmem>>, vector<16xf32>,
        %get3A_452 = arith.index_cast %add3A_441 : i32 to index
        %get3A_453 = arith.constant 16 : index
        %get3A_454 = tpu.vector_load %arg12[%get3A_452, %get3A_453] {strides = array<i32>} : memref<400x64xf32, #tpu.memory_space<vmem>>, vector<16xf32>,
        %mul3A_455 = arith.mulf %get3A_451, %get3A_454 : vector<16xf32>
        %add3A_456 = arith.addf %mul3A_448, %mul3A_455 : vector<16xf32>
        %get3A_457 = arith.index_cast %add3A_441 : i32 to index
        %get3A_458 = arith.constant 32 : index
        %get3A_459 = tpu.vector_load %arg10[%get3A_457, %get3A_458] {strides = array<i32>} : memref<400x64xf32, #tpu.memory_space<vmem>>, vector<16xf32>,
        %get3A_460 = arith.index_cast %add3A_441 : i32 to index
        %get3A_461 = arith.constant 32 : index
        %get3A_462 = tpu.vector_load %arg12[%get3A_460, %get3A_461] {strides = array<i32>} : memref<400x64xf32, #tpu.memory_space<vmem>>, vector<16xf32>,
        %mul3A_463 = arith.mulf %get3A_459, %get3A_462 : vector<16xf32>
        %add3A_464 = arith.addf %add3A_456, %mul3A_463 : vector<16xf32>
        %get3A_465 = arith.index_cast %add3A_441 : i32 to index
        %get3A_466 = arith.constant 48 : index
        %get3A_467 = tpu.vector_load %arg10[%get3A_465, %get3A_466] {strides = array<i32>} : memref<400x64xf32, #tpu.memory_space<vmem>>, vector<16xf32>,
        %get3A_468 = arith.index_cast %add3A_441 : i32 to index
        %get3A_469 = arith.constant 48 : index
        %get3A_470 = tpu.vector_load %arg12[%get3A_468, %get3A_469] {strides = array<i32>} : memref<400x64xf32, #tpu.memory_space<vmem>>, vector<16xf32>,
        %mul3A_471 = arith.mulf %get3A_467, %get3A_470 : vector<16xf32>
        %add3A_472 = arith.addf %add3A_464, %mul3A_471 : vector<16xf32>
        %reduce_sum3A_473 = arith.constant true
        %reduce_sum3A_474 = vector.broadcast %reduce_sum3A_473 : i1 to vector<16xi1>
        %reduce_sum3A_475 = tpu.scan <sum>, %add3A_472 masked %reduce_sum3A_474 : vector<16xf32>, vector<16xi1> -> vector<16xf32>
        %reduce_sum3A_476 = vector.extract %reduce_sum3A_475[15] : f32 from vector<16xf32>
        %broadcast_in_dim3A_477 = vector.broadcast %reduce_sum3A_476 : f32 to vector<16xf32>
        %select_n3A_478 = arith.select %eq3A_23, %broadcast_in_dim3A_477, %select_n3A_439 : vector<16xi1>, vector<16xf32>
        %add3A_479 = arith.constant 8 : i32
        %add3A_480 = arith.addi %mul3A_168, %add3A_479 : i32
        %get3A_481 = arith.index_cast %add3A_480 : i32 to index
        %get3A_482 = arith.constant 0 : index
        %get3A_483 = tpu.vector_load %arg10[%get3A_481, %get3A_482] {strides = array<i32>} : memref<400x64xf32, #tpu.memory_space<vmem>>, vector<16xf32>,
        %get3A_484 = arith.index_cast %add3A_480 : i32 to index
        %get3A_485 = arith.constant 0 : index
        %get3A_486 = tpu.vector_load %arg12[%get3A_484, %get3A_485] {strides = array<i32>} : memref<400x64xf32, #tpu.memory_space<vmem>>, vector<16xf32>,
        %mul3A_487 = arith.mulf %get3A_483, %get3A_486 : vector<16xf32>
        %get3A_488 = arith.index_cast %add3A_480 : i32 to index
        %get3A_489 = arith.constant 16 : index
        %get3A_490 = tpu.vector_load %arg10[%get3A_488, %get3A_489] {strides = array<i32>} : memref<400x64xf32, #tpu.memory_space<vmem>>, vector<16xf32>,
        %get3A_491 = arith.index_cast %add3A_480 : i32 to index
        %get3A_492 = arith.constant 16 : index
        %get3A_493 = tpu.vector_load %arg12[%get3A_491, %get3A_492] {strides = array<i32>} : memref<400x64xf32, #tpu.memory_space<vmem>>, vector<16xf32>,
        %mul3A_494 = arith.mulf %get3A_490, %get3A_493 : vector<16xf32>
        %add3A_495 = arith.addf %mul3A_487, %mul3A_494 : vector<16xf32>
        %get3A_496 = arith.index_cast %add3A_480 : i32 to index
        %get3A_497 = arith.constant 32 : index
        %get3A_498 = tpu.vector_load %arg10[%get3A_496, %get3A_497] {strides = array<i32>} : memref<400x64xf32, #tpu.memory_space<vmem>>, vector<16xf32>,
        %get3A_499 = arith.index_cast %add3A_480 : i32 to index
        %get3A_500 = arith.constant 32 : index
        %get3A_501 = tpu.vector_load %arg12[%get3A_499, %get3A_500] {strides = array<i32>} : memref<400x64xf32, #tpu.memory_space<vmem>>, vector<16xf32>,
        %mul3A_502 = arith.mulf %get3A_498, %get3A_501 : vector<16xf32>
        %add3A_503 = arith.addf %add3A_495, %mul3A_502 : vector<16xf32>
        %get3A_504 = arith.index_cast %add3A_480 : i32 to index
        %get3A_505 = arith.constant 48 : index
        %get3A_506 = tpu.vector_load %arg10[%get3A_504, %get3A_505] {strides = array<i32>} : memref<400x64xf32, #tpu.memory_space<vmem>>, vector<16xf32>,
        %get3A_507 = arith.index_cast %add3A_480 : i32 to index
        %get3A_508 = arith.constant 48 : index
        %get3A_509 = tpu.vector_load %arg12[%get3A_507, %get3A_508] {strides = array<i32>} : memref<400x64xf32, #tpu.memory_space<vmem>>, vector<16xf32>,
        %mul3A_510 = arith.mulf %get3A_506, %get3A_509 : vector<16xf32>
        %add3A_511 = arith.addf %add3A_503, %mul3A_510 : vector<16xf32>
        %reduce_sum3A_512 = arith.constant true
        %reduce_sum3A_513 = vector.broadcast %reduce_sum3A_512 : i1 to vector<16xi1>
        %reduce_sum3A_514 = tpu.scan <sum>, %add3A_511 masked %reduce_sum3A_513 : vector<16xf32>, vector<16xi1> -> vector<16xf32>
        %reduce_sum3A_515 = vector.extract %reduce_sum3A_514[15] : f32 from vector<16xf32>
        %broadcast_in_dim3A_516 = vector.broadcast %reduce_sum3A_515 : f32 to vector<16xf32>
        %select_n3A_517 = arith.select %eq3A_26, %broadcast_in_dim3A_516, %select_n3A_478 : vector<16xi1>, vector<16xf32>
        %add3A_518 = arith.constant 9 : i32
        %add3A_519 = arith.addi %mul3A_168, %add3A_518 : i32
        %get3A_520 = arith.index_cast %add3A_519 : i32 to index
        %get3A_521 = arith.constant 0 : index
        %get3A_522 = tpu.vector_load %arg10[%get3A_520, %get3A_521] {strides = array<i32>} : memref<400x64xf32, #tpu.memory_space<vmem>>, vector<16xf32>,
        %get3A_523 = arith.index_cast %add3A_519 : i32 to index
        %get3A_524 = arith.constant 0 : index
        %get3A_525 = tpu.vector_load %arg12[%get3A_523, %get3A_524] {strides = array<i32>} : memref<400x64xf32, #tpu.memory_space<vmem>>, vector<16xf32>,
        %mul3A_526 = arith.mulf %get3A_522, %get3A_525 : vector<16xf32>
        %get3A_527 = arith.index_cast %add3A_519 : i32 to index
        %get3A_528 = arith.constant 16 : index
        %get3A_529 = tpu.vector_load %arg10[%get3A_527, %get3A_528] {strides = array<i32>} : memref<400x64xf32, #tpu.memory_space<vmem>>, vector<16xf32>,
        %get3A_530 = arith.index_cast %add3A_519 : i32 to index
        %get3A_531 = arith.constant 16 : index
        %get3A_532 = tpu.vector_load %arg12[%get3A_530, %get3A_531] {strides = array<i32>} : memref<400x64xf32, #tpu.memory_space<vmem>>, vector<16xf32>,
        %mul3A_533 = arith.mulf %get3A_529, %get3A_532 : vector<16xf32>
        %add3A_534 = arith.addf %mul3A_526, %mul3A_533 : vector<16xf32>
        %get3A_535 = arith.index_cast %add3A_519 : i32 to index
        %get3A_536 = arith.constant 32 : index
        %get3A_537 = tpu.vector_load %arg10[%get3A_535, %get3A_536] {strides = array<i32>} : memref<400x64xf32, #tpu.memory_space<vmem>>, vector<16xf32>,
        %get3A_538 = arith.index_cast %add3A_519 : i32 to index
        %get3A_539 = arith.constant 32 : index
        %get3A_540 = tpu.vector_load %arg12[%get3A_538, %get3A_539] {strides = array<i32>} : memref<400x64xf32, #tpu.memory_space<vmem>>, vector<16xf32>,
        %mul3A_541 = arith.mulf %get3A_537, %get3A_540 : vector<16xf32>
        %add3A_542 = arith.addf %add3A_534, %mul3A_541 : vector<16xf32>
        %get3A_543 = arith.index_cast %add3A_519 : i32 to index
        %get3A_544 = arith.constant 48 : index
        %get3A_545 = tpu.vector_load %arg10[%get3A_543, %get3A_544] {strides = array<i32>} : memref<400x64xf32, #tpu.memory_space<vmem>>, vector<16xf32>,
        %get3A_546 = arith.index_cast %add3A_519 : i32 to index
        %get3A_547 = arith.constant 48 : index
        %get3A_548 = tpu.vector_load %arg12[%get3A_546, %get3A_547] {strides = array<i32>} : memref<400x64xf32, #tpu.memory_space<vmem>>, vector<16xf32>,
        %mul3A_549 = arith.mulf %get3A_545, %get3A_548 : vector<16xf32>
        %add3A_550 = arith.addf %add3A_542, %mul3A_549 : vector<16xf32>
        %reduce_sum3A_551 = arith.constant true
        %reduce_sum3A_552 = vector.broadcast %reduce_sum3A_551 : i1 to vector<16xi1>
        %reduce_sum3A_553 = tpu.scan <sum>, %add3A_550 masked %reduce_sum3A_552 : vector<16xf32>, vector<16xi1> -> vector<16xf32>
        %reduce_sum3A_554 = vector.extract %reduce_sum3A_553[15] : f32 from vector<16xf32>
        %broadcast_in_dim3A_555 = vector.broadcast %reduce_sum3A_554 : f32 to vector<16xf32>
        %select_n3A_556 = arith.select %eq3A_29, %broadcast_in_dim3A_555, %select_n3A_517 : vector<16xi1>, vector<16xf32>
        %add3A_557 = arith.constant 10 : i32
        %add3A_558 = arith.addi %mul3A_168, %add3A_557 : i32
        %get3A_559 = arith.index_cast %add3A_558 : i32 to index
        %get3A_560 = arith.constant 0 : index
        %get3A_561 = tpu.vector_load %arg10[%get3A_559, %get3A_560] {strides = array<i32>} : memref<400x64xf32, #tpu.memory_space<vmem>>, vector<16xf32>,
        %get3A_562 = arith.index_cast %add3A_558 : i32 to index
        %get3A_563 = arith.constant 0 : index
        %get3A_564 = tpu.vector_load %arg12[%get3A_562, %get3A_563] {strides = array<i32>} : memref<400x64xf32, #tpu.memory_space<vmem>>, vector<16xf32>,
        %mul3A_565 = arith.mulf %get3A_561, %get3A_564 : vector<16xf32>
        %get3A_566 = arith.index_cast %add3A_558 : i32 to index
        %get3A_567 = arith.constant 16 : index
        %get3A_568 = tpu.vector_load %arg10[%get3A_566, %get3A_567] {strides = array<i32>} : memref<400x64xf32, #tpu.memory_space<vmem>>, vector<16xf32>,
        %get3A_569 = arith.index_cast %add3A_558 : i32 to index
        %get3A_570 = arith.constant 16 : index
        %get3A_571 = tpu.vector_load %arg12[%get3A_569, %get3A_570] {strides = array<i32>} : memref<400x64xf32, #tpu.memory_space<vmem>>, vector<16xf32>,
        %mul3A_572 = arith.mulf %get3A_568, %get3A_571 : vector<16xf32>
        %add3A_573 = arith.addf %mul3A_565, %mul3A_572 : vector<16xf32>
        %get3A_574 = arith.index_cast %add3A_558 : i32 to index
        %get3A_575 = arith.constant 32 : index
        %get3A_576 = tpu.vector_load %arg10[%get3A_574, %get3A_575] {strides = array<i32>} : memref<400x64xf32, #tpu.memory_space<vmem>>, vector<16xf32>,
        %get3A_577 = arith.index_cast %add3A_558 : i32 to index
        %get3A_578 = arith.constant 32 : index
        %get3A_579 = tpu.vector_load %arg12[%get3A_577, %get3A_578] {strides = array<i32>} : memref<400x64xf32, #tpu.memory_space<vmem>>, vector<16xf32>,
        %mul3A_580 = arith.mulf %get3A_576, %get3A_579 : vector<16xf32>
        %add3A_581 = arith.addf %add3A_573, %mul3A_580 : vector<16xf32>
        %get3A_582 = arith.index_cast %add3A_558 : i32 to index
        %get3A_583 = arith.constant 48 : index
        %get3A_584 = tpu.vector_load %arg10[%get3A_582, %get3A_583] {strides = array<i32>} : memref<400x64xf32, #tpu.memory_space<vmem>>, vector<16xf32>,
        %get3A_585 = arith.index_cast %add3A_558 : i32 to index
        %get3A_586 = arith.constant 48 : index
        %get3A_587 = tpu.vector_load %arg12[%get3A_585, %get3A_586] {strides = array<i32>} : memref<400x64xf32, #tpu.memory_space<vmem>>, vector<16xf32>,
        %mul3A_588 = arith.mulf %get3A_584, %get3A_587 : vector<16xf32>
        %add3A_589 = arith.addf %add3A_581, %mul3A_588 : vector<16xf32>
        %reduce_sum3A_590 = arith.constant true
        %reduce_sum3A_591 = vector.broadcast %reduce_sum3A_590 : i1 to vector<16xi1>
        %reduce_sum3A_592 = tpu.scan <sum>, %add3A_589 masked %reduce_sum3A_591 : vector<16xf32>, vector<16xi1> -> vector<16xf32>
        %reduce_sum3A_593 = vector.extract %reduce_sum3A_592[15] : f32 from vector<16xf32>
        %broadcast_in_dim3A_594 = vector.broadcast %reduce_sum3A_593 : f32 to vector<16xf32>
        %select_n3A_595 = arith.select %eq3A_32, %broadcast_in_dim3A_594, %select_n3A_556 : vector<16xi1>, vector<16xf32>
        %add3A_596 = arith.constant 11 : i32
        %add3A_597 = arith.addi %mul3A_168, %add3A_596 : i32
        %get3A_598 = arith.index_cast %add3A_597 : i32 to index
        %get3A_599 = arith.constant 0 : index
        %get3A_600 = tpu.vector_load %arg10[%get3A_598, %get3A_599] {strides = array<i32>} : memref<400x64xf32, #tpu.memory_space<vmem>>, vector<16xf32>,
        %get3A_601 = arith.index_cast %add3A_597 : i32 to index
        %get3A_602 = arith.constant 0 : index
        %get3A_603 = tpu.vector_load %arg12[%get3A_601, %get3A_602] {strides = array<i32>} : memref<400x64xf32, #tpu.memory_space<vmem>>, vector<16xf32>,
        %mul3A_604 = arith.mulf %get3A_600, %get3A_603 : vector<16xf32>
        %get3A_605 = arith.index_cast %add3A_597 : i32 to index
        %get3A_606 = arith.constant 16 : index
        %get3A_607 = tpu.vector_load %arg10[%get3A_605, %get3A_606] {strides = array<i32>} : memref<400x64xf32, #tpu.memory_space<vmem>>, vector<16xf32>,
        %get3A_608 = arith.index_cast %add3A_597 : i32 to index
        %get3A_609 = arith.constant 16 : index
        %get3A_610 = tpu.vector_load %arg12[%get3A_608, %get3A_609] {strides = array<i32>} : memref<400x64xf32, #tpu.memory_space<vmem>>, vector<16xf32>,
        %mul3A_611 = arith.mulf %get3A_607, %get3A_610 : vector<16xf32>
        %add3A_612 = arith.addf %mul3A_604, %mul3A_611 : vector<16xf32>
        %get3A_613 = arith.index_cast %add3A_597 : i32 to index
        %get3A_614 = arith.constant 32 : index
        %get3A_615 = tpu.vector_load %arg10[%get3A_613, %get3A_614] {strides = array<i32>} : memref<400x64xf32, #tpu.memory_space<vmem>>, vector<16xf32>,
        %get3A_616 = arith.index_cast %add3A_597 : i32 to index
        %get3A_617 = arith.constant 32 : index
        %get3A_618 = tpu.vector_load %arg12[%get3A_616, %get3A_617] {strides = array<i32>} : memref<400x64xf32, #tpu.memory_space<vmem>>, vector<16xf32>,
        %mul3A_619 = arith.mulf %get3A_615, %get3A_618 : vector<16xf32>
        %add3A_620 = arith.addf %add3A_612, %mul3A_619 : vector<16xf32>
        %get3A_621 = arith.index_cast %add3A_597 : i32 to index
        %get3A_622 = arith.constant 48 : index
        %get3A_623 = tpu.vector_load %arg10[%get3A_621, %get3A_622] {strides = array<i32>} : memref<400x64xf32, #tpu.memory_space<vmem>>, vector<16xf32>,
        %get3A_624 = arith.index_cast %add3A_597 : i32 to index
        %get3A_625 = arith.constant 48 : index
        %get3A_626 = tpu.vector_load %arg12[%get3A_624, %get3A_625] {strides = array<i32>} : memref<400x64xf32, #tpu.memory_space<vmem>>, vector<16xf32>,
        %mul3A_627 = arith.mulf %get3A_623, %get3A_626 : vector<16xf32>
        %add3A_628 = arith.addf %add3A_620, %mul3A_627 : vector<16xf32>
        %reduce_sum3A_629 = arith.constant true
        %reduce_sum3A_630 = vector.broadcast %reduce_sum3A_629 : i1 to vector<16xi1>
        %reduce_sum3A_631 = tpu.scan <sum>, %add3A_628 masked %reduce_sum3A_630 : vector<16xf32>, vector<16xi1> -> vector<16xf32>
        %reduce_sum3A_632 = vector.extract %reduce_sum3A_631[15] : f32 from vector<16xf32>
        %broadcast_in_dim3A_633 = vector.broadcast %reduce_sum3A_632 : f32 to vector<16xf32>
        %select_n3A_634 = arith.select %eq3A_35, %broadcast_in_dim3A_633, %select_n3A_595 : vector<16xi1>, vector<16xf32>
        %add3A_635 = arith.constant 12 : i32
        %add3A_636 = arith.addi %mul3A_168, %add3A_635 : i32
        %get3A_637 = arith.index_cast %add3A_636 : i32 to index
        %get3A_638 = arith.constant 0 : index
        %get3A_639 = tpu.vector_load %arg10[%get3A_637, %get3A_638] {strides = array<i32>} : memref<400x64xf32, #tpu.memory_space<vmem>>, vector<16xf32>,
        %get3A_640 = arith.index_cast %add3A_636 : i32 to index
        %get3A_641 = arith.constant 0 : index
        %get3A_642 = tpu.vector_load %arg12[%get3A_640, %get3A_641] {strides = array<i32>} : memref<400x64xf32, #tpu.memory_space<vmem>>, vector<16xf32>,
        %mul3A_643 = arith.mulf %get3A_639, %get3A_642 : vector<16xf32>
        %get3A_644 = arith.index_cast %add3A_636 : i32 to index
        %get3A_645 = arith.constant 16 : index
        %get3A_646 = tpu.vector_load %arg10[%get3A_644, %get3A_645] {strides = array<i32>} : memref<400x64xf32, #tpu.memory_space<vmem>>, vector<16xf32>,
        %get3A_647 = arith.index_cast %add3A_636 : i32 to index
        %get3A_648 = arith.constant 16 : index
        %get3A_649 = tpu.vector_load %arg12[%get3A_647, %get3A_648] {strides = array<i32>} : memref<400x64xf32, #tpu.memory_space<vmem>>, vector<16xf32>,
        %mul3A_650 = arith.mulf %get3A_646, %get3A_649 : vector<16xf32>
        %add3A_651 = arith.addf %mul3A_643, %mul3A_650 : vector<16xf32>
        %get3A_652 = arith.index_cast %add3A_636 : i32 to index
        %get3A_653 = arith.constant 32 : index
        %get3A_654 = tpu.vector_load %arg10[%get3A_652, %get3A_653] {strides = array<i32>} : memref<400x64xf32, #tpu.memory_space<vmem>>, vector<16xf32>,
        %get3A_655 = arith.index_cast %add3A_636 : i32 to index
        %get3A_656 = arith.constant 32 : index
        %get3A_657 = tpu.vector_load %arg12[%get3A_655, %get3A_656] {strides = array<i32>} : memref<400x64xf32, #tpu.memory_space<vmem>>, vector<16xf32>,
        %mul3A_658 = arith.mulf %get3A_654, %get3A_657 : vector<16xf32>
        %add3A_659 = arith.addf %add3A_651, %mul3A_658 : vector<16xf32>
        %get3A_660 = arith.index_cast %add3A_636 : i32 to index
        %get3A_661 = arith.constant 48 : index
        %get3A_662 = tpu.vector_load %arg10[%get3A_660, %get3A_661] {strides = array<i32>} : memref<400x64xf32, #tpu.memory_space<vmem>>, vector<16xf32>,
        %get3A_663 = arith.index_cast %add3A_636 : i32 to index
        %get3A_664 = arith.constant 48 : index
        %get3A_665 = tpu.vector_load %arg12[%get3A_663, %get3A_664] {strides = array<i32>} : memref<400x64xf32, #tpu.memory_space<vmem>>, vector<16xf32>,
        %mul3A_666 = arith.mulf %get3A_662, %get3A_665 : vector<16xf32>
        %add3A_667 = arith.addf %add3A_659, %mul3A_666 : vector<16xf32>
        %reduce_sum3A_668 = arith.constant true
        %reduce_sum3A_669 = vector.broadcast %reduce_sum3A_668 : i1 to vector<16xi1>
        %reduce_sum3A_670 = tpu.scan <sum>, %add3A_667 masked %reduce_sum3A_669 : vector<16xf32>, vector<16xi1> -> vector<16xf32>
        %reduce_sum3A_671 = vector.extract %reduce_sum3A_670[15] : f32 from vector<16xf32>
        %broadcast_in_dim3A_672 = vector.broadcast %reduce_sum3A_671 : f32 to vector<16xf32>
        %select_n3A_673 = arith.select %eq3A_38, %broadcast_in_dim3A_672, %select_n3A_634 : vector<16xi1>, vector<16xf32>
        %add3A_674 = arith.constant 13 : i32
        %add3A_675 = arith.addi %mul3A_168, %add3A_674 : i32
        %get3A_676 = arith.index_cast %add3A_675 : i32 to index
        %get3A_677 = arith.constant 0 : index
        %get3A_678 = tpu.vector_load %arg10[%get3A_676, %get3A_677] {strides = array<i32>} : memref<400x64xf32, #tpu.memory_space<vmem>>, vector<16xf32>,
        %get3A_679 = arith.index_cast %add3A_675 : i32 to index
        %get3A_680 = arith.constant 0 : index
        %get3A_681 = tpu.vector_load %arg12[%get3A_679, %get3A_680] {strides = array<i32>} : memref<400x64xf32, #tpu.memory_space<vmem>>, vector<16xf32>,
        %mul3A_682 = arith.mulf %get3A_678, %get3A_681 : vector<16xf32>
        %get3A_683 = arith.index_cast %add3A_675 : i32 to index
        %get3A_684 = arith.constant 16 : index
        %get3A_685 = tpu.vector_load %arg10[%get3A_683, %get3A_684] {strides = array<i32>} : memref<400x64xf32, #tpu.memory_space<vmem>>, vector<16xf32>,
        %get3A_686 = arith.index_cast %add3A_675 : i32 to index
        %get3A_687 = arith.constant 16 : index
        %get3A_688 = tpu.vector_load %arg12[%get3A_686, %get3A_687] {strides = array<i32>} : memref<400x64xf32, #tpu.memory_space<vmem>>, vector<16xf32>,
        %mul3A_689 = arith.mulf %get3A_685, %get3A_688 : vector<16xf32>
        %add3A_690 = arith.addf %mul3A_682, %mul3A_689 : vector<16xf32>
        %get3A_691 = arith.index_cast %add3A_675 : i32 to index
        %get3A_692 = arith.constant 32 : index
        %get3A_693 = tpu.vector_load %arg10[%get3A_691, %get3A_692] {strides = array<i32>} : memref<400x64xf32, #tpu.memory_space<vmem>>, vector<16xf32>,
        %get3A_694 = arith.index_cast %add3A_675 : i32 to index
        %get3A_695 = arith.constant 32 : index
        %get3A_696 = tpu.vector_load %arg12[%get3A_694, %get3A_695] {strides = array<i32>} : memref<400x64xf32, #tpu.memory_space<vmem>>, vector<16xf32>,
        %mul3A_697 = arith.mulf %get3A_693, %get3A_696 : vector<16xf32>
        %add3A_698 = arith.addf %add3A_690, %mul3A_697 : vector<16xf32>
        %get3A_699 = arith.index_cast %add3A_675 : i32 to index
        %get3A_700 = arith.constant 48 : index
        %get3A_701 = tpu.vector_load %arg10[%get3A_699, %get3A_700] {strides = array<i32>} : memref<400x64xf32, #tpu.memory_space<vmem>>, vector<16xf32>,
        %get3A_702 = arith.index_cast %add3A_675 : i32 to index
        %get3A_703 = arith.constant 48 : index
        %get3A_704 = tpu.vector_load %arg12[%get3A_702, %get3A_703] {strides = array<i32>} : memref<400x64xf32, #tpu.memory_space<vmem>>, vector<16xf32>,
        %mul3A_705 = arith.mulf %get3A_701, %get3A_704 : vector<16xf32>
        %add3A_706 = arith.addf %add3A_698, %mul3A_705 : vector<16xf32>
        %reduce_sum3A_707 = arith.constant true
        %reduce_sum3A_708 = vector.broadcast %reduce_sum3A_707 : i1 to vector<16xi1>
        %reduce_sum3A_709 = tpu.scan <sum>, %add3A_706 masked %reduce_sum3A_708 : vector<16xf32>, vector<16xi1> -> vector<16xf32>
        %reduce_sum3A_710 = vector.extract %reduce_sum3A_709[15] : f32 from vector<16xf32>
        %broadcast_in_dim3A_711 = vector.broadcast %reduce_sum3A_710 : f32 to vector<16xf32>
        %select_n3A_712 = arith.select %eq3A_41, %broadcast_in_dim3A_711, %select_n3A_673 : vector<16xi1>, vector<16xf32>
        %add3A_713 = arith.constant 14 : i32
        %add3A_714 = arith.addi %mul3A_168, %add3A_713 : i32
        %get3A_715 = arith.index_cast %add3A_714 : i32 to index
        %get3A_716 = arith.constant 0 : index
        %get3A_717 = tpu.vector_load %arg10[%get3A_715, %get3A_716] {strides = array<i32>} : memref<400x64xf32, #tpu.memory_space<vmem>>, vector<16xf32>,
        %get3A_718 = arith.index_cast %add3A_714 : i32 to index
        %get3A_719 = arith.constant 0 : index
        %get3A_720 = tpu.vector_load %arg12[%get3A_718, %get3A_719] {strides = array<i32>} : memref<400x64xf32, #tpu.memory_space<vmem>>, vector<16xf32>,
        %mul3A_721 = arith.mulf %get3A_717, %get3A_720 : vector<16xf32>
        %get3A_722 = arith.index_cast %add3A_714 : i32 to index
        %get3A_723 = arith.constant 16 : index
        %get3A_724 = tpu.vector_load %arg10[%get3A_722, %get3A_723] {strides = array<i32>} : memref<400x64xf32, #tpu.memory_space<vmem>>, vector<16xf32>,
        %get3A_725 = arith.index_cast %add3A_714 : i32 to index
        %get3A_726 = arith.constant 16 : index
        %get3A_727 = tpu.vector_load %arg12[%get3A_725, %get3A_726] {strides = array<i32>} : memref<400x64xf32, #tpu.memory_space<vmem>>, vector<16xf32>,
        %mul3A_728 = arith.mulf %get3A_724, %get3A_727 : vector<16xf32>
        %add3A_729 = arith.addf %mul3A_721, %mul3A_728 : vector<16xf32>
        %get3A_730 = arith.index_cast %add3A_714 : i32 to index
        %get3A_731 = arith.constant 32 : index
        %get3A_732 = tpu.vector_load %arg10[%get3A_730, %get3A_731] {strides = array<i32>} : memref<400x64xf32, #tpu.memory_space<vmem>>, vector<16xf32>,
        %get3A_733 = arith.index_cast %add3A_714 : i32 to index
        %get3A_734 = arith.constant 32 : index
        %get3A_735 = tpu.vector_load %arg12[%get3A_733, %get3A_734] {strides = array<i32>} : memref<400x64xf32, #tpu.memory_space<vmem>>, vector<16xf32>,
        %mul3A_736 = arith.mulf %get3A_732, %get3A_735 : vector<16xf32>
        %add3A_737 = arith.addf %add3A_729, %mul3A_736 : vector<16xf32>
        %get3A_738 = arith.index_cast %add3A_714 : i32 to index
        %get3A_739 = arith.constant 48 : index
        %get3A_740 = tpu.vector_load %arg10[%get3A_738, %get3A_739] {strides = array<i32>} : memref<400x64xf32, #tpu.memory_space<vmem>>, vector<16xf32>,
        %get3A_741 = arith.index_cast %add3A_714 : i32 to index
        %get3A_742 = arith.constant 48 : index
        %get3A_743 = tpu.vector_load %arg12[%get3A_741, %get3A_742] {strides = array<i32>} : memref<400x64xf32, #tpu.memory_space<vmem>>, vector<16xf32>,
        %mul3A_744 = arith.mulf %get3A_740, %get3A_743 : vector<16xf32>
        %add3A_745 = arith.addf %add3A_737, %mul3A_744 : vector<16xf32>
        %reduce_sum3A_746 = arith.constant true
        %reduce_sum3A_747 = vector.broadcast %reduce_sum3A_746 : i1 to vector<16xi1>
        %reduce_sum3A_748 = tpu.scan <sum>, %add3A_745 masked %reduce_sum3A_747 : vector<16xf32>, vector<16xi1> -> vector<16xf32>
        %reduce_sum3A_749 = vector.extract %reduce_sum3A_748[15] : f32 from vector<16xf32>
        %broadcast_in_dim3A_750 = vector.broadcast %reduce_sum3A_749 : f32 to vector<16xf32>
        %select_n3A_751 = arith.select %eq3A_44, %broadcast_in_dim3A_750, %select_n3A_712 : vector<16xi1>, vector<16xf32>
        %add3A_752 = arith.constant 15 : i32
        %add3A_753 = arith.addi %mul3A_168, %add3A_752 : i32
        %get3A_754 = arith.index_cast %add3A_753 : i32 to index
        %get3A_755 = arith.constant 0 : index
        %get3A_756 = tpu.vector_load %arg10[%get3A_754, %get3A_755] {strides = array<i32>} : memref<400x64xf32, #tpu.memory_space<vmem>>, vector<16xf32>,
        %get3A_757 = arith.index_cast %add3A_753 : i32 to index
        %get3A_758 = arith.constant 0 : index
        %get3A_759 = tpu.vector_load %arg12[%get3A_757, %get3A_758] {strides = array<i32>} : memref<400x64xf32, #tpu.memory_space<vmem>>, vector<16xf32>,
        %mul3A_760 = arith.mulf %get3A_756, %get3A_759 : vector<16xf32>
        %get3A_761 = arith.index_cast %add3A_753 : i32 to index
        %get3A_762 = arith.constant 16 : index
        %get3A_763 = tpu.vector_load %arg10[%get3A_761, %get3A_762] {strides = array<i32>} : memref<400x64xf32, #tpu.memory_space<vmem>>, vector<16xf32>,
        %get3A_764 = arith.index_cast %add3A_753 : i32 to index
        %get3A_765 = arith.constant 16 : index
        %get3A_766 = tpu.vector_load %arg12[%get3A_764, %get3A_765] {strides = array<i32>} : memref<400x64xf32, #tpu.memory_space<vmem>>, vector<16xf32>,
        %mul3A_767 = arith.mulf %get3A_763, %get3A_766 : vector<16xf32>
        %add3A_768 = arith.addf %mul3A_760, %mul3A_767 : vector<16xf32>
        %get3A_769 = arith.index_cast %add3A_753 : i32 to index
        %get3A_770 = arith.constant 32 : index
        %get3A_771 = tpu.vector_load %arg10[%get3A_769, %get3A_770] {strides = array<i32>} : memref<400x64xf32, #tpu.memory_space<vmem>>, vector<16xf32>,
        %get3A_772 = arith.index_cast %add3A_753 : i32 to index
        %get3A_773 = arith.constant 32 : index
        %get3A_774 = tpu.vector_load %arg12[%get3A_772, %get3A_773] {strides = array<i32>} : memref<400x64xf32, #tpu.memory_space<vmem>>, vector<16xf32>,
        %mul3A_775 = arith.mulf %get3A_771, %get3A_774 : vector<16xf32>
        %add3A_776 = arith.addf %add3A_768, %mul3A_775 : vector<16xf32>
        %get3A_777 = arith.index_cast %add3A_753 : i32 to index
        %get3A_778 = arith.constant 48 : index
        %get3A_779 = tpu.vector_load %arg10[%get3A_777, %get3A_778] {strides = array<i32>} : memref<400x64xf32, #tpu.memory_space<vmem>>, vector<16xf32>,
        %get3A_780 = arith.index_cast %add3A_753 : i32 to index
        %get3A_781 = arith.constant 48 : index
        %get3A_782 = tpu.vector_load %arg12[%get3A_780, %get3A_781] {strides = array<i32>} : memref<400x64xf32, #tpu.memory_space<vmem>>, vector<16xf32>,
        %mul3A_783 = arith.mulf %get3A_779, %get3A_782 : vector<16xf32>
        %add3A_784 = arith.addf %add3A_776, %mul3A_783 : vector<16xf32>
        %reduce_sum3A_785 = arith.constant true
        %reduce_sum3A_786 = vector.broadcast %reduce_sum3A_785 : i1 to vector<16xi1>
        %reduce_sum3A_787 = tpu.scan <sum>, %add3A_784 masked %reduce_sum3A_786 : vector<16xf32>, vector<16xi1> -> vector<16xf32>
        %reduce_sum3A_788 = vector.extract %reduce_sum3A_787[15] : f32 from vector<16xf32>
        %broadcast_in_dim3A_789 = vector.broadcast %reduce_sum3A_788 : f32 to vector<16xf32>
        %select_n3A_790 = arith.select %eq3A_47, %broadcast_in_dim3A_789, %select_n3A_751 : vector<16xi1>, vector<16xf32>
        %add3A_791 = arith.addi %mul3A_141, %mul3A_168 : i32
        %swap3A = arith.index_cast %add3A_791 : i32 to index
        %swap3A_792 = tpu.vector_load %arg13[%swap3A] {strides = array<i32>} : memref<6400xf32, #tpu.memory_space<vmem>>, vector<16xf32>,
        tpu.vector_store %arg13[%swap3A], %select_n3A_790 {strides = array<i32>} : memref<6400xf32, #tpu.memory_space<vmem>>, vector<16xf32>,
      }
      %scan3A_155 = arith.constant 25 : i32
      %add3A_156 = arith.constant 800 : i32
      %add3A_157 = arith.addi %mul3A_141, %add3A_156 : i32
      %dma_start3A_158 = tpu.memref_slice %arg7[%add3A_157] : memref<6400xi32, #tpu.memory_space<vmem>> -> memref<400xi32, #tpu.memory_space<vmem>>
      %dma_start3A_159 = arith.constant 0 : i32
      %dma_start3A_160 = arith.constant 0 : i32
      %dma_start3A_161 = tpu.memref_slice %arg4[%dma_start3A_159, %dma_start3A_160] : memref<100000x64xf32, #tpu.memory_space<hbm>> -> memref<100000x64xf32, #tpu.memory_space<hbm>>
      tpu.enqueue_indirect_dma source(%dma_start3A_161 : memref<100000x64xf32, #tpu.memory_space<hbm>>) target(%arg10 : memref<400x64xf32, #tpu.memory_space<vmem>>) offsets(%dma_start3A_158 : memref<400xi32, #tpu.memory_space<vmem>>) semaphore(%arg15 : memref<!tpu.dma_semaphore, #tpu.memory_space<semaphore_mem>>)
      %dma_start3A_162 = tpu.memref_slice %arg8[%add3A_157] : memref<6400xi32, #tpu.memory_space<vmem>> -> memref<400xi32, #tpu.memory_space<vmem>>
      %dma_start3A_163 = arith.constant 0 : i32
      %dma_start3A_164 = arith.constant 0 : i32
      %dma_start3A_165 = tpu.memref_slice %arg5[%dma_start3A_163, %dma_start3A_164] : memref<100000x64xf32, #tpu.memory_space<hbm>> -> memref<100000x64xf32, #tpu.memory_space<hbm>>
      tpu.enqueue_indirect_dma source(%dma_start3A_165 : memref<100000x64xf32, #tpu.memory_space<hbm>>) target(%arg12 : memref<400x64xf32, #tpu.memory_space<vmem>>) offsets(%dma_start3A_162 : memref<400xi32, #tpu.memory_space<vmem>>) semaphore(%arg17 : memref<!tpu.dma_semaphore, #tpu.memory_space<semaphore_mem>>)
    }
    %scan3A_71 = arith.constant 7 : i32
    %dma_wait3A = arith.constant 5600 : i32
    %dma_wait3A_72 = tpu.memref_slice %arg7[%dma_wait3A] : memref<6400xi32, #tpu.memory_space<vmem>> -> memref<400xi32, #tpu.memory_space<vmem>>
    %dma_wait3A_73 = arith.constant 0 : i32
    %dma_wait3A_74 = arith.constant 0 : i32
    %dma_wait3A_75 = tpu.memref_slice %arg4[%dma_wait3A_73, %dma_wait3A_74] : memref<100000x64xf32, #tpu.memory_space<hbm>> -> memref<100000x64xf32, #tpu.memory_space<hbm>>
    tpu.wait_indirect_dma semaphore(%arg14 : memref<!tpu.dma_semaphore, #tpu.memory_space<semaphore_mem>>) src(%dma_wait3A_75 : memref<100000x64xf32, #tpu.memory_space<hbm>>) dst(%arg9 : memref<400x64xf32, #tpu.memory_space<vmem>>)
    %dma_wait3A_76 = arith.constant 5600 : i32
    %dma_wait3A_77 = tpu.memref_slice %arg8[%dma_wait3A_76] : memref<6400xi32, #tpu.memory_space<vmem>> -> memref<400xi32, #tpu.memory_space<vmem>>
    %dma_wait3A_78 = arith.constant 0 : i32
    %dma_wait3A_79 = arith.constant 0 : i32
    %dma_wait3A_80 = tpu.memref_slice %arg5[%dma_wait3A_78, %dma_wait3A_79] : memref<100000x64xf32, #tpu.memory_space<hbm>> -> memref<100000x64xf32, #tpu.memory_space<hbm>>
    tpu.wait_indirect_dma semaphore(%arg16 : memref<!tpu.dma_semaphore, #tpu.memory_space<semaphore_mem>>) src(%dma_wait3A_80 : memref<100000x64xf32, #tpu.memory_space<hbm>>) dst(%arg11 : memref<400x64xf32, #tpu.memory_space<vmem>>)
    %scan3A_81 = arith.constant 0 : i32
    %scan3A_82 = arith.constant 0 : i32
    %scan3A_83 = arith.constant 25 : i32
    %scan3A_84 = arith.addi %scan3A_82, %scan3A_83 : i32
    %scan3A_85 = arith.constant 1 : i32
    scf.for %scan3A_105 = %scan3A_82 to %scan3A_84 step %scan3A_85  : i32 {
      %mul3A_106 = arith.constant 16 : i32
      %mul3A_107 = arith.muli %scan3A_105, %mul3A_106 : i32
      %broadcast_in_dim3A = arith.constant 0.000000e+00 : f32
      %broadcast_in_dim3A_108 = vector.broadcast %broadcast_in_dim3A : f32 to vector<16xf32>
      %add3A_109 = arith.constant 0 : i32
      %add3A_110 = arith.addi %mul3A_107, %add3A_109 : i32
      %get3A = arith.index_cast %add3A_110 : i32 to index
      %get3A_111 = arith.constant 0 : index
      %get3A_112 = tpu.vector_load %arg9[%get3A, %get3A_111] {strides = array<i32>} : memref<400x64xf32, #tpu.memory_space<vmem>>, vector<16xf32>,
      %get3A_113 = arith.index_cast %add3A_110 : i32 to index
      %get3A_114 = arith.constant 0 : index
      %get3A_115 = tpu.vector_load %arg11[%get3A_113, %get3A_114] {strides = array<i32>} : memref<400x64xf32, #tpu.memory_space<vmem>>, vector<16xf32>,
      %mul3A_116 = arith.mulf %get3A_112, %get3A_115 : vector<16xf32>
      %get3A_117 = arith.index_cast %add3A_110 : i32 to index
      %get3A_118 = arith.constant 16 : index
      %get3A_119 = tpu.vector_load %arg9[%get3A_117, %get3A_118] {strides = array<i32>} : memref<400x64xf32, #tpu.memory_space<vmem>>, vector<16xf32>,
      %get3A_120 = arith.index_cast %add3A_110 : i32 to index
      %get3A_121 = arith.constant 16 : index
      %get3A_122 = tpu.vector_load %arg11[%get3A_120, %get3A_121] {strides = array<i32>} : memref<400x64xf32, #tpu.memory_space<vmem>>, vector<16xf32>,
      %mul3A_123 = arith.mulf %get3A_119, %get3A_122 : vector<16xf32>
      %add3A_124 = arith.addf %mul3A_116, %mul3A_123 : vector<16xf32>
      %get3A_125 = arith.index_cast %add3A_110 : i32 to index
      %get3A_126 = arith.constant 32 : index
      %get3A_127 = tpu.vector_load %arg9[%get3A_125, %get3A_126] {strides = array<i32>} : memref<400x64xf32, #tpu.memory_space<vmem>>, vector<16xf32>,
      %get3A_128 = arith.index_cast %add3A_110 : i32 to index
      %get3A_129 = arith.constant 32 : index
      %get3A_130 = tpu.vector_load %arg11[%get3A_128, %get3A_129] {strides = array<i32>} : memref<400x64xf32, #tpu.memory_space<vmem>>, vector<16xf32>,
      %mul3A_131 = arith.mulf %get3A_127, %get3A_130 : vector<16xf32>
      %add3A_132 = arith.addf %add3A_124, %mul3A_131 : vector<16xf32>
      %get3A_133 = arith.index_cast %add3A_110 : i32 to index
      %get3A_134 = arith.constant 48 : index
      %get3A_135 = tpu.vector_load %arg9[%get3A_133, %get3A_134] {strides = array<i32>} : memref<400x64xf32, #tpu.memory_space<vmem>>, vector<16xf32>,
      %get3A_136 = arith.index_cast %add3A_110 : i32 to index
      %get3A_137 = arith.constant 48 : index
      %get3A_138 = tpu.vector_load %arg11[%get3A_136, %get3A_137] {strides = array<i32>} : memref<400x64xf32, #tpu.memory_space<vmem>>, vector<16xf32>,
      %mul3A_139 = arith.mulf %get3A_135, %get3A_138 : vector<16xf32>
      %add3A_140 = arith.addf %add3A_132, %mul3A_139 : vector<16xf32>
      %reduce_sum3A = arith.constant true
      %reduce_sum3A_141 = vector.broadcast %reduce_sum3A : i1 to vector<16xi1>
      %reduce_sum3A_142 = tpu.scan <sum>, %add3A_140 masked %reduce_sum3A_141 : vector<16xf32>, vector<16xi1> -> vector<16xf32>
      %reduce_sum3A_143 = vector.extract %reduce_sum3A_142[15] : f32 from vector<16xf32>
      %broadcast_in_dim3A_144 = vector.broadcast %reduce_sum3A_143 : f32 to vector<16xf32>
      %select_n3A = arith.select %eq3A_2, %broadcast_in_dim3A_144, %broadcast_in_dim3A_108 : vector<16xi1>, vector<16xf32>
      %add3A_145 = arith.constant 1 : i32
      %add3A_146 = arith.addi %mul3A_107, %add3A_145 : i32
      %get3A_147 = arith.index_cast %add3A_146 : i32 to index
      %get3A_148 = arith.constant 0 : index
      %get3A_149 = tpu.vector_load %arg9[%get3A_147, %get3A_148] {strides = array<i32>} : memref<400x64xf32, #tpu.memory_space<vmem>>, vector<16xf32>,
      %get3A_150 = arith.index_cast %add3A_146 : i32 to index
      %get3A_151 = arith.constant 0 : index
      %get3A_152 = tpu.vector_load %arg11[%get3A_150, %get3A_151] {strides = array<i32>} : memref<400x64xf32, #tpu.memory_space<vmem>>, vector<16xf32>,
      %mul3A_153 = arith.mulf %get3A_149, %get3A_152 : vector<16xf32>
      %get3A_154 = arith.index_cast %add3A_146 : i32 to index
      %get3A_155 = arith.constant 16 : index
      %get3A_156 = tpu.vector_load %arg9[%get3A_154, %get3A_155] {strides = array<i32>} : memref<400x64xf32, #tpu.memory_space<vmem>>, vector<16xf32>,
      %get3A_157 = arith.index_cast %add3A_146 : i32 to index
      %get3A_158 = arith.constant 16 : index
      %get3A_159 = tpu.vector_load %arg11[%get3A_157, %get3A_158] {strides = array<i32>} : memref<400x64xf32, #tpu.memory_space<vmem>>, vector<16xf32>,
      %mul3A_160 = arith.mulf %get3A_156, %get3A_159 : vector<16xf32>
      %add3A_161 = arith.addf %mul3A_153, %mul3A_160 : vector<16xf32>
      %get3A_162 = arith.index_cast %add3A_146 : i32 to index
      %get3A_163 = arith.constant 32 : index
      %get3A_164 = tpu.vector_load %arg9[%get3A_162, %get3A_163] {strides = array<i32>} : memref<400x64xf32, #tpu.memory_space<vmem>>, vector<16xf32>,
      %get3A_165 = arith.index_cast %add3A_146 : i32 to index
      %get3A_166 = arith.constant 32 : index
      %get3A_167 = tpu.vector_load %arg11[%get3A_165, %get3A_166] {strides = array<i32>} : memref<400x64xf32, #tpu.memory_space<vmem>>, vector<16xf32>,
      %mul3A_168 = arith.mulf %get3A_164, %get3A_167 : vector<16xf32>
      %add3A_169 = arith.addf %add3A_161, %mul3A_168 : vector<16xf32>
      %get3A_170 = arith.index_cast %add3A_146 : i32 to index
      %get3A_171 = arith.constant 48 : index
      %get3A_172 = tpu.vector_load %arg9[%get3A_170, %get3A_171] {strides = array<i32>} : memref<400x64xf32, #tpu.memory_space<vmem>>, vector<16xf32>,
      %get3A_173 = arith.index_cast %add3A_146 : i32 to index
      %get3A_174 = arith.constant 48 : index
      %get3A_175 = tpu.vector_load %arg11[%get3A_173, %get3A_174] {strides = array<i32>} : memref<400x64xf32, #tpu.memory_space<vmem>>, vector<16xf32>,
      %mul3A_176 = arith.mulf %get3A_172, %get3A_175 : vector<16xf32>
      %add3A_177 = arith.addf %add3A_169, %mul3A_176 : vector<16xf32>
      %reduce_sum3A_178 = arith.constant true
      %reduce_sum3A_179 = vector.broadcast %reduce_sum3A_178 : i1 to vector<16xi1>
      %reduce_sum3A_180 = tpu.scan <sum>, %add3A_177 masked %reduce_sum3A_179 : vector<16xf32>, vector<16xi1> -> vector<16xf32>
      %reduce_sum3A_181 = vector.extract %reduce_sum3A_180[15] : f32 from vector<16xf32>
      %broadcast_in_dim3A_182 = vector.broadcast %reduce_sum3A_181 : f32 to vector<16xf32>
      %select_n3A_183 = arith.select %eq3A_5, %broadcast_in_dim3A_182, %select_n3A : vector<16xi1>, vector<16xf32>
      %add3A_184 = arith.constant 2 : i32
      %add3A_185 = arith.addi %mul3A_107, %add3A_184 : i32
      %get3A_186 = arith.index_cast %add3A_185 : i32 to index
      %get3A_187 = arith.constant 0 : index
      %get3A_188 = tpu.vector_load %arg9[%get3A_186, %get3A_187] {strides = array<i32>} : memref<400x64xf32, #tpu.memory_space<vmem>>, vector<16xf32>,
      %get3A_189 = arith.index_cast %add3A_185 : i32 to index
      %get3A_190 = arith.constant 0 : index
      %get3A_191 = tpu.vector_load %arg11[%get3A_189, %get3A_190] {strides = array<i32>} : memref<400x64xf32, #tpu.memory_space<vmem>>, vector<16xf32>,
      %mul3A_192 = arith.mulf %get3A_188, %get3A_191 : vector<16xf32>
      %get3A_193 = arith.index_cast %add3A_185 : i32 to index
      %get3A_194 = arith.constant 16 : index
      %get3A_195 = tpu.vector_load %arg9[%get3A_193, %get3A_194] {strides = array<i32>} : memref<400x64xf32, #tpu.memory_space<vmem>>, vector<16xf32>,
      %get3A_196 = arith.index_cast %add3A_185 : i32 to index
      %get3A_197 = arith.constant 16 : index
      %get3A_198 = tpu.vector_load %arg11[%get3A_196, %get3A_197] {strides = array<i32>} : memref<400x64xf32, #tpu.memory_space<vmem>>, vector<16xf32>,
      %mul3A_199 = arith.mulf %get3A_195, %get3A_198 : vector<16xf32>
      %add3A_200 = arith.addf %mul3A_192, %mul3A_199 : vector<16xf32>
      %get3A_201 = arith.index_cast %add3A_185 : i32 to index
      %get3A_202 = arith.constant 32 : index
      %get3A_203 = tpu.vector_load %arg9[%get3A_201, %get3A_202] {strides = array<i32>} : memref<400x64xf32, #tpu.memory_space<vmem>>, vector<16xf32>,
      %get3A_204 = arith.index_cast %add3A_185 : i32 to index
      %get3A_205 = arith.constant 32 : index
      %get3A_206 = tpu.vector_load %arg11[%get3A_204, %get3A_205] {strides = array<i32>} : memref<400x64xf32, #tpu.memory_space<vmem>>, vector<16xf32>,
      %mul3A_207 = arith.mulf %get3A_203, %get3A_206 : vector<16xf32>
      %add3A_208 = arith.addf %add3A_200, %mul3A_207 : vector<16xf32>
      %get3A_209 = arith.index_cast %add3A_185 : i32 to index
      %get3A_210 = arith.constant 48 : index
      %get3A_211 = tpu.vector_load %arg9[%get3A_209, %get3A_210] {strides = array<i32>} : memref<400x64xf32, #tpu.memory_space<vmem>>, vector<16xf32>,
      %get3A_212 = arith.index_cast %add3A_185 : i32 to index
      %get3A_213 = arith.constant 48 : index
      %get3A_214 = tpu.vector_load %arg11[%get3A_212, %get3A_213] {strides = array<i32>} : memref<400x64xf32, #tpu.memory_space<vmem>>, vector<16xf32>,
      %mul3A_215 = arith.mulf %get3A_211, %get3A_214 : vector<16xf32>
      %add3A_216 = arith.addf %add3A_208, %mul3A_215 : vector<16xf32>
      %reduce_sum3A_217 = arith.constant true
      %reduce_sum3A_218 = vector.broadcast %reduce_sum3A_217 : i1 to vector<16xi1>
      %reduce_sum3A_219 = tpu.scan <sum>, %add3A_216 masked %reduce_sum3A_218 : vector<16xf32>, vector<16xi1> -> vector<16xf32>
      %reduce_sum3A_220 = vector.extract %reduce_sum3A_219[15] : f32 from vector<16xf32>
      %broadcast_in_dim3A_221 = vector.broadcast %reduce_sum3A_220 : f32 to vector<16xf32>
      %select_n3A_222 = arith.select %eq3A_8, %broadcast_in_dim3A_221, %select_n3A_183 : vector<16xi1>, vector<16xf32>
      %add3A_223 = arith.constant 3 : i32
      %add3A_224 = arith.addi %mul3A_107, %add3A_223 : i32
      %get3A_225 = arith.index_cast %add3A_224 : i32 to index
      %get3A_226 = arith.constant 0 : index
      %get3A_227 = tpu.vector_load %arg9[%get3A_225, %get3A_226] {strides = array<i32>} : memref<400x64xf32, #tpu.memory_space<vmem>>, vector<16xf32>,
      %get3A_228 = arith.index_cast %add3A_224 : i32 to index
      %get3A_229 = arith.constant 0 : index
      %get3A_230 = tpu.vector_load %arg11[%get3A_228, %get3A_229] {strides = array<i32>} : memref<400x64xf32, #tpu.memory_space<vmem>>, vector<16xf32>,
      %mul3A_231 = arith.mulf %get3A_227, %get3A_230 : vector<16xf32>
      %get3A_232 = arith.index_cast %add3A_224 : i32 to index
      %get3A_233 = arith.constant 16 : index
      %get3A_234 = tpu.vector_load %arg9[%get3A_232, %get3A_233] {strides = array<i32>} : memref<400x64xf32, #tpu.memory_space<vmem>>, vector<16xf32>,
      %get3A_235 = arith.index_cast %add3A_224 : i32 to index
      %get3A_236 = arith.constant 16 : index
      %get3A_237 = tpu.vector_load %arg11[%get3A_235, %get3A_236] {strides = array<i32>} : memref<400x64xf32, #tpu.memory_space<vmem>>, vector<16xf32>,
      %mul3A_238 = arith.mulf %get3A_234, %get3A_237 : vector<16xf32>
      %add3A_239 = arith.addf %mul3A_231, %mul3A_238 : vector<16xf32>
      %get3A_240 = arith.index_cast %add3A_224 : i32 to index
      %get3A_241 = arith.constant 32 : index
      %get3A_242 = tpu.vector_load %arg9[%get3A_240, %get3A_241] {strides = array<i32>} : memref<400x64xf32, #tpu.memory_space<vmem>>, vector<16xf32>,
      %get3A_243 = arith.index_cast %add3A_224 : i32 to index
      %get3A_244 = arith.constant 32 : index
      %get3A_245 = tpu.vector_load %arg11[%get3A_243, %get3A_244] {strides = array<i32>} : memref<400x64xf32, #tpu.memory_space<vmem>>, vector<16xf32>,
      %mul3A_246 = arith.mulf %get3A_242, %get3A_245 : vector<16xf32>
      %add3A_247 = arith.addf %add3A_239, %mul3A_246 : vector<16xf32>
      %get3A_248 = arith.index_cast %add3A_224 : i32 to index
      %get3A_249 = arith.constant 48 : index
      %get3A_250 = tpu.vector_load %arg9[%get3A_248, %get3A_249] {strides = array<i32>} : memref<400x64xf32, #tpu.memory_space<vmem>>, vector<16xf32>,
      %get3A_251 = arith.index_cast %add3A_224 : i32 to index
      %get3A_252 = arith.constant 48 : index
      %get3A_253 = tpu.vector_load %arg11[%get3A_251, %get3A_252] {strides = array<i32>} : memref<400x64xf32, #tpu.memory_space<vmem>>, vector<16xf32>,
      %mul3A_254 = arith.mulf %get3A_250, %get3A_253 : vector<16xf32>
      %add3A_255 = arith.addf %add3A_247, %mul3A_254 : vector<16xf32>
      %reduce_sum3A_256 = arith.constant true
      %reduce_sum3A_257 = vector.broadcast %reduce_sum3A_256 : i1 to vector<16xi1>
      %reduce_sum3A_258 = tpu.scan <sum>, %add3A_255 masked %reduce_sum3A_257 : vector<16xf32>, vector<16xi1> -> vector<16xf32>
      %reduce_sum3A_259 = vector.extract %reduce_sum3A_258[15] : f32 from vector<16xf32>
      %broadcast_in_dim3A_260 = vector.broadcast %reduce_sum3A_259 : f32 to vector<16xf32>
      %select_n3A_261 = arith.select %eq3A_11, %broadcast_in_dim3A_260, %select_n3A_222 : vector<16xi1>, vector<16xf32>
      %add3A_262 = arith.constant 4 : i32
      %add3A_263 = arith.addi %mul3A_107, %add3A_262 : i32
      %get3A_264 = arith.index_cast %add3A_263 : i32 to index
      %get3A_265 = arith.constant 0 : index
      %get3A_266 = tpu.vector_load %arg9[%get3A_264, %get3A_265] {strides = array<i32>} : memref<400x64xf32, #tpu.memory_space<vmem>>, vector<16xf32>,
      %get3A_267 = arith.index_cast %add3A_263 : i32 to index
      %get3A_268 = arith.constant 0 : index
      %get3A_269 = tpu.vector_load %arg11[%get3A_267, %get3A_268] {strides = array<i32>} : memref<400x64xf32, #tpu.memory_space<vmem>>, vector<16xf32>,
      %mul3A_270 = arith.mulf %get3A_266, %get3A_269 : vector<16xf32>
      %get3A_271 = arith.index_cast %add3A_263 : i32 to index
      %get3A_272 = arith.constant 16 : index
      %get3A_273 = tpu.vector_load %arg9[%get3A_271, %get3A_272] {strides = array<i32>} : memref<400x64xf32, #tpu.memory_space<vmem>>, vector<16xf32>,
      %get3A_274 = arith.index_cast %add3A_263 : i32 to index
      %get3A_275 = arith.constant 16 : index
      %get3A_276 = tpu.vector_load %arg11[%get3A_274, %get3A_275] {strides = array<i32>} : memref<400x64xf32, #tpu.memory_space<vmem>>, vector<16xf32>,
      %mul3A_277 = arith.mulf %get3A_273, %get3A_276 : vector<16xf32>
      %add3A_278 = arith.addf %mul3A_270, %mul3A_277 : vector<16xf32>
      %get3A_279 = arith.index_cast %add3A_263 : i32 to index
      %get3A_280 = arith.constant 32 : index
      %get3A_281 = tpu.vector_load %arg9[%get3A_279, %get3A_280] {strides = array<i32>} : memref<400x64xf32, #tpu.memory_space<vmem>>, vector<16xf32>,
      %get3A_282 = arith.index_cast %add3A_263 : i32 to index
      %get3A_283 = arith.constant 32 : index
      %get3A_284 = tpu.vector_load %arg11[%get3A_282, %get3A_283] {strides = array<i32>} : memref<400x64xf32, #tpu.memory_space<vmem>>, vector<16xf32>,
      %mul3A_285 = arith.mulf %get3A_281, %get3A_284 : vector<16xf32>
      %add3A_286 = arith.addf %add3A_278, %mul3A_285 : vector<16xf32>
      %get3A_287 = arith.index_cast %add3A_263 : i32 to index
      %get3A_288 = arith.constant 48 : index
      %get3A_289 = tpu.vector_load %arg9[%get3A_287, %get3A_288] {strides = array<i32>} : memref<400x64xf32, #tpu.memory_space<vmem>>, vector<16xf32>,
      %get3A_290 = arith.index_cast %add3A_263 : i32 to index
      %get3A_291 = arith.constant 48 : index
      %get3A_292 = tpu.vector_load %arg11[%get3A_290, %get3A_291] {strides = array<i32>} : memref<400x64xf32, #tpu.memory_space<vmem>>, vector<16xf32>,
      %mul3A_293 = arith.mulf %get3A_289, %get3A_292 : vector<16xf32>
      %add3A_294 = arith.addf %add3A_286, %mul3A_293 : vector<16xf32>
      %reduce_sum3A_295 = arith.constant true
      %reduce_sum3A_296 = vector.broadcast %reduce_sum3A_295 : i1 to vector<16xi1>
      %reduce_sum3A_297 = tpu.scan <sum>, %add3A_294 masked %reduce_sum3A_296 : vector<16xf32>, vector<16xi1> -> vector<16xf32>
      %reduce_sum3A_298 = vector.extract %reduce_sum3A_297[15] : f32 from vector<16xf32>
      %broadcast_in_dim3A_299 = vector.broadcast %reduce_sum3A_298 : f32 to vector<16xf32>
      %select_n3A_300 = arith.select %eq3A_14, %broadcast_in_dim3A_299, %select_n3A_261 : vector<16xi1>, vector<16xf32>
      %add3A_301 = arith.constant 5 : i32
      %add3A_302 = arith.addi %mul3A_107, %add3A_301 : i32
      %get3A_303 = arith.index_cast %add3A_302 : i32 to index
      %get3A_304 = arith.constant 0 : index
      %get3A_305 = tpu.vector_load %arg9[%get3A_303, %get3A_304] {strides = array<i32>} : memref<400x64xf32, #tpu.memory_space<vmem>>, vector<16xf32>,
      %get3A_306 = arith.index_cast %add3A_302 : i32 to index
      %get3A_307 = arith.constant 0 : index
      %get3A_308 = tpu.vector_load %arg11[%get3A_306, %get3A_307] {strides = array<i32>} : memref<400x64xf32, #tpu.memory_space<vmem>>, vector<16xf32>,
      %mul3A_309 = arith.mulf %get3A_305, %get3A_308 : vector<16xf32>
      %get3A_310 = arith.index_cast %add3A_302 : i32 to index
      %get3A_311 = arith.constant 16 : index
      %get3A_312 = tpu.vector_load %arg9[%get3A_310, %get3A_311] {strides = array<i32>} : memref<400x64xf32, #tpu.memory_space<vmem>>, vector<16xf32>,
      %get3A_313 = arith.index_cast %add3A_302 : i32 to index
      %get3A_314 = arith.constant 16 : index
      %get3A_315 = tpu.vector_load %arg11[%get3A_313, %get3A_314] {strides = array<i32>} : memref<400x64xf32, #tpu.memory_space<vmem>>, vector<16xf32>,
      %mul3A_316 = arith.mulf %get3A_312, %get3A_315 : vector<16xf32>
      %add3A_317 = arith.addf %mul3A_309, %mul3A_316 : vector<16xf32>
      %get3A_318 = arith.index_cast %add3A_302 : i32 to index
      %get3A_319 = arith.constant 32 : index
      %get3A_320 = tpu.vector_load %arg9[%get3A_318, %get3A_319] {strides = array<i32>} : memref<400x64xf32, #tpu.memory_space<vmem>>, vector<16xf32>,
      %get3A_321 = arith.index_cast %add3A_302 : i32 to index
      %get3A_322 = arith.constant 32 : index
      %get3A_323 = tpu.vector_load %arg11[%get3A_321, %get3A_322] {strides = array<i32>} : memref<400x64xf32, #tpu.memory_space<vmem>>, vector<16xf32>,
      %mul3A_324 = arith.mulf %get3A_320, %get3A_323 : vector<16xf32>
      %add3A_325 = arith.addf %add3A_317, %mul3A_324 : vector<16xf32>
      %get3A_326 = arith.index_cast %add3A_302 : i32 to index
      %get3A_327 = arith.constant 48 : index
      %get3A_328 = tpu.vector_load %arg9[%get3A_326, %get3A_327] {strides = array<i32>} : memref<400x64xf32, #tpu.memory_space<vmem>>, vector<16xf32>,
      %get3A_329 = arith.index_cast %add3A_302 : i32 to index
      %get3A_330 = arith.constant 48 : index
      %get3A_331 = tpu.vector_load %arg11[%get3A_329, %get3A_330] {strides = array<i32>} : memref<400x64xf32, #tpu.memory_space<vmem>>, vector<16xf32>,
      %mul3A_332 = arith.mulf %get3A_328, %get3A_331 : vector<16xf32>
      %add3A_333 = arith.addf %add3A_325, %mul3A_332 : vector<16xf32>
      %reduce_sum3A_334 = arith.constant true
      %reduce_sum3A_335 = vector.broadcast %reduce_sum3A_334 : i1 to vector<16xi1>
      %reduce_sum3A_336 = tpu.scan <sum>, %add3A_333 masked %reduce_sum3A_335 : vector<16xf32>, vector<16xi1> -> vector<16xf32>
      %reduce_sum3A_337 = vector.extract %reduce_sum3A_336[15] : f32 from vector<16xf32>
      %broadcast_in_dim3A_338 = vector.broadcast %reduce_sum3A_337 : f32 to vector<16xf32>
      %select_n3A_339 = arith.select %eq3A_17, %broadcast_in_dim3A_338, %select_n3A_300 : vector<16xi1>, vector<16xf32>
      %add3A_340 = arith.constant 6 : i32
      %add3A_341 = arith.addi %mul3A_107, %add3A_340 : i32
      %get3A_342 = arith.index_cast %add3A_341 : i32 to index
      %get3A_343 = arith.constant 0 : index
      %get3A_344 = tpu.vector_load %arg9[%get3A_342, %get3A_343] {strides = array<i32>} : memref<400x64xf32, #tpu.memory_space<vmem>>, vector<16xf32>,
      %get3A_345 = arith.index_cast %add3A_341 : i32 to index
      %get3A_346 = arith.constant 0 : index
      %get3A_347 = tpu.vector_load %arg11[%get3A_345, %get3A_346] {strides = array<i32>} : memref<400x64xf32, #tpu.memory_space<vmem>>, vector<16xf32>,
      %mul3A_348 = arith.mulf %get3A_344, %get3A_347 : vector<16xf32>
      %get3A_349 = arith.index_cast %add3A_341 : i32 to index
      %get3A_350 = arith.constant 16 : index
      %get3A_351 = tpu.vector_load %arg9[%get3A_349, %get3A_350] {strides = array<i32>} : memref<400x64xf32, #tpu.memory_space<vmem>>, vector<16xf32>,
      %get3A_352 = arith.index_cast %add3A_341 : i32 to index
      %get3A_353 = arith.constant 16 : index
      %get3A_354 = tpu.vector_load %arg11[%get3A_352, %get3A_353] {strides = array<i32>} : memref<400x64xf32, #tpu.memory_space<vmem>>, vector<16xf32>,
      %mul3A_355 = arith.mulf %get3A_351, %get3A_354 : vector<16xf32>
      %add3A_356 = arith.addf %mul3A_348, %mul3A_355 : vector<16xf32>
      %get3A_357 = arith.index_cast %add3A_341 : i32 to index
      %get3A_358 = arith.constant 32 : index
      %get3A_359 = tpu.vector_load %arg9[%get3A_357, %get3A_358] {strides = array<i32>} : memref<400x64xf32, #tpu.memory_space<vmem>>, vector<16xf32>,
      %get3A_360 = arith.index_cast %add3A_341 : i32 to index
      %get3A_361 = arith.constant 32 : index
      %get3A_362 = tpu.vector_load %arg11[%get3A_360, %get3A_361] {strides = array<i32>} : memref<400x64xf32, #tpu.memory_space<vmem>>, vector<16xf32>,
      %mul3A_363 = arith.mulf %get3A_359, %get3A_362 : vector<16xf32>
      %add3A_364 = arith.addf %add3A_356, %mul3A_363 : vector<16xf32>
      %get3A_365 = arith.index_cast %add3A_341 : i32 to index
      %get3A_366 = arith.constant 48 : index
      %get3A_367 = tpu.vector_load %arg9[%get3A_365, %get3A_366] {strides = array<i32>} : memref<400x64xf32, #tpu.memory_space<vmem>>, vector<16xf32>,
      %get3A_368 = arith.index_cast %add3A_341 : i32 to index
      %get3A_369 = arith.constant 48 : index
      %get3A_370 = tpu.vector_load %arg11[%get3A_368, %get3A_369] {strides = array<i32>} : memref<400x64xf32, #tpu.memory_space<vmem>>, vector<16xf32>,
      %mul3A_371 = arith.mulf %get3A_367, %get3A_370 : vector<16xf32>
      %add3A_372 = arith.addf %add3A_364, %mul3A_371 : vector<16xf32>
      %reduce_sum3A_373 = arith.constant true
      %reduce_sum3A_374 = vector.broadcast %reduce_sum3A_373 : i1 to vector<16xi1>
      %reduce_sum3A_375 = tpu.scan <sum>, %add3A_372 masked %reduce_sum3A_374 : vector<16xf32>, vector<16xi1> -> vector<16xf32>
      %reduce_sum3A_376 = vector.extract %reduce_sum3A_375[15] : f32 from vector<16xf32>
      %broadcast_in_dim3A_377 = vector.broadcast %reduce_sum3A_376 : f32 to vector<16xf32>
      %select_n3A_378 = arith.select %eq3A_20, %broadcast_in_dim3A_377, %select_n3A_339 : vector<16xi1>, vector<16xf32>
      %add3A_379 = arith.constant 7 : i32
      %add3A_380 = arith.addi %mul3A_107, %add3A_379 : i32
      %get3A_381 = arith.index_cast %add3A_380 : i32 to index
      %get3A_382 = arith.constant 0 : index
      %get3A_383 = tpu.vector_load %arg9[%get3A_381, %get3A_382] {strides = array<i32>} : memref<400x64xf32, #tpu.memory_space<vmem>>, vector<16xf32>,
      %get3A_384 = arith.index_cast %add3A_380 : i32 to index
      %get3A_385 = arith.constant 0 : index
      %get3A_386 = tpu.vector_load %arg11[%get3A_384, %get3A_385] {strides = array<i32>} : memref<400x64xf32, #tpu.memory_space<vmem>>, vector<16xf32>,
      %mul3A_387 = arith.mulf %get3A_383, %get3A_386 : vector<16xf32>
      %get3A_388 = arith.index_cast %add3A_380 : i32 to index
      %get3A_389 = arith.constant 16 : index
      %get3A_390 = tpu.vector_load %arg9[%get3A_388, %get3A_389] {strides = array<i32>} : memref<400x64xf32, #tpu.memory_space<vmem>>, vector<16xf32>,
      %get3A_391 = arith.index_cast %add3A_380 : i32 to index
      %get3A_392 = arith.constant 16 : index
      %get3A_393 = tpu.vector_load %arg11[%get3A_391, %get3A_392] {strides = array<i32>} : memref<400x64xf32, #tpu.memory_space<vmem>>, vector<16xf32>,
      %mul3A_394 = arith.mulf %get3A_390, %get3A_393 : vector<16xf32>
      %add3A_395 = arith.addf %mul3A_387, %mul3A_394 : vector<16xf32>
      %get3A_396 = arith.index_cast %add3A_380 : i32 to index
      %get3A_397 = arith.constant 32 : index
      %get3A_398 = tpu.vector_load %arg9[%get3A_396, %get3A_397] {strides = array<i32>} : memref<400x64xf32, #tpu.memory_space<vmem>>, vector<16xf32>,
      %get3A_399 = arith.index_cast %add3A_380 : i32 to index
      %get3A_400 = arith.constant 32 : index
      %get3A_401 = tpu.vector_load %arg11[%get3A_399, %get3A_400] {strides = array<i32>} : memref<400x64xf32, #tpu.memory_space<vmem>>, vector<16xf32>,
      %mul3A_402 = arith.mulf %get3A_398, %get3A_401 : vector<16xf32>
      %add3A_403 = arith.addf %add3A_395, %mul3A_402 : vector<16xf32>
      %get3A_404 = arith.index_cast %add3A_380 : i32 to index
      %get3A_405 = arith.constant 48 : index
      %get3A_406 = tpu.vector_load %arg9[%get3A_404, %get3A_405] {strides = array<i32>} : memref<400x64xf32, #tpu.memory_space<vmem>>, vector<16xf32>,
      %get3A_407 = arith.index_cast %add3A_380 : i32 to index
      %get3A_408 = arith.constant 48 : index
      %get3A_409 = tpu.vector_load %arg11[%get3A_407, %get3A_408] {strides = array<i32>} : memref<400x64xf32, #tpu.memory_space<vmem>>, vector<16xf32>,
      %mul3A_410 = arith.mulf %get3A_406, %get3A_409 : vector<16xf32>
      %add3A_411 = arith.addf %add3A_403, %mul3A_410 : vector<16xf32>
      %reduce_sum3A_412 = arith.constant true
      %reduce_sum3A_413 = vector.broadcast %reduce_sum3A_412 : i1 to vector<16xi1>
      %reduce_sum3A_414 = tpu.scan <sum>, %add3A_411 masked %reduce_sum3A_413 : vector<16xf32>, vector<16xi1> -> vector<16xf32>
      %reduce_sum3A_415 = vector.extract %reduce_sum3A_414[15] : f32 from vector<16xf32>
      %broadcast_in_dim3A_416 = vector.broadcast %reduce_sum3A_415 : f32 to vector<16xf32>
      %select_n3A_417 = arith.select %eq3A_23, %broadcast_in_dim3A_416, %select_n3A_378 : vector<16xi1>, vector<16xf32>
      %add3A_418 = arith.constant 8 : i32
      %add3A_419 = arith.addi %mul3A_107, %add3A_418 : i32
      %get3A_420 = arith.index_cast %add3A_419 : i32 to index
      %get3A_421 = arith.constant 0 : index
      %get3A_422 = tpu.vector_load %arg9[%get3A_420, %get3A_421] {strides = array<i32>} : memref<400x64xf32, #tpu.memory_space<vmem>>, vector<16xf32>,
      %get3A_423 = arith.index_cast %add3A_419 : i32 to index
      %get3A_424 = arith.constant 0 : index
      %get3A_425 = tpu.vector_load %arg11[%get3A_423, %get3A_424] {strides = array<i32>} : memref<400x64xf32, #tpu.memory_space<vmem>>, vector<16xf32>,
      %mul3A_426 = arith.mulf %get3A_422, %get3A_425 : vector<16xf32>
      %get3A_427 = arith.index_cast %add3A_419 : i32 to index
      %get3A_428 = arith.constant 16 : index
      %get3A_429 = tpu.vector_load %arg9[%get3A_427, %get3A_428] {strides = array<i32>} : memref<400x64xf32, #tpu.memory_space<vmem>>, vector<16xf32>,
      %get3A_430 = arith.index_cast %add3A_419 : i32 to index
      %get3A_431 = arith.constant 16 : index
      %get3A_432 = tpu.vector_load %arg11[%get3A_430, %get3A_431] {strides = array<i32>} : memref<400x64xf32, #tpu.memory_space<vmem>>, vector<16xf32>,
      %mul3A_433 = arith.mulf %get3A_429, %get3A_432 : vector<16xf32>
      %add3A_434 = arith.addf %mul3A_426, %mul3A_433 : vector<16xf32>
      %get3A_435 = arith.index_cast %add3A_419 : i32 to index
      %get3A_436 = arith.constant 32 : index
      %get3A_437 = tpu.vector_load %arg9[%get3A_435, %get3A_436] {strides = array<i32>} : memref<400x64xf32, #tpu.memory_space<vmem>>, vector<16xf32>,
      %get3A_438 = arith.index_cast %add3A_419 : i32 to index
      %get3A_439 = arith.constant 32 : index
      %get3A_440 = tpu.vector_load %arg11[%get3A_438, %get3A_439] {strides = array<i32>} : memref<400x64xf32, #tpu.memory_space<vmem>>, vector<16xf32>,
      %mul3A_441 = arith.mulf %get3A_437, %get3A_440 : vector<16xf32>
      %add3A_442 = arith.addf %add3A_434, %mul3A_441 : vector<16xf32>
      %get3A_443 = arith.index_cast %add3A_419 : i32 to index
      %get3A_444 = arith.constant 48 : index
      %get3A_445 = tpu.vector_load %arg9[%get3A_443, %get3A_444] {strides = array<i32>} : memref<400x64xf32, #tpu.memory_space<vmem>>, vector<16xf32>,
      %get3A_446 = arith.index_cast %add3A_419 : i32 to index
      %get3A_447 = arith.constant 48 : index
      %get3A_448 = tpu.vector_load %arg11[%get3A_446, %get3A_447] {strides = array<i32>} : memref<400x64xf32, #tpu.memory_space<vmem>>, vector<16xf32>,
      %mul3A_449 = arith.mulf %get3A_445, %get3A_448 : vector<16xf32>
      %add3A_450 = arith.addf %add3A_442, %mul3A_449 : vector<16xf32>
      %reduce_sum3A_451 = arith.constant true
      %reduce_sum3A_452 = vector.broadcast %reduce_sum3A_451 : i1 to vector<16xi1>
      %reduce_sum3A_453 = tpu.scan <sum>, %add3A_450 masked %reduce_sum3A_452 : vector<16xf32>, vector<16xi1> -> vector<16xf32>
      %reduce_sum3A_454 = vector.extract %reduce_sum3A_453[15] : f32 from vector<16xf32>
      %broadcast_in_dim3A_455 = vector.broadcast %reduce_sum3A_454 : f32 to vector<16xf32>
      %select_n3A_456 = arith.select %eq3A_26, %broadcast_in_dim3A_455, %select_n3A_417 : vector<16xi1>, vector<16xf32>
      %add3A_457 = arith.constant 9 : i32
      %add3A_458 = arith.addi %mul3A_107, %add3A_457 : i32
      %get3A_459 = arith.index_cast %add3A_458 : i32 to index
      %get3A_460 = arith.constant 0 : index
      %get3A_461 = tpu.vector_load %arg9[%get3A_459, %get3A_460] {strides = array<i32>} : memref<400x64xf32, #tpu.memory_space<vmem>>, vector<16xf32>,
      %get3A_462 = arith.index_cast %add3A_458 : i32 to index
      %get3A_463 = arith.constant 0 : index
      %get3A_464 = tpu.vector_load %arg11[%get3A_462, %get3A_463] {strides = array<i32>} : memref<400x64xf32, #tpu.memory_space<vmem>>, vector<16xf32>,
      %mul3A_465 = arith.mulf %get3A_461, %get3A_464 : vector<16xf32>
      %get3A_466 = arith.index_cast %add3A_458 : i32 to index
      %get3A_467 = arith.constant 16 : index
      %get3A_468 = tpu.vector_load %arg9[%get3A_466, %get3A_467] {strides = array<i32>} : memref<400x64xf32, #tpu.memory_space<vmem>>, vector<16xf32>,
      %get3A_469 = arith.index_cast %add3A_458 : i32 to index
      %get3A_470 = arith.constant 16 : index
      %get3A_471 = tpu.vector_load %arg11[%get3A_469, %get3A_470] {strides = array<i32>} : memref<400x64xf32, #tpu.memory_space<vmem>>, vector<16xf32>,
      %mul3A_472 = arith.mulf %get3A_468, %get3A_471 : vector<16xf32>
      %add3A_473 = arith.addf %mul3A_465, %mul3A_472 : vector<16xf32>
      %get3A_474 = arith.index_cast %add3A_458 : i32 to index
      %get3A_475 = arith.constant 32 : index
      %get3A_476 = tpu.vector_load %arg9[%get3A_474, %get3A_475] {strides = array<i32>} : memref<400x64xf32, #tpu.memory_space<vmem>>, vector<16xf32>,
      %get3A_477 = arith.index_cast %add3A_458 : i32 to index
      %get3A_478 = arith.constant 32 : index
      %get3A_479 = tpu.vector_load %arg11[%get3A_477, %get3A_478] {strides = array<i32>} : memref<400x64xf32, #tpu.memory_space<vmem>>, vector<16xf32>,
      %mul3A_480 = arith.mulf %get3A_476, %get3A_479 : vector<16xf32>
      %add3A_481 = arith.addf %add3A_473, %mul3A_480 : vector<16xf32>
      %get3A_482 = arith.index_cast %add3A_458 : i32 to index
      %get3A_483 = arith.constant 48 : index
      %get3A_484 = tpu.vector_load %arg9[%get3A_482, %get3A_483] {strides = array<i32>} : memref<400x64xf32, #tpu.memory_space<vmem>>, vector<16xf32>,
      %get3A_485 = arith.index_cast %add3A_458 : i32 to index
      %get3A_486 = arith.constant 48 : index
      %get3A_487 = tpu.vector_load %arg11[%get3A_485, %get3A_486] {strides = array<i32>} : memref<400x64xf32, #tpu.memory_space<vmem>>, vector<16xf32>,
      %mul3A_488 = arith.mulf %get3A_484, %get3A_487 : vector<16xf32>
      %add3A_489 = arith.addf %add3A_481, %mul3A_488 : vector<16xf32>
      %reduce_sum3A_490 = arith.constant true
      %reduce_sum3A_491 = vector.broadcast %reduce_sum3A_490 : i1 to vector<16xi1>
      %reduce_sum3A_492 = tpu.scan <sum>, %add3A_489 masked %reduce_sum3A_491 : vector<16xf32>, vector<16xi1> -> vector<16xf32>
      %reduce_sum3A_493 = vector.extract %reduce_sum3A_492[15] : f32 from vector<16xf32>
      %broadcast_in_dim3A_494 = vector.broadcast %reduce_sum3A_493 : f32 to vector<16xf32>
      %select_n3A_495 = arith.select %eq3A_29, %broadcast_in_dim3A_494, %select_n3A_456 : vector<16xi1>, vector<16xf32>
      %add3A_496 = arith.constant 10 : i32
      %add3A_497 = arith.addi %mul3A_107, %add3A_496 : i32
      %get3A_498 = arith.index_cast %add3A_497 : i32 to index
      %get3A_499 = arith.constant 0 : index
      %get3A_500 = tpu.vector_load %arg9[%get3A_498, %get3A_499] {strides = array<i32>} : memref<400x64xf32, #tpu.memory_space<vmem>>, vector<16xf32>,
      %get3A_501 = arith.index_cast %add3A_497 : i32 to index
      %get3A_502 = arith.constant 0 : index
      %get3A_503 = tpu.vector_load %arg11[%get3A_501, %get3A_502] {strides = array<i32>} : memref<400x64xf32, #tpu.memory_space<vmem>>, vector<16xf32>,
      %mul3A_504 = arith.mulf %get3A_500, %get3A_503 : vector<16xf32>
      %get3A_505 = arith.index_cast %add3A_497 : i32 to index
      %get3A_506 = arith.constant 16 : index
      %get3A_507 = tpu.vector_load %arg9[%get3A_505, %get3A_506] {strides = array<i32>} : memref<400x64xf32, #tpu.memory_space<vmem>>, vector<16xf32>,
      %get3A_508 = arith.index_cast %add3A_497 : i32 to index
      %get3A_509 = arith.constant 16 : index
      %get3A_510 = tpu.vector_load %arg11[%get3A_508, %get3A_509] {strides = array<i32>} : memref<400x64xf32, #tpu.memory_space<vmem>>, vector<16xf32>,
      %mul3A_511 = arith.mulf %get3A_507, %get3A_510 : vector<16xf32>
      %add3A_512 = arith.addf %mul3A_504, %mul3A_511 : vector<16xf32>
      %get3A_513 = arith.index_cast %add3A_497 : i32 to index
      %get3A_514 = arith.constant 32 : index
      %get3A_515 = tpu.vector_load %arg9[%get3A_513, %get3A_514] {strides = array<i32>} : memref<400x64xf32, #tpu.memory_space<vmem>>, vector<16xf32>,
      %get3A_516 = arith.index_cast %add3A_497 : i32 to index
      %get3A_517 = arith.constant 32 : index
      %get3A_518 = tpu.vector_load %arg11[%get3A_516, %get3A_517] {strides = array<i32>} : memref<400x64xf32, #tpu.memory_space<vmem>>, vector<16xf32>,
      %mul3A_519 = arith.mulf %get3A_515, %get3A_518 : vector<16xf32>
      %add3A_520 = arith.addf %add3A_512, %mul3A_519 : vector<16xf32>
      %get3A_521 = arith.index_cast %add3A_497 : i32 to index
      %get3A_522 = arith.constant 48 : index
      %get3A_523 = tpu.vector_load %arg9[%get3A_521, %get3A_522] {strides = array<i32>} : memref<400x64xf32, #tpu.memory_space<vmem>>, vector<16xf32>,
      %get3A_524 = arith.index_cast %add3A_497 : i32 to index
      %get3A_525 = arith.constant 48 : index
      %get3A_526 = tpu.vector_load %arg11[%get3A_524, %get3A_525] {strides = array<i32>} : memref<400x64xf32, #tpu.memory_space<vmem>>, vector<16xf32>,
      %mul3A_527 = arith.mulf %get3A_523, %get3A_526 : vector<16xf32>
      %add3A_528 = arith.addf %add3A_520, %mul3A_527 : vector<16xf32>
      %reduce_sum3A_529 = arith.constant true
      %reduce_sum3A_530 = vector.broadcast %reduce_sum3A_529 : i1 to vector<16xi1>
      %reduce_sum3A_531 = tpu.scan <sum>, %add3A_528 masked %reduce_sum3A_530 : vector<16xf32>, vector<16xi1> -> vector<16xf32>
      %reduce_sum3A_532 = vector.extract %reduce_sum3A_531[15] : f32 from vector<16xf32>
      %broadcast_in_dim3A_533 = vector.broadcast %reduce_sum3A_532 : f32 to vector<16xf32>
      %select_n3A_534 = arith.select %eq3A_32, %broadcast_in_dim3A_533, %select_n3A_495 : vector<16xi1>, vector<16xf32>
      %add3A_535 = arith.constant 11 : i32
      %add3A_536 = arith.addi %mul3A_107, %add3A_535 : i32
      %get3A_537 = arith.index_cast %add3A_536 : i32 to index
      %get3A_538 = arith.constant 0 : index
      %get3A_539 = tpu.vector_load %arg9[%get3A_537, %get3A_538] {strides = array<i32>} : memref<400x64xf32, #tpu.memory_space<vmem>>, vector<16xf32>,
      %get3A_540 = arith.index_cast %add3A_536 : i32 to index
      %get3A_541 = arith.constant 0 : index
      %get3A_542 = tpu.vector_load %arg11[%get3A_540, %get3A_541] {strides = array<i32>} : memref<400x64xf32, #tpu.memory_space<vmem>>, vector<16xf32>,
      %mul3A_543 = arith.mulf %get3A_539, %get3A_542 : vector<16xf32>
      %get3A_544 = arith.index_cast %add3A_536 : i32 to index
      %get3A_545 = arith.constant 16 : index
      %get3A_546 = tpu.vector_load %arg9[%get3A_544, %get3A_545] {strides = array<i32>} : memref<400x64xf32, #tpu.memory_space<vmem>>, vector<16xf32>,
      %get3A_547 = arith.index_cast %add3A_536 : i32 to index
      %get3A_548 = arith.constant 16 : index
      %get3A_549 = tpu.vector_load %arg11[%get3A_547, %get3A_548] {strides = array<i32>} : memref<400x64xf32, #tpu.memory_space<vmem>>, vector<16xf32>,
      %mul3A_550 = arith.mulf %get3A_546, %get3A_549 : vector<16xf32>
      %add3A_551 = arith.addf %mul3A_543, %mul3A_550 : vector<16xf32>
      %get3A_552 = arith.index_cast %add3A_536 : i32 to index
      %get3A_553 = arith.constant 32 : index
      %get3A_554 = tpu.vector_load %arg9[%get3A_552, %get3A_553] {strides = array<i32>} : memref<400x64xf32, #tpu.memory_space<vmem>>, vector<16xf32>,
      %get3A_555 = arith.index_cast %add3A_536 : i32 to index
      %get3A_556 = arith.constant 32 : index
      %get3A_557 = tpu.vector_load %arg11[%get3A_555, %get3A_556] {strides = array<i32>} : memref<400x64xf32, #tpu.memory_space<vmem>>, vector<16xf32>,
      %mul3A_558 = arith.mulf %get3A_554, %get3A_557 : vector<16xf32>
      %add3A_559 = arith.addf %add3A_551, %mul3A_558 : vector<16xf32>
      %get3A_560 = arith.index_cast %add3A_536 : i32 to index
      %get3A_561 = arith.constant 48 : index
      %get3A_562 = tpu.vector_load %arg9[%get3A_560, %get3A_561] {strides = array<i32>} : memref<400x64xf32, #tpu.memory_space<vmem>>, vector<16xf32>,
      %get3A_563 = arith.index_cast %add3A_536 : i32 to index
      %get3A_564 = arith.constant 48 : index
      %get3A_565 = tpu.vector_load %arg11[%get3A_563, %get3A_564] {strides = array<i32>} : memref<400x64xf32, #tpu.memory_space<vmem>>, vector<16xf32>,
      %mul3A_566 = arith.mulf %get3A_562, %get3A_565 : vector<16xf32>
      %add3A_567 = arith.addf %add3A_559, %mul3A_566 : vector<16xf32>
      %reduce_sum3A_568 = arith.constant true
      %reduce_sum3A_569 = vector.broadcast %reduce_sum3A_568 : i1 to vector<16xi1>
      %reduce_sum3A_570 = tpu.scan <sum>, %add3A_567 masked %reduce_sum3A_569 : vector<16xf32>, vector<16xi1> -> vector<16xf32>
      %reduce_sum3A_571 = vector.extract %reduce_sum3A_570[15] : f32 from vector<16xf32>
      %broadcast_in_dim3A_572 = vector.broadcast %reduce_sum3A_571 : f32 to vector<16xf32>
      %select_n3A_573 = arith.select %eq3A_35, %broadcast_in_dim3A_572, %select_n3A_534 : vector<16xi1>, vector<16xf32>
      %add3A_574 = arith.constant 12 : i32
      %add3A_575 = arith.addi %mul3A_107, %add3A_574 : i32
      %get3A_576 = arith.index_cast %add3A_575 : i32 to index
      %get3A_577 = arith.constant 0 : index
      %get3A_578 = tpu.vector_load %arg9[%get3A_576, %get3A_577] {strides = array<i32>} : memref<400x64xf32, #tpu.memory_space<vmem>>, vector<16xf32>,
      %get3A_579 = arith.index_cast %add3A_575 : i32 to index
      %get3A_580 = arith.constant 0 : index
      %get3A_581 = tpu.vector_load %arg11[%get3A_579, %get3A_580] {strides = array<i32>} : memref<400x64xf32, #tpu.memory_space<vmem>>, vector<16xf32>,
      %mul3A_582 = arith.mulf %get3A_578, %get3A_581 : vector<16xf32>
      %get3A_583 = arith.index_cast %add3A_575 : i32 to index
      %get3A_584 = arith.constant 16 : index
      %get3A_585 = tpu.vector_load %arg9[%get3A_583, %get3A_584] {strides = array<i32>} : memref<400x64xf32, #tpu.memory_space<vmem>>, vector<16xf32>,
      %get3A_586 = arith.index_cast %add3A_575 : i32 to index
      %get3A_587 = arith.constant 16 : index
      %get3A_588 = tpu.vector_load %arg11[%get3A_586, %get3A_587] {strides = array<i32>} : memref<400x64xf32, #tpu.memory_space<vmem>>, vector<16xf32>,
      %mul3A_589 = arith.mulf %get3A_585, %get3A_588 : vector<16xf32>
      %add3A_590 = arith.addf %mul3A_582, %mul3A_589 : vector<16xf32>
      %get3A_591 = arith.index_cast %add3A_575 : i32 to index
      %get3A_592 = arith.constant 32 : index
      %get3A_593 = tpu.vector_load %arg9[%get3A_591, %get3A_592] {strides = array<i32>} : memref<400x64xf32, #tpu.memory_space<vmem>>, vector<16xf32>,
      %get3A_594 = arith.index_cast %add3A_575 : i32 to index
      %get3A_595 = arith.constant 32 : index
      %get3A_596 = tpu.vector_load %arg11[%get3A_594, %get3A_595] {strides = array<i32>} : memref<400x64xf32, #tpu.memory_space<vmem>>, vector<16xf32>,
      %mul3A_597 = arith.mulf %get3A_593, %get3A_596 : vector<16xf32>
      %add3A_598 = arith.addf %add3A_590, %mul3A_597 : vector<16xf32>
      %get3A_599 = arith.index_cast %add3A_575 : i32 to index
      %get3A_600 = arith.constant 48 : index
      %get3A_601 = tpu.vector_load %arg9[%get3A_599, %get3A_600] {strides = array<i32>} : memref<400x64xf32, #tpu.memory_space<vmem>>, vector<16xf32>,
      %get3A_602 = arith.index_cast %add3A_575 : i32 to index
      %get3A_603 = arith.constant 48 : index
      %get3A_604 = tpu.vector_load %arg11[%get3A_602, %get3A_603] {strides = array<i32>} : memref<400x64xf32, #tpu.memory_space<vmem>>, vector<16xf32>,
      %mul3A_605 = arith.mulf %get3A_601, %get3A_604 : vector<16xf32>
      %add3A_606 = arith.addf %add3A_598, %mul3A_605 : vector<16xf32>
      %reduce_sum3A_607 = arith.constant true
      %reduce_sum3A_608 = vector.broadcast %reduce_sum3A_607 : i1 to vector<16xi1>
      %reduce_sum3A_609 = tpu.scan <sum>, %add3A_606 masked %reduce_sum3A_608 : vector<16xf32>, vector<16xi1> -> vector<16xf32>
      %reduce_sum3A_610 = vector.extract %reduce_sum3A_609[15] : f32 from vector<16xf32>
      %broadcast_in_dim3A_611 = vector.broadcast %reduce_sum3A_610 : f32 to vector<16xf32>
      %select_n3A_612 = arith.select %eq3A_38, %broadcast_in_dim3A_611, %select_n3A_573 : vector<16xi1>, vector<16xf32>
      %add3A_613 = arith.constant 13 : i32
      %add3A_614 = arith.addi %mul3A_107, %add3A_613 : i32
      %get3A_615 = arith.index_cast %add3A_614 : i32 to index
      %get3A_616 = arith.constant 0 : index
      %get3A_617 = tpu.vector_load %arg9[%get3A_615, %get3A_616] {strides = array<i32>} : memref<400x64xf32, #tpu.memory_space<vmem>>, vector<16xf32>,
      %get3A_618 = arith.index_cast %add3A_614 : i32 to index
      %get3A_619 = arith.constant 0 : index
      %get3A_620 = tpu.vector_load %arg11[%get3A_618, %get3A_619] {strides = array<i32>} : memref<400x64xf32, #tpu.memory_space<vmem>>, vector<16xf32>,
      %mul3A_621 = arith.mulf %get3A_617, %get3A_620 : vector<16xf32>
      %get3A_622 = arith.index_cast %add3A_614 : i32 to index
      %get3A_623 = arith.constant 16 : index
      %get3A_624 = tpu.vector_load %arg9[%get3A_622, %get3A_623] {strides = array<i32>} : memref<400x64xf32, #tpu.memory_space<vmem>>, vector<16xf32>,
      %get3A_625 = arith.index_cast %add3A_614 : i32 to index
      %get3A_626 = arith.constant 16 : index
      %get3A_627 = tpu.vector_load %arg11[%get3A_625, %get3A_626] {strides = array<i32>} : memref<400x64xf32, #tpu.memory_space<vmem>>, vector<16xf32>,
      %mul3A_628 = arith.mulf %get3A_624, %get3A_627 : vector<16xf32>
      %add3A_629 = arith.addf %mul3A_621, %mul3A_628 : vector<16xf32>
      %get3A_630 = arith.index_cast %add3A_614 : i32 to index
      %get3A_631 = arith.constant 32 : index
      %get3A_632 = tpu.vector_load %arg9[%get3A_630, %get3A_631] {strides = array<i32>} : memref<400x64xf32, #tpu.memory_space<vmem>>, vector<16xf32>,
      %get3A_633 = arith.index_cast %add3A_614 : i32 to index
      %get3A_634 = arith.constant 32 : index
      %get3A_635 = tpu.vector_load %arg11[%get3A_633, %get3A_634] {strides = array<i32>} : memref<400x64xf32, #tpu.memory_space<vmem>>, vector<16xf32>,
      %mul3A_636 = arith.mulf %get3A_632, %get3A_635 : vector<16xf32>
      %add3A_637 = arith.addf %add3A_629, %mul3A_636 : vector<16xf32>
      %get3A_638 = arith.index_cast %add3A_614 : i32 to index
      %get3A_639 = arith.constant 48 : index
      %get3A_640 = tpu.vector_load %arg9[%get3A_638, %get3A_639] {strides = array<i32>} : memref<400x64xf32, #tpu.memory_space<vmem>>, vector<16xf32>,
      %get3A_641 = arith.index_cast %add3A_614 : i32 to index
      %get3A_642 = arith.constant 48 : index
      %get3A_643 = tpu.vector_load %arg11[%get3A_641, %get3A_642] {strides = array<i32>} : memref<400x64xf32, #tpu.memory_space<vmem>>, vector<16xf32>,
      %mul3A_644 = arith.mulf %get3A_640, %get3A_643 : vector<16xf32>
      %add3A_645 = arith.addf %add3A_637, %mul3A_644 : vector<16xf32>
      %reduce_sum3A_646 = arith.constant true
      %reduce_sum3A_647 = vector.broadcast %reduce_sum3A_646 : i1 to vector<16xi1>
      %reduce_sum3A_648 = tpu.scan <sum>, %add3A_645 masked %reduce_sum3A_647 : vector<16xf32>, vector<16xi1> -> vector<16xf32>
      %reduce_sum3A_649 = vector.extract %reduce_sum3A_648[15] : f32 from vector<16xf32>
      %broadcast_in_dim3A_650 = vector.broadcast %reduce_sum3A_649 : f32 to vector<16xf32>
      %select_n3A_651 = arith.select %eq3A_41, %broadcast_in_dim3A_650, %select_n3A_612 : vector<16xi1>, vector<16xf32>
      %add3A_652 = arith.constant 14 : i32
      %add3A_653 = arith.addi %mul3A_107, %add3A_652 : i32
      %get3A_654 = arith.index_cast %add3A_653 : i32 to index
      %get3A_655 = arith.constant 0 : index
      %get3A_656 = tpu.vector_load %arg9[%get3A_654, %get3A_655] {strides = array<i32>} : memref<400x64xf32, #tpu.memory_space<vmem>>, vector<16xf32>,
      %get3A_657 = arith.index_cast %add3A_653 : i32 to index
      %get3A_658 = arith.constant 0 : index
      %get3A_659 = tpu.vector_load %arg11[%get3A_657, %get3A_658] {strides = array<i32>} : memref<400x64xf32, #tpu.memory_space<vmem>>, vector<16xf32>,
      %mul3A_660 = arith.mulf %get3A_656, %get3A_659 : vector<16xf32>
      %get3A_661 = arith.index_cast %add3A_653 : i32 to index
      %get3A_662 = arith.constant 16 : index
      %get3A_663 = tpu.vector_load %arg9[%get3A_661, %get3A_662] {strides = array<i32>} : memref<400x64xf32, #tpu.memory_space<vmem>>, vector<16xf32>,
      %get3A_664 = arith.index_cast %add3A_653 : i32 to index
      %get3A_665 = arith.constant 16 : index
      %get3A_666 = tpu.vector_load %arg11[%get3A_664, %get3A_665] {strides = array<i32>} : memref<400x64xf32, #tpu.memory_space<vmem>>, vector<16xf32>,
      %mul3A_667 = arith.mulf %get3A_663, %get3A_666 : vector<16xf32>
      %add3A_668 = arith.addf %mul3A_660, %mul3A_667 : vector<16xf32>
      %get3A_669 = arith.index_cast %add3A_653 : i32 to index
      %get3A_670 = arith.constant 32 : index
      %get3A_671 = tpu.vector_load %arg9[%get3A_669, %get3A_670] {strides = array<i32>} : memref<400x64xf32, #tpu.memory_space<vmem>>, vector<16xf32>,
      %get3A_672 = arith.index_cast %add3A_653 : i32 to index
      %get3A_673 = arith.constant 32 : index
      %get3A_674 = tpu.vector_load %arg11[%get3A_672, %get3A_673] {strides = array<i32>} : memref<400x64xf32, #tpu.memory_space<vmem>>, vector<16xf32>,
      %mul3A_675 = arith.mulf %get3A_671, %get3A_674 : vector<16xf32>
      %add3A_676 = arith.addf %add3A_668, %mul3A_675 : vector<16xf32>
      %get3A_677 = arith.index_cast %add3A_653 : i32 to index
      %get3A_678 = arith.constant 48 : index
      %get3A_679 = tpu.vector_load %arg9[%get3A_677, %get3A_678] {strides = array<i32>} : memref<400x64xf32, #tpu.memory_space<vmem>>, vector<16xf32>,
      %get3A_680 = arith.index_cast %add3A_653 : i32 to index
      %get3A_681 = arith.constant 48 : index
      %get3A_682 = tpu.vector_load %arg11[%get3A_680, %get3A_681] {strides = array<i32>} : memref<400x64xf32, #tpu.memory_space<vmem>>, vector<16xf32>,
      %mul3A_683 = arith.mulf %get3A_679, %get3A_682 : vector<16xf32>
      %add3A_684 = arith.addf %add3A_676, %mul3A_683 : vector<16xf32>
      %reduce_sum3A_685 = arith.constant true
      %reduce_sum3A_686 = vector.broadcast %reduce_sum3A_685 : i1 to vector<16xi1>
      %reduce_sum3A_687 = tpu.scan <sum>, %add3A_684 masked %reduce_sum3A_686 : vector<16xf32>, vector<16xi1> -> vector<16xf32>
      %reduce_sum3A_688 = vector.extract %reduce_sum3A_687[15] : f32 from vector<16xf32>
      %broadcast_in_dim3A_689 = vector.broadcast %reduce_sum3A_688 : f32 to vector<16xf32>
      %select_n3A_690 = arith.select %eq3A_44, %broadcast_in_dim3A_689, %select_n3A_651 : vector<16xi1>, vector<16xf32>
      %add3A_691 = arith.constant 15 : i32
      %add3A_692 = arith.addi %mul3A_107, %add3A_691 : i32
      %get3A_693 = arith.index_cast %add3A_692 : i32 to index
      %get3A_694 = arith.constant 0 : index
      %get3A_695 = tpu.vector_load %arg9[%get3A_693, %get3A_694] {strides = array<i32>} : memref<400x64xf32, #tpu.memory_space<vmem>>, vector<16xf32>,
      %get3A_696 = arith.index_cast %add3A_692 : i32 to index
      %get3A_697 = arith.constant 0 : index
      %get3A_698 = tpu.vector_load %arg11[%get3A_696, %get3A_697] {strides = array<i32>} : memref<400x64xf32, #tpu.memory_space<vmem>>, vector<16xf32>,
      %mul3A_699 = arith.mulf %get3A_695, %get3A_698 : vector<16xf32>
      %get3A_700 = arith.index_cast %add3A_692 : i32 to index
      %get3A_701 = arith.constant 16 : index
      %get3A_702 = tpu.vector_load %arg9[%get3A_700, %get3A_701] {strides = array<i32>} : memref<400x64xf32, #tpu.memory_space<vmem>>, vector<16xf32>,
      %get3A_703 = arith.index_cast %add3A_692 : i32 to index
      %get3A_704 = arith.constant 16 : index
      %get3A_705 = tpu.vector_load %arg11[%get3A_703, %get3A_704] {strides = array<i32>} : memref<400x64xf32, #tpu.memory_space<vmem>>, vector<16xf32>,
      %mul3A_706 = arith.mulf %get3A_702, %get3A_705 : vector<16xf32>
      %add3A_707 = arith.addf %mul3A_699, %mul3A_706 : vector<16xf32>
      %get3A_708 = arith.index_cast %add3A_692 : i32 to index
      %get3A_709 = arith.constant 32 : index
      %get3A_710 = tpu.vector_load %arg9[%get3A_708, %get3A_709] {strides = array<i32>} : memref<400x64xf32, #tpu.memory_space<vmem>>, vector<16xf32>,
      %get3A_711 = arith.index_cast %add3A_692 : i32 to index
      %get3A_712 = arith.constant 32 : index
      %get3A_713 = tpu.vector_load %arg11[%get3A_711, %get3A_712] {strides = array<i32>} : memref<400x64xf32, #tpu.memory_space<vmem>>, vector<16xf32>,
      %mul3A_714 = arith.mulf %get3A_710, %get3A_713 : vector<16xf32>
      %add3A_715 = arith.addf %add3A_707, %mul3A_714 : vector<16xf32>
      %get3A_716 = arith.index_cast %add3A_692 : i32 to index
      %get3A_717 = arith.constant 48 : index
      %get3A_718 = tpu.vector_load %arg9[%get3A_716, %get3A_717] {strides = array<i32>} : memref<400x64xf32, #tpu.memory_space<vmem>>, vector<16xf32>,
      %get3A_719 = arith.index_cast %add3A_692 : i32 to index
      %get3A_720 = arith.constant 48 : index
      %get3A_721 = tpu.vector_load %arg11[%get3A_719, %get3A_720] {strides = array<i32>} : memref<400x64xf32, #tpu.memory_space<vmem>>, vector<16xf32>,
      %mul3A_722 = arith.mulf %get3A_718, %get3A_721 : vector<16xf32>
      %add3A_723 = arith.addf %add3A_715, %mul3A_722 : vector<16xf32>
      %reduce_sum3A_724 = arith.constant true
      %reduce_sum3A_725 = vector.broadcast %reduce_sum3A_724 : i1 to vector<16xi1>
      %reduce_sum3A_726 = tpu.scan <sum>, %add3A_723 masked %reduce_sum3A_725 : vector<16xf32>, vector<16xi1> -> vector<16xf32>
      %reduce_sum3A_727 = vector.extract %reduce_sum3A_726[15] : f32 from vector<16xf32>
      %broadcast_in_dim3A_728 = vector.broadcast %reduce_sum3A_727 : f32 to vector<16xf32>
      %select_n3A_729 = arith.select %eq3A_47, %broadcast_in_dim3A_728, %select_n3A_690 : vector<16xi1>, vector<16xf32>
      %add3A_730 = arith.constant 5600 : i32
      %add3A_731 = arith.addi %add3A_730, %mul3A_107 : i32
      %swap3A = arith.index_cast %add3A_731 : i32 to index
      %swap3A_732 = tpu.vector_load %arg13[%swap3A] {strides = array<i32>} : memref<6400xf32, #tpu.memory_space<vmem>>, vector<16xf32>,
      tpu.vector_store %arg13[%swap3A], %select_n3A_729 {strides = array<i32>} : memref<6400xf32, #tpu.memory_space<vmem>>, vector<16xf32>,
    }
    %scan3A_86 = arith.constant 25 : i32
    %dma_wait3A_87 = arith.constant 6000 : i32
    %dma_wait3A_88 = tpu.memref_slice %arg7[%dma_wait3A_87] : memref<6400xi32, #tpu.memory_space<vmem>> -> memref<400xi32, #tpu.memory_space<vmem>>
    %dma_wait3A_89 = arith.constant 0 : i32
    %dma_wait3A_90 = arith.constant 0 : i32
    %dma_wait3A_91 = tpu.memref_slice %arg4[%dma_wait3A_89, %dma_wait3A_90] : memref<100000x64xf32, #tpu.memory_space<hbm>> -> memref<100000x64xf32, #tpu.memory_space<hbm>>
    tpu.wait_indirect_dma semaphore(%arg15 : memref<!tpu.dma_semaphore, #tpu.memory_space<semaphore_mem>>) src(%dma_wait3A_91 : memref<100000x64xf32, #tpu.memory_space<hbm>>) dst(%arg10 : memref<400x64xf32, #tpu.memory_space<vmem>>)
    %dma_wait3A_92 = arith.constant 6000 : i32
    %dma_wait3A_93 = tpu.memref_slice %arg8[%dma_wait3A_92] : memref<6400xi32, #tpu.memory_space<vmem>> -> memref<400xi32, #tpu.memory_space<vmem>>
    %dma_wait3A_94 = arith.constant 0 : i32
    %dma_wait3A_95 = arith.constant 0 : i32
    %dma_wait3A_96 = tpu.memref_slice %arg5[%dma_wait3A_94, %dma_wait3A_95] : memref<100000x64xf32, #tpu.memory_space<hbm>> -> memref<100000x64xf32, #tpu.memory_space<hbm>>
    tpu.wait_indirect_dma semaphore(%arg17 : memref<!tpu.dma_semaphore, #tpu.memory_space<semaphore_mem>>) src(%dma_wait3A_96 : memref<100000x64xf32, #tpu.memory_space<hbm>>) dst(%arg12 : memref<400x64xf32, #tpu.memory_space<vmem>>)
    %scan3A_97 = arith.constant 0 : i32
    %scan3A_98 = arith.constant 0 : i32
    %scan3A_99 = arith.constant 25 : i32
    %scan3A_100 = arith.addi %scan3A_98, %scan3A_99 : i32
    %scan3A_101 = arith.constant 1 : i32
    scf.for %scan3A_105 = %scan3A_98 to %scan3A_100 step %scan3A_101  : i32 {
      %mul3A_106 = arith.constant 16 : i32
      %mul3A_107 = arith.muli %scan3A_105, %mul3A_106 : i32
      %broadcast_in_dim3A = arith.constant 0.000000e+00 : f32
      %broadcast_in_dim3A_108 = vector.broadcast %broadcast_in_dim3A : f32 to vector<16xf32>
      %add3A_109 = arith.constant 0 : i32
      %add3A_110 = arith.addi %mul3A_107, %add3A_109 : i32
      %get3A = arith.index_cast %add3A_110 : i32 to index
      %get3A_111 = arith.constant 0 : index
      %get3A_112 = tpu.vector_load %arg10[%get3A, %get3A_111] {strides = array<i32>} : memref<400x64xf32, #tpu.memory_space<vmem>>, vector<16xf32>,
      %get3A_113 = arith.index_cast %add3A_110 : i32 to index
      %get3A_114 = arith.constant 0 : index
      %get3A_115 = tpu.vector_load %arg12[%get3A_113, %get3A_114] {strides = array<i32>} : memref<400x64xf32, #tpu.memory_space<vmem>>, vector<16xf32>,
      %mul3A_116 = arith.mulf %get3A_112, %get3A_115 : vector<16xf32>
      %get3A_117 = arith.index_cast %add3A_110 : i32 to index
      %get3A_118 = arith.constant 16 : index
      %get3A_119 = tpu.vector_load %arg10[%get3A_117, %get3A_118] {strides = array<i32>} : memref<400x64xf32, #tpu.memory_space<vmem>>, vector<16xf32>,
      %get3A_120 = arith.index_cast %add3A_110 : i32 to index
      %get3A_121 = arith.constant 16 : index
      %get3A_122 = tpu.vector_load %arg12[%get3A_120, %get3A_121] {strides = array<i32>} : memref<400x64xf32, #tpu.memory_space<vmem>>, vector<16xf32>,
      %mul3A_123 = arith.mulf %get3A_119, %get3A_122 : vector<16xf32>
      %add3A_124 = arith.addf %mul3A_116, %mul3A_123 : vector<16xf32>
      %get3A_125 = arith.index_cast %add3A_110 : i32 to index
      %get3A_126 = arith.constant 32 : index
      %get3A_127 = tpu.vector_load %arg10[%get3A_125, %get3A_126] {strides = array<i32>} : memref<400x64xf32, #tpu.memory_space<vmem>>, vector<16xf32>,
      %get3A_128 = arith.index_cast %add3A_110 : i32 to index
      %get3A_129 = arith.constant 32 : index
      %get3A_130 = tpu.vector_load %arg12[%get3A_128, %get3A_129] {strides = array<i32>} : memref<400x64xf32, #tpu.memory_space<vmem>>, vector<16xf32>,
      %mul3A_131 = arith.mulf %get3A_127, %get3A_130 : vector<16xf32>
      %add3A_132 = arith.addf %add3A_124, %mul3A_131 : vector<16xf32>
      %get3A_133 = arith.index_cast %add3A_110 : i32 to index
      %get3A_134 = arith.constant 48 : index
      %get3A_135 = tpu.vector_load %arg10[%get3A_133, %get3A_134] {strides = array<i32>} : memref<400x64xf32, #tpu.memory_space<vmem>>, vector<16xf32>,
      %get3A_136 = arith.index_cast %add3A_110 : i32 to index
      %get3A_137 = arith.constant 48 : index
      %get3A_138 = tpu.vector_load %arg12[%get3A_136, %get3A_137] {strides = array<i32>} : memref<400x64xf32, #tpu.memory_space<vmem>>, vector<16xf32>,
      %mul3A_139 = arith.mulf %get3A_135, %get3A_138 : vector<16xf32>
      %add3A_140 = arith.addf %add3A_132, %mul3A_139 : vector<16xf32>
      %reduce_sum3A = arith.constant true
      %reduce_sum3A_141 = vector.broadcast %reduce_sum3A : i1 to vector<16xi1>
      %reduce_sum3A_142 = tpu.scan <sum>, %add3A_140 masked %reduce_sum3A_141 : vector<16xf32>, vector<16xi1> -> vector<16xf32>
      %reduce_sum3A_143 = vector.extract %reduce_sum3A_142[15] : f32 from vector<16xf32>
      %broadcast_in_dim3A_144 = vector.broadcast %reduce_sum3A_143 : f32 to vector<16xf32>
      %select_n3A = arith.select %eq3A_2, %broadcast_in_dim3A_144, %broadcast_in_dim3A_108 : vector<16xi1>, vector<16xf32>
      %add3A_145 = arith.constant 1 : i32
      %add3A_146 = arith.addi %mul3A_107, %add3A_145 : i32
      %get3A_147 = arith.index_cast %add3A_146 : i32 to index
      %get3A_148 = arith.constant 0 : index
      %get3A_149 = tpu.vector_load %arg10[%get3A_147, %get3A_148] {strides = array<i32>} : memref<400x64xf32, #tpu.memory_space<vmem>>, vector<16xf32>,
      %get3A_150 = arith.index_cast %add3A_146 : i32 to index
      %get3A_151 = arith.constant 0 : index
      %get3A_152 = tpu.vector_load %arg12[%get3A_150, %get3A_151] {strides = array<i32>} : memref<400x64xf32, #tpu.memory_space<vmem>>, vector<16xf32>,
      %mul3A_153 = arith.mulf %get3A_149, %get3A_152 : vector<16xf32>
      %get3A_154 = arith.index_cast %add3A_146 : i32 to index
      %get3A_155 = arith.constant 16 : index
      %get3A_156 = tpu.vector_load %arg10[%get3A_154, %get3A_155] {strides = array<i32>} : memref<400x64xf32, #tpu.memory_space<vmem>>, vector<16xf32>,
      %get3A_157 = arith.index_cast %add3A_146 : i32 to index
      %get3A_158 = arith.constant 16 : index
      %get3A_159 = tpu.vector_load %arg12[%get3A_157, %get3A_158] {strides = array<i32>} : memref<400x64xf32, #tpu.memory_space<vmem>>, vector<16xf32>,
      %mul3A_160 = arith.mulf %get3A_156, %get3A_159 : vector<16xf32>
      %add3A_161 = arith.addf %mul3A_153, %mul3A_160 : vector<16xf32>
      %get3A_162 = arith.index_cast %add3A_146 : i32 to index
      %get3A_163 = arith.constant 32 : index
      %get3A_164 = tpu.vector_load %arg10[%get3A_162, %get3A_163] {strides = array<i32>} : memref<400x64xf32, #tpu.memory_space<vmem>>, vector<16xf32>,
      %get3A_165 = arith.index_cast %add3A_146 : i32 to index
      %get3A_166 = arith.constant 32 : index
      %get3A_167 = tpu.vector_load %arg12[%get3A_165, %get3A_166] {strides = array<i32>} : memref<400x64xf32, #tpu.memory_space<vmem>>, vector<16xf32>,
      %mul3A_168 = arith.mulf %get3A_164, %get3A_167 : vector<16xf32>
      %add3A_169 = arith.addf %add3A_161, %mul3A_168 : vector<16xf32>
      %get3A_170 = arith.index_cast %add3A_146 : i32 to index
      %get3A_171 = arith.constant 48 : index
      %get3A_172 = tpu.vector_load %arg10[%get3A_170, %get3A_171] {strides = array<i32>} : memref<400x64xf32, #tpu.memory_space<vmem>>, vector<16xf32>,
      %get3A_173 = arith.index_cast %add3A_146 : i32 to index
      %get3A_174 = arith.constant 48 : index
      %get3A_175 = tpu.vector_load %arg12[%get3A_173, %get3A_174] {strides = array<i32>} : memref<400x64xf32, #tpu.memory_space<vmem>>, vector<16xf32>,
      %mul3A_176 = arith.mulf %get3A_172, %get3A_175 : vector<16xf32>
      %add3A_177 = arith.addf %add3A_169, %mul3A_176 : vector<16xf32>
      %reduce_sum3A_178 = arith.constant true
      %reduce_sum3A_179 = vector.broadcast %reduce_sum3A_178 : i1 to vector<16xi1>
      %reduce_sum3A_180 = tpu.scan <sum>, %add3A_177 masked %reduce_sum3A_179 : vector<16xf32>, vector<16xi1> -> vector<16xf32>
      %reduce_sum3A_181 = vector.extract %reduce_sum3A_180[15] : f32 from vector<16xf32>
      %broadcast_in_dim3A_182 = vector.broadcast %reduce_sum3A_181 : f32 to vector<16xf32>
      %select_n3A_183 = arith.select %eq3A_5, %broadcast_in_dim3A_182, %select_n3A : vector<16xi1>, vector<16xf32>
      %add3A_184 = arith.constant 2 : i32
      %add3A_185 = arith.addi %mul3A_107, %add3A_184 : i32
      %get3A_186 = arith.index_cast %add3A_185 : i32 to index
      %get3A_187 = arith.constant 0 : index
      %get3A_188 = tpu.vector_load %arg10[%get3A_186, %get3A_187] {strides = array<i32>} : memref<400x64xf32, #tpu.memory_space<vmem>>, vector<16xf32>,
      %get3A_189 = arith.index_cast %add3A_185 : i32 to index
      %get3A_190 = arith.constant 0 : index
      %get3A_191 = tpu.vector_load %arg12[%get3A_189, %get3A_190] {strides = array<i32>} : memref<400x64xf32, #tpu.memory_space<vmem>>, vector<16xf32>,
      %mul3A_192 = arith.mulf %get3A_188, %get3A_191 : vector<16xf32>
      %get3A_193 = arith.index_cast %add3A_185 : i32 to index
      %get3A_194 = arith.constant 16 : index
      %get3A_195 = tpu.vector_load %arg10[%get3A_193, %get3A_194] {strides = array<i32>} : memref<400x64xf32, #tpu.memory_space<vmem>>, vector<16xf32>,
      %get3A_196 = arith.index_cast %add3A_185 : i32 to index
      %get3A_197 = arith.constant 16 : index
      %get3A_198 = tpu.vector_load %arg12[%get3A_196, %get3A_197] {strides = array<i32>} : memref<400x64xf32, #tpu.memory_space<vmem>>, vector<16xf32>,
      %mul3A_199 = arith.mulf %get3A_195, %get3A_198 : vector<16xf32>
      %add3A_200 = arith.addf %mul3A_192, %mul3A_199 : vector<16xf32>
      %get3A_201 = arith.index_cast %add3A_185 : i32 to index
      %get3A_202 = arith.constant 32 : index
      %get3A_203 = tpu.vector_load %arg10[%get3A_201, %get3A_202] {strides = array<i32>} : memref<400x64xf32, #tpu.memory_space<vmem>>, vector<16xf32>,
      %get3A_204 = arith.index_cast %add3A_185 : i32 to index
      %get3A_205 = arith.constant 32 : index
      %get3A_206 = tpu.vector_load %arg12[%get3A_204, %get3A_205] {strides = array<i32>} : memref<400x64xf32, #tpu.memory_space<vmem>>, vector<16xf32>,
      %mul3A_207 = arith.mulf %get3A_203, %get3A_206 : vector<16xf32>
      %add3A_208 = arith.addf %add3A_200, %mul3A_207 : vector<16xf32>
      %get3A_209 = arith.index_cast %add3A_185 : i32 to index
      %get3A_210 = arith.constant 48 : index
      %get3A_211 = tpu.vector_load %arg10[%get3A_209, %get3A_210] {strides = array<i32>} : memref<400x64xf32, #tpu.memory_space<vmem>>, vector<16xf32>,
      %get3A_212 = arith.index_cast %add3A_185 : i32 to index
      %get3A_213 = arith.constant 48 : index
      %get3A_214 = tpu.vector_load %arg12[%get3A_212, %get3A_213] {strides = array<i32>} : memref<400x64xf32, #tpu.memory_space<vmem>>, vector<16xf32>,
      %mul3A_215 = arith.mulf %get3A_211, %get3A_214 : vector<16xf32>
      %add3A_216 = arith.addf %add3A_208, %mul3A_215 : vector<16xf32>
      %reduce_sum3A_217 = arith.constant true
      %reduce_sum3A_218 = vector.broadcast %reduce_sum3A_217 : i1 to vector<16xi1>
      %reduce_sum3A_219 = tpu.scan <sum>, %add3A_216 masked %reduce_sum3A_218 : vector<16xf32>, vector<16xi1> -> vector<16xf32>
      %reduce_sum3A_220 = vector.extract %reduce_sum3A_219[15] : f32 from vector<16xf32>
      %broadcast_in_dim3A_221 = vector.broadcast %reduce_sum3A_220 : f32 to vector<16xf32>
      %select_n3A_222 = arith.select %eq3A_8, %broadcast_in_dim3A_221, %select_n3A_183 : vector<16xi1>, vector<16xf32>
      %add3A_223 = arith.constant 3 : i32
      %add3A_224 = arith.addi %mul3A_107, %add3A_223 : i32
      %get3A_225 = arith.index_cast %add3A_224 : i32 to index
      %get3A_226 = arith.constant 0 : index
      %get3A_227 = tpu.vector_load %arg10[%get3A_225, %get3A_226] {strides = array<i32>} : memref<400x64xf32, #tpu.memory_space<vmem>>, vector<16xf32>,
      %get3A_228 = arith.index_cast %add3A_224 : i32 to index
      %get3A_229 = arith.constant 0 : index
      %get3A_230 = tpu.vector_load %arg12[%get3A_228, %get3A_229] {strides = array<i32>} : memref<400x64xf32, #tpu.memory_space<vmem>>, vector<16xf32>,
      %mul3A_231 = arith.mulf %get3A_227, %get3A_230 : vector<16xf32>
      %get3A_232 = arith.index_cast %add3A_224 : i32 to index
      %get3A_233 = arith.constant 16 : index
      %get3A_234 = tpu.vector_load %arg10[%get3A_232, %get3A_233] {strides = array<i32>} : memref<400x64xf32, #tpu.memory_space<vmem>>, vector<16xf32>,
      %get3A_235 = arith.index_cast %add3A_224 : i32 to index
      %get3A_236 = arith.constant 16 : index
      %get3A_237 = tpu.vector_load %arg12[%get3A_235, %get3A_236] {strides = array<i32>} : memref<400x64xf32, #tpu.memory_space<vmem>>, vector<16xf32>,
      %mul3A_238 = arith.mulf %get3A_234, %get3A_237 : vector<16xf32>
      %add3A_239 = arith.addf %mul3A_231, %mul3A_238 : vector<16xf32>
      %get3A_240 = arith.index_cast %add3A_224 : i32 to index
      %get3A_241 = arith.constant 32 : index
      %get3A_242 = tpu.vector_load %arg10[%get3A_240, %get3A_241] {strides = array<i32>} : memref<400x64xf32, #tpu.memory_space<vmem>>, vector<16xf32>,
      %get3A_243 = arith.index_cast %add3A_224 : i32 to index
      %get3A_244 = arith.constant 32 : index
      %get3A_245 = tpu.vector_load %arg12[%get3A_243, %get3A_244] {strides = array<i32>} : memref<400x64xf32, #tpu.memory_space<vmem>>, vector<16xf32>,
      %mul3A_246 = arith.mulf %get3A_242, %get3A_245 : vector<16xf32>
      %add3A_247 = arith.addf %add3A_239, %mul3A_246 : vector<16xf32>
      %get3A_248 = arith.index_cast %add3A_224 : i32 to index
      %get3A_249 = arith.constant 48 : index
      %get3A_250 = tpu.vector_load %arg10[%get3A_248, %get3A_249] {strides = array<i32>} : memref<400x64xf32, #tpu.memory_space<vmem>>, vector<16xf32>,
      %get3A_251 = arith.index_cast %add3A_224 : i32 to index
      %get3A_252 = arith.constant 48 : index
      %get3A_253 = tpu.vector_load %arg12[%get3A_251, %get3A_252] {strides = array<i32>} : memref<400x64xf32, #tpu.memory_space<vmem>>, vector<16xf32>,
      %mul3A_254 = arith.mulf %get3A_250, %get3A_253 : vector<16xf32>
      %add3A_255 = arith.addf %add3A_247, %mul3A_254 : vector<16xf32>
      %reduce_sum3A_256 = arith.constant true
      %reduce_sum3A_257 = vector.broadcast %reduce_sum3A_256 : i1 to vector<16xi1>
      %reduce_sum3A_258 = tpu.scan <sum>, %add3A_255 masked %reduce_sum3A_257 : vector<16xf32>, vector<16xi1> -> vector<16xf32>
      %reduce_sum3A_259 = vector.extract %reduce_sum3A_258[15] : f32 from vector<16xf32>
      %broadcast_in_dim3A_260 = vector.broadcast %reduce_sum3A_259 : f32 to vector<16xf32>
      %select_n3A_261 = arith.select %eq3A_11, %broadcast_in_dim3A_260, %select_n3A_222 : vector<16xi1>, vector<16xf32>
      %add3A_262 = arith.constant 4 : i32
      %add3A_263 = arith.addi %mul3A_107, %add3A_262 : i32
      %get3A_264 = arith.index_cast %add3A_263 : i32 to index
      %get3A_265 = arith.constant 0 : index
      %get3A_266 = tpu.vector_load %arg10[%get3A_264, %get3A_265] {strides = array<i32>} : memref<400x64xf32, #tpu.memory_space<vmem>>, vector<16xf32>,
      %get3A_267 = arith.index_cast %add3A_263 : i32 to index
      %get3A_268 = arith.constant 0 : index
      %get3A_269 = tpu.vector_load %arg12[%get3A_267, %get3A_268] {strides = array<i32>} : memref<400x64xf32, #tpu.memory_space<vmem>>, vector<16xf32>,
      %mul3A_270 = arith.mulf %get3A_266, %get3A_269 : vector<16xf32>
      %get3A_271 = arith.index_cast %add3A_263 : i32 to index
      %get3A_272 = arith.constant 16 : index
      %get3A_273 = tpu.vector_load %arg10[%get3A_271, %get3A_272] {strides = array<i32>} : memref<400x64xf32, #tpu.memory_space<vmem>>, vector<16xf32>,
      %get3A_274 = arith.index_cast %add3A_263 : i32 to index
      %get3A_275 = arith.constant 16 : index
      %get3A_276 = tpu.vector_load %arg12[%get3A_274, %get3A_275] {strides = array<i32>} : memref<400x64xf32, #tpu.memory_space<vmem>>, vector<16xf32>,
      %mul3A_277 = arith.mulf %get3A_273, %get3A_276 : vector<16xf32>
      %add3A_278 = arith.addf %mul3A_270, %mul3A_277 : vector<16xf32>
      %get3A_279 = arith.index_cast %add3A_263 : i32 to index
      %get3A_280 = arith.constant 32 : index
      %get3A_281 = tpu.vector_load %arg10[%get3A_279, %get3A_280] {strides = array<i32>} : memref<400x64xf32, #tpu.memory_space<vmem>>, vector<16xf32>,
      %get3A_282 = arith.index_cast %add3A_263 : i32 to index
      %get3A_283 = arith.constant 32 : index
      %get3A_284 = tpu.vector_load %arg12[%get3A_282, %get3A_283] {strides = array<i32>} : memref<400x64xf32, #tpu.memory_space<vmem>>, vector<16xf32>,
      %mul3A_285 = arith.mulf %get3A_281, %get3A_284 : vector<16xf32>
      %add3A_286 = arith.addf %add3A_278, %mul3A_285 : vector<16xf32>
      %get3A_287 = arith.index_cast %add3A_263 : i32 to index
      %get3A_288 = arith.constant 48 : index
      %get3A_289 = tpu.vector_load %arg10[%get3A_287, %get3A_288] {strides = array<i32>} : memref<400x64xf32, #tpu.memory_space<vmem>>, vector<16xf32>,
      %get3A_290 = arith.index_cast %add3A_263 : i32 to index
      %get3A_291 = arith.constant 48 : index
      %get3A_292 = tpu.vector_load %arg12[%get3A_290, %get3A_291] {strides = array<i32>} : memref<400x64xf32, #tpu.memory_space<vmem>>, vector<16xf32>,
      %mul3A_293 = arith.mulf %get3A_289, %get3A_292 : vector<16xf32>
      %add3A_294 = arith.addf %add3A_286, %mul3A_293 : vector<16xf32>
      %reduce_sum3A_295 = arith.constant true
      %reduce_sum3A_296 = vector.broadcast %reduce_sum3A_295 : i1 to vector<16xi1>
      %reduce_sum3A_297 = tpu.scan <sum>, %add3A_294 masked %reduce_sum3A_296 : vector<16xf32>, vector<16xi1> -> vector<16xf32>
      %reduce_sum3A_298 = vector.extract %reduce_sum3A_297[15] : f32 from vector<16xf32>
      %broadcast_in_dim3A_299 = vector.broadcast %reduce_sum3A_298 : f32 to vector<16xf32>
      %select_n3A_300 = arith.select %eq3A_14, %broadcast_in_dim3A_299, %select_n3A_261 : vector<16xi1>, vector<16xf32>
      %add3A_301 = arith.constant 5 : i32
      %add3A_302 = arith.addi %mul3A_107, %add3A_301 : i32
      %get3A_303 = arith.index_cast %add3A_302 : i32 to index
      %get3A_304 = arith.constant 0 : index
      %get3A_305 = tpu.vector_load %arg10[%get3A_303, %get3A_304] {strides = array<i32>} : memref<400x64xf32, #tpu.memory_space<vmem>>, vector<16xf32>,
      %get3A_306 = arith.index_cast %add3A_302 : i32 to index
      %get3A_307 = arith.constant 0 : index
      %get3A_308 = tpu.vector_load %arg12[%get3A_306, %get3A_307] {strides = array<i32>} : memref<400x64xf32, #tpu.memory_space<vmem>>, vector<16xf32>,
      %mul3A_309 = arith.mulf %get3A_305, %get3A_308 : vector<16xf32>
      %get3A_310 = arith.index_cast %add3A_302 : i32 to index
      %get3A_311 = arith.constant 16 : index
      %get3A_312 = tpu.vector_load %arg10[%get3A_310, %get3A_311] {strides = array<i32>} : memref<400x64xf32, #tpu.memory_space<vmem>>, vector<16xf32>,
      %get3A_313 = arith.index_cast %add3A_302 : i32 to index
      %get3A_314 = arith.constant 16 : index
      %get3A_315 = tpu.vector_load %arg12[%get3A_313, %get3A_314] {strides = array<i32>} : memref<400x64xf32, #tpu.memory_space<vmem>>, vector<16xf32>,
      %mul3A_316 = arith.mulf %get3A_312, %get3A_315 : vector<16xf32>
      %add3A_317 = arith.addf %mul3A_309, %mul3A_316 : vector<16xf32>
      %get3A_318 = arith.index_cast %add3A_302 : i32 to index
      %get3A_319 = arith.constant 32 : index
      %get3A_320 = tpu.vector_load %arg10[%get3A_318, %get3A_319] {strides = array<i32>} : memref<400x64xf32, #tpu.memory_space<vmem>>, vector<16xf32>,
      %get3A_321 = arith.index_cast %add3A_302 : i32 to index
      %get3A_322 = arith.constant 32 : index
      %get3A_323 = tpu.vector_load %arg12[%get3A_321, %get3A_322] {strides = array<i32>} : memref<400x64xf32, #tpu.memory_space<vmem>>, vector<16xf32>,
      %mul3A_324 = arith.mulf %get3A_320, %get3A_323 : vector<16xf32>
      %add3A_325 = arith.addf %add3A_317, %mul3A_324 : vector<16xf32>
      %get3A_326 = arith.index_cast %add3A_302 : i32 to index
      %get3A_327 = arith.constant 48 : index
      %get3A_328 = tpu.vector_load %arg10[%get3A_326, %get3A_327] {strides = array<i32>} : memref<400x64xf32, #tpu.memory_space<vmem>>, vector<16xf32>,
      %get3A_329 = arith.index_cast %add3A_302 : i32 to index
      %get3A_330 = arith.constant 48 : index
      %get3A_331 = tpu.vector_load %arg12[%get3A_329, %get3A_330] {strides = array<i32>} : memref<400x64xf32, #tpu.memory_space<vmem>>, vector<16xf32>,
      %mul3A_332 = arith.mulf %get3A_328, %get3A_331 : vector<16xf32>
      %add3A_333 = arith.addf %add3A_325, %mul3A_332 : vector<16xf32>
      %reduce_sum3A_334 = arith.constant true
      %reduce_sum3A_335 = vector.broadcast %reduce_sum3A_334 : i1 to vector<16xi1>
      %reduce_sum3A_336 = tpu.scan <sum>, %add3A_333 masked %reduce_sum3A_335 : vector<16xf32>, vector<16xi1> -> vector<16xf32>
      %reduce_sum3A_337 = vector.extract %reduce_sum3A_336[15] : f32 from vector<16xf32>
      %broadcast_in_dim3A_338 = vector.broadcast %reduce_sum3A_337 : f32 to vector<16xf32>
      %select_n3A_339 = arith.select %eq3A_17, %broadcast_in_dim3A_338, %select_n3A_300 : vector<16xi1>, vector<16xf32>
      %add3A_340 = arith.constant 6 : i32
      %add3A_341 = arith.addi %mul3A_107, %add3A_340 : i32
      %get3A_342 = arith.index_cast %add3A_341 : i32 to index
      %get3A_343 = arith.constant 0 : index
      %get3A_344 = tpu.vector_load %arg10[%get3A_342, %get3A_343] {strides = array<i32>} : memref<400x64xf32, #tpu.memory_space<vmem>>, vector<16xf32>,
      %get3A_345 = arith.index_cast %add3A_341 : i32 to index
      %get3A_346 = arith.constant 0 : index
      %get3A_347 = tpu.vector_load %arg12[%get3A_345, %get3A_346] {strides = array<i32>} : memref<400x64xf32, #tpu.memory_space<vmem>>, vector<16xf32>,
      %mul3A_348 = arith.mulf %get3A_344, %get3A_347 : vector<16xf32>
      %get3A_349 = arith.index_cast %add3A_341 : i32 to index
      %get3A_350 = arith.constant 16 : index
      %get3A_351 = tpu.vector_load %arg10[%get3A_349, %get3A_350] {strides = array<i32>} : memref<400x64xf32, #tpu.memory_space<vmem>>, vector<16xf32>,
      %get3A_352 = arith.index_cast %add3A_341 : i32 to index
      %get3A_353 = arith.constant 16 : index
      %get3A_354 = tpu.vector_load %arg12[%get3A_352, %get3A_353] {strides = array<i32>} : memref<400x64xf32, #tpu.memory_space<vmem>>, vector<16xf32>,
      %mul3A_355 = arith.mulf %get3A_351, %get3A_354 : vector<16xf32>
      %add3A_356 = arith.addf %mul3A_348, %mul3A_355 : vector<16xf32>
      %get3A_357 = arith.index_cast %add3A_341 : i32 to index
      %get3A_358 = arith.constant 32 : index
      %get3A_359 = tpu.vector_load %arg10[%get3A_357, %get3A_358] {strides = array<i32>} : memref<400x64xf32, #tpu.memory_space<vmem>>, vector<16xf32>,
      %get3A_360 = arith.index_cast %add3A_341 : i32 to index
      %get3A_361 = arith.constant 32 : index
      %get3A_362 = tpu.vector_load %arg12[%get3A_360, %get3A_361] {strides = array<i32>} : memref<400x64xf32, #tpu.memory_space<vmem>>, vector<16xf32>,
      %mul3A_363 = arith.mulf %get3A_359, %get3A_362 : vector<16xf32>
      %add3A_364 = arith.addf %add3A_356, %mul3A_363 : vector<16xf32>
      %get3A_365 = arith.index_cast %add3A_341 : i32 to index
      %get3A_366 = arith.constant 48 : index
      %get3A_367 = tpu.vector_load %arg10[%get3A_365, %get3A_366] {strides = array<i32>} : memref<400x64xf32, #tpu.memory_space<vmem>>, vector<16xf32>,
      %get3A_368 = arith.index_cast %add3A_341 : i32 to index
      %get3A_369 = arith.constant 48 : index
      %get3A_370 = tpu.vector_load %arg12[%get3A_368, %get3A_369] {strides = array<i32>} : memref<400x64xf32, #tpu.memory_space<vmem>>, vector<16xf32>,
      %mul3A_371 = arith.mulf %get3A_367, %get3A_370 : vector<16xf32>
      %add3A_372 = arith.addf %add3A_364, %mul3A_371 : vector<16xf32>
      %reduce_sum3A_373 = arith.constant true
      %reduce_sum3A_374 = vector.broadcast %reduce_sum3A_373 : i1 to vector<16xi1>
      %reduce_sum3A_375 = tpu.scan <sum>, %add3A_372 masked %reduce_sum3A_374 : vector<16xf32>, vector<16xi1> -> vector<16xf32>
      %reduce_sum3A_376 = vector.extract %reduce_sum3A_375[15] : f32 from vector<16xf32>
      %broadcast_in_dim3A_377 = vector.broadcast %reduce_sum3A_376 : f32 to vector<16xf32>
      %select_n3A_378 = arith.select %eq3A_20, %broadcast_in_dim3A_377, %select_n3A_339 : vector<16xi1>, vector<16xf32>
      %add3A_379 = arith.constant 7 : i32
      %add3A_380 = arith.addi %mul3A_107, %add3A_379 : i32
      %get3A_381 = arith.index_cast %add3A_380 : i32 to index
      %get3A_382 = arith.constant 0 : index
      %get3A_383 = tpu.vector_load %arg10[%get3A_381, %get3A_382] {strides = array<i32>} : memref<400x64xf32, #tpu.memory_space<vmem>>, vector<16xf32>,
      %get3A_384 = arith.index_cast %add3A_380 : i32 to index
      %get3A_385 = arith.constant 0 : index
      %get3A_386 = tpu.vector_load %arg12[%get3A_384, %get3A_385] {strides = array<i32>} : memref<400x64xf32, #tpu.memory_space<vmem>>, vector<16xf32>,
      %mul3A_387 = arith.mulf %get3A_383, %get3A_386 : vector<16xf32>
      %get3A_388 = arith.index_cast %add3A_380 : i32 to index
      %get3A_389 = arith.constant 16 : index
      %get3A_390 = tpu.vector_load %arg10[%get3A_388, %get3A_389] {strides = array<i32>} : memref<400x64xf32, #tpu.memory_space<vmem>>, vector<16xf32>,
      %get3A_391 = arith.index_cast %add3A_380 : i32 to index
      %get3A_392 = arith.constant 16 : index
      %get3A_393 = tpu.vector_load %arg12[%get3A_391, %get3A_392] {strides = array<i32>} : memref<400x64xf32, #tpu.memory_space<vmem>>, vector<16xf32>,
      %mul3A_394 = arith.mulf %get3A_390, %get3A_393 : vector<16xf32>
      %add3A_395 = arith.addf %mul3A_387, %mul3A_394 : vector<16xf32>
      %get3A_396 = arith.index_cast %add3A_380 : i32 to index
      %get3A_397 = arith.constant 32 : index
      %get3A_398 = tpu.vector_load %arg10[%get3A_396, %get3A_397] {strides = array<i32>} : memref<400x64xf32, #tpu.memory_space<vmem>>, vector<16xf32>,
      %get3A_399 = arith.index_cast %add3A_380 : i32 to index
      %get3A_400 = arith.constant 32 : index
      %get3A_401 = tpu.vector_load %arg12[%get3A_399, %get3A_400] {strides = array<i32>} : memref<400x64xf32, #tpu.memory_space<vmem>>, vector<16xf32>,
      %mul3A_402 = arith.mulf %get3A_398, %get3A_401 : vector<16xf32>
      %add3A_403 = arith.addf %add3A_395, %mul3A_402 : vector<16xf32>
      %get3A_404 = arith.index_cast %add3A_380 : i32 to index
      %get3A_405 = arith.constant 48 : index
      %get3A_406 = tpu.vector_load %arg10[%get3A_404, %get3A_405] {strides = array<i32>} : memref<400x64xf32, #tpu.memory_space<vmem>>, vector<16xf32>,
      %get3A_407 = arith.index_cast %add3A_380 : i32 to index
      %get3A_408 = arith.constant 48 : index
      %get3A_409 = tpu.vector_load %arg12[%get3A_407, %get3A_408] {strides = array<i32>} : memref<400x64xf32, #tpu.memory_space<vmem>>, vector<16xf32>,
      %mul3A_410 = arith.mulf %get3A_406, %get3A_409 : vector<16xf32>
      %add3A_411 = arith.addf %add3A_403, %mul3A_410 : vector<16xf32>
      %reduce_sum3A_412 = arith.constant true
      %reduce_sum3A_413 = vector.broadcast %reduce_sum3A_412 : i1 to vector<16xi1>
      %reduce_sum3A_414 = tpu.scan <sum>, %add3A_411 masked %reduce_sum3A_413 : vector<16xf32>, vector<16xi1> -> vector<16xf32>
      %reduce_sum3A_415 = vector.extract %reduce_sum3A_414[15] : f32 from vector<16xf32>
      %broadcast_in_dim3A_416 = vector.broadcast %reduce_sum3A_415 : f32 to vector<16xf32>
      %select_n3A_417 = arith.select %eq3A_23, %broadcast_in_dim3A_416, %select_n3A_378 : vector<16xi1>, vector<16xf32>
      %add3A_418 = arith.constant 8 : i32
      %add3A_419 = arith.addi %mul3A_107, %add3A_418 : i32
      %get3A_420 = arith.index_cast %add3A_419 : i32 to index
      %get3A_421 = arith.constant 0 : index
      %get3A_422 = tpu.vector_load %arg10[%get3A_420, %get3A_421] {strides = array<i32>} : memref<400x64xf32, #tpu.memory_space<vmem>>, vector<16xf32>,
      %get3A_423 = arith.index_cast %add3A_419 : i32 to index
      %get3A_424 = arith.constant 0 : index
      %get3A_425 = tpu.vector_load %arg12[%get3A_423, %get3A_424] {strides = array<i32>} : memref<400x64xf32, #tpu.memory_space<vmem>>, vector<16xf32>,
      %mul3A_426 = arith.mulf %get3A_422, %get3A_425 : vector<16xf32>
      %get3A_427 = arith.index_cast %add3A_419 : i32 to index
      %get3A_428 = arith.constant 16 : index
      %get3A_429 = tpu.vector_load %arg10[%get3A_427, %get3A_428] {strides = array<i32>} : memref<400x64xf32, #tpu.memory_space<vmem>>, vector<16xf32>,
      %get3A_430 = arith.index_cast %add3A_419 : i32 to index
      %get3A_431 = arith.constant 16 : index
      %get3A_432 = tpu.vector_load %arg12[%get3A_430, %get3A_431] {strides = array<i32>} : memref<400x64xf32, #tpu.memory_space<vmem>>, vector<16xf32>,
      %mul3A_433 = arith.mulf %get3A_429, %get3A_432 : vector<16xf32>
      %add3A_434 = arith.addf %mul3A_426, %mul3A_433 : vector<16xf32>
      %get3A_435 = arith.index_cast %add3A_419 : i32 to index
      %get3A_436 = arith.constant 32 : index
      %get3A_437 = tpu.vector_load %arg10[%get3A_435, %get3A_436] {strides = array<i32>} : memref<400x64xf32, #tpu.memory_space<vmem>>, vector<16xf32>,
      %get3A_438 = arith.index_cast %add3A_419 : i32 to index
      %get3A_439 = arith.constant 32 : index
      %get3A_440 = tpu.vector_load %arg12[%get3A_438, %get3A_439] {strides = array<i32>} : memref<400x64xf32, #tpu.memory_space<vmem>>, vector<16xf32>,
      %mul3A_441 = arith.mulf %get3A_437, %get3A_440 : vector<16xf32>
      %add3A_442 = arith.addf %add3A_434, %mul3A_441 : vector<16xf32>
      %get3A_443 = arith.index_cast %add3A_419 : i32 to index
      %get3A_444 = arith.constant 48 : index
      %get3A_445 = tpu.vector_load %arg10[%get3A_443, %get3A_444] {strides = array<i32>} : memref<400x64xf32, #tpu.memory_space<vmem>>, vector<16xf32>,
      %get3A_446 = arith.index_cast %add3A_419 : i32 to index
      %get3A_447 = arith.constant 48 : index
      %get3A_448 = tpu.vector_load %arg12[%get3A_446, %get3A_447] {strides = array<i32>} : memref<400x64xf32, #tpu.memory_space<vmem>>, vector<16xf32>,
      %mul3A_449 = arith.mulf %get3A_445, %get3A_448 : vector<16xf32>
      %add3A_450 = arith.addf %add3A_442, %mul3A_449 : vector<16xf32>
      %reduce_sum3A_451 = arith.constant true
      %reduce_sum3A_452 = vector.broadcast %reduce_sum3A_451 : i1 to vector<16xi1>
      %reduce_sum3A_453 = tpu.scan <sum>, %add3A_450 masked %reduce_sum3A_452 : vector<16xf32>, vector<16xi1> -> vector<16xf32>
      %reduce_sum3A_454 = vector.extract %reduce_sum3A_453[15] : f32 from vector<16xf32>
      %broadcast_in_dim3A_455 = vector.broadcast %reduce_sum3A_454 : f32 to vector<16xf32>
      %select_n3A_456 = arith.select %eq3A_26, %broadcast_in_dim3A_455, %select_n3A_417 : vector<16xi1>, vector<16xf32>
      %add3A_457 = arith.constant 9 : i32
      %add3A_458 = arith.addi %mul3A_107, %add3A_457 : i32
      %get3A_459 = arith.index_cast %add3A_458 : i32 to index
      %get3A_460 = arith.constant 0 : index
      %get3A_461 = tpu.vector_load %arg10[%get3A_459, %get3A_460] {strides = array<i32>} : memref<400x64xf32, #tpu.memory_space<vmem>>, vector<16xf32>,
      %get3A_462 = arith.index_cast %add3A_458 : i32 to index
      %get3A_463 = arith.constant 0 : index
      %get3A_464 = tpu.vector_load %arg12[%get3A_462, %get3A_463] {strides = array<i32>} : memref<400x64xf32, #tpu.memory_space<vmem>>, vector<16xf32>,
      %mul3A_465 = arith.mulf %get3A_461, %get3A_464 : vector<16xf32>
      %get3A_466 = arith.index_cast %add3A_458 : i32 to index
      %get3A_467 = arith.constant 16 : index
      %get3A_468 = tpu.vector_load %arg10[%get3A_466, %get3A_467] {strides = array<i32>} : memref<400x64xf32, #tpu.memory_space<vmem>>, vector<16xf32>,
      %get3A_469 = arith.index_cast %add3A_458 : i32 to index
      %get3A_470 = arith.constant 16 : index
      %get3A_471 = tpu.vector_load %arg12[%get3A_469, %get3A_470] {strides = array<i32>} : memref<400x64xf32, #tpu.memory_space<vmem>>, vector<16xf32>,
      %mul3A_472 = arith.mulf %get3A_468, %get3A_471 : vector<16xf32>
      %add3A_473 = arith.addf %mul3A_465, %mul3A_472 : vector<16xf32>
      %get3A_474 = arith.index_cast %add3A_458 : i32 to index
      %get3A_475 = arith.constant 32 : index
      %get3A_476 = tpu.vector_load %arg10[%get3A_474, %get3A_475] {strides = array<i32>} : memref<400x64xf32, #tpu.memory_space<vmem>>, vector<16xf32>,
      %get3A_477 = arith.index_cast %add3A_458 : i32 to index
      %get3A_478 = arith.constant 32 : index
      %get3A_479 = tpu.vector_load %arg12[%get3A_477, %get3A_478] {strides = array<i32>} : memref<400x64xf32, #tpu.memory_space<vmem>>, vector<16xf32>,
      %mul3A_480 = arith.mulf %get3A_476, %get3A_479 : vector<16xf32>
      %add3A_481 = arith.addf %add3A_473, %mul3A_480 : vector<16xf32>
      %get3A_482 = arith.index_cast %add3A_458 : i32 to index
      %get3A_483 = arith.constant 48 : index
      %get3A_484 = tpu.vector_load %arg10[%get3A_482, %get3A_483] {strides = array<i32>} : memref<400x64xf32, #tpu.memory_space<vmem>>, vector<16xf32>,
      %get3A_485 = arith.index_cast %add3A_458 : i32 to index
      %get3A_486 = arith.constant 48 : index
      %get3A_487 = tpu.vector_load %arg12[%get3A_485, %get3A_486] {strides = array<i32>} : memref<400x64xf32, #tpu.memory_space<vmem>>, vector<16xf32>,
      %mul3A_488 = arith.mulf %get3A_484, %get3A_487 : vector<16xf32>
      %add3A_489 = arith.addf %add3A_481, %mul3A_488 : vector<16xf32>
      %reduce_sum3A_490 = arith.constant true
      %reduce_sum3A_491 = vector.broadcast %reduce_sum3A_490 : i1 to vector<16xi1>
      %reduce_sum3A_492 = tpu.scan <sum>, %add3A_489 masked %reduce_sum3A_491 : vector<16xf32>, vector<16xi1> -> vector<16xf32>
      %reduce_sum3A_493 = vector.extract %reduce_sum3A_492[15] : f32 from vector<16xf32>
      %broadcast_in_dim3A_494 = vector.broadcast %reduce_sum3A_493 : f32 to vector<16xf32>
      %select_n3A_495 = arith.select %eq3A_29, %broadcast_in_dim3A_494, %select_n3A_456 : vector<16xi1>, vector<16xf32>
      %add3A_496 = arith.constant 10 : i32
      %add3A_497 = arith.addi %mul3A_107, %add3A_496 : i32
      %get3A_498 = arith.index_cast %add3A_497 : i32 to index
      %get3A_499 = arith.constant 0 : index
      %get3A_500 = tpu.vector_load %arg10[%get3A_498, %get3A_499] {strides = array<i32>} : memref<400x64xf32, #tpu.memory_space<vmem>>, vector<16xf32>,
      %get3A_501 = arith.index_cast %add3A_497 : i32 to index
      %get3A_502 = arith.constant 0 : index
      %get3A_503 = tpu.vector_load %arg12[%get3A_501, %get3A_502] {strides = array<i32>} : memref<400x64xf32, #tpu.memory_space<vmem>>, vector<16xf32>,
      %mul3A_504 = arith.mulf %get3A_500, %get3A_503 : vector<16xf32>
      %get3A_505 = arith.index_cast %add3A_497 : i32 to index
      %get3A_506 = arith.constant 16 : index
      %get3A_507 = tpu.vector_load %arg10[%get3A_505, %get3A_506] {strides = array<i32>} : memref<400x64xf32, #tpu.memory_space<vmem>>, vector<16xf32>,
      %get3A_508 = arith.index_cast %add3A_497 : i32 to index
      %get3A_509 = arith.constant 16 : index
      %get3A_510 = tpu.vector_load %arg12[%get3A_508, %get3A_509] {strides = array<i32>} : memref<400x64xf32, #tpu.memory_space<vmem>>, vector<16xf32>,
      %mul3A_511 = arith.mulf %get3A_507, %get3A_510 : vector<16xf32>
      %add3A_512 = arith.addf %mul3A_504, %mul3A_511 : vector<16xf32>
      %get3A_513 = arith.index_cast %add3A_497 : i32 to index
      %get3A_514 = arith.constant 32 : index
      %get3A_515 = tpu.vector_load %arg10[%get3A_513, %get3A_514] {strides = array<i32>} : memref<400x64xf32, #tpu.memory_space<vmem>>, vector<16xf32>,
      %get3A_516 = arith.index_cast %add3A_497 : i32 to index
      %get3A_517 = arith.constant 32 : index
      %get3A_518 = tpu.vector_load %arg12[%get3A_516, %get3A_517] {strides = array<i32>} : memref<400x64xf32, #tpu.memory_space<vmem>>, vector<16xf32>,
      %mul3A_519 = arith.mulf %get3A_515, %get3A_518 : vector<16xf32>
      %add3A_520 = arith.addf %add3A_512, %mul3A_519 : vector<16xf32>
      %get3A_521 = arith.index_cast %add3A_497 : i32 to index
      %get3A_522 = arith.constant 48 : index
      %get3A_523 = tpu.vector_load %arg10[%get3A_521, %get3A_522] {strides = array<i32>} : memref<400x64xf32, #tpu.memory_space<vmem>>, vector<16xf32>,
      %get3A_524 = arith.index_cast %add3A_497 : i32 to index
      %get3A_525 = arith.constant 48 : index
      %get3A_526 = tpu.vector_load %arg12[%get3A_524, %get3A_525] {strides = array<i32>} : memref<400x64xf32, #tpu.memory_space<vmem>>, vector<16xf32>,
      %mul3A_527 = arith.mulf %get3A_523, %get3A_526 : vector<16xf32>
      %add3A_528 = arith.addf %add3A_520, %mul3A_527 : vector<16xf32>
      %reduce_sum3A_529 = arith.constant true
      %reduce_sum3A_530 = vector.broadcast %reduce_sum3A_529 : i1 to vector<16xi1>
      %reduce_sum3A_531 = tpu.scan <sum>, %add3A_528 masked %reduce_sum3A_530 : vector<16xf32>, vector<16xi1> -> vector<16xf32>
      %reduce_sum3A_532 = vector.extract %reduce_sum3A_531[15] : f32 from vector<16xf32>
      %broadcast_in_dim3A_533 = vector.broadcast %reduce_sum3A_532 : f32 to vector<16xf32>
      %select_n3A_534 = arith.select %eq3A_32, %broadcast_in_dim3A_533, %select_n3A_495 : vector<16xi1>, vector<16xf32>
      %add3A_535 = arith.constant 11 : i32
      %add3A_536 = arith.addi %mul3A_107, %add3A_535 : i32
      %get3A_537 = arith.index_cast %add3A_536 : i32 to index
      %get3A_538 = arith.constant 0 : index
      %get3A_539 = tpu.vector_load %arg10[%get3A_537, %get3A_538] {strides = array<i32>} : memref<400x64xf32, #tpu.memory_space<vmem>>, vector<16xf32>,
      %get3A_540 = arith.index_cast %add3A_536 : i32 to index
      %get3A_541 = arith.constant 0 : index
      %get3A_542 = tpu.vector_load %arg12[%get3A_540, %get3A_541] {strides = array<i32>} : memref<400x64xf32, #tpu.memory_space<vmem>>, vector<16xf32>,
      %mul3A_543 = arith.mulf %get3A_539, %get3A_542 : vector<16xf32>
      %get3A_544 = arith.index_cast %add3A_536 : i32 to index
      %get3A_545 = arith.constant 16 : index
      %get3A_546 = tpu.vector_load %arg10[%get3A_544, %get3A_545] {strides = array<i32>} : memref<400x64xf32, #tpu.memory_space<vmem>>, vector<16xf32>,
      %get3A_547 = arith.index_cast %add3A_536 : i32 to index
      %get3A_548 = arith.constant 16 : index
      %get3A_549 = tpu.vector_load %arg12[%get3A_547, %get3A_548] {strides = array<i32>} : memref<400x64xf32, #tpu.memory_space<vmem>>, vector<16xf32>,
      %mul3A_550 = arith.mulf %get3A_546, %get3A_549 : vector<16xf32>
      %add3A_551 = arith.addf %mul3A_543, %mul3A_550 : vector<16xf32>
      %get3A_552 = arith.index_cast %add3A_536 : i32 to index
      %get3A_553 = arith.constant 32 : index
      %get3A_554 = tpu.vector_load %arg10[%get3A_552, %get3A_553] {strides = array<i32>} : memref<400x64xf32, #tpu.memory_space<vmem>>, vector<16xf32>,
      %get3A_555 = arith.index_cast %add3A_536 : i32 to index
      %get3A_556 = arith.constant 32 : index
      %get3A_557 = tpu.vector_load %arg12[%get3A_555, %get3A_556] {strides = array<i32>} : memref<400x64xf32, #tpu.memory_space<vmem>>, vector<16xf32>,
      %mul3A_558 = arith.mulf %get3A_554, %get3A_557 : vector<16xf32>
      %add3A_559 = arith.addf %add3A_551, %mul3A_558 : vector<16xf32>
      %get3A_560 = arith.index_cast %add3A_536 : i32 to index
      %get3A_561 = arith.constant 48 : index
      %get3A_562 = tpu.vector_load %arg10[%get3A_560, %get3A_561] {strides = array<i32>} : memref<400x64xf32, #tpu.memory_space<vmem>>, vector<16xf32>,
      %get3A_563 = arith.index_cast %add3A_536 : i32 to index
      %get3A_564 = arith.constant 48 : index
      %get3A_565 = tpu.vector_load %arg12[%get3A_563, %get3A_564] {strides = array<i32>} : memref<400x64xf32, #tpu.memory_space<vmem>>, vector<16xf32>,
      %mul3A_566 = arith.mulf %get3A_562, %get3A_565 : vector<16xf32>
      %add3A_567 = arith.addf %add3A_559, %mul3A_566 : vector<16xf32>
      %reduce_sum3A_568 = arith.constant true
      %reduce_sum3A_569 = vector.broadcast %reduce_sum3A_568 : i1 to vector<16xi1>
      %reduce_sum3A_570 = tpu.scan <sum>, %add3A_567 masked %reduce_sum3A_569 : vector<16xf32>, vector<16xi1> -> vector<16xf32>
      %reduce_sum3A_571 = vector.extract %reduce_sum3A_570[15] : f32 from vector<16xf32>
      %broadcast_in_dim3A_572 = vector.broadcast %reduce_sum3A_571 : f32 to vector<16xf32>
      %select_n3A_573 = arith.select %eq3A_35, %broadcast_in_dim3A_572, %select_n3A_534 : vector<16xi1>, vector<16xf32>
      %add3A_574 = arith.constant 12 : i32
      %add3A_575 = arith.addi %mul3A_107, %add3A_574 : i32
      %get3A_576 = arith.index_cast %add3A_575 : i32 to index
      %get3A_577 = arith.constant 0 : index
      %get3A_578 = tpu.vector_load %arg10[%get3A_576, %get3A_577] {strides = array<i32>} : memref<400x64xf32, #tpu.memory_space<vmem>>, vector<16xf32>,
      %get3A_579 = arith.index_cast %add3A_575 : i32 to index
      %get3A_580 = arith.constant 0 : index
      %get3A_581 = tpu.vector_load %arg12[%get3A_579, %get3A_580] {strides = array<i32>} : memref<400x64xf32, #tpu.memory_space<vmem>>, vector<16xf32>,
      %mul3A_582 = arith.mulf %get3A_578, %get3A_581 : vector<16xf32>
      %get3A_583 = arith.index_cast %add3A_575 : i32 to index
      %get3A_584 = arith.constant 16 : index
      %get3A_585 = tpu.vector_load %arg10[%get3A_583, %get3A_584] {strides = array<i32>} : memref<400x64xf32, #tpu.memory_space<vmem>>, vector<16xf32>,
      %get3A_586 = arith.index_cast %add3A_575 : i32 to index
      %get3A_587 = arith.constant 16 : index
      %get3A_588 = tpu.vector_load %arg12[%get3A_586, %get3A_587] {strides = array<i32>} : memref<400x64xf32, #tpu.memory_space<vmem>>, vector<16xf32>,
      %mul3A_589 = arith.mulf %get3A_585, %get3A_588 : vector<16xf32>
      %add3A_590 = arith.addf %mul3A_582, %mul3A_589 : vector<16xf32>
      %get3A_591 = arith.index_cast %add3A_575 : i32 to index
      %get3A_592 = arith.constant 32 : index
      %get3A_593 = tpu.vector_load %arg10[%get3A_591, %get3A_592] {strides = array<i32>} : memref<400x64xf32, #tpu.memory_space<vmem>>, vector<16xf32>,
      %get3A_594 = arith.index_cast %add3A_575 : i32 to index
      %get3A_595 = arith.constant 32 : index
      %get3A_596 = tpu.vector_load %arg12[%get3A_594, %get3A_595] {strides = array<i32>} : memref<400x64xf32, #tpu.memory_space<vmem>>, vector<16xf32>,
      %mul3A_597 = arith.mulf %get3A_593, %get3A_596 : vector<16xf32>
      %add3A_598 = arith.addf %add3A_590, %mul3A_597 : vector<16xf32>
      %get3A_599 = arith.index_cast %add3A_575 : i32 to index
      %get3A_600 = arith.constant 48 : index
      %get3A_601 = tpu.vector_load %arg10[%get3A_599, %get3A_600] {strides = array<i32>} : memref<400x64xf32, #tpu.memory_space<vmem>>, vector<16xf32>,
      %get3A_602 = arith.index_cast %add3A_575 : i32 to index
      %get3A_603 = arith.constant 48 : index
      %get3A_604 = tpu.vector_load %arg12[%get3A_602, %get3A_603] {strides = array<i32>} : memref<400x64xf32, #tpu.memory_space<vmem>>, vector<16xf32>,
      %mul3A_605 = arith.mulf %get3A_601, %get3A_604 : vector<16xf32>
      %add3A_606 = arith.addf %add3A_598, %mul3A_605 : vector<16xf32>
      %reduce_sum3A_607 = arith.constant true
      %reduce_sum3A_608 = vector.broadcast %reduce_sum3A_607 : i1 to vector<16xi1>
      %reduce_sum3A_609 = tpu.scan <sum>, %add3A_606 masked %reduce_sum3A_608 : vector<16xf32>, vector<16xi1> -> vector<16xf32>
      %reduce_sum3A_610 = vector.extract %reduce_sum3A_609[15] : f32 from vector<16xf32>
      %broadcast_in_dim3A_611 = vector.broadcast %reduce_sum3A_610 : f32 to vector<16xf32>
      %select_n3A_612 = arith.select %eq3A_38, %broadcast_in_dim3A_611, %select_n3A_573 : vector<16xi1>, vector<16xf32>
      %add3A_613 = arith.constant 13 : i32
      %add3A_614 = arith.addi %mul3A_107, %add3A_613 : i32
      %get3A_615 = arith.index_cast %add3A_614 : i32 to index
      %get3A_616 = arith.constant 0 : index
      %get3A_617 = tpu.vector_load %arg10[%get3A_615, %get3A_616] {strides = array<i32>} : memref<400x64xf32, #tpu.memory_space<vmem>>, vector<16xf32>,
      %get3A_618 = arith.index_cast %add3A_614 : i32 to index
      %get3A_619 = arith.constant 0 : index
      %get3A_620 = tpu.vector_load %arg12[%get3A_618, %get3A_619] {strides = array<i32>} : memref<400x64xf32, #tpu.memory_space<vmem>>, vector<16xf32>,
      %mul3A_621 = arith.mulf %get3A_617, %get3A_620 : vector<16xf32>
      %get3A_622 = arith.index_cast %add3A_614 : i32 to index
      %get3A_623 = arith.constant 16 : index
      %get3A_624 = tpu.vector_load %arg10[%get3A_622, %get3A_623] {strides = array<i32>} : memref<400x64xf32, #tpu.memory_space<vmem>>, vector<16xf32>,
      %get3A_625 = arith.index_cast %add3A_614 : i32 to index
      %get3A_626 = arith.constant 16 : index
      %get3A_627 = tpu.vector_load %arg12[%get3A_625, %get3A_626] {strides = array<i32>} : memref<400x64xf32, #tpu.memory_space<vmem>>, vector<16xf32>,
      %mul3A_628 = arith.mulf %get3A_624, %get3A_627 : vector<16xf32>
      %add3A_629 = arith.addf %mul3A_621, %mul3A_628 : vector<16xf32>
      %get3A_630 = arith.index_cast %add3A_614 : i32 to index
      %get3A_631 = arith.constant 32 : index
      %get3A_632 = tpu.vector_load %arg10[%get3A_630, %get3A_631] {strides = array<i32>} : memref<400x64xf32, #tpu.memory_space<vmem>>, vector<16xf32>,
      %get3A_633 = arith.index_cast %add3A_614 : i32 to index
      %get3A_634 = arith.constant 32 : index
      %get3A_635 = tpu.vector_load %arg12[%get3A_633, %get3A_634] {strides = array<i32>} : memref<400x64xf32, #tpu.memory_space<vmem>>, vector<16xf32>,
      %mul3A_636 = arith.mulf %get3A_632, %get3A_635 : vector<16xf32>
      %add3A_637 = arith.addf %add3A_629, %mul3A_636 : vector<16xf32>
      %get3A_638 = arith.index_cast %add3A_614 : i32 to index
      %get3A_639 = arith.constant 48 : index
      %get3A_640 = tpu.vector_load %arg10[%get3A_638, %get3A_639] {strides = array<i32>} : memref<400x64xf32, #tpu.memory_space<vmem>>, vector<16xf32>,
      %get3A_641 = arith.index_cast %add3A_614 : i32 to index
      %get3A_642 = arith.constant 48 : index
      %get3A_643 = tpu.vector_load %arg12[%get3A_641, %get3A_642] {strides = array<i32>} : memref<400x64xf32, #tpu.memory_space<vmem>>, vector<16xf32>,
      %mul3A_644 = arith.mulf %get3A_640, %get3A_643 : vector<16xf32>
      %add3A_645 = arith.addf %add3A_637, %mul3A_644 : vector<16xf32>
      %reduce_sum3A_646 = arith.constant true
      %reduce_sum3A_647 = vector.broadcast %reduce_sum3A_646 : i1 to vector<16xi1>
      %reduce_sum3A_648 = tpu.scan <sum>, %add3A_645 masked %reduce_sum3A_647 : vector<16xf32>, vector<16xi1> -> vector<16xf32>
      %reduce_sum3A_649 = vector.extract %reduce_sum3A_648[15] : f32 from vector<16xf32>
      %broadcast_in_dim3A_650 = vector.broadcast %reduce_sum3A_649 : f32 to vector<16xf32>
      %select_n3A_651 = arith.select %eq3A_41, %broadcast_in_dim3A_650, %select_n3A_612 : vector<16xi1>, vector<16xf32>
      %add3A_652 = arith.constant 14 : i32
      %add3A_653 = arith.addi %mul3A_107, %add3A_652 : i32
      %get3A_654 = arith.index_cast %add3A_653 : i32 to index
      %get3A_655 = arith.constant 0 : index
      %get3A_656 = tpu.vector_load %arg10[%get3A_654, %get3A_655] {strides = array<i32>} : memref<400x64xf32, #tpu.memory_space<vmem>>, vector<16xf32>,
      %get3A_657 = arith.index_cast %add3A_653 : i32 to index
      %get3A_658 = arith.constant 0 : index
      %get3A_659 = tpu.vector_load %arg12[%get3A_657, %get3A_658] {strides = array<i32>} : memref<400x64xf32, #tpu.memory_space<vmem>>, vector<16xf32>,
      %mul3A_660 = arith.mulf %get3A_656, %get3A_659 : vector<16xf32>
      %get3A_661 = arith.index_cast %add3A_653 : i32 to index
      %get3A_662 = arith.constant 16 : index
      %get3A_663 = tpu.vector_load %arg10[%get3A_661, %get3A_662] {strides = array<i32>} : memref<400x64xf32, #tpu.memory_space<vmem>>, vector<16xf32>,
      %get3A_664 = arith.index_cast %add3A_653 : i32 to index
      %get3A_665 = arith.constant 16 : index
      %get3A_666 = tpu.vector_load %arg12[%get3A_664, %get3A_665] {strides = array<i32>} : memref<400x64xf32, #tpu.memory_space<vmem>>, vector<16xf32>,
      %mul3A_667 = arith.mulf %get3A_663, %get3A_666 : vector<16xf32>
      %add3A_668 = arith.addf %mul3A_660, %mul3A_667 : vector<16xf32>
      %get3A_669 = arith.index_cast %add3A_653 : i32 to index
      %get3A_670 = arith.constant 32 : index
      %get3A_671 = tpu.vector_load %arg10[%get3A_669, %get3A_670] {strides = array<i32>} : memref<400x64xf32, #tpu.memory_space<vmem>>, vector<16xf32>,
      %get3A_672 = arith.index_cast %add3A_653 : i32 to index
      %get3A_673 = arith.constant 32 : index
      %get3A_674 = tpu.vector_load %arg12[%get3A_672, %get3A_673] {strides = array<i32>} : memref<400x64xf32, #tpu.memory_space<vmem>>, vector<16xf32>,
      %mul3A_675 = arith.mulf %get3A_671, %get3A_674 : vector<16xf32>
      %add3A_676 = arith.addf %add3A_668, %mul3A_675 : vector<16xf32>
      %get3A_677 = arith.index_cast %add3A_653 : i32 to index
      %get3A_678 = arith.constant 48 : index
      %get3A_679 = tpu.vector_load %arg10[%get3A_677, %get3A_678] {strides = array<i32>} : memref<400x64xf32, #tpu.memory_space<vmem>>, vector<16xf32>,
      %get3A_680 = arith.index_cast %add3A_653 : i32 to index
      %get3A_681 = arith.constant 48 : index
      %get3A_682 = tpu.vector_load %arg12[%get3A_680, %get3A_681] {strides = array<i32>} : memref<400x64xf32, #tpu.memory_space<vmem>>, vector<16xf32>,
      %mul3A_683 = arith.mulf %get3A_679, %get3A_682 : vector<16xf32>
      %add3A_684 = arith.addf %add3A_676, %mul3A_683 : vector<16xf32>
      %reduce_sum3A_685 = arith.constant true
      %reduce_sum3A_686 = vector.broadcast %reduce_sum3A_685 : i1 to vector<16xi1>
      %reduce_sum3A_687 = tpu.scan <sum>, %add3A_684 masked %reduce_sum3A_686 : vector<16xf32>, vector<16xi1> -> vector<16xf32>
      %reduce_sum3A_688 = vector.extract %reduce_sum3A_687[15] : f32 from vector<16xf32>
      %broadcast_in_dim3A_689 = vector.broadcast %reduce_sum3A_688 : f32 to vector<16xf32>
      %select_n3A_690 = arith.select %eq3A_44, %broadcast_in_dim3A_689, %select_n3A_651 : vector<16xi1>, vector<16xf32>
      %add3A_691 = arith.constant 15 : i32
      %add3A_692 = arith.addi %mul3A_107, %add3A_691 : i32
      %get3A_693 = arith.index_cast %add3A_692 : i32 to index
      %get3A_694 = arith.constant 0 : index
      %get3A_695 = tpu.vector_load %arg10[%get3A_693, %get3A_694] {strides = array<i32>} : memref<400x64xf32, #tpu.memory_space<vmem>>, vector<16xf32>,
      %get3A_696 = arith.index_cast %add3A_692 : i32 to index
      %get3A_697 = arith.constant 0 : index
      %get3A_698 = tpu.vector_load %arg12[%get3A_696, %get3A_697] {strides = array<i32>} : memref<400x64xf32, #tpu.memory_space<vmem>>, vector<16xf32>,
      %mul3A_699 = arith.mulf %get3A_695, %get3A_698 : vector<16xf32>
      %get3A_700 = arith.index_cast %add3A_692 : i32 to index
      %get3A_701 = arith.constant 16 : index
      %get3A_702 = tpu.vector_load %arg10[%get3A_700, %get3A_701] {strides = array<i32>} : memref<400x64xf32, #tpu.memory_space<vmem>>, vector<16xf32>,
      %get3A_703 = arith.index_cast %add3A_692 : i32 to index
      %get3A_704 = arith.constant 16 : index
      %get3A_705 = tpu.vector_load %arg12[%get3A_703, %get3A_704] {strides = array<i32>} : memref<400x64xf32, #tpu.memory_space<vmem>>, vector<16xf32>,
      %mul3A_706 = arith.mulf %get3A_702, %get3A_705 : vector<16xf32>
      %add3A_707 = arith.addf %mul3A_699, %mul3A_706 : vector<16xf32>
      %get3A_708 = arith.index_cast %add3A_692 : i32 to index
      %get3A_709 = arith.constant 32 : index
      %get3A_710 = tpu.vector_load %arg10[%get3A_708, %get3A_709] {strides = array<i32>} : memref<400x64xf32, #tpu.memory_space<vmem>>, vector<16xf32>,
      %get3A_711 = arith.index_cast %add3A_692 : i32 to index
      %get3A_712 = arith.constant 32 : index
      %get3A_713 = tpu.vector_load %arg12[%get3A_711, %get3A_712] {strides = array<i32>} : memref<400x64xf32, #tpu.memory_space<vmem>>, vector<16xf32>,
      %mul3A_714 = arith.mulf %get3A_710, %get3A_713 : vector<16xf32>
      %add3A_715 = arith.addf %add3A_707, %mul3A_714 : vector<16xf32>
      %get3A_716 = arith.index_cast %add3A_692 : i32 to index
      %get3A_717 = arith.constant 48 : index
      %get3A_718 = tpu.vector_load %arg10[%get3A_716, %get3A_717] {strides = array<i32>} : memref<400x64xf32, #tpu.memory_space<vmem>>, vector<16xf32>,
      %get3A_719 = arith.index_cast %add3A_692 : i32 to index
      %get3A_720 = arith.constant 48 : index
      %get3A_721 = tpu.vector_load %arg12[%get3A_719, %get3A_720] {strides = array<i32>} : memref<400x64xf32, #tpu.memory_space<vmem>>, vector<16xf32>,
      %mul3A_722 = arith.mulf %get3A_718, %get3A_721 : vector<16xf32>
      %add3A_723 = arith.addf %add3A_715, %mul3A_722 : vector<16xf32>
      %reduce_sum3A_724 = arith.constant true
      %reduce_sum3A_725 = vector.broadcast %reduce_sum3A_724 : i1 to vector<16xi1>
      %reduce_sum3A_726 = tpu.scan <sum>, %add3A_723 masked %reduce_sum3A_725 : vector<16xf32>, vector<16xi1> -> vector<16xf32>
      %reduce_sum3A_727 = vector.extract %reduce_sum3A_726[15] : f32 from vector<16xf32>
      %broadcast_in_dim3A_728 = vector.broadcast %reduce_sum3A_727 : f32 to vector<16xf32>
      %select_n3A_729 = arith.select %eq3A_47, %broadcast_in_dim3A_728, %select_n3A_690 : vector<16xi1>, vector<16xf32>
      %add3A_730 = arith.constant 6000 : i32
      %add3A_731 = arith.addi %add3A_730, %mul3A_107 : i32
      %swap3A = arith.index_cast %add3A_731 : i32 to index
      %swap3A_732 = tpu.vector_load %arg13[%swap3A] {strides = array<i32>} : memref<6400xf32, #tpu.memory_space<vmem>>, vector<16xf32>,
      tpu.vector_store %arg13[%swap3A], %select_n3A_729 {strides = array<i32>} : memref<6400xf32, #tpu.memory_space<vmem>>, vector<16xf32>,
    }
    %scan3A_102 = arith.constant 25 : i32
    %mul3A_103 = arith.constant 6400 : i32
    %mul3A_104 = arith.muli %add3A, %mul3A_103 : i32
    "tpu.region"() ({
      %run_scoped3A = tpu.sem_alloc : memref<!tpu.dma_semaphore, #tpu.memory_space<semaphore_mem>>
      %dma_start3A_105 = tpu.memref_slice %arg6[%mul3A_104] : memref<204800xf32, #tpu.memory_space<hbm>> -> memref<6400xf32, #tpu.memory_space<hbm>>
      %dma_start3A_106 = tpu.memref_slice %arg6[%mul3A_104] : memref<204800xf32, #tpu.memory_space<hbm>> -> memref<6400xf32, #tpu.memory_space<hbm>>
      tpu.enqueue_dma source(%arg13 : memref<6400xf32, #tpu.memory_space<vmem>>) target(%dma_start3A_106 : memref<6400xf32, #tpu.memory_space<hbm>>) target_semaphore(%run_scoped3A : memref<!tpu.dma_semaphore, #tpu.memory_space<semaphore_mem>>)
      %dma_wait3A_107 = tpu.memref_slice %arg6[%mul3A_104] : memref<204800xf32, #tpu.memory_space<hbm>> -> memref<6400xf32, #tpu.memory_space<hbm>>
      %dma_wait3A_108 = tpu.memref_slice %arg6[%mul3A_104] : memref<204800xf32, #tpu.memory_space<hbm>> -> memref<6400xf32, #tpu.memory_space<hbm>>
      tpu.wait_dma2 semaphore(%run_scoped3A : memref<!tpu.dma_semaphore, #tpu.memory_space<semaphore_mem>>) src(%arg13 : memref<6400xf32, #tpu.memory_space<vmem>>) dst(%dma_wait3A_108 : memref<6400xf32, #tpu.memory_space<hbm>>)
      tpu.yield
    }) : () -> ()
    return
  }
}

</mosaic_0001>

<sc_bundles>
// kernel: kernel.3.cloned.1.call-start
scs
__scs_entry_jumppad:
0x0: {  	(pc) =	sbr.rel $0x88, $3  }
0x1: {  	(tag) =	ssettag $0x0;
	lr =	simm.s32 $0x1  }
0x2: {  	[smem:$0x3F9D] =	sst lr;
	_ =	strace $0xD0000000  }
0x3: {  	_ = 	snop  }
0x4: {  	_ = 	snop  }
0x5: {  	_ = 	snop  }
0x6: {  	_ = 	snop  }
0x7: {  	_ = 	snop  }
__scs_overlays_trampoline_lowered:
0x8: {  	[smem:$0x3FAC] =	sst s0  }
0x9: {  	[smem:$0x3FAD] =	sst s1  }
0xa: {  	[smem:$0x3FAE] =	sst s2  }
0xb: {  	[smem:$0x3FAF] =	sst s3  }
0xc: {  	[smem:$0x3FB0] =	sst s4  }
0xd: {  	[smem:$0x3FB1] =	sst s5  }
0xe: {  	[smem:$0x3FB2] =	sst s6  }
0xf: {  	[smem:$0x3FB3] =	sst s7  }
0x10: {  	[smem:$0x3FB4] =	sst s8  }
0x11: {  	[smem:$0x3FB5] =	sst s9;
	s0 =	simm.s32 @!p0 $0x0  }
0x12: {  	s1 =	sld [smem:$0x3F9B];
	s0 =	simm.s32 @p0 $0x1  }
0x13: {  	[smem:$0x3FB6] =	sst s0;
	s0 =	simm.s32 @!p1 $0x0  }
0x14: {  	s2 =	sld [smem:$0x3F9A];
	s0 =	simm.s32 @p1 $0x1  }
0x15: {  	[smem:$0x3FB7] =	sst s0;
	s0 =	simm.s32 @!p2 $0x0  }
0x16: {  	s3 =	sld [smem:$0x3FDB];
	s0 =	simm.s32 @p2 $0x1  }
0x17: {  	s4 =	simm.s32 $0x1BF5;
	[smem:$0x3FB9] =	sst s0  }
0x18: {  	s0 =	sld [smem:$0x3F9C];
	_ =	swait.ge [sflag:s4], $0x0  }
0x19: {  	s7 =	sld [smem:$0x3F9D]  }
0x1a: {  	s8 =	sadd.s32 $0xFFFFE003, lr  }
0x1b: {  	s9 =	sadd.s32 $0xFFFFFEF7, lr;
	s5 =	simm.s32 $0xFFFFFFFF;
	p2 =	slt.u32 s8, $0xFFFFF086  }
0x1c: {  	p1 =	slt.u32 s9, $0xF7A;
	s5 =	simm.s32 @!p2 $0x0  }
0x1d: {  	s5 =	simm.s32 @p1 $0x1;
	p0 =	seq.s32 s7, s2  }
0x1e: {  	s7 =	smul.u32 @!p0 $0xF7A, s2;
	p2 =	seq.s32 @!p0 s5, $0x0  }
0x1f: {  	s9 =	smul.u32 $0xF7A, s1;
	s8 =	simm.s32 @!p0 $0x1BF5;
	p2 =	por !p2, p0  }
0x20: {  	[sflag:s8] =	ssyncset.s32 @!p0 $0xFFFFF086;
	s6 =	sadd.s32 @!p0 s3, s7;
	s7 =	simm.s32 @!p0 $0x108  }
0x21: {  	s3 =	sadd.s32 s3, s9;
	s6 =	sadd.s32 @!p0 $0x88, s6;
	s7 =	simm.s32 @p2 $0x1082  }
0x22: {  	[simem:s7], [sflag:s8] =	dma.local @!p0 [hbm:s6], $0xF7A  }
0x23: {  	s9 =	sor.u32 $0xD0000000, s2;
	s6 =	simm.s32 $0x108;
	_ =	swait.ge @!p0 [sflag:s8], $0x0  }
0x24: {  	s3 =	sadd.s32 $0x88, s3;
	s6 =	simm.s32 @!p1 $0x1082;
	[sflag:s4] =	ssyncset.s32 $0xFFFFF086  }
0x25: {  	[simem:s6], [sflag:s4] =	dma.local [hbm:s3], $0xF7A  }
0x26: {  	[smem:$0x3F9D] =	sst s1;
	(tag) =	ssettag s2;
	_ =	strace s9  }
0x27: {  	s1 =	sld [smem:$0x3FAD]  }
0x28: {  	s2 =	sld [smem:$0x3FAE]  }
0x29: {  	s4 =	sld [smem:$0x3FB0]  }
0x2a: {  	p0 =	seq.s32 s5, $0x0;
	s5 =	sld [smem:$0x3FB1]  }
0x2b: {  	s6 =	sld [smem:$0x3FB2]  }
0x2c: {  	s7 =	sld [smem:$0x3FB3]  }
0x2d: {  	s3 =	simm.s32 $0x108;
	s8 =	sld [smem:$0x3FB4]  }
0x2e: {  	s3 =	simm.s32 @!p0 $0x1082;
	s9 =	sld [smem:$0x3FB5]  }
0x2f: {  	lr =	sadd.s32 s0, s3;
	s0 =	sld [smem:$0x3FAC]  }
0x30: {  	s3 =	sld [smem:$0x3FAF]  }
0x31: {  	[smem:$0x3FB8] =	sst s10  }
0x32: {  	s10 =	sld [smem:$0x3FB6];
	_ =	sdelay $0x3  }
0x33: {  	p0 =	seq.s32 s10, $0x1;
	s10 =	sld [smem:$0x3FB8];
	_ =	sdelay $0x3  }
0x34: {  	[smem:$0x3FB8] =	sst s10  }
0x35: {  	s10 =	sld [smem:$0x3FB7];
	_ =	sdelay $0x3  }
0x36: {  	p1 =	seq.s32 s10, $0x1;
	s10 =	sld [smem:$0x3FB8];
	_ =	sdelay $0x3  }
0x37: {  	[smem:$0x3FB8] =	sst s10  }
0x38: {  	s10 =	sld [smem:$0x3FB9]  }
0x39: {  	_ = 	snop;
	(pc) =	sbr.ind lr, $3  }
0x3a: {  	_ = 	snop  }
0x3b: {  	_ = 	snop  }
0x3c: {  	p2 =	seq.s32 s10, $0x1;
	s10 =	sld [smem:$0x3FB8]  }
0x3d: {  	_ =	shalt  }
0x3e: {  	_ =	shalt  }
0x3f: {  	_ =	shalt  }
0x40: {  	_ =	shalt  }
0x41: {  	_ =	shalt  }
0x42: {  	_ =	shalt  }
0x43: {  	_ =	shalt  }
0x44: {  	_ =	shalt  }
0x45: {  	_ =	shalt  }
0x46: {  	_ =	shalt  }
0x47: {  	_ =	shalt  }
0x48: {  	_ =	shalt  }
0x49: {  	_ =	shalt  }
0x4a: {  	_ =	shalt  }
0x4b: {  	_ =	shalt  }
0x4c: {  	_ =	shalt  }
0x4d: {  	_ =	shalt  }
0x4e: {  	_ =	shalt  }
0x4f: {  	_ =	shalt  }
0x50: {  	_ =	shalt  }
0x51: {  	_ =	shalt  }
0x52: {  	_ =	shalt  }
0x53: {  	_ =	shalt  }
0x54: {  	_ =	shalt  }
0x55: {  	_ =	shalt  }
0x56: {  	_ =	shalt  }
0x57: {  	_ =	shalt  }
0x58: {  	_ =	shalt  }
0x59: {  	_ =	shalt  }
0x5a: {  	_ =	shalt  }
0x5b: {  	_ =	shalt  }
0x5c: {  	_ =	shalt  }
0x5d: {  	_ =	shalt  }
0x5e: {  	_ =	shalt  }
0x5f: {  	_ =	shalt  }
0x60: {  	_ =	shalt  }
0x61: {  	_ =	shalt  }
0x62: {  	_ =	shalt  }
0x63: {  	_ =	shalt  }
0x64: {  	_ =	shalt  }
0x65: {  	_ =	shalt  }
0x66: {  	_ =	shalt  }
0x67: {  	_ =	shalt  }
0x68: {  	_ =	shalt  }
0x69: {  	_ =	shalt  }
0x6a: {  	_ =	shalt  }
0x6b: {  	_ =	shalt  }
0x6c: {  	_ =	shalt  }
0x6d: {  	_ =	shalt  }
0x6e: {  	_ =	shalt  }
0x6f: {  	_ =	shalt  }
0x70: {  	_ =	shalt  }
0x71: {  	_ =	shalt  }
0x72: {  	_ =	shalt  }
0x73: {  	_ =	shalt  }
0x74: {  	_ =	shalt  }
0x75: {  	_ =	shalt  }
0x76: {  	_ =	shalt  }
0x77: {  	_ =	shalt  }
0x78: {  	_ =	shalt  }
0x79: {  	_ =	shalt  }
0x7a: {  	_ =	shalt  }
0x7b: {  	_ =	shalt  }
0x7c: {  	_ =	shalt  }
0x7d: {  	_ =	shalt  }
0x7e: {  	_ =	shalt  }
0x7f: {  	_ =	shalt  }
0x80: {  	_ =	shalt  }
0x81: {  	_ =	shalt  }
0x82: {  	_ =	shalt  }
0x83: {  	_ =	shalt  }
0x84: {  	_ =	shalt  }
0x85: {  	_ =	shalt  }
0x86: {  	_ =	shalt  }
0x87: {  	_ =	shalt  }
.Lfunc_end0:
.L_simem_size_0:
called_computation_lowered:
.L_overlay_start_0:
0x88: {  	s2 =	sld [smem:$0x3FD9]  }
0x89: {  	s3 =	sld [smem:$0x3FFE];
	_ =	sdelay $0x1  }
0x8a: {  	s1 =	srdreg.scid  }
0x8b: {  	s0 =	sand.u32 $0x1, s1  }
0x8c: {  	s17 =	sshll.u32 s0, $0xA;
	s2 =	sadd.s32 s3, s2  }
0x8d: {  	s2 =	sadd.s32 s2, s17  }
0x8e: {  	[smem:$0x3FC4] =	sst s2  }
0x8f: {  	_ = 	snop  }
0x90: {  	s2 =	sld [smem:$0x3FD0];
	(tm) =	ssettm $0x1  }
0x91: {  	s18 =	sld [smem:$0x3FFB];
	_ =	sdelay $0x3  }
0x92: {  	_ =	strace s18  }
0x93: {  	s3 =	sld [smem:$0x3FFC];
	_ =	sdelay $0x3  }
0x94: {  	_ =	strace s3  }
0x95: {  	s3 =	sld [smem:$0x3FFD];
	_ =	sdelay $0x3  }
0x96: {  	_ =	strace s3  }
0x97: {  	_ =	strace $0x8FFFFFFF  }
0x98: {  	s19 =	sld [smem:$0x3FDB];
	_ =	sdelay $0x1  }
0x99: {  	s4 =	simm.s32 $_scs_section_size  }
0x9a: {  	s5 =	simm.s32 $_size__tile_overlayer_lowered;
	s6 =	simm.s32 $_tile_overlayer_lowered  }
0x9b: {  	s22 =	simm.s32 $0x1BFF;
	s21 =	sshll.u32 s6, $0x1;
	s3 =	sadd.s32 s4, s19  }
0x9c: {  	s7 =	simm.s32 $0x0;
	s20 =	sshll.u32 s5, $0x1;
	s5 =	sadd.s32 s21, s3  }
0x9d: {  	[timem:s7], [sflag:s22] =	dma.local [hbm:s5], s20  }
0x9e: {  	_ =	swait.ge [sflag:s22], s20  }
0x9f: {  	s4 =	ssub.s32 $0x0, s20;
	[sflag:s22] =	ssyncset.done $0x0  }
0xa0: {  	[sflag:s22] =	ssyncadd.s32 s4;
	_ =	sdelay $0x1  }
0xa1: {  	s23 =	simm.s32 $0x1B8B  }
0xa2: {  	_ =	swait.ge [sflag:s23], $0x1  }
0xa3: {  	[sflag:s23] =	ssyncset.done $0x0  }
0xa4: {  	s25 =	simm.s32 $0x1B8E;
	s24 =	sld [smem:$0x3FFE];
	[sflag:s23] =	ssyncadd.s32 $0xFFFFFFFF  }
0xa5: {  	s26 =	simm.s32 $execute0_lowered;
	[smem:$0x3FD2] =	sst s25  }
0xa6: {  	s5 =	sshll.u32 s26, $0x1;
	_ =	strace $0x80000046;
	[dreg:$0x1] =	wrdreg $0xFFFFFFFF  }
0xa7: {  	s28 =	simm.s32 $_size_execute0_lowered;
	s3 =	sadd.s32 s3, s5;
	[dreg:$0x0] =	wrdreg $0x0  }
0xa8: {  	s5 =	sshll.u32 s28, $0x1;
	[dreg:$0x2] =	wrdreg s3  }
0xa9: {  	[dreg:$0x3] =	wrdreg s5  }
0xaa: {  	[dreg:$0x4] =	wrdreg $0xC0  }
0xab: {  	_ =	task [dreg:s7], $0x5FFFF  }
0xac: {  	[dreg:$0x1] =	wrdreg $0xFFFFFFFF  }
0xad: {  	[dreg:$0x0] =	wrdreg $0x60  }
0xae: {  	[dreg:$0x2] =	wrdreg s2  }
0xaf: {  	[dreg:$0x3] =	wrdreg s24  }
0xb0: {  	[dreg:$0x4] =	wrdreg $0x9  }
0xb1: {  	_ =	task.clear_ibuf [dreg:s7], $0x5FFFF;
	_ =	strace $0x90000046  }
0xb2: {  	s29 =	simm.s32 $0x9;
	_ =	strace $0x80000048  }
0xb3: {  	_ =	swait.ge [sflag:s29], $0x1  }
0xb4: {  	[sflag:s29] =	ssyncadd.s32 $0xFFFFFFFF  }
0xb5: {  	_ =	strace $0x90000048  }
0xb6: {  	_ =	sfence  }
0xb7: {  	s30 =	sld [smem:$0x0];
	_ =	sdelay $0x2  }
0xb8: {  	s31 =	sshll.u32 s1, $0xD;
	s1 =	sshrl.u32 s1, $0x2  }
0xb9: {  	s3 =	sand.u32 $0x4000, s31;
	s1 =	sadd.s32 s1, s30  }
0xba: {  	s0 =	sor.u32 s3, s0;
	s1 =	sshll.u32 s1, $0x11  }
0xbb: {  	s0 =	sor.u32 s1, s0  }
0xbc: {  	s0 =	sadd.s32 $0x8F2B, s0  }
0xbd: {  	[sflag:s0] =	ssyncadd.remote.s32 $0x1  }
0xbe: {  	_ =	sfence.sel $0xFFFF  }
0xbf: {  	[dreg:$0x0] =	wrdreg $0xFFFFFFFF;
	(pc) =	sbr.abs _section_cstart, $3  }
0xc0: {  	[dreg:$0x1] =	wrdreg $0xFFFFFFFF  }
0xc1: {  	_ =	task.clear_ibuf [dreg:s7], $0x2FFFF;
	_ =	strace $0x9FFFFFFF  }
0xc2: {  	(tm) =	ssettm $0x7FFFFFFF  }
0xc3: {  	_ =	shalt  }
tec
execute0_lowered:
.L_overlay_start_1:
0x0: {  	(tag) =	ssettag $0x1  }
0x1: {  	s5 =	rddreg [dreg:$0x0]  }
0x2: {  	s1 =	srdreg.scid;
	s0 =	stileid.u32  }
0x3: {  	s6 =	rddreg [dreg:$0x1];
	s2 =	simm.s32 $0x0;
	s11 =	simm.s32 $0x190  }
0x4: {  	s12 =	simm.s32 $0x3200;
	s13 =	simm.s32 $0xFA00;
	s14 =	simm.s32 $0x9600  }
0x5: {  	s15 =	simm.s32 $0x1A90;
	s16 =	simm.s32 $0x15E00;
	s17 =	simm.s32 $0x1  }
0x6: {  	s18 =	simm.s32 $0x3;
	s19 =	simm.s32 $0x2;
	s20 =	simm.s32 $0x4  }
0x7: {  	s21 =	simm.s32 $0x1C200;
	s3 =	sand.u32 $0x1, s1;
	s1 =	rddreg [dreg:$0x2]  }
0x8: {  	s22 =	simm.s32 $0x0;
	s4 =	sshll.u32 s0, $0x1;
	[smem:$0x7FF] =	sst s2  }
0x9: {  	vm0 =	vmmov $0x1;
	vm1 =	vmmov $0x3;
	vm2 =	vmmov $0x7;
	s4 =	sor.u32 s3, s4;
	s8 =	ssub.s32 $0x2, s3;
	_ =	strace $0x80000047  }
0xa: {  	vm3 =	vmmov $0xf;
	vm4 =	vmmov $0x1f;
	vm5 =	vmmov $0x3f;
	s3 =	sadd.s32 $0x24C400, s6;
	s7 =	smul.u32 $0x320, s4;
	s9 =	sshrl.u32 s8, $0x1  }
0xb: {  	vm6 =	vmmov $0x7f;
	vm7 =	vmmov $0xff;
	vm8 =	vmmov $0x1ff;
	s4 =	sadd.s32 $0x188E00, s6;
	s8 =	ssub.s32 s8, s9;
	s9 =	simm.s32 $0x5  }
0xc: {  	vm9 =	vmmov $0x3ff;
	vm10 =	vmmov $0x7ff;
	vm11 =	vmmov $0xfff;
	s10 =	sadd.s32 s7, s6;
	s5 =	sadd.s32 s5, s7;
	s8 =	smax.u32 s8, $0x1  }
0xd: {  	vm12 =	vmmov $0x1fff;
	vm13 =	vmmov $0x3fff;
	vm14 =	vmmov $0x7fff;
	s6 =	sadd.s32 $0x2400, s10;
	s7 =	sadd.s32 $0x8800, s10;
	s10 =	simm.s32 $0x1900  }
.LBB2_1:
0xe: {  	[tilespmem:s2], [sflag:$0x5] =	stream.linear.gather [hbm4b:s5+s2], $0x1900, $0x38;
	[tilespmem:$0x1DB00] =	vst v63  }
0xf: {  	_ =	swait.ge [sflag:s9], $0x1900  }
0x10: {  	[sflag:s9] =	ssyncset.done $0x0  }
0x11: {  	[sflag:s9] =	ssyncadd.s32 $0xFFFFE700  }
0x12: {  	[tilespmem:s10], [sflag:$0x5] =	stream.linear.gather [hbm4b:s6+s2], $0x1900, $0x38;
	[tilespmem:$0x1DB00] =	vst v63  }
0x13: {  	_ =	swait.ge [sflag:s9], $0x1900  }
0x14: {  	[sflag:s9] =	ssyncset.done $0x0  }
0x15: {  	[sflag:s9] =	ssyncadd.s32 $0xFFFFE700  }
0x16: {  	[tilespmem:s12], [sflag:$0x1] =	stream.indirect.gather [hbm4b:s3+s11], $0x40, s2, s11, $0xb8;
	[tilespmem:$0x1DB00] =	vst v63  }
0x17: {  	_ = 	snop  }
0x18: {  	[tilespmem:s13], [sflag:$0x3] =	stream.indirect.gather [hbm4b:s4+s11], $0x40, s10, s11, $0xb8;
	[tilespmem:$0x1DB00] =	vst v63  }
0x19: {  	_ = 	snop  }
0x1a: {  	[tilespmem:s14], [sflag:$0x2] =	stream.indirect.gather [hbm4b:s3+s11], $0x40, s11, s11, $0xb8;
	[tilespmem:$0x1DB00] =	vst v63  }
0x1b: {  	s23 =	simm.s32 $0x1C390;
	s24 =	simm.s32 $0x1C200;
	s25 =	simm.s32 $0x0  }
0x1c: {  	[tilespmem:s16], [sflag:$0x4] =	stream.indirect.gather [hbm4b:s4+s11], $0x40, s15, s11, $0xb8;
	[tilespmem:$0x1DB00] =	vst v63  }
.LBB2_2:
0x1d: {  	_ =	swait.ge [sflag:s17], $0x6400  }
0x1e: {  	[sflag:s17] =	ssyncset.done $0x0  }
0x1f: {  	[sflag:s17] =	ssyncadd.s32 $0xFFFF9C00  }
0x20: {  	_ =	swait.ge [sflag:s18], $0x6400  }
0x21: {  	[sflag:s18] =	ssyncset.done $0x0  }
0x22: {  	s26 =	simm.s32 $0x3F0;
	[sflag:s18] =	ssyncadd.s32 $0xFFFF9C00  }
0x23: {  	v20 =	vld [tilespmem:s26+$0x31C0]  }
0x24: {  	v21 =	vld [tilespmem:s26+$0xF9C0]  }
0x25: {  	v0 =	vld [tilespmem:s26+$0x31D0]  }
0x26: {  	v51 =	vld [tilespmem:s26+$0xF9D0]  }
0x27: {  	v52 =	vld [tilespmem:s26+$0x31E0]  }
0x28: {  	v53 =	vld [tilespmem:s26+$0xF9E0]  }
0x29: {  	v22 =	vld [tilespmem:s26+$0x31B0]  }
0x2a: {  	v23 =	vld [tilespmem:s26+$0xF9B0]  }
0x2b: {  	v24 =	vld [tilespmem:s26+$0x3140]  }
0x2c: {  	v25 =	vld [tilespmem:s26+$0xF940]  }
0x2d: {  	v54 =	vld [tilespmem:s26+$0x3170]  }
0x2e: {  	v26 =	vld [tilespmem:s26+$0x3190]  }
0x2f: {  	v27 =	vld [tilespmem:s26+$0xF990]  }
0x30: {  	v28 =	vld [tilespmem:s26+$0x31A0]  }
0x31: {  	v29 =	vld [tilespmem:s26+$0xF9A0]  }
0x32: {  	v55 =	vld [tilespmem:s26+$0x3100]  }
0x33: {  	v56 =	vld [tilespmem:s26+$0xF900]  }
0x34: {  	v32 =	vld [tilespmem:s26+$0x3130]  }
0x35: {  	v33 =	vld [tilespmem:s26+$0xF930]  }
0x36: {  	v57 =	vld [tilespmem:s26+$0x3150]  }
0x37: {  	v58 =	vld [tilespmem:s26+$0xF950]  }
0x38: {  	v59 =	vld [tilespmem:s26+$0x3160]  }
0x39: {  	v60 =	vld [tilespmem:s26+$0xF960]  }
0x3a: {  	v34 =	vld [tilespmem:s26+$0x30F0]  }
0x3b: {  	v35 =	vld [tilespmem:s26+$0xF8F0]  }
0x3c: {  	v36 =	vld [tilespmem:s26+$0x3110]  }
0x3d: {  	v37 =	vld [tilespmem:s26+$0xF910]  }
0x3e: {  	v38 =	vld [tilespmem:s26+$0x3120]  }
0x3f: {  	v39 =	vld [tilespmem:s26+$0xF920]  }
0x40: {  	v40 =	vld [tilespmem:s26+$0x3080]  }
0x41: {  	v41 =	vld [tilespmem:s26+$0xF880]  }
0x42: {  	v61 =	vld [tilespmem:s26+$0x30B0]  }
0x43: {  	v42 =	vld [tilespmem:s26+$0x30D0]  }
0x44: {  	v43 =	vld [tilespmem:s26+$0xF8D0]  }
0x45: {  	v44 =	vld [tilespmem:s26+$0x30E0]  }
0x46: {  	v45 =	vld [tilespmem:s26+$0xF8E0]  }
0x47: {  	v46 =	vld [tilespmem:s26+$0x3040]  }
0x48: {  	v47 =	vld [tilespmem:s26+$0xF840]  }
0x49: {  	v48 =	vld [tilespmem:s26+$0x3070]  }
0x4a: {  	v49 =	vld [tilespmem:s26+$0xF870]  }
0x4b: {  	v62 =	vld [tilespmem:s26+$0x3090]  }
0x4c: {  	v63 =	vld [tilespmem:s26+$0xF890]  }
0x4d: {  	v4 =	vld [tilespmem:s26+$0x30A0]  }
0x4e: {  	v5 =	vld [tilespmem:s26+$0xF8A0]  }
0x4f: {  	v50 =	vld [tilespmem:s26+$0x3030]  }
0x50: {  	v6 =	vld [tilespmem:s26+$0x2FF0]  }
0x51: {  	v13 =	vld [tilespmem:s26+$0x2FB0]  }
0x52: {  	v10 =	vld [tilespmem:s26+$0xF7B0]  }
0x53: {  	v7 =	vld [tilespmem:s26+$0x2FD0]  }
0x54: {  	v8 =	vld [tilespmem:s26+$0xF7D0]  }
0x55: {  	v9 =	vld [tilespmem:s26+$0x2FE0]  }
0x56: {  	v11 =	vld [tilespmem:s26+$0xF7E0]  }
0x57: {  	v15 =	vld [tilespmem:s26+$0x2F70]  }
0x58: {  	v14 =	vld [tilespmem:s26+$0xF770]  }
0x59: {  	v3 =	vld [tilespmem:s26+$0x2F90]  }
0x5a: {  	v2 =	vld [tilespmem:s26+$0xF790]  }
0x5b: {  	v1 =	vld [tilespmem:s26+$0x2FA0]  }
0x5c: {  	v17 =	vld [tilespmem:s26+$0x2F00]  }
0x5d: {  	v16 =	vld [tilespmem:s26+$0xF700]  }
0x5e: {  	v31 =	vld [tilespmem:s26+$0x2EC0]  }
0x5f: {  	v30 =	vld [tilespmem:s26+$0xF6C0]  }
0x60: {  	v19 =	vld [tilespmem:s26+$0x2E40]  }
0x61: {  	v18 =	vld [tilespmem:s26+$0xF640]  }
0x62: {  	v12 =	vld [tilespmem:s26+$0x2EB0]  }
0x63: {  	[tilespmem:$0x1FE70] =	vst v51;
	v51 =	vld [tilespmem:s26+$0xF830]  }
0x64: {  	[tilespmem:$0x1FE80] =	vst v52;
	v52 =	vld [tilespmem:s26+$0x3050]  }
0x65: {  	[tilespmem:$0x1FE90] =	vst v53;
	v53 =	vld [tilespmem:s26+$0xF850]  }
0x66: {  	[tilespmem:$0x1FE50] =	vst v54;
	v54 =	vld [tilespmem:s26+$0x3060]  }
0x67: {  	[tilespmem:$0x1FD00] =	vst v55;
	v55 =	vld [tilespmem:s26+$0xF860]  }
0x68: {  	[tilespmem:$0x1FD10] =	vst v56;
	v56 =	vld [tilespmem:s26+$0x2FC0]  }
0x69: {  	[tilespmem:$0x1FE10] =	vst v57;
	v57 =	vld [tilespmem:s26+$0xF7C0]  }
0x6a: {  	[tilespmem:$0x1FE20] =	vst v58;
	v58 =	vld [tilespmem:s26+$0x3010]  }
0x6b: {  	[tilespmem:$0x1FE30] =	vst v59;
	v59 =	vld [tilespmem:s26+$0xF810]  }
0x6c: {  	[tilespmem:$0x1FE40] =	vst v60;
	v60 =	vld [tilespmem:s26+$0x3020]  }
0x6d: {  	[tilespmem:$0x1FE00] =	vst v61;
	v61 =	vld [tilespmem:s26+$0xF820]  }
0x6e: {  	[tilespmem:$0x1FDC0] =	vst v62;
	v62 =	vld [tilespmem:s26+$0x2F80]  }
0x6f: {  	[tilespmem:$0x1FDD0] =	vst v63;
	v63 =	vld [tilespmem:s26+$0xF780]  }
0x70: {  	[tilespmem:$0x1FE60] =	vst v0;
	v0 =	vld [tilespmem:s26+$0xF7A0]  }
0x71: {  	[tilespmem:$0x1FDE0] =	vst v4;
	v4 =	vld [tilespmem:s26+$0x2F30]  }
0x72: {  	[tilespmem:$0x1FD70] =	vst v7;
	v7 =	vld [tilespmem:s26+$0x2F50]  }
0x73: {  	[tilespmem:$0x1FDB0] =	vst v6;
	v6 =	vld [tilespmem:s26+$0xF750]  }
0x74: {  	[tilespmem:$0x1FDF0] =	vst v5;
	v5 =	vld [tilespmem:s26+$0x2F60]  }
0x75: {  	[tilespmem:$0x1FD90] =	vst v9;
	v9 =	vld [tilespmem:s26+$0x2EF0]  }
0x76: {  	[tilespmem:$0x1FD80] =	vst v8;
	v8 =	vld [tilespmem:s26+$0xF6F0]  }
0x77: {  	[tilespmem:$0x1FDA0] =	vst v11;
	v11 =	vld [tilespmem:s26+$0x2F10]  }
0x78: {  	v26 =	vmul.f32 v27, v26;
	v27 =	vmul.f32 v29, v28;
	v28 =	vld [tilespmem:s26+$0x2ED0]  }
0x79: {  	v29 =	vmul.f32 v37, v36;
	v37 =	vld [tilespmem:s26+$0xF6D0]  }
0x7a: {  	v22 =	vmul.f32 v23, v22;
	v23 =	vld [tilespmem:s26+$0x2EE0]  }
0x7b: {  	v24 =	vmul.f32 v25, v24;
	v25 =	vld [tilespmem:s26+$0xF630]  }
0x7c: {  	v36 =	vmul.f32 v39, v38;
	v39 =	vld [tilespmem:$0x1FD70]  }
0x7d: {  	v20 =	vmul.f32 v21, v20;
	v40 =	vmul.f32 v41, v40;
	v41 =	vld [tilespmem:$0x1FD90]  }
0x7e: {  	v26 =	vadd.f32 v27, v26;
	v21 =	vadd.f32 v36, v29;
	v27 =	vmul.f32 v33, v32;
	v29 =	vld [tilespmem:s26+$0xF6E0]  }
0x7f: {  	v33 =	vld [tilespmem:s26+$0x2E30]  }
0x80: {  	v21 =	vadd.f32 v27, v21;
	v27 =	vld [tilespmem:s26+$0x2E90]  }
0x81: {  	[tilespmem:$0x1FD60] =	vst v4;
	v4 =	vld [tilespmem:s26+$0xF760]  }
0x82: {  	[tilespmem:$0x1FD20] =	vst v11;
	v11 =	vld [tilespmem:s26+$0xF710]  }
0x83: {  	v22 =	vadd.f32 v22, v26;
	v26 =	vmul.f32 v43, v42;
	v43 =	vmul.f32 v53, v52;
	v52 =	vld [tilespmem:s26+$0x2EA0]  }
0x84: {  	v53 =	vld [tilespmem:$0x1FD00]  }
0x85: {  	v42 =	vmul.f32 v45, v44;
	v44 =	vmul.f32 v55, v54;
	v54 =	vld [tilespmem:$0x1FD10]  }
0x86: {  	v45 =	vmul.f32 v61, v60;
	v60 =	vld [tilespmem:s26+$0xF610]  }
0x87: {  	v61 =	vld [tilespmem:s26+$0x2E10]  }
0x88: {  	v55 =	vmul.f32 v49, v48;
	v48 =	vmul.f32 v14, v15;
	v14 =	vld [tilespmem:s26+$0x2E60]  }
0x89: {  	v49 =	vld [tilespmem:s26+$0xF660]  }
0x8a: {  	v21 =	vadd.f32 v24, v21;
	v24 =	vld [tilespmem:s26+$0xF690]  }
0x8b: {  	v20 =	vadd.f32 v20, v22;
	v22 =	vadd.f32 v42, v26;
	v42 =	vld [tilespmem:s26+$0x2E20]  }
0x8c: {  	v15 =	vmul.f32 v63, v62;
	v62 =	vld [tilespmem:$0x1FD20]  }
0x8d: {  	v26 =	vmul.f32 v35, v34;
	v35 =	vld [tilespmem:s26+$0x3000]  }
0x8e: {  	v36 =	vld [tilespmem:$0x1FD60]  }
0x8f: {  	v32 =	vadd.f32 v44, v43;
	v43 =	vmul.f32 v10, v13;
	v44 =	vld [tilespmem:s26+$0xF620]  }
0x90: {  	v13 =	vmul.f32 v29, v23;
	v23 =	vmul.f32 v57, v56;
	v56 =	vld [tilespmem:s26+$0xF730]  }
0x91: {  	[tilespmem:$0x1FD30] =	vst v11;
	v11 =	vld [tilespmem:s26+$0x2F20]  }
0x92: {  	v22 =	vadd.f32 v26, v22;
	v26 =	vmul.f32 v59, v58;
	v58 =	vld [tilespmem:s26+$0xF6A0]  }
0x93: {  	v59 =	vmul.f32 v51, v50;
	v51 =	vmul.f32 v16, v17;
	v16 =	vld [tilespmem:s26+$0xF670]  }
0x94: {  	v32 =	vadd.f32 v55, v32;
	v55 =	vmul.f32 v49, v14;
	v14 =	vld [tilespmem:s26+$0xF740]  }
0x95: {  	v38 =	vmul.f32 v54, v53;
	v26 =	vadd.f32 v45, v26;
	v50 =	vmul.f32 v24, v27;
	v24 =	vld [tilespmem:s26+$0x2E70]  }
0x96: {  	v6 =	vmul.f32 v6, v7;
	v4 =	vmul.f32 v4, v5;
	v32 =	vadd.f32 v40, v32;
	[tilespmem:$0x1FD40] =	vst v11;
	v11 =	vld [tilespmem:s26+$0xF720]  }
0x97: {  	(xrf2) =	vadd.scan.msk.f32 $0xffff, v20;
	v40 =	vld [tilespmem:$0x1FD80];
	v38 =	vadd.f32 v38, v22;
	v22 =	vadd.f32 v59, v26;
	v26 =	vmul.f32 v47, v46  }
0x98: {  	(xrf2) =	vadd.scan.msk.f32 $0xffff, v21;
	v46 =	vld [tilespmem:s26+$0x2E50];
	v4 =	vadd.f32 v4, v6  }
0x99: {  	v2 =	vmul.f32 v2, v3;
	v0 =	vmul.f32 v0, v1;
	v45 =	vadd.f32 v26, v22;
	v22 =	vld [tilespmem:s26+$0xF650];
	(xrf2) =	vadd.scan.msk.f32 $0xffff, v38  }
0x9a: {  	v4 =	vadd.f32 v48, v4;
	(xrf2) =	vadd.scan.msk.f32 $0xffff, v32;
	v32 =	vld [tilespmem:$0x1FD40]  }
0x9b: {  	v0 =	vadd.f32 v0, v2;
	[tilespmem:$0x1FD50] =	vst v11;
	v11 =	vld [tilespmem:s26+$0xF6B0]  }
0x9c: {  	v47 =	vmul.f32 v37, v28;
	v4 =	vadd.f32 v15, v4;
	v15 =	vld [tilespmem:$0x1FD50]  }
0x9d: {  	v0 =	vadd.f32 v43, v0;
	v37 =	vld [tilespmem:s26+$0xF800]  }
0x9e: {  	v10 =	vmul.f32 v44, v42;
	v42 =	vld [tilespmem:$0x1FDA0];
	v2 =	vadd.f32 v13, v47;
	v13 =	vmul.f32 v58, v52  }
0x9f: {  	v1 =	vmul.f32 v60, v61;
	v0 =	vadd.f32 v23, v0;
	v47 =	vld [tilespmem:$0x1FDB0]  }
0xa0: {  	v6 =	vadd.f32 v13, v50;
	v13 =	vld [tilespmem:s26+$0x2F40];
	v54 =	vmul.f32 v22, v46;
	v11 =	vmul.f32 v11, v12  }
0xa1: {  	v1 =	vadd.f32 v10, v1;
	v58 =	vmul.f32 v25, v33;
	v10 =	vmul.f32 v15, v32;
	v15 =	vld [tilespmem:s26+$0xF7F0]  }
0xa2: {  	v52 =	vld [tilespmem:s26+$0xF680];
	(xrf2) =	vadd.scan.msk.f32 $0xffff, v45;
	v60 =	vmul.f32 v16, v24;
	v53 =	vadd.f32 v11, v6;
	v6 =	vadd.f32 v55, v54  }
0xa3: {  	v61 =	vadd.f32 v58, v1;
	(xrf2) =	vadd.scan.msk.f32 $0xffff, v0;
	v12 =	vld [tilespmem:s26+$0x2E80]  }
0xa4: {  	v58 =	vld [tilespmem:$0x1FE10];
	(xrf2) =	vadd.scan.msk.f32 $0xffff, v4;
	v4 =	vmul.f32 v40, v39;
	v33 =	vadd.f32 v60, v6;
	v6 =	vmul.f32 v42, v41  }
0xa5: {  	v45 =	vmul.f32 v14, v13;
	v14 =	vld [tilespmem:$0x1FE20]  }
0xa6: {  	v17 =	vld [tilespmem:$0x1FE70];
	v4 =	vadd.f32 v6, v4;
	v6 =	vmul.f32 v15, v47  }
0xa7: {  	v63 =	vld [tilespmem:$0x1FD30]  }
0xa8: {  	v5 =	vmul.f32 v37, v35;
	v34 =	vmul.f32 v52, v12;
	v52 =	vld [tilespmem:$0x1FDE0];
	v4 =	vadd.f32 v6, v4  }
0xa9: {  	v15 =	vld [tilespmem:$0x1FE40]  }
0xaa: {  	v4 =	vadd.f32 v5, v4;
	v5 =	vmul.f32 v14, v58;
	v14 =	vld [tilespmem:$0x1FE30]  }
0xab: {  	v8 =	vmul.f32 v8, v9;
	v12 =	vld [tilespmem:$0x1FDF0]  }
0xac: {  	v43 =	vld [tilespmem:s26+$0xF8B0]  }
0xad: {  	v48 =	vld [tilespmem:s26+$0xF8C0];
	v2 =	vadd.f32 v8, v2  }
0xae: {  	v57 =	vmul.f32 v30, v31;
	v50 =	vld [tilespmem:$0x1FDC0]  }
0xaf: {  	v59 =	vmul.f32 v18, v19;
	v2 =	vadd.f32 v51, v2;
	v51 =	vld [tilespmem:$0x1FDD0];
	v14 =	vmul.f32 v15, v14  }
0xb0: {  	v1 =	vmul.f32 v63, v62;
	v11 =	vmul.f32 v12, v52;
	v12 =	vld [tilespmem:s26+$0xF970]  }
0xb1: {  	v3 =	vadd.f32 v57, v53;
	v5 =	vadd.f32 v14, v5;
	v14 =	vld [tilespmem:$0x1FE50]  }
0xb2: {  	v0 =	vadd.f32 v59, v61;
	(xrf2) =	vadd.scan.msk.f32 $0xffff, v2;
	v2 =	vmul.f32 v56, v36;
	v55 =	vld [tilespmem:$0x1FE00];
	v1 =	vadd.f32 v10, v1  }
0xb3: {  	v62 =	vld [tilespmem:$0x1FE60];
	(xrf2) =	vadd.scan.msk.f32 $0xffff, v3;
	v38 =	vadd.f32 v34, v33  }
0xb4: {  	v46 =	vld [tilespmem:s26+$0x30C0];
	v44 =	vadd.f32 v2, v1;
	(xrf2) =	vadd.scan.msk.f32 $0xffff, v0  }
0xb5: {  	v63 =	vld [tilespmem:$0x1FE80];
	v9, _, _ =	vpop (xrf2);
	v1 =	vmul.f32 v51, v50;
	(xrf2) =	vadd.scan.msk.f32 $0xffff, v38  }
0xb6: {  	v49, _, _ =	vpop (xrf2);
	v56 =	vld [tilespmem:s26+$0xF980];
	v0 =	vadd.f32 v45, v44;
	v12 =	vmul.f32 v12, v14  }
0xb7: {  	v13, _, _ =	vpop (xrf2);
	v53 =	vld [tilespmem:s26+$0x3180];
	v8 =	vmul.f32 v43, v55;
	v1 =	vadd.f32 v11, v1  }
0xb8: {  	v54, _, _ =	vpop (xrf2);
	(xrf2) =	vadd.scan.msk.f32 $0xffff, v0;
	v5 =	vadd.f32 v12, v5;
	v12 =	vld [tilespmem:$0x1FE90]  }
0xb9: {  	v59 =	vld [tilespmem:s26+$0xF9F0];
	v57, _, _ =	vpop (xrf2);
	v2 =	vmul.f32 v48, v46;
	v1 =	vadd.f32 v8, v1  }
0xba: {  	v16, _, _ =	vpop (xrf2);
	v15 =	vld [tilespmem:s26+$0x31F0]  }
0xbb: {  	v60, _, _ =	vpop (xrf2);
	(xrf2) =	vadd.scan.msk.f32 $0xffff, v4;
	v1 =	vadd.f32 v2, v1;
	v2 =	vmul.f32 v17, v62;
	v17 =	vld [tilespmem:s26+$0xFA00]  }
0xbc: {  	v61, _, _ =	vpop (xrf2);
	v14 =	vld [tilespmem:s26+$0x3200]  }
0xbd: {  	v6 =	vmul.f32 v56, v53;
	v18, _, _ =	vpop (xrf2);
	v11 =	vmul.f32 v12, v63  }
0xbe: {  	(xrf2) =	vadd.scan.msk.f32 $0xffff, v1;
	v12, _, _ =	vpop (xrf2)  }
0xbf: {  	v33 =	vmul.f32 v59, v15;
	v32 =	vadd.f32 v6, v5;
	v34, _, _ =	vpop (xrf2);
	v2 =	vadd.f32 v11, v2  }
0xc0: {  	v35 =	vbroadcast v12, $0xF;
	v6 =	vbroadcast v34, $0xF  }
0xc1: {  	v36 =	vbroadcast v18, $0xF;
	v37 =	vmul.f32 v17, v14;
	(xrf2) =	vadd.scan.msk.f32 $0xffff, v32;
	v2 =	vadd.f32 v33, v2  }
0xc2: {  	v4 =	vbroadcast v61, $0xF;
	v39, _, _ =	vpop (xrf2);
	v38 =	vsel vm0, v35, v6  }
0xc3: {  	v6 =	vbroadcast v39, $0xF;
	v1 =	vsel vm1, v38, v36;
	v2 =	vadd.f32 v37, v2  }
0xc4: {  	v40 =	vbroadcast v60, $0xF;
	v1 =	vsel vm2, v1, v4  }
0xc5: {  	v41 =	vbroadcast v16, $0xF;
	v42, _, _ =	vpop (xrf2);
	v1 =	vsel vm3, v1, v6;
	(xrf2) =	vadd.scan.msk.f32 $0xffff, v2  }
0xc6: {  	v43 =	vbroadcast v42, $0xF;
	v1 =	vsel vm4, v1, v40  }
0xc7: {  	v0 =	vbroadcast v57, $0xF;
	v1 =	vsel vm5, v1, v41  }
0xc8: {  	v44 =	vbroadcast v54, $0xF;
	v45, _, _ =	vpop (xrf2);
	v1 =	vsel vm6, v1, v43  }
0xc9: {  	v46 =	vbroadcast v45, $0xF;
	v0 =	vsel vm7, v1, v0  }
0xca: {  	v47 =	vbroadcast v13, $0xF;
	v0 =	vsel vm8, v0, v44  }
0xcb: {  	v48 =	vbroadcast v49, $0xF;
	v49, _, _ =	vpop (xrf2);
	v0 =	vsel vm9, v0, v46  }
0xcc: {  	v50 =	vbroadcast v49, $0xF;
	v0 =	vsel vm10, v0, v47  }
0xcd: {  	v51 =	vbroadcast v9, $0xF;
	v0 =	vsel vm11, v0, v48  }
0xce: {  	v0 =	vsel vm12, v0, v50  }
0xcf: {  	v0 =	vsel vm13, v0, v51;
	v52, _, _ =	vpop (xrf2)  }
0xd0: {  	v0 =	vsel vm14, v0, v52  }
0xd1: {  	s28 =	simm.s32 $0x7F0;
	[tilespmem:s24+$0x0] =	vst v0  }
0xd2: {  	v6 =	vld [tilespmem:s28+$0x31C0]  }
0xd3: {  	v9 =	vld [tilespmem:s28+$0xF9C0]  }
0xd4: {  	v0 =	vld [tilespmem:s28+$0x31D0]  }
0xd5: {  	v53 =	vld [tilespmem:s28+$0xF9D0]  }
0xd6: {  	v54 =	vld [tilespmem:s28+$0x31E0]  }
0xd7: {  	v55 =	vld [tilespmem:s28+$0xF9E0]  }
0xd8: {  	v56 =	vld [tilespmem:s28+$0x31B0]  }
0xd9: {  	v31 =	vld [tilespmem:s28+$0xF9B0]  }
0xda: {  	v11 =	vld [tilespmem:s28+$0x3140]  }
0xdb: {  	v12 =	vld [tilespmem:s28+$0xF940]  }
0xdc: {  	v57 =	vld [tilespmem:s28+$0x3170]  }
0xdd: {  	v26 =	vld [tilespmem:s28+$0x3190]  }
0xde: {  	v32 =	vld [tilespmem:s28+$0xF990]  }
0xdf: {  	v33 =	vld [tilespmem:s28+$0x31A0]  }
0xe0: {  	v34 =	vld [tilespmem:s28+$0xF9A0]  }
0xe1: {  	v14 =	vld [tilespmem:s28+$0x3100]  }
0xe2: {  	v23 =	vld [tilespmem:s28+$0xF900]  }
0xe3: {  	v58 =	vld [tilespmem:s28+$0x3130]  }
0xe4: {  	v63 =	vld [tilespmem:s28+$0xF930]  }
0xe5: {  	v59 =	vld [tilespmem:s28+$0x3150]  }
0xe6: {  	v60 =	vld [tilespmem:s28+$0xF950]  }
0xe7: {  	v61 =	vld [tilespmem:s28+$0x3160]  }
0xe8: {  	v62 =	vld [tilespmem:s28+$0xF960]  }
0xe9: {  	v36 =	vld [tilespmem:s28+$0x30F0]  }
0xea: {  	v35 =	vld [tilespmem:s28+$0xF8F0]  }
0xeb: {  	v43 =	vld [tilespmem:s28+$0x3110]  }
0xec: {  	v44 =	vld [tilespmem:s28+$0xF910]  }
0xed: {  	v45 =	vld [tilespmem:s28+$0x3120]  }
0xee: {  	v46 =	vld [tilespmem:s28+$0xF920]  }
0xef: {  	v5 =	vld [tilespmem:s28+$0x3080]  }
0xf0: {  	v7 =	vld [tilespmem:s28+$0xF880]  }
0xf1: {  	v4 =	vld [tilespmem:s28+$0x30B0]  }
0xf2: {  	v49 =	vld [tilespmem:s28+$0x30D0]  }
0xf3: {  	v1 =	vld [tilespmem:s28+$0xF8D0]  }
0xf4: {  	v2 =	vld [tilespmem:s28+$0x30E0]  }
0xf5: {  	v52 =	vld [tilespmem:s28+$0xF8E0]  }
0xf6: {  	v3 =	vld [tilespmem:s28+$0x3040]  }
0xf7: {  	v8 =	vld [tilespmem:s28+$0x3090]  }
0xf8: {  	v10 =	vld [tilespmem:s28+$0xF890]  }
0xf9: {  	v37 =	vld [tilespmem:s28+$0x30A0]  }
0xfa: {  	v38 =	vld [tilespmem:s28+$0xF8A0]  }
0xfb: {  	v50 =	vld [tilespmem:s28+$0x3030]  }
0xfc: {  	v39 =	vld [tilespmem:s28+$0xF830]  }
0xfd: {  	v13 =	vld [tilespmem:s28+$0x2FC0]  }
0xfe: {  	v20 =	vld [tilespmem:s28+$0xF7C0]  }
0xff: {  	v40 =	vld [tilespmem:s28+$0x2FF0]  }
0x100: {  	v48 =	vld [tilespmem:s28+$0xF810]  }
0x101: {  	v47 =	vld [tilespmem:s28+$0xF820]  }
0x102: {  	v15 =	vld [tilespmem:s28+$0x2FD0]  }
0x103: {  	v16 =	vld [tilespmem:s28+$0xF7D0]  }
0x104: {  	v17 =	vld [tilespmem:s28+$0x2FE0]  }
0x105: {  	v18 =	vld [tilespmem:s28+$0xF7E0]  }
0x106: {  	v41 =	vld [tilespmem:s28+$0x2F70]  }
0x107: {  	v42 =	vld [tilespmem:s28+$0xF770]  }
0x108: {  	v22 =	vld [tilespmem:s28+$0xF790]  }
0x109: {  	v21 =	vld [tilespmem:s28+$0xF7A0]  }
0x10a: {  	v29 =	vld [tilespmem:s28+$0x2F00]  }
0x10b: {  	v30 =	vld [tilespmem:s28+$0xF700]  }
0x10c: {  	v19 =	vld [tilespmem:s28+$0x2F30]  }
0x10d: {  	v27 =	vld [tilespmem:s28+$0x2EC0]  }
0x10e: {  	v28 =	vld [tilespmem:s28+$0xF6C0]  }
0x10f: {  	v51 =	vld [tilespmem:s28+$0x2EF0]  }
0x110: {  	v24 =	vld [tilespmem:s28+$0xF710]  }
0x111: {  	v25 =	vld [tilespmem:s28+$0x2F20]  }
0x112: {  	[tilespmem:$0x1FF30] =	vst v4;
	v4 =	vld [tilespmem:s28+$0xF840]  }
0x113: {  	[tilespmem:$0x1FFA0] =	vst v58;
	v58 =	vld [tilespmem:s28+$0x3070]  }
0x114: {  	[tilespmem:$0x1FEE0] =	vst v57;
	v57 =	vld [tilespmem:s28+$0xF870]  }
0x115: {  	[tilespmem:$0x1FEF0] =	vst v59;
	v59 =	vld [tilespmem:s28+$0x3050]  }
0x116: {  	[tilespmem:$0x1FF00] =	vst v60;
	v60 =	vld [tilespmem:s28+$0xF850]  }
0x117: {  	[tilespmem:$0x1FF10] =	vst v61;
	v61 =	vld [tilespmem:s28+$0x3060]  }
0x118: {  	[tilespmem:$0x1FF20] =	vst v62;
	v62 =	vld [tilespmem:s28+$0xF860]  }
0x119: {  	[tilespmem:$0x1FEC0] =	vst v54;
	v54 =	vld [tilespmem:s28+$0x3010]  }
0x11a: {  	[tilespmem:$0x1FEB0] =	vst v53;
	v53 =	vld [tilespmem:s28+$0x3020]  }
0x11b: {  	[tilespmem:$0x1FF40] =	vst v8;
	v8 =	vld [tilespmem:s28+$0x2F80]  }
0x11c: {  	[tilespmem:$0x1FF50] =	vst v10;
	v10 =	vld [tilespmem:s28+$0xF780]  }
0x11d: {  	[tilespmem:$0x1FF90] =	vst v56;
	v56 =	vld [tilespmem:s28+$0x2FB0]  }
0x11e: {  	[tilespmem:$0x1FED0] =	vst v55;
	v55 =	vld [tilespmem:s28+$0xF7B0]  }
0x11f: {  	[tilespmem:$0x1FF70] =	vst v38;
	v38 =	vld [tilespmem:s28+$0x2F90]  }
0x120: {  	[tilespmem:$0x1FF60] =	vst v37;
	v37 =	vld [tilespmem:s28+$0x2FA0]  }
0x121: {  	[tilespmem:$0x1FFD0] =	vst v42;
	v42 =	vld [tilespmem:s28+$0x2F50]  }
0x122: {  	[tilespmem:$0x1FF80] =	vst v40;
	v40 =	vld [tilespmem:s28+$0xF750]  }
0x123: {  	[tilespmem:$0x1FFC0] =	vst v41;
	v41 =	vld [tilespmem:s28+$0x2F60]  }
0x124: {  	[tilespmem:$0x1FFB0] =	vst v39;
	v39 =	vld [tilespmem:s28+$0xF760]  }
0x125: {  	[tilespmem:$0x1FFE0] =	vst v51;
	v51 =	vld [tilespmem:s28+$0xF6F0]  }
0x126: {  	v32 =	vmul.f32 v32, v26;
	v26 =	vld [tilespmem:s28+$0xF720];
	v43 =	vmul.f32 v44, v43  }
0x127: {  	v44 =	vmul.f32 v46, v45;
	v45 =	vmul.f32 v1, v49;
	v49 =	vld [tilespmem:s28+$0x2EE0]  }
0x128: {  	v1 =	vld [tilespmem:s28+$0x2E90]  }
0x129: {  	v33 =	vmul.f32 v34, v33;
	v34 =	vld [tilespmem:$0x1FF90]  }
0x12a: {  	v46 =	vmul.f32 v52, v2;
	v52 =	vld [tilespmem:$0x1FFA0]  }
0x12b: {  	v5 =	vmul.f32 v7, v5;
	v7 =	vld [tilespmem:$0x1FFB0]  }
0x12c: {  	[tilespmem:$0x1FEA0] =	vst v0;
	v0 =	vadd.f32 v33, v32;
	v32 =	vld [tilespmem:s28+$0xF640]  }
0x12d: {  	v33 =	vld [tilespmem:s28+$0x2EB0]  }
0x12e: {  	v45 =	vadd.f32 v46, v45;
	v46 =	vld [tilespmem:s28+$0x2ED0]  }
0x12f: {  	v43 =	vadd.f32 v44, v43;
	v44 =	vld [tilespmem:s28+$0xF6D0]  }
0x130: {  	v6 =	vmul.f32 v9, v6;
	v35 =	vmul.f32 v35, v36;
	[tilespmem:$0x1FFF0] =	vst v51;
	v51 =	vld [tilespmem:s28+$0x2F10]  }
0x131: {  	v21 =	vmul.f32 v21, v37;
	v37 =	vld [tilespmem:s28+$0xF610];
	v34 =	vmul.f32 v31, v34  }
0x132: {  	v22 =	vmul.f32 v22, v38;
	v38 =	vld [tilespmem:s28+$0x2E10];
	v2 =	vmul.f32 v63, v52  }
0x133: {  	v11 =	vmul.f32 v12, v11;
	v39 =	vmul.f32 v39, v41;
	v41 =	vld [tilespmem:s28+$0xF620];
	v0 =	vadd.f32 v34, v0  }
0x134: {  	v35 =	vadd.f32 v35, v45;
	v40 =	vmul.f32 v40, v42;
	v31 =	vld [tilespmem:s28+$0x2E40];
	v9 =	vadd.f32 v2, v43  }
0x135: {  	v52 =	vmul.f32 v23, v14;
	v63 =	vmul.f32 v57, v58;
	v57 =	vld [tilespmem:$0x1FFC0];
	v0 =	vadd.f32 v6, v0  }
0x136: {  	v58 =	vld [tilespmem:$0x1FFD0];
	v36 =	vadd.f32 v11, v9  }
0x137: {  	v40 =	vadd.f32 v39, v40;
	v39 =	vld [tilespmem:s28+$0x2E20];
	v45 =	vadd.f32 v52, v35;
	(xrf2) =	vadd.scan.msk.f32 $0xffff, v0  }
0x138: {  	v60 =	vmul.f32 v60, v59;
	v62 =	vmul.f32 v62, v61;
	v34 =	vld [tilespmem:s28+$0xF6B0];
	(xrf2) =	vadd.scan.msk.f32 $0xffff, v36  }
0x139: {  	v48 =	vmul.f32 v48, v54;
	v47 =	vmul.f32 v47, v53;
	v43 =	vld [tilespmem:s28+$0xF6E0];
	(xrf2) =	vadd.scan.msk.f32 $0xffff, v45  }
0x13a: {  	v21 =	vadd.f32 v21, v22;
	v52 =	vld [tilespmem:s28+$0xF690]  }
0x13b: {  	v22 =	vmul.f32 v55, v56;
	v6 =	vadd.f32 v47, v48;
	v48 =	vld [tilespmem:s28+$0x2EA0];
	v0 =	vadd.f32 v62, v60  }
0x13c: {  	v9 =	vmul.f32 v7, v50;
	v11 =	vld [tilespmem:s28+$0xF6A0]  }
0x13d: {  	v21 =	vadd.f32 v22, v21;
	v22 =	vmul.f32 v20, v13;
	v62 =	vld [tilespmem:$0x1FFE0];
	v0 =	vadd.f32 v63, v0  }
0x13e: {  	v56 =	vmul.f32 v4, v3;
	v55 =	vadd.f32 v9, v6;
	v63 =	vld [tilespmem:$0x1FFF0]  }
0x13f: {  	v35 =	vld [tilespmem:s28+$0x2E30];
	v59 =	vmul.f32 v58, v57;
	v22 =	vadd.f32 v22, v21;
	v0 =	vadd.f32 v5, v0  }
0x140: {  	v44 =	vmul.f32 v44, v46;
	v36 =	vld [tilespmem:s28+$0xF630];
	v43 =	vmul.f32 v43, v49;
	v42 =	vadd.f32 v56, v55  }
0x141: {  	v61 =	vmul.f32 v10, v8;
	v60 =	vadd.f32 v59, v40;
	v40 =	vld [tilespmem:s28+$0x2E50];
	(xrf2) =	vadd.scan.msk.f32 $0xffff, v0;
	v54, _, _ =	vpop (xrf2)  }
0x142: {  	v47 =	vmul.f32 v52, v1;
	v45 =	vadd.f32 v43, v44;
	v43 =	vld [tilespmem:s28+$0x2E60];
	(xrf2) =	vadd.scan.msk.f32 $0xffff, v42;
	v21, _, _ =	vpop (xrf2)  }
0x143: {  	s30 =	simm.s32 $0x2FC0;
	s29 =	smov.u32 s24;
	s26 =	smul.u32 $0x320, s25;
	v48 =	vmul.f32 v11, v48;
	v44 =	vadd.f32 v61, v60;
	v46 =	vmul.f32 v63, v62;
	v42 =	vld [tilespmem:s28+$0xF650];
	(xrf2) =	vadd.scan.msk.f32 $0xffff, v22;
	v22, _, _ =	vpop (xrf2)  }
.LBB2_3:
0x144: {  	v49 =	vld [tilespmem:s28+$0xF660]  }
0x145: {  	v9 =	vld [tilespmem:s28+$0xF670]  }
0x146: {  	v10 =	vld [tilespmem:s28+$0x2E80]  }
0x147: {  	v50 =	vld [tilespmem:s28+$0xF740]  }
0x148: {  	v15 =	vmul.f32 v16, v15;
	v16 =	vmul.f32 v18, v17;
	v17 =	vld [tilespmem:s28+$0xF8B0]  }
0x149: {  	v52 =	vld [tilespmem:$0x1FF40]  }
0x14a: {  	v1 =	vld [tilespmem:$0x1FF50]  }
0x14b: {  	v53 =	vld [tilespmem:$0x1FF60]  }
0x14c: {  	v55 =	vld [tilespmem:$0x1FF70]  }
0x14d: {  	v12 =	vld [tilespmem:s28+$0xF970]  }
0x14e: {  	v56 =	vld [tilespmem:$0x1FF30]  }
0x14f: {  	v57 =	vld [tilespmem:s28+$0xF980]  }
0x150: {  	v58 =	vld [tilespmem:$0x1FEF0]  }
0x151: {  	v59 =	vld [tilespmem:$0x1FF00]  }
0x152: {  	v60 =	vld [tilespmem:$0x1FF10]  }
0x153: {  	v61 =	vld [tilespmem:$0x1FF20]  }
0x154: {  	v62 =	vld [tilespmem:$0x1FEE0];
	v45 =	vadd.f32 v46, v45;
	v0 =	vmul.f32 v30, v29;
	v33 =	vmul.f32 v34, v33  }
0x155: {  	v6 =	vadd.f32 v48, v47;
	v30 =	vld [tilespmem:s28+$0x2E70];
	v7 =	vmul.f32 v37, v38;
	v8 =	vmul.f32 v41, v39  }
0x156: {  	(xrf2) =	vadd.scan.msk.f32 $0xffff, v44;
	v47 =	vld [tilespmem:s28+$0xF730];
	v15 =	vadd.f32 v16, v15;
	v27 =	vmul.f32 v28, v27;
	v11 =	vmul.f32 v36, v35  }
0x157: {  	v44 =	vld [tilespmem:s28+$0xF680];
	v31 =	vmul.f32 v32, v31;
	v0 =	vadd.f32 v0, v45;
	v33 =	vadd.f32 v33, v6  }
0x158: {  	v48 =	vld [tilespmem:s28+$0x2F40];
	v46 =	vmul.f32 v49, v43;
	v28 =	vadd.f32 v8, v7;
	v45 =	vmul.f32 v42, v40  }
0x159: {  	v16 =	vld [tilespmem:s28+$0xF8C0];
	v23 =	vmul.f32 v24, v51;
	v24 =	vmul.f32 v26, v25;
	v29, _, _ =	vpop (xrf2);
	(xrf2) =	vadd.scan.msk.f32 $0xffff, v0;
	v27 =	vadd.f32 v27, v33  }
0x15a: {  	v25 =	vld [tilespmem:s28+$0xF7F0];
	v28 =	vadd.f32 v11, v28;
	v49 =	vadd.f32 v46, v45;
	v30 =	vmul.f32 v9, v30  }
0x15b: {  	v51 =	vld [tilespmem:$0x1FF80];
	v23 =	vadd.f32 v24, v23;
	v20 =	vmul.f32 v47, v19  }
0x15c: {  	v24 =	vld [tilespmem:s28+$0xF800];
	v39, _, _ =	vpop (xrf2);
	(xrf2) =	vadd.scan.msk.f32 $0xffff, v27;
	v27 =	vadd.f32 v31, v28;
	v28 =	vadd.f32 v30, v49;
	v30 =	vmul.f32 v44, v10  }
0x15d: {  	v31 =	vld [tilespmem:s28+$0x3000]  }
0x15e: {  	v32 =	vld [tilespmem:$0x1FEB0];
	v20 =	vadd.f32 v20, v23;
	v23 =	vmul.f32 v50, v48;
	v26, _, _ =	vpop (xrf2);
	(xrf2) =	vadd.scan.msk.f32 $0xffff, v27;
	v27 =	vadd.f32 v30, v28  }
0x15f: {  	v35 =	vld [tilespmem:$0x1FEC0];
	v11 =	vmul.f32 v55, v53;
	v10 =	vmul.f32 v1, v52  }
0x160: {  	v14 =	vmul.f32 v25, v51;
	v18, _, _ =	vpop (xrf2);
	v28 =	vld [tilespmem:s28+$0x30C0];
	(xrf2) =	vadd.scan.msk.f32 $0xffff, v27  }
0x161: {  	v36 =	vld [tilespmem:$0x1FED0];
	v9 =	vmul.f32 v17, v56;
	v20 =	vadd.f32 v23, v20;
	v10 =	vadd.f32 v11, v10  }
0x162: {  	v23 =	vld [tilespmem:s28+$0x3180];
	v14 =	vadd.f32 v14, v15;
	v15 =	vmul.f32 v24, v31  }
0x163: {  	v9 =	vadd.f32 v9, v10;
	v10 =	vld [tilespmem:$0x1FEA0];
	v13, _, _ =	vpop (xrf2);
	(xrf2) =	vadd.scan.msk.f32 $0xffff, v20  }
0x164: {  	v5 =	vmul.f32 v59, v58;
	v6 =	vmul.f32 v61, v60;
	v7 =	vld [tilespmem:s28+$0x31F0];
	v14 =	vadd.f32 v15, v14  }
0x165: {  	v15 =	vld [tilespmem:s28+$0xF9F0];
	v16 =	vmul.f32 v16, v28  }
0x166: {  	v63 =	vld [tilespmem:s28+$0x3200];
	v4 =	vmul.f32 v12, v62;
	v5 =	vadd.f32 v6, v5;
	v8, _, _ =	vpop (xrf2);
	(xrf2) =	vadd.scan.msk.f32 $0xffff, v14  }
0x167: {  	v3 =	vld [tilespmem:s28+$0xFA00];
	v0 =	vmul.f32 v36, v35;
	v9 =	vadd.f32 v16, v9  }
0x168: {  	v12 =	vadd.f32 v4, v5;
	v34 =	vmul.f32 v57, v23;
	v2 =	vmul.f32 v32, v10  }
0x169: {  	v33, _, _ =	vpop (xrf2);
	(xrf2) =	vadd.scan.msk.f32 $0xffff, v9  }
0x16a: {  	v37 =	vadd.f32 v34, v12;
	v0 =	vadd.f32 v0, v2;
	v38 =	vmul.f32 v15, v7;
	v40, _, _ =	vpop (xrf2)  }
0x16b: {  	v41 =	vbroadcast v33, $0xF;
	v42 =	vbroadcast v40, $0xF  }
0x16c: {  	v44 =	vmul.f32 v3, v63;
	v43 =	vbroadcast v8, $0xF;
	v0 =	vadd.f32 v38, v0;
	(xrf2) =	vadd.scan.msk.f32 $0xffff, v37  }
0x16d: {  	v46 =	vbroadcast v13, $0xF;
	v45 =	vsel vm0, v41, v42;
	v47, _, _ =	vpop (xrf2)  }
0x16e: {  	v0 =	vadd.f32 v44, v0;
	v1 =	vsel vm1, v45, v43;
	v48 =	vbroadcast v47, $0xF  }
0x16f: {  	v49 =	vbroadcast v18, $0xF;
	v1 =	vsel vm2, v1, v46  }
0x170: {  	v50 =	vbroadcast v26, $0xF;
	v51, _, _ =	vpop (xrf2);
	(xrf2) =	vadd.scan.msk.f32 $0xffff, v0;
	v1 =	vsel vm3, v1, v48  }
0x171: {  	v53 =	vbroadcast v51, $0xF;
	v52 =	vsel vm4, v1, v49  }
0x172: {  	v55 =	vbroadcast v39, $0xF;
	v0 =	vsel vm5, v52, v50  }
0x173: {  	v56 =	vbroadcast v29, $0xF;
	v57, _, _ =	vpop (xrf2);
	v0 =	vsel vm6, v0, v53  }
0x174: {  	v58 =	vbroadcast v57, $0xF;
	v0 =	vsel vm7, v0, v55  }
0x175: {  	v59 =	vbroadcast v22, $0xF;
	v0 =	vsel vm8, v0, v56  }
0x176: {  	v60 =	vbroadcast v21, $0xF;
	v61, _, _ =	vpop (xrf2);
	v0 =	vsel vm9, v0, v58  }
0x177: {  	v3 =	vbroadcast v61, $0xF;
	v0 =	vsel vm10, v0, v59  }
0x178: {  	v62 =	vbroadcast v54, $0xF;
	v0 =	vsel vm11, v0, v60  }
0x179: {  	v0 =	vsel vm12, v0, v3  }
0x17a: {  	v63, _, _ =	vpop (xrf2);
	v0 =	vsel vm13, v0, v62  }
0x17b: {  	s29 =	sadd.s32 $0x10, s29;
	v0 =	vsel vm14, v0, v63  }
0x17c: {  	s28 =	sshra.s32 s30, $0x2;
	[tilespmem:s29+$0x0] =	vst v0  }
0x17d: {  	v0 =	vld [tilespmem:s28+$0x31C0]  }
0x17e: {  	v21 =	vld [tilespmem:s28+$0xF9C0]  }
0x17f: {  	v4 =	vld [tilespmem:s28+$0x31D0]  }
0x180: {  	v5 =	vld [tilespmem:s28+$0xF9D0]  }
0x181: {  	v6 =	vld [tilespmem:s28+$0x31E0]  }
0x182: {  	v7 =	vld [tilespmem:s28+$0xF9E0]  }
0x183: {  	v26 =	vld [tilespmem:s28+$0x31B0]  }
0x184: {  	v31 =	vld [tilespmem:s28+$0xF9B0]  }
0x185: {  	v35 =	vld [tilespmem:s28+$0x3140]  }
0x186: {  	v37 =	vld [tilespmem:s28+$0xF940]  }
0x187: {  	v8 =	vld [tilespmem:s28+$0x3170]  }
0x188: {  	v24 =	vld [tilespmem:s28+$0x3190]  }
0x189: {  	v25 =	vld [tilespmem:s28+$0xF990]  }
0x18a: {  	v32 =	vld [tilespmem:s28+$0x31A0]  }
0x18b: {  	v48 =	vld [tilespmem:s28+$0xF9A0]  }
0x18c: {  	v9 =	vld [tilespmem:s28+$0x3100]  }
0x18d: {  	v22 =	vld [tilespmem:s28+$0xF900]  }
0x18e: {  	v33 =	vld [tilespmem:s28+$0x3130]  }
0x18f: {  	v34 =	vld [tilespmem:s28+$0xF930]  }
0x190: {  	v10 =	vld [tilespmem:s28+$0x3150]  }
0x191: {  	v11 =	vld [tilespmem:s28+$0xF950]  }
0x192: {  	v36 =	vld [tilespmem:s28+$0x3160]  }
0x193: {  	v38 =	vld [tilespmem:s28+$0xF960]  }
0x194: {  	v43 =	vld [tilespmem:s28+$0x30F0]  }
0x195: {  	v46 =	vld [tilespmem:s28+$0xF8F0]  }
0x196: {  	v53 =	vld [tilespmem:s28+$0x3110]  }
0x197: {  	v54 =	vld [tilespmem:s28+$0xF910]  }
0x198: {  	v55 =	vld [tilespmem:s28+$0x3120]  }
0x199: {  	v56 =	vld [tilespmem:s28+$0xF920]  }
0x19a: {  	v39 =	vld [tilespmem:s28+$0x3080]  }
0x19b: {  	v41 =	vld [tilespmem:s28+$0xF880]  }
0x19c: {  	v40 =	vld [tilespmem:s28+$0x30B0]  }
0x19d: {  	v57 =	vld [tilespmem:s28+$0x30D0]  }
0x19e: {  	v58 =	vld [tilespmem:s28+$0xF8D0]  }
0x19f: {  	v59 =	vld [tilespmem:s28+$0x30E0]  }
0x1a0: {  	v60 =	vld [tilespmem:s28+$0xF8E0]  }
0x1a1: {  	v42 =	vld [tilespmem:s28+$0x3040]  }
0x1a2: {  	v44 =	vld [tilespmem:s28+$0xF840]  }
0x1a3: {  	v52 =	vld [tilespmem:s28+$0xF870]  }
0x1a4: {  	v45 =	vld [tilespmem:s28+$0x3090]  }
0x1a5: {  	v47 =	vld [tilespmem:s28+$0xF890]  }
0x1a6: {  	v49 =	vld [tilespmem:s28+$0x30A0]  }
0x1a7: {  	v50 =	vld [tilespmem:s28+$0xF8A0]  }
0x1a8: {  	v61 =	vld [tilespmem:s28+$0x3050]  }
0x1a9: {  	v62 =	vld [tilespmem:s28+$0xF850]  }
0x1aa: {  	v63 =	vld [tilespmem:s28+$0x3060]  }
0x1ab: {  	v51 =	vld [tilespmem:s28+$0x2FF0]  }
0x1ac: {  	v1 =	vld [tilespmem:s28+$0x3010]  }
0x1ad: {  	v2 =	vld [tilespmem:s28+$0xF810]  }
0x1ae: {  	v3 =	vld [tilespmem:s28+$0x3020]  }
0x1af: {  	v23 =	vld [tilespmem:s28+$0xF7D0]  }
0x1b0: {  	v12 =	vld [tilespmem:s28+$0xF7A0]  }
0x1b1: {  	v29 =	vld [tilespmem:s28+$0x2F00]  }
0x1b2: {  	v30 =	vld [tilespmem:s28+$0xF700]  }
0x1b3: {  	v19 =	vld [tilespmem:s28+$0x2F30]  }
0x1b4: {  	v13 =	vld [tilespmem:s28+$0x2F50]  }
0x1b5: {  	v14 =	vld [tilespmem:s28+$0xF750]  }
0x1b6: {  	v15 =	vld [tilespmem:s28+$0x2F60]  }
0x1b7: {  	v16 =	vld [tilespmem:s28+$0xF760]  }
0x1b8: {  	v27 =	vld [tilespmem:s28+$0x2EC0]  }
0x1b9: {  	v28 =	vld [tilespmem:s28+$0xF6C0]  }
0x1ba: {  	v17 =	vld [tilespmem:s28+$0x2EF0]  }
0x1bb: {  	v18 =	vld [tilespmem:s28+$0xF6F0]  }
0x1bc: {  	[tilespmem:$0x1FF10] =	vst v36;
	v36 =	vld [tilespmem:s28+$0x3070]  }
0x1bd: {  	[tilespmem:$0x1FF60] =	vst v49;
	v49 =	vld [tilespmem:s28+$0x3030]  }
0x1be: {  	[tilespmem:$0x1FF20] =	vst v38;
	v38 =	vld [tilespmem:s28+$0xF830]  }
0x1bf: {  	[tilespmem:$0x1FCB0] =	vst v0;
	v0 =	vld [tilespmem:s28+$0xF860]  }
0x1c0: {  	[tilespmem:$0x1FF30] =	vst v40;
	v40 =	vld [tilespmem:s28+$0x2FC0]  }
0x1c1: {  	[tilespmem:$0x1FCD0] =	vst v39;
	v39 =	vld [tilespmem:s28+$0xF7C0]  }
0x1c2: {  	[tilespmem:$0x1FEA0] =	vst v4;
	v4 =	vld [tilespmem:s28+$0xF820]  }
0x1c3: {  	[tilespmem:$0x1FCE0] =	vst v42;
	v42 =	vld [tilespmem:s28+$0x2F80]  }
0x1c4: {  	[tilespmem:$0x1FF40] =	vst v45;
	v45 =	vld [tilespmem:s28+$0xF780]  }
0x1c5: {  	[tilespmem:$0x1FEB0] =	vst v5;
	v5 =	vld [tilespmem:s28+$0x2FB0]  }
0x1c6: {  	[tilespmem:$0x1FEC0] =	vst v6;
	v6 =	vld [tilespmem:s28+$0xF7B0]  }
0x1c7: {  	[tilespmem:$0x1FF70] =	vst v50;
	v50 =	vld [tilespmem:s28+$0x2FD0]  }
0x1c8: {  	[tilespmem:$0x1FF50] =	vst v47;
	v47 =	vld [tilespmem:s28+$0x2FE0]  }
0x1c9: {  	[tilespmem:$0x1FCF0] =	vst v44;
	v44 =	vld [tilespmem:s28+$0xF7E0]  }
0x1ca: {  	[tilespmem:$0x1FED0] =	vst v7;
	v7 =	vld [tilespmem:s28+$0x2F70]  }
0x1cb: {  	[tilespmem:$0x1FEE0] =	vst v8;
	v8 =	vld [tilespmem:s28+$0xF770]  }
0x1cc: {  	[tilespmem:$0x1FCC0] =	vst v9;
	v9 =	vld [tilespmem:s28+$0x2F90]  }
0x1cd: {  	[tilespmem:$0x1FEF0] =	vst v10;
	v10 =	vld [tilespmem:s28+$0xF790]  }
0x1ce: {  	[tilespmem:$0x1FF00] =	vst v11;
	v11 =	vld [tilespmem:s28+$0x2FA0]  }
0x1cf: {  	[tilespmem:$0x1FF80] =	vst v51;
	v51 =	vld [tilespmem:s28+$0x2F10]  }
0x1d0: {  	v20 =	vmul.f32 v25, v24;
	v24 =	vld [tilespmem:s28+$0xF710]  }
0x1d1: {  	v32 =	vmul.f32 v48, v32;
	v25 =	vld [tilespmem:s28+$0x2F20]  }
0x1d2: {  	v48 =	vmul.f32 v54, v53;
	v53 =	vmul.f32 v56, v55;
	v56 =	vld [tilespmem:$0x1FCB0]  }
0x1d3: {  	v60 =	vmul.f32 v60, v59;
	v59 =	vld [tilespmem:$0x1FCC0]  }
0x1d4: {  	v43 =	vmul.f32 v46, v43;
	v46 =	vld [tilespmem:$0x1FCF0]  }
0x1d5: {  	v20 =	vadd.f32 v32, v20;
	v32 =	vmul.f32 v31, v26;
	v26 =	vld [tilespmem:s28+$0xF720]  }
0x1d6: {  	v58 =	vmul.f32 v58, v57;
	v31 =	vld [tilespmem:s28+$0x2E40]  }
0x1d7: {  	v48 =	vadd.f32 v53, v48;
	v53 =	vmul.f32 v34, v33;
	v33 =	vld [tilespmem:s28+$0x2EB0]  }
0x1d8: {  	v34 =	vld [tilespmem:s28+$0xF6B0];
	v57 =	vadd.f32 v60, v58  }
0x1d9: {  	v20 =	vadd.f32 v32, v20;
	v32 =	vld [tilespmem:s28+$0xF640]  }
0x1da: {  	v35 =	vmul.f32 v37, v35;
	v37 =	vadd.f32 v43, v57;
	v43 =	vld [tilespmem:s28+$0xF6E0]  }
0x1db: {  	v60 =	vmul.f32 v52, v36;
	v36 =	vld [tilespmem:s28+$0xF630];
	v21 =	vmul.f32 v21, v56  }
0x1dc: {  	v58 =	vmul.f32 v62, v61;
	v0 =	vmul.f32 v0, v63;
	v63 =	vld [tilespmem:$0x1FCD0]  }
0x1dd: {  	v61 =	vmul.f32 v4, v3;
	v3 =	vld [tilespmem:s28+$0xF690];
	v20 =	vadd.f32 v21, v20;
	v21 =	vadd.f32 v53, v48  }
0x1de: {  	v22 =	vmul.f32 v22, v59;
	v59 =	vmul.f32 v39, v40;
	v39 =	vld [tilespmem:s28+$0x2E20]  }
0x1df: {  	v40 =	vld [tilespmem:s28+$0x2E50];
	v21 =	vadd.f32 v35, v21  }
0x1e0: {  	v48 =	vld [tilespmem:s28+$0x2ED0];
	v62 =	vadd.f32 v22, v37;
	(xrf2) =	vadd.scan.msk.f32 $0xffff, v20  }
0x1e1: {  	v53 =	vld [tilespmem:s28+$0x2EE0];
	(xrf2) =	vadd.scan.msk.f32 $0xffff, v21  }
0x1e2: {  	v0 =	vadd.f32 v0, v58;
	v4 =	vmul.f32 v41, v63;
	v41 =	vld [tilespmem:$0x1FCE0];
	(xrf2) =	vadd.scan.msk.f32 $0xffff, v62  }
0x1e3: {  	v1 =	vmul.f32 v2, v1;
	v9 =	vmul.f32 v10, v9;
	v22 =	vld [tilespmem:s28+$0x2E90]  }
0x1e4: {  	v37 =	vmul.f32 v38, v49;
	v38 =	vmul.f32 v12, v11;
	v0 =	vadd.f32 v60, v0;
	v20 =	vld [tilespmem:s28+$0xF6D0]  }
0x1e5: {  	v57 =	vmul.f32 v16, v15;
	v5 =	vmul.f32 v6, v5;
	v1 =	vadd.f32 v61, v1;
	v11 =	vld [tilespmem:s28+$0xF6A0]  }
0x1e6: {  	v49 =	vmul.f32 v14, v13;
	v35 =	vld [tilespmem:s28+$0x2E30];
	v9 =	vadd.f32 v38, v9;
	v0 =	vadd.f32 v4, v0  }
0x1e7: {  	p0 =	sne.s32 s30, $0x18FC0;
	v16 =	vmovc v23;
	v60 =	vmul.f32 v8, v7;
	v1 =	vadd.f32 v37, v1;
	v4 =	vld [tilespmem:s28+$0x2EA0];
	v2 =	vmul.f32 v46, v41  }
.Ltmp0:
0x1e8: {  	v37 =	vld [tilespmem:s28+$0xF610];
	v63 =	vmul.f32 v45, v42;
	v58 =	vadd.f32 v5, v9;
	(xrf2) =	vadd.scan.msk.f32 $0xffff, v0;
	v0 =	vadd.f32 v57, v49;
	(pc) =	sbr.rel @p0 .LBB2_3-.Ltmp0, $4  }
0x1e9: {  	v15 =	vmovc v50;
	v38 =	vld [tilespmem:s28+$0x2E10];
	v62 =	vmul.f32 v43, v53;
	v61 =	vmul.f32 v20, v48;
	v1 =	vadd.f32 v2, v1  }
0x1ea: {  	v42 =	vld [tilespmem:s28+$0xF650];
	v46 =	vmul.f32 v18, v17;
	v0 =	vadd.f32 v60, v0;
	v2 =	vadd.f32 v59, v58;
	v54, _, _ =	vpop (xrf2)  }
0x1eb: {  	v43 =	vld [tilespmem:s28+$0x2E60];
	v18 =	vmov v44;
	v17 =	vmov v47;
	v47 =	vmul.f32 v3, v22;
	(xrf2) =	vadd.scan.msk.f32 $0xffff, v1;
	v21, _, _ =	vpop (xrf2)  }
0x1ec: {  	s30 =	sadd.s32 $0x1000, s30;
	v41 =	vld [tilespmem:s28+$0xF620];
	v45 =	vadd.f32 v62, v61;
	v48 =	vmul.f32 v11, v4;
	v44 =	vadd.f32 v63, v0;
	(xrf2) =	vadd.scan.msk.f32 $0xffff, v2;
	v22, _, _ =	vpop (xrf2)  }
0x1ed: {  	v0 =	vld [tilespmem:s28+$0xF660]  }
0x1ee: {  	v1 =	vld [tilespmem:s28+$0x2E70]  }
0x1ef: {  	v4 =	vld [tilespmem:s28+$0xF670]  }
0x1f0: {  	v7 =	vld [tilespmem:s28+$0x2E80]  }
0x1f1: {  	v10 =	vld [tilespmem:s28+$0xF730]  }
0x1f2: {  	v12 =	vld [tilespmem:s28+$0x2F40]  }
0x1f3: {  	v14 =	vld [tilespmem:s28+$0xF7F0]  }
0x1f4: {  	v53 =	vld [tilespmem:s28+$0x3000]  }
0x1f5: {  	v58 =	vld [tilespmem:s28+$0xF800]  }
0x1f6: {  	v61 =	vld [tilespmem:s28+$0xF8B0]  }
0x1f7: {  	v63 =	vld [tilespmem:s28+$0x30C0]  }
0x1f8: {  	v13 =	vmul.f32 v32, v31;
	v32 =	vld [tilespmem:$0x1FF80]  }
0x1f9: {  	v6 =	vmul.f32 v34, v33;
	v33 =	vld [tilespmem:s28+$0xF8C0]  }
0x1fa: {  	v2 =	vadd.f32 v46, v45;
	v45 =	vld [tilespmem:s28+$0xF680]  }
0x1fb: {  	v5 =	vadd.f32 v48, v47;
	v48 =	vld [tilespmem:s28+$0xF740]  }
0x1fc: {  	v47 =	vmul.f32 v36, v35;
	v35 =	vld [tilespmem:$0x1FF40]  }
0x1fd: {  	v36 =	vld [tilespmem:$0x1FF50]  }
0x1fe: {  	v8 =	vmul.f32 v37, v38;
	v37 =	vld [tilespmem:$0x1FF60]  }
0x1ff: {  	v50 =	vmul.f32 v24, v51;
	v51 =	vmul.f32 v26, v25;
	v38 =	vld [tilespmem:$0x1FF70]  }
0x200: {  	v46 =	vmul.f32 v42, v40;
	v40 =	vld [tilespmem:s28+$0x3180];
	v9 =	vmul.f32 v41, v39  }
0x201: {  	v3 =	vmul.f32 v30, v29;
	v42 =	vld [tilespmem:$0x1FF30];
	v0 =	vmul.f32 v0, v43  }
0x202: {  	v11 =	vmul.f32 v28, v27;
	v56 =	vadd.f32 v51, v50;
	v51 =	vld [tilespmem:$0x1FEE0];
	v8 =	vadd.f32 v9, v8  }
0x203: {  	v5 =	vadd.f32 v6, v5;
	v39 =	vld [tilespmem:s28+$0xF970];
	v1 =	vmul.f32 v4, v1;
	v0 =	vadd.f32 v0, v46  }
0x204: {  	v2 =	vadd.f32 v3, v2;
	v43 =	vld [tilespmem:s28+$0xF980];
	v49 =	vadd.f32 v47, v8  }
0x205: {  	(xrf2) =	vadd.scan.msk.f32 $0xffff, v44;
	v5 =	vadd.f32 v11, v5;
	v52 =	vmul.f32 v45, v7;
	v45 =	vld [tilespmem:$0x1FEF0];
	v0 =	vadd.f32 v1, v0  }
0x206: {  	(xrf2) =	vadd.scan.msk.f32 $0xffff, v2;
	v57 =	vmul.f32 v10, v19;
	v4 =	vmul.f32 v48, v12;
	v12 =	vld [tilespmem:$0x1FF20];
	v55 =	vadd.f32 v13, v49  }
0x207: {  	v59 =	vmul.f32 v16, v15;
	v60 =	vmul.f32 v18, v17;
	(xrf2) =	vadd.scan.msk.f32 $0xffff, v5;
	v46 =	vld [tilespmem:$0x1FF00];
	v0 =	vadd.f32 v52, v0  }
0x208: {  	v62 =	vadd.f32 v57, v56;
	v47 =	vld [tilespmem:$0x1FF10];
	(xrf2) =	vadd.scan.msk.f32 $0xffff, v55  }
0x209: {  	v5 =	vmul.f32 v14, v32;
	v14 =	vld [tilespmem:$0x1FEB0];
	v1 =	vadd.f32 v60, v59;
	(xrf2) =	vadd.scan.msk.f32 $0xffff, v0  }
0x20a: {  	v2 =	vmul.f32 v36, v35;
	v56 =	vld [tilespmem:$0x1FEC0];
	v34 =	vadd.f32 v4, v62;
	v4 =	vmul.f32 v38, v37  }
0x20b: {  	v3 =	vmul.f32 v58, v53;
	v1 =	vadd.f32 v5, v1;
	v55 =	vld [tilespmem:$0x1FEA0]  }
0x20c: {  	v41, _, _ =	vpop (xrf2);
	v57 =	vld [tilespmem:$0x1FED0];
	v2 =	vadd.f32 v4, v2;
	v4 =	vmul.f32 v61, v42;
	(xrf2) =	vadd.scan.msk.f32 $0xffff, v34  }
0x20d: {  	v44, _, _ =	vpop (xrf2);
	v49 =	vld [tilespmem:s28+$0xF9F0];
	v1 =	vadd.f32 v3, v1;
	v3 =	vmul.f32 v46, v45;
	v11 =	vmul.f32 v12, v47  }
0x20e: {  	v48 =	vmul.f32 v33, v63;
	v13, _, _ =	vpop (xrf2);
	v12 =	vld [tilespmem:s28+$0x31F0];
	v2 =	vadd.f32 v4, v2  }
0x20f: {  	v10 =	vmul.f32 v39, v51;
	v50, _, _ =	vpop (xrf2);
	v52 =	vld [tilespmem:s28+$0x3200];
	v3 =	vadd.f32 v11, v3;
	(xrf2) =	vadd.scan.msk.f32 $0xffff, v1  }
0x210: {  	v53, _, _ =	vpop (xrf2);
	v2 =	vadd.f32 v48, v2;
	v4 =	vmul.f32 v14, v55;
	v14 =	vld [tilespmem:s28+$0xFA00]  }
0x211: {  	v5 =	vmul.f32 v43, v40;
	v9 =	vmul.f32 v57, v56;
	v15, _, _ =	vpop (xrf2);
	v3 =	vadd.f32 v10, v3  }
0x212: {  	(xrf2) =	vadd.scan.msk.f32 $0xffff, v2;
	v58, _, _ =	vpop (xrf2)  }
0x213: {  	v61 =	vmul.f32 v49, v12;
	v59 =	vadd.f32 v5, v3;
	v60 =	vadd.f32 v9, v4;
	v62, _, _ =	vpop (xrf2)  }
0x214: {  	v63 =	vbroadcast v58, $0xF;
	v5 =	vbroadcast v62, $0xF  }
0x215: {  	v32 =	vbroadcast v15, $0xF;
	v3 =	vadd.f32 v61, v60;
	(xrf2) =	vadd.scan.msk.f32 $0xffff, v59;
	v33 =	vmul.f32 v14, v52  }
0x216: {  	v1 =	vbroadcast v53, $0xF;
	v35, _, _ =	vpop (xrf2);
	v34 =	vsel vm0, v63, v5  }
0x217: {  	v3 =	vadd.f32 v33, v3;
	v5 =	vbroadcast v35, $0xF;
	v2 =	vsel vm1, v34, v32  }
0x218: {  	v36 =	vbroadcast v50, $0xF;
	v1 =	vsel vm2, v2, v1  }
0x219: {  	v37 =	vbroadcast v13, $0xF;
	v38, _, _ =	vpop (xrf2);
	(xrf2) =	vadd.scan.msk.f32 $0xffff, v3;
	v1 =	vsel vm3, v1, v5  }
0x21a: {  	v39 =	vbroadcast v38, $0xF;
	v1 =	vsel vm4, v1, v36  }
0x21b: {  	v0 =	vbroadcast v44, $0xF;
	v1 =	vsel vm5, v1, v37  }
0x21c: {  	v40 =	vbroadcast v41, $0xF;
	v41, _, _ =	vpop (xrf2);
	v1 =	vsel vm6, v1, v39  }
0x21d: {  	v42 =	vbroadcast v41, $0xF;
	v0 =	vsel vm7, v1, v0  }
0x21e: {  	v43 =	vbroadcast v22, $0xF;
	v0 =	vsel vm8, v0, v40  }
0x21f: {  	v44 =	vbroadcast v21, $0xF;
	v45, _, _ =	vpop (xrf2);
	v0 =	vsel vm9, v0, v42  }
0x220: {  	v46 =	vbroadcast v45, $0xF;
	v0 =	vsel vm10, v0, v43  }
0x221: {  	v47 =	vbroadcast v54, $0xF;
	v0 =	vsel vm11, v0, v44  }
0x222: {  	v0 =	vsel vm12, v0, v46  }
0x223: {  	v48, _, _ =	vpop (xrf2);
	v0 =	vsel vm13, v0, v47  }
0x224: {  	s28 =	sadd.s32 $0x10, s29;
	v0 =	vsel vm14, v0, v48  }
0x225: {  	[tilespmem:s28+$0x0] =	vst v0;
	s28 =	sadd.s32 $0x320, s26  }
0x226: {  	[tilespmem:s12], [sflag:$0x1] =	stream.indirect.gather [hbm4b:s3+s11], $0x40, s28, s11, $0xb8;
	[tilespmem:$0x1DB00] =	vst v63  }
0x227: {  	s28 =	sadd.s32 $0x1C20, s26  }
0x228: {  	[tilespmem:s13], [sflag:$0x3] =	stream.indirect.gather [hbm4b:s4+s11], $0x40, s28, s11, $0xb8;
	[tilespmem:$0x1DB00] =	vst v63  }
0x229: {  	_ =	swait.ge [sflag:s19], $0x6400  }
0x22a: {  	[sflag:s19] =	ssyncset.done $0x0  }
0x22b: {  	[sflag:s19] =	ssyncadd.s32 $0xFFFF9C00  }
0x22c: {  	_ =	swait.ge [sflag:s20], $0x6400  }
0x22d: {  	[sflag:s20] =	ssyncset.done $0x0  }
0x22e: {  	s28 =	simm.s32 $0x3F0;
	[sflag:s20] =	ssyncadd.s32 $0xFFFF9C00  }
0x22f: {  	v20 =	vld [tilespmem:s28+$0x95C0]  }
0x230: {  	v21 =	vld [tilespmem:s28+$0x15DC0]  }
0x231: {  	v49 =	vld [tilespmem:s28+$0x95D0]  }
0x232: {  	v50 =	vld [tilespmem:s28+$0x15DD0]  }
0x233: {  	v51 =	vld [tilespmem:s28+$0x95E0]  }
0x234: {  	v52 =	vld [tilespmem:s28+$0x15DE0]  }
0x235: {  	v22 =	vld [tilespmem:s28+$0x95B0]  }
0x236: {  	v23 =	vld [tilespmem:s28+$0x15DB0]  }
0x237: {  	v24 =	vld [tilespmem:s28+$0x9540]  }
0x238: {  	v25 =	vld [tilespmem:s28+$0x15D40]  }
0x239: {  	v53 =	vld [tilespmem:s28+$0x9570]  }
0x23a: {  	v26 =	vld [tilespmem:s28+$0x9590]  }
0x23b: {  	v27 =	vld [tilespmem:s28+$0x15D90]  }
0x23c: {  	v28 =	vld [tilespmem:s28+$0x95A0]  }
0x23d: {  	v29 =	vld [tilespmem:s28+$0x15DA0]  }
0x23e: {  	v54 =	vld [tilespmem:s28+$0x9500]  }
0x23f: {  	v55 =	vld [tilespmem:s28+$0x15D00]  }
0x240: {  	v32 =	vld [tilespmem:s28+$0x9530]  }
0x241: {  	v33 =	vld [tilespmem:s28+$0x15D30]  }
0x242: {  	v56 =	vld [tilespmem:s28+$0x9550]  }
0x243: {  	v57 =	vld [tilespmem:s28+$0x15D50]  }
0x244: {  	v58 =	vld [tilespmem:s28+$0x9560]  }
0x245: {  	v59 =	vld [tilespmem:s28+$0x15D60]  }
0x246: {  	v34 =	vld [tilespmem:s28+$0x94F0]  }
0x247: {  	v35 =	vld [tilespmem:s28+$0x15CF0]  }
0x248: {  	v36 =	vld [tilespmem:s28+$0x9510]  }
0x249: {  	v37 =	vld [tilespmem:s28+$0x15D10]  }
0x24a: {  	v38 =	vld [tilespmem:s28+$0x9520]  }
0x24b: {  	v39 =	vld [tilespmem:s28+$0x15D20]  }
0x24c: {  	v40 =	vld [tilespmem:s28+$0x9480]  }
0x24d: {  	v41 =	vld [tilespmem:s28+$0x15C80]  }
0x24e: {  	v60 =	vld [tilespmem:s28+$0x94B0]  }
0x24f: {  	v42 =	vld [tilespmem:s28+$0x94D0]  }
0x250: {  	v43 =	vld [tilespmem:s28+$0x15CD0]  }
0x251: {  	v44 =	vld [tilespmem:s28+$0x94E0]  }
0x252: {  	v45 =	vld [tilespmem:s28+$0x15CE0]  }
0x253: {  	v46 =	vld [tilespmem:s28+$0x9440]  }
0x254: {  	v47 =	vld [tilespmem:s28+$0x15C40]  }
0x255: {  	v48 =	vld [tilespmem:s28+$0x9470]  }
0x256: {  	v61 =	vld [tilespmem:s28+$0x9490]  }
0x257: {  	v62 =	vld [tilespmem:s28+$0x15C90]  }
0x258: {  	v63 =	vld [tilespmem:s28+$0x94A0]  }
0x259: {  	v4 =	vld [tilespmem:s28+$0x15CA0]  }
0x25a: {  	v5 =	vld [tilespmem:s28+$0x93F0]  }
0x25b: {  	v13 =	vld [tilespmem:s28+$0x93B0]  }
0x25c: {  	v10 =	vld [tilespmem:s28+$0x15BB0]  }
0x25d: {  	v6 =	vld [tilespmem:s28+$0x93D0]  }
0x25e: {  	v7 =	vld [tilespmem:s28+$0x15BD0]  }
0x25f: {  	v8 =	vld [tilespmem:s28+$0x93E0]  }
0x260: {  	v9 =	vld [tilespmem:s28+$0x15BE0]  }
0x261: {  	v15 =	vld [tilespmem:s28+$0x9370]  }
0x262: {  	v14 =	vld [tilespmem:s28+$0x15B70]  }
0x263: {  	v3 =	vld [tilespmem:s28+$0x9390]  }
0x264: {  	v2 =	vld [tilespmem:s28+$0x15B90]  }
0x265: {  	v1 =	vld [tilespmem:s28+$0x93A0]  }
0x266: {  	v0 =	vld [tilespmem:s28+$0x15BA0]  }
0x267: {  	v17 =	vld [tilespmem:s28+$0x9300]  }
0x268: {  	v16 =	vld [tilespmem:s28+$0x15B00]  }
0x269: {  	v11 =	vld [tilespmem:s28+$0x9330]  }
0x26a: {  	v31 =	vld [tilespmem:s28+$0x92C0]  }
0x26b: {  	v30 =	vld [tilespmem:s28+$0x15AC0]  }
0x26c: {  	v19 =	vld [tilespmem:s28+$0x9240]  }
0x26d: {  	v18 =	vld [tilespmem:s28+$0x15A40]  }
0x26e: {  	v12 =	vld [tilespmem:s28+$0x92B0]  }
0x26f: {  	[tilespmem:$0x1FB10] =	vst v49;
	v49 =	vld [tilespmem:s28+$0x15C70]  }
0x270: {  	[tilespmem:$0x1FB20] =	vst v50;
	v50 =	vld [tilespmem:s28+$0x9430]  }
0x271: {  	[tilespmem:$0x1FB30] =	vst v51;
	v51 =	vld [tilespmem:s28+$0x15C30]  }
0x272: {  	[tilespmem:$0x1FB40] =	vst v52;
	v52 =	vld [tilespmem:s28+$0x9450]  }
0x273: {  	[tilespmem:$0x1FB00] =	vst v53;
	v53 =	vld [tilespmem:s28+$0x15C50]  }
0x274: {  	[tilespmem:$0x1F9B0] =	vst v54;
	v54 =	vld [tilespmem:s28+$0x9460]  }
0x275: {  	[tilespmem:$0x1F9C0] =	vst v55;
	v55 =	vld [tilespmem:s28+$0x15C60]  }
0x276: {  	[tilespmem:$0x1FAC0] =	vst v56;
	v56 =	vld [tilespmem:s28+$0x93C0]  }
0x277: {  	[tilespmem:$0x1FAD0] =	vst v57;
	v57 =	vld [tilespmem:s28+$0x15BC0]  }
0x278: {  	[tilespmem:$0x1FAE0] =	vst v58;
	v58 =	vld [tilespmem:s28+$0x9410]  }
0x279: {  	[tilespmem:$0x1FAF0] =	vst v59;
	v59 =	vld [tilespmem:s28+$0x15C10]  }
0x27a: {  	[tilespmem:$0x1FAB0] =	vst v60;
	v60 =	vld [tilespmem:s28+$0x9420]  }
0x27b: {  	[tilespmem:$0x1FA70] =	vst v61;
	v61 =	vld [tilespmem:s28+$0x15C20]  }
0x27c: {  	[tilespmem:$0x1FA80] =	vst v62;
	v62 =	vld [tilespmem:s28+$0x9380]  }
0x27d: {  	[tilespmem:$0x1FA90] =	vst v63;
	v63 =	vld [tilespmem:s28+$0x15B80]  }
0x27e: {  	[tilespmem:$0x1FA30] =	vst v7;
	v7 =	vld [tilespmem:s28+$0x9350]  }
0x27f: {  	[tilespmem:$0x1FA20] =	vst v6;
	v6 =	vld [tilespmem:s28+$0x15B50]  }
0x280: {  	[tilespmem:$0x1FA60] =	vst v5;
	v5 =	vld [tilespmem:s28+$0x9360]  }
0x281: {  	[tilespmem:$0x1FAA0] =	vst v4;
	v4 =	vld [tilespmem:s28+$0x15B60]  }
0x282: {  	[tilespmem:$0x1FA50] =	vst v9;
	v9 =	vld [tilespmem:s28+$0x92F0]  }
0x283: {  	[tilespmem:$0x1FA40] =	vst v8;
	v8 =	vld [tilespmem:s28+$0x15AF0]  }
0x284: {  	[tilespmem:$0x1FA10] =	vst v11;
	v11 =	vld [tilespmem:s28+$0x9310]  }
0x285: {  	v26 =	vmul.f32 v27, v26;
	v27 =	vmul.f32 v29, v28;
	v28 =	vld [tilespmem:s28+$0x92D0]  }
0x286: {  	v29 =	vmul.f32 v37, v36;
	v37 =	vld [tilespmem:s28+$0x15AD0]  }
0x287: {  	v22 =	vmul.f32 v23, v22;
	v23 =	vld [tilespmem:s28+$0x92E0]  }
0x288: {  	v24 =	vmul.f32 v25, v24;
	v25 =	vld [tilespmem:s28+$0x15A30]  }
0x289: {  	v36 =	vmul.f32 v39, v38;
	v39 =	vld [tilespmem:$0x1FA20]  }
0x28a: {  	v40 =	vmul.f32 v41, v40;
	v41 =	vld [tilespmem:$0x1FA40]  }
0x28b: {  	v20 =	vmul.f32 v21, v20;
	v21 =	vadd.f32 v36, v29;
	v29 =	vld [tilespmem:s28+$0x15AE0]  }
0x28c: {  	v26 =	vadd.f32 v27, v26;
	v27 =	vmul.f32 v33, v32;
	v33 =	vld [tilespmem:s28+$0x9230]  }
0x28d: {  	v36 =	vld [tilespmem:$0x1FA10]  }
0x28e: {  	v21 =	vadd.f32 v27, v21;
	v27 =	vld [tilespmem:s28+$0x9290]  }
0x28f: {  	[tilespmem:$0x1F9D0] =	vst v11;
	v11 =	vld [tilespmem:s28+$0x15B10]  }
0x290: {  	v22 =	vadd.f32 v22, v26;
	v26 =	vmul.f32 v43, v42;
	v43 =	vmul.f32 v53, v52;
	v52 =	vld [tilespmem:s28+$0x92A0]  }
0x291: {  	v53 =	vld [tilespmem:$0x1F9B0]  }
0x292: {  	v42 =	vmul.f32 v45, v44;
	v44 =	vmul.f32 v55, v54;
	v54 =	vld [tilespmem:$0x1F9C0]  }
0x293: {  	v45 =	vmul.f32 v61, v60;
	v60 =	vld [tilespmem:s28+$0x15A10]  }
0x294: {  	v61 =	vld [tilespmem:s28+$0x9210]  }
0x295: {  	v55 =	vmul.f32 v49, v48;
	v48 =	vmul.f32 v14, v15;
	v14 =	vld [tilespmem:s28+$0x9260]  }
0x296: {  	v49 =	vld [tilespmem:s28+$0x15A60]  }
0x297: {  	v21 =	vadd.f32 v24, v21;
	v24 =	vld [tilespmem:s28+$0x15A90]  }
0x298: {  	v20 =	vadd.f32 v20, v22;
	v22 =	vadd.f32 v42, v26;
	v42 =	vld [tilespmem:s28+$0x9220]  }
0x299: {  	v15 =	vmul.f32 v63, v62;
	v62 =	vld [tilespmem:$0x1F9D0]  }
0x29a: {  	v26 =	vmul.f32 v35, v34;
	v35 =	vld [tilespmem:s28+$0x9400]  }
0x29b: {  	v32 =	vadd.f32 v44, v43;
	v43 =	vmul.f32 v10, v13;
	v44 =	vld [tilespmem:s28+$0x15A20]  }
0x29c: {  	v13 =	vmul.f32 v29, v23;
	v23 =	vmul.f32 v57, v56;
	v56 =	vld [tilespmem:s28+$0x15B30]  }
0x29d: {  	[tilespmem:$0x1F9E0] =	vst v11;
	v11 =	vld [tilespmem:s28+$0x9320]  }
0x29e: {  	v22 =	vadd.f32 v26, v22;
	v26 =	vmul.f32 v59, v58;
	v58 =	vld [tilespmem:s28+$0x15AA0]  }
0x29f: {  	v59 =	vmul.f32 v51, v50;
	v51 =	vmul.f32 v16, v17;
	v16 =	vld [tilespmem:s28+$0x15A70]  }
0x2a0: {  	v32 =	vadd.f32 v55, v32;
	v55 =	vmul.f32 v49, v14;
	v14 =	vld [tilespmem:s28+$0x15B40]  }
0x2a1: {  	v38 =	vmul.f32 v54, v53;
	v26 =	vadd.f32 v45, v26;
	v50 =	vmul.f32 v24, v27;
	v24 =	vld [tilespmem:s28+$0x9270]  }
0x2a2: {  	v6 =	vmul.f32 v6, v7;
	v4 =	vmul.f32 v4, v5;
	v32 =	vadd.f32 v40, v32;
	[tilespmem:$0x1F9F0] =	vst v11;
	v11 =	vld [tilespmem:s28+$0x15B20]  }
0x2a3: {  	(xrf2) =	vadd.scan.msk.f32 $0xffff, v20;
	v40 =	vld [tilespmem:$0x1FA30];
	v38 =	vadd.f32 v38, v22;
	v22 =	vadd.f32 v59, v26;
	v26 =	vmul.f32 v47, v46  }
0x2a4: {  	v4 =	vadd.f32 v4, v6;
	(xrf2) =	vadd.scan.msk.f32 $0xffff, v21;
	v46 =	vld [tilespmem:s28+$0x9250]  }
0x2a5: {  	v2 =	vmul.f32 v2, v3;
	v0 =	vmul.f32 v0, v1;
	v45 =	vadd.f32 v26, v22;
	v22 =	vld [tilespmem:s28+$0x15A50];
	(xrf2) =	vadd.scan.msk.f32 $0xffff, v38  }
0x2a6: {  	v4 =	vadd.f32 v48, v4;
	(xrf2) =	vadd.scan.msk.f32 $0xffff, v32;
	v32 =	vld [tilespmem:$0x1F9F0]  }
0x2a7: {  	v0 =	vadd.f32 v0, v2;
	[tilespmem:$0x1FA00] =	vst v11;
	v11 =	vld [tilespmem:s28+$0x15AB0]  }
0x2a8: {  	v4 =	vadd.f32 v15, v4;
	v47 =	vmul.f32 v37, v28;
	v15 =	vld [tilespmem:$0x1FA00]  }
0x2a9: {  	v0 =	vadd.f32 v43, v0;
	v37 =	vld [tilespmem:s28+$0x15C00]  }
0x2aa: {  	v10 =	vmul.f32 v44, v42;
	v42 =	vld [tilespmem:$0x1FA50];
	v2 =	vadd.f32 v13, v47;
	v13 =	vmul.f32 v58, v52  }
0x2ab: {  	v1 =	vmul.f32 v60, v61;
	v0 =	vadd.f32 v23, v0;
	v47 =	vld [tilespmem:$0x1FA60]  }
0x2ac: {  	v6 =	vadd.f32 v13, v50;
	v13 =	vld [tilespmem:s28+$0x9340];
	v54 =	vmul.f32 v22, v46;
	v11 =	vmul.f32 v11, v12  }
0x2ad: {  	v1 =	vadd.f32 v10, v1;
	v58 =	vmul.f32 v25, v33;
	v10 =	vmul.f32 v15, v32;
	v15 =	vld [tilespmem:s28+$0x15BF0]  }
0x2ae: {  	v52 =	vld [tilespmem:s28+$0x15A80];
	(xrf2) =	vadd.scan.msk.f32 $0xffff, v45;
	v60 =	vmul.f32 v16, v24;
	v53 =	vadd.f32 v11, v6;
	v6 =	vadd.f32 v55, v54  }
0x2af: {  	v61 =	vadd.f32 v58, v1;
	(xrf2) =	vadd.scan.msk.f32 $0xffff, v0;
	v12 =	vld [tilespmem:s28+$0x9280]  }
0x2b0: {  	v58 =	vld [tilespmem:$0x1FAC0];
	(xrf2) =	vadd.scan.msk.f32 $0xffff, v4;
	v4 =	vmul.f32 v40, v39;
	v33 =	vadd.f32 v60, v6;
	v6 =	vmul.f32 v42, v41  }
0x2b1: {  	v45 =	vmul.f32 v14, v13;
	v14 =	vld [tilespmem:$0x1FAD0]  }
0x2b2: {  	v17 =	vld [tilespmem:$0x1FB20];
	v4 =	vadd.f32 v6, v4;
	v6 =	vmul.f32 v15, v47  }
0x2b3: {  	v63 =	vld [tilespmem:$0x1F9E0]  }
0x2b4: {  	v5 =	vmul.f32 v37, v35;
	v34 =	vmul.f32 v52, v12;
	v52 =	vld [tilespmem:$0x1FA90];
	v4 =	vadd.f32 v6, v4  }
0x2b5: {  	v15 =	vld [tilespmem:$0x1FAF0]  }
0x2b6: {  	v4 =	vadd.f32 v5, v4;
	v5 =	vmul.f32 v14, v58;
	v14 =	vld [tilespmem:$0x1FAE0]  }
0x2b7: {  	v8 =	vmul.f32 v8, v9;
	v12 =	vld [tilespmem:$0x1FAA0]  }
0x2b8: {  	v43 =	vld [tilespmem:s28+$0x15CB0]  }
0x2b9: {  	v48 =	vld [tilespmem:s28+$0x15CC0];
	v2 =	vadd.f32 v8, v2  }
0x2ba: {  	v57 =	vmul.f32 v30, v31;
	v50 =	vld [tilespmem:$0x1FA70]  }
0x2bb: {  	v59 =	vmul.f32 v18, v19;
	v2 =	vadd.f32 v51, v2;
	v51 =	vld [tilespmem:$0x1FA80];
	v14 =	vmul.f32 v15, v14  }
0x2bc: {  	v1 =	vmul.f32 v63, v62;
	v11 =	vmul.f32 v12, v52;
	v12 =	vld [tilespmem:s28+$0x15D70]  }
0x2bd: {  	v3 =	vadd.f32 v57, v53;
	v5 =	vadd.f32 v14, v5;
	v14 =	vld [tilespmem:$0x1FB00]  }
0x2be: {  	v0 =	vadd.f32 v59, v61;
	(xrf2) =	vadd.scan.msk.f32 $0xffff, v2;
	v2 =	vmul.f32 v56, v36;
	v55 =	vld [tilespmem:$0x1FAB0];
	v1 =	vadd.f32 v10, v1  }
0x2bf: {  	v62 =	vld [tilespmem:$0x1FB10];
	(xrf2) =	vadd.scan.msk.f32 $0xffff, v3;
	v38 =	vadd.f32 v34, v33  }
0x2c0: {  	v46 =	vld [tilespmem:s28+$0x94C0];
	v44 =	vadd.f32 v2, v1;
	(xrf2) =	vadd.scan.msk.f32 $0xffff, v0  }
0x2c1: {  	v63 =	vld [tilespmem:$0x1FB30];
	v9, _, _ =	vpop (xrf2);
	v1 =	vmul.f32 v51, v50;
	(xrf2) =	vadd.scan.msk.f32 $0xffff, v38  }
0x2c2: {  	v49, _, _ =	vpop (xrf2);
	v56 =	vld [tilespmem:s28+$0x15D80];
	v0 =	vadd.f32 v45, v44;
	v12 =	vmul.f32 v12, v14  }
0x2c3: {  	v13, _, _ =	vpop (xrf2);
	v53 =	vld [tilespmem:s28+$0x9580];
	v8 =	vmul.f32 v43, v55;
	v1 =	vadd.f32 v11, v1  }
0x2c4: {  	v54, _, _ =	vpop (xrf2);
	(xrf2) =	vadd.scan.msk.f32 $0xffff, v0;
	v5 =	vadd.f32 v12, v5;
	v12 =	vld [tilespmem:$0x1FB40]  }
0x2c5: {  	v59 =	vld [tilespmem:s28+$0x15DF0];
	v57, _, _ =	vpop (xrf2);
	v2 =	vmul.f32 v48, v46;
	v1 =	vadd.f32 v8, v1  }
0x2c6: {  	v16, _, _ =	vpop (xrf2);
	v15 =	vld [tilespmem:s28+$0x95F0]  }
0x2c7: {  	v60, _, _ =	vpop (xrf2);
	(xrf2) =	vadd.scan.msk.f32 $0xffff, v4;
	v1 =	vadd.f32 v2, v1;
	v2 =	vmul.f32 v17, v62;
	v17 =	vld [tilespmem:s28+$0x15E00]  }
0x2c8: {  	v61, _, _ =	vpop (xrf2);
	v14 =	vld [tilespmem:s28+$0x9600]  }
0x2c9: {  	v6 =	vmul.f32 v56, v53;
	v18, _, _ =	vpop (xrf2);
	v11 =	vmul.f32 v12, v63  }
0x2ca: {  	(xrf2) =	vadd.scan.msk.f32 $0xffff, v1;
	v12, _, _ =	vpop (xrf2)  }
0x2cb: {  	v33 =	vmul.f32 v59, v15;
	v32 =	vadd.f32 v6, v5;
	v34, _, _ =	vpop (xrf2);
	v2 =	vadd.f32 v11, v2  }
0x2cc: {  	v35 =	vbroadcast v12, $0xF;
	v6 =	vbroadcast v34, $0xF  }
0x2cd: {  	v36 =	vbroadcast v18, $0xF;
	v37 =	vmul.f32 v17, v14;
	(xrf2) =	vadd.scan.msk.f32 $0xffff, v32;
	v2 =	vadd.f32 v33, v2  }
0x2ce: {  	v4 =	vbroadcast v61, $0xF;
	v39, _, _ =	vpop (xrf2);
	v38 =	vsel vm0, v35, v6  }
0x2cf: {  	v6 =	vbroadcast v39, $0xF;
	v1 =	vsel vm1, v38, v36;
	v2 =	vadd.f32 v37, v2  }
0x2d0: {  	v40 =	vbroadcast v60, $0xF;
	v1 =	vsel vm2, v1, v4  }
0x2d1: {  	v41 =	vbroadcast v16, $0xF;
	v42, _, _ =	vpop (xrf2);
	v1 =	vsel vm3, v1, v6;
	(xrf2) =	vadd.scan.msk.f32 $0xffff, v2  }
0x2d2: {  	v43 =	vbroadcast v42, $0xF;
	v1 =	vsel vm4, v1, v40  }
0x2d3: {  	v0 =	vbroadcast v57, $0xF;
	v1 =	vsel vm5, v1, v41  }
0x2d4: {  	v44 =	vbroadcast v54, $0xF;
	v45, _, _ =	vpop (xrf2);
	v1 =	vsel vm6, v1, v43  }
0x2d5: {  	v46 =	vbroadcast v45, $0xF;
	v0 =	vsel vm7, v1, v0  }
0x2d6: {  	v47 =	vbroadcast v13, $0xF;
	v0 =	vsel vm8, v0, v44  }
0x2d7: {  	v48 =	vbroadcast v49, $0xF;
	v49, _, _ =	vpop (xrf2);
	v0 =	vsel vm9, v0, v46  }
0x2d8: {  	v50 =	vbroadcast v49, $0xF;
	v0 =	vsel vm10, v0, v47  }
0x2d9: {  	v51 =	vbroadcast v9, $0xF;
	v0 =	vsel vm11, v0, v48  }
0x2da: {  	v0 =	vsel vm12, v0, v50  }
0x2db: {  	v0 =	vsel vm13, v0, v51;
	v52, _, _ =	vpop (xrf2)  }
0x2dc: {  	v0 =	vsel vm14, v0, v52  }
0x2dd: {  	s28 =	simm.s32 $0x7F0;
	[tilespmem:s23+$0x0] =	vst v0  }
0x2de: {  	v6 =	vld [tilespmem:s28+$0x95C0]  }
0x2df: {  	v9 =	vld [tilespmem:s28+$0x15DC0]  }
0x2e0: {  	v0 =	vld [tilespmem:s28+$0x95D0]  }
0x2e1: {  	v53 =	vld [tilespmem:s28+$0x15DD0]  }
0x2e2: {  	v54 =	vld [tilespmem:s28+$0x95E0]  }
0x2e3: {  	v55 =	vld [tilespmem:s28+$0x15DE0]  }
0x2e4: {  	v56 =	vld [tilespmem:s28+$0x95B0]  }
0x2e5: {  	v31 =	vld [tilespmem:s28+$0x15DB0]  }
0x2e6: {  	v11 =	vld [tilespmem:s28+$0x9540]  }
0x2e7: {  	v12 =	vld [tilespmem:s28+$0x15D40]  }
0x2e8: {  	v57 =	vld [tilespmem:s28+$0x9570]  }
0x2e9: {  	v26 =	vld [tilespmem:s28+$0x9590]  }
0x2ea: {  	v32 =	vld [tilespmem:s28+$0x15D90]  }
0x2eb: {  	v33 =	vld [tilespmem:s28+$0x95A0]  }
0x2ec: {  	v34 =	vld [tilespmem:s28+$0x15DA0]  }
0x2ed: {  	v14 =	vld [tilespmem:s28+$0x9500]  }
0x2ee: {  	v23 =	vld [tilespmem:s28+$0x15D00]  }
0x2ef: {  	v58 =	vld [tilespmem:s28+$0x9530]  }
0x2f0: {  	v63 =	vld [tilespmem:s28+$0x15D30]  }
0x2f1: {  	v59 =	vld [tilespmem:s28+$0x9550]  }
0x2f2: {  	v60 =	vld [tilespmem:s28+$0x15D50]  }
0x2f3: {  	v61 =	vld [tilespmem:s28+$0x9560]  }
0x2f4: {  	v62 =	vld [tilespmem:s28+$0x15D60]  }
0x2f5: {  	v36 =	vld [tilespmem:s28+$0x94F0]  }
0x2f6: {  	v35 =	vld [tilespmem:s28+$0x15CF0]  }
0x2f7: {  	v43 =	vld [tilespmem:s28+$0x9510]  }
0x2f8: {  	v44 =	vld [tilespmem:s28+$0x15D10]  }
0x2f9: {  	v45 =	vld [tilespmem:s28+$0x9520]  }
0x2fa: {  	v46 =	vld [tilespmem:s28+$0x15D20]  }
0x2fb: {  	v5 =	vld [tilespmem:s28+$0x9480]  }
0x2fc: {  	v7 =	vld [tilespmem:s28+$0x15C80]  }
0x2fd: {  	v4 =	vld [tilespmem:s28+$0x94B0]  }
0x2fe: {  	v49 =	vld [tilespmem:s28+$0x94D0]  }
0x2ff: {  	v1 =	vld [tilespmem:s28+$0x15CD0]  }
0x300: {  	v2 =	vld [tilespmem:s28+$0x94E0]  }
0x301: {  	v52 =	vld [tilespmem:s28+$0x15CE0]  }
0x302: {  	v3 =	vld [tilespmem:s28+$0x9440]  }
0x303: {  	v8 =	vld [tilespmem:s28+$0x9490]  }
0x304: {  	v10 =	vld [tilespmem:s28+$0x15C90]  }
0x305: {  	v37 =	vld [tilespmem:s28+$0x94A0]  }
0x306: {  	v38 =	vld [tilespmem:s28+$0x15CA0]  }
0x307: {  	v50 =	vld [tilespmem:s28+$0x9430]  }
0x308: {  	v39 =	vld [tilespmem:s28+$0x15C30]  }
0x309: {  	v13 =	vld [tilespmem:s28+$0x93C0]  }
0x30a: {  	v20 =	vld [tilespmem:s28+$0x15BC0]  }
0x30b: {  	v40 =	vld [tilespmem:s28+$0x93F0]  }
0x30c: {  	v48 =	vld [tilespmem:s28+$0x15C10]  }
0x30d: {  	v47 =	vld [tilespmem:s28+$0x15C20]  }
0x30e: {  	v15 =	vld [tilespmem:s28+$0x93D0]  }
0x30f: {  	v16 =	vld [tilespmem:s28+$0x15BD0]  }
0x310: {  	v17 =	vld [tilespmem:s28+$0x93E0]  }
0x311: {  	v18 =	vld [tilespmem:s28+$0x15BE0]  }
0x312: {  	v41 =	vld [tilespmem:s28+$0x9370]  }
0x313: {  	v42 =	vld [tilespmem:s28+$0x15B70]  }
0x314: {  	v22 =	vld [tilespmem:s28+$0x15B90]  }
0x315: {  	v21 =	vld [tilespmem:s28+$0x15BA0]  }
0x316: {  	v29 =	vld [tilespmem:s28+$0x9300]  }
0x317: {  	v30 =	vld [tilespmem:s28+$0x15B00]  }
0x318: {  	v19 =	vld [tilespmem:s28+$0x9330]  }
0x319: {  	v27 =	vld [tilespmem:s28+$0x92C0]  }
0x31a: {  	v28 =	vld [tilespmem:s28+$0x15AC0]  }
0x31b: {  	v51 =	vld [tilespmem:s28+$0x92F0]  }
0x31c: {  	v24 =	vld [tilespmem:s28+$0x15B10]  }
0x31d: {  	v25 =	vld [tilespmem:s28+$0x9320]  }
0x31e: {  	[tilespmem:$0x1FBE0] =	vst v4;
	v4 =	vld [tilespmem:s28+$0x15C40]  }
0x31f: {  	[tilespmem:$0x1FC50] =	vst v58;
	v58 =	vld [tilespmem:s28+$0x9470]  }
0x320: {  	[tilespmem:$0x1FB90] =	vst v57;
	v57 =	vld [tilespmem:s28+$0x15C70]  }
0x321: {  	[tilespmem:$0x1FBA0] =	vst v59;
	v59 =	vld [tilespmem:s28+$0x9450]  }
0x322: {  	[tilespmem:$0x1FBB0] =	vst v60;
	v60 =	vld [tilespmem:s28+$0x15C50]  }
0x323: {  	[tilespmem:$0x1FBC0] =	vst v61;
	v61 =	vld [tilespmem:s28+$0x9460]  }
0x324: {  	[tilespmem:$0x1FBD0] =	vst v62;
	v62 =	vld [tilespmem:s28+$0x15C60]  }
0x325: {  	[tilespmem:$0x1FB70] =	vst v54;
	v54 =	vld [tilespmem:s28+$0x9410]  }
0x326: {  	[tilespmem:$0x1FB60] =	vst v53;
	v53 =	vld [tilespmem:s28+$0x9420]  }
0x327: {  	[tilespmem:$0x1FBF0] =	vst v8;
	v8 =	vld [tilespmem:s28+$0x9380]  }
0x328: {  	[tilespmem:$0x1FC00] =	vst v10;
	v10 =	vld [tilespmem:s28+$0x15B80]  }
0x329: {  	[tilespmem:$0x1FC40] =	vst v56;
	v56 =	vld [tilespmem:s28+$0x93B0]  }
0x32a: {  	[tilespmem:$0x1FB80] =	vst v55;
	v55 =	vld [tilespmem:s28+$0x15BB0]  }
0x32b: {  	[tilespmem:$0x1FC20] =	vst v38;
	v38 =	vld [tilespmem:s28+$0x9390]  }
0x32c: {  	[tilespmem:$0x1FC10] =	vst v37;
	v37 =	vld [tilespmem:s28+$0x93A0]  }
0x32d: {  	[tilespmem:$0x1FC80] =	vst v42;
	v42 =	vld [tilespmem:s28+$0x9350]  }
0x32e: {  	[tilespmem:$0x1FC30] =	vst v40;
	v40 =	vld [tilespmem:s28+$0x15B50]  }
0x32f: {  	[tilespmem:$0x1FC70] =	vst v41;
	v41 =	vld [tilespmem:s28+$0x9360]  }
0x330: {  	[tilespmem:$0x1FC60] =	vst v39;
	v39 =	vld [tilespmem:s28+$0x15B60]  }
0x331: {  	[tilespmem:$0x1FC90] =	vst v51;
	v51 =	vld [tilespmem:s28+$0x15AF0]  }
0x332: {  	v32 =	vmul.f32 v32, v26;
	v26 =	vld [tilespmem:s28+$0x15B20];
	v43 =	vmul.f32 v44, v43  }
0x333: {  	v44 =	vmul.f32 v46, v45;
	v45 =	vmul.f32 v1, v49;
	v49 =	vld [tilespmem:s28+$0x92E0]  }
0x334: {  	v1 =	vld [tilespmem:s28+$0x9290]  }
0x335: {  	v33 =	vmul.f32 v34, v33;
	v34 =	vld [tilespmem:$0x1FC40]  }
0x336: {  	v46 =	vmul.f32 v52, v2;
	v52 =	vld [tilespmem:$0x1FC50]  }
0x337: {  	v5 =	vmul.f32 v7, v5;
	v7 =	vld [tilespmem:$0x1FC60]  }
0x338: {  	[tilespmem:$0x1FB50] =	vst v0;
	v0 =	vadd.f32 v33, v32;
	v32 =	vld [tilespmem:s28+$0x15A40]  }
0x339: {  	v33 =	vld [tilespmem:s28+$0x92B0]  }
0x33a: {  	v45 =	vadd.f32 v46, v45;
	v46 =	vld [tilespmem:s28+$0x92D0]  }
0x33b: {  	v43 =	vadd.f32 v44, v43;
	v44 =	vld [tilespmem:s28+$0x15AD0]  }
0x33c: {  	v6 =	vmul.f32 v9, v6;
	v35 =	vmul.f32 v35, v36;
	[tilespmem:$0x1FCA0] =	vst v51;
	v51 =	vld [tilespmem:s28+$0x9310]  }
0x33d: {  	v21 =	vmul.f32 v21, v37;
	v37 =	vld [tilespmem:s28+$0x15A10];
	v34 =	vmul.f32 v31, v34  }
0x33e: {  	v22 =	vmul.f32 v22, v38;
	v38 =	vld [tilespmem:s28+$0x9210];
	v2 =	vmul.f32 v63, v52  }
0x33f: {  	v11 =	vmul.f32 v12, v11;
	v39 =	vmul.f32 v39, v41;
	v41 =	vld [tilespmem:s28+$0x15A20];
	v0 =	vadd.f32 v34, v0  }
0x340: {  	v35 =	vadd.f32 v35, v45;
	v40 =	vmul.f32 v40, v42;
	v31 =	vld [tilespmem:s28+$0x9240];
	v9 =	vadd.f32 v2, v43  }
0x341: {  	v52 =	vmul.f32 v23, v14;
	v63 =	vmul.f32 v57, v58;
	v57 =	vld [tilespmem:$0x1FC70];
	v0 =	vadd.f32 v6, v0  }
0x342: {  	v58 =	vld [tilespmem:$0x1FC80];
	v36 =	vadd.f32 v11, v9  }
0x343: {  	v40 =	vadd.f32 v39, v40;
	v39 =	vld [tilespmem:s28+$0x9220];
	v45 =	vadd.f32 v52, v35;
	(xrf2) =	vadd.scan.msk.f32 $0xffff, v0  }
0x344: {  	v60 =	vmul.f32 v60, v59;
	v62 =	vmul.f32 v62, v61;
	v34 =	vld [tilespmem:s28+$0x15AB0];
	(xrf2) =	vadd.scan.msk.f32 $0xffff, v36  }
0x345: {  	v48 =	vmul.f32 v48, v54;
	v47 =	vmul.f32 v47, v53;
	v43 =	vld [tilespmem:s28+$0x15AE0];
	(xrf2) =	vadd.scan.msk.f32 $0xffff, v45  }
0x346: {  	v21 =	vadd.f32 v21, v22;
	v52 =	vld [tilespmem:s28+$0x15A90]  }
0x347: {  	v22 =	vmul.f32 v55, v56;
	v6 =	vadd.f32 v47, v48;
	v48 =	vld [tilespmem:s28+$0x92A0];
	v0 =	vadd.f32 v62, v60  }
0x348: {  	v9 =	vmul.f32 v7, v50;
	v11 =	vld [tilespmem:s28+$0x15AA0]  }
0x349: {  	v21 =	vadd.f32 v22, v21;
	v22 =	vmul.f32 v20, v13;
	v62 =	vld [tilespmem:$0x1FC90];
	v0 =	vadd.f32 v63, v0  }
0x34a: {  	v56 =	vmul.f32 v4, v3;
	v55 =	vadd.f32 v9, v6;
	v63 =	vld [tilespmem:$0x1FCA0]  }
0x34b: {  	v35 =	vld [tilespmem:s28+$0x9230];
	v59 =	vmul.f32 v58, v57;
	v22 =	vadd.f32 v22, v21;
	v0 =	vadd.f32 v5, v0  }
0x34c: {  	v44 =	vmul.f32 v44, v46;
	v36 =	vld [tilespmem:s28+$0x15A30];
	v43 =	vmul.f32 v43, v49;
	v42 =	vadd.f32 v56, v55  }
0x34d: {  	v61 =	vmul.f32 v10, v8;
	v60 =	vadd.f32 v59, v40;
	v40 =	vld [tilespmem:s28+$0x9250];
	(xrf2) =	vadd.scan.msk.f32 $0xffff, v0;
	v54, _, _ =	vpop (xrf2)  }
0x34e: {  	v47 =	vmul.f32 v52, v1;
	v45 =	vadd.f32 v43, v44;
	v43 =	vld [tilespmem:s28+$0x9260];
	(xrf2) =	vadd.scan.msk.f32 $0xffff, v42;
	v21, _, _ =	vpop (xrf2)  }
0x34f: {  	s30 =	simm.s32 $0x2FC0;
	s29 =	smov.u32 s23;
	v48 =	vmul.f32 v11, v48;
	v44 =	vadd.f32 v61, v60;
	v46 =	vmul.f32 v63, v62;
	v42 =	vld [tilespmem:s28+$0x15A50];
	(xrf2) =	vadd.scan.msk.f32 $0xffff, v22;
	v22, _, _ =	vpop (xrf2)  }
.LBB2_5:
0x350: {  	v49 =	vld [tilespmem:s28+$0x15A60]  }
0x351: {  	v9 =	vld [tilespmem:s28+$0x15A70]  }
0x352: {  	v10 =	vld [tilespmem:s28+$0x9280]  }
0x353: {  	v50 =	vld [tilespmem:s28+$0x15B40]  }
0x354: {  	v15 =	vmul.f32 v16, v15;
	v16 =	vmul.f32 v18, v17;
	v17 =	vld [tilespmem:s28+$0x15CB0]  }
0x355: {  	v52 =	vld [tilespmem:$0x1FBF0]  }
0x356: {  	v1 =	vld [tilespmem:$0x1FC00]  }
0x357: {  	v53 =	vld [tilespmem:$0x1FC10]  }
0x358: {  	v55 =	vld [tilespmem:$0x1FC20]  }
0x359: {  	v12 =	vld [tilespmem:s28+$0x15D70]  }
0x35a: {  	v56 =	vld [tilespmem:$0x1FBE0]  }
0x35b: {  	v57 =	vld [tilespmem:s28+$0x15D80]  }
0x35c: {  	v58 =	vld [tilespmem:$0x1FBA0]  }
0x35d: {  	v59 =	vld [tilespmem:$0x1FBB0]  }
0x35e: {  	v60 =	vld [tilespmem:$0x1FBC0]  }
0x35f: {  	v61 =	vld [tilespmem:$0x1FBD0]  }
0x360: {  	v62 =	vld [tilespmem:$0x1FB90];
	v45 =	vadd.f32 v46, v45;
	v0 =	vmul.f32 v30, v29;
	v33 =	vmul.f32 v34, v33  }
0x361: {  	v6 =	vadd.f32 v48, v47;
	v30 =	vld [tilespmem:s28+$0x9270];
	v7 =	vmul.f32 v37, v38;
	v8 =	vmul.f32 v41, v39  }
0x362: {  	(xrf2) =	vadd.scan.msk.f32 $0xffff, v44;
	v47 =	vld [tilespmem:s28+$0x15B30];
	v15 =	vadd.f32 v16, v15;
	v27 =	vmul.f32 v28, v27;
	v11 =	vmul.f32 v36, v35  }
0x363: {  	v44 =	vld [tilespmem:s28+$0x15A80];
	v31 =	vmul.f32 v32, v31;
	v0 =	vadd.f32 v0, v45;
	v33 =	vadd.f32 v33, v6  }
0x364: {  	v48 =	vld [tilespmem:s28+$0x9340];
	v46 =	vmul.f32 v49, v43;
	v28 =	vadd.f32 v8, v7;
	v45 =	vmul.f32 v42, v40  }
0x365: {  	v16 =	vld [tilespmem:s28+$0x15CC0];
	v23 =	vmul.f32 v24, v51;
	v24 =	vmul.f32 v26, v25;
	v29, _, _ =	vpop (xrf2);
	(xrf2) =	vadd.scan.msk.f32 $0xffff, v0;
	v27 =	vadd.f32 v27, v33  }
0x366: {  	v25 =	vld [tilespmem:s28+$0x15BF0];
	v28 =	vadd.f32 v11, v28;
	v49 =	vadd.f32 v46, v45;
	v30 =	vmul.f32 v9, v30  }
0x367: {  	v51 =	vld [tilespmem:$0x1FC30];
	v23 =	vadd.f32 v24, v23;
	v20 =	vmul.f32 v47, v19  }
0x368: {  	v24 =	vld [tilespmem:s28+$0x15C00];
	v39, _, _ =	vpop (xrf2);
	(xrf2) =	vadd.scan.msk.f32 $0xffff, v27;
	v27 =	vadd.f32 v31, v28;
	v28 =	vadd.f32 v30, v49;
	v30 =	vmul.f32 v44, v10  }
0x369: {  	v31 =	vld [tilespmem:s28+$0x9400]  }
0x36a: {  	v32 =	vld [tilespmem:$0x1FB60];
	v20 =	vadd.f32 v20, v23;
	v23 =	vmul.f32 v50, v48;
	v26, _, _ =	vpop (xrf2);
	(xrf2) =	vadd.scan.msk.f32 $0xffff, v27;
	v27 =	vadd.f32 v30, v28  }
0x36b: {  	v35 =	vld [tilespmem:$0x1FB70];
	v11 =	vmul.f32 v55, v53;
	v10 =	vmul.f32 v1, v52  }
0x36c: {  	v14 =	vmul.f32 v25, v51;
	v18, _, _ =	vpop (xrf2);
	v28 =	vld [tilespmem:s28+$0x94C0];
	(xrf2) =	vadd.scan.msk.f32 $0xffff, v27  }
0x36d: {  	v36 =	vld [tilespmem:$0x1FB80];
	v9 =	vmul.f32 v17, v56;
	v20 =	vadd.f32 v23, v20;
	v10 =	vadd.f32 v11, v10  }
0x36e: {  	v23 =	vld [tilespmem:s28+$0x9580];
	v14 =	vadd.f32 v14, v15;
	v15 =	vmul.f32 v24, v31  }
0x36f: {  	v9 =	vadd.f32 v9, v10;
	v10 =	vld [tilespmem:$0x1FB50];
	v13, _, _ =	vpop (xrf2);
	(xrf2) =	vadd.scan.msk.f32 $0xffff, v20  }
0x370: {  	v5 =	vmul.f32 v59, v58;
	v6 =	vmul.f32 v61, v60;
	v7 =	vld [tilespmem:s28+$0x95F0];
	v14 =	vadd.f32 v15, v14  }
0x371: {  	v15 =	vld [tilespmem:s28+$0x15DF0];
	v16 =	vmul.f32 v16, v28  }
0x372: {  	v63 =	vld [tilespmem:s28+$0x9600];
	v4 =	vmul.f32 v12, v62;
	v5 =	vadd.f32 v6, v5;
	v8, _, _ =	vpop (xrf2);
	(xrf2) =	vadd.scan.msk.f32 $0xffff, v14  }
0x373: {  	v3 =	vld [tilespmem:s28+$0x15E00];
	v0 =	vmul.f32 v36, v35;
	v9 =	vadd.f32 v16, v9  }
0x374: {  	v12 =	vadd.f32 v4, v5;
	v34 =	vmul.f32 v57, v23;
	v2 =	vmul.f32 v32, v10  }
0x375: {  	v33, _, _ =	vpop (xrf2);
	(xrf2) =	vadd.scan.msk.f32 $0xffff, v9  }
0x376: {  	v37 =	vadd.f32 v34, v12;
	v0 =	vadd.f32 v0, v2;
	v38 =	vmul.f32 v15, v7;
	v40, _, _ =	vpop (xrf2)  }
0x377: {  	v41 =	vbroadcast v33, $0xF;
	v42 =	vbroadcast v40, $0xF  }
0x378: {  	v44 =	vmul.f32 v3, v63;
	v43 =	vbroadcast v8, $0xF;
	v0 =	vadd.f32 v38, v0;
	(xrf2) =	vadd.scan.msk.f32 $0xffff, v37  }
0x379: {  	v46 =	vbroadcast v13, $0xF;
	v45 =	vsel vm0, v41, v42;
	v47, _, _ =	vpop (xrf2)  }
0x37a: {  	v0 =	vadd.f32 v44, v0;
	v1 =	vsel vm1, v45, v43;
	v48 =	vbroadcast v47, $0xF  }
0x37b: {  	v49 =	vbroadcast v18, $0xF;
	v1 =	vsel vm2, v1, v46  }
0x37c: {  	v50 =	vbroadcast v26, $0xF;
	v51, _, _ =	vpop (xrf2);
	(xrf2) =	vadd.scan.msk.f32 $0xffff, v0;
	v1 =	vsel vm3, v1, v48  }
0x37d: {  	v53 =	vbroadcast v51, $0xF;
	v52 =	vsel vm4, v1, v49  }
0x37e: {  	v55 =	vbroadcast v39, $0xF;
	v0 =	vsel vm5, v52, v50  }
0x37f: {  	v56 =	vbroadcast v29, $0xF;
	v57, _, _ =	vpop (xrf2);
	v0 =	vsel vm6, v0, v53  }
0x380: {  	v58 =	vbroadcast v57, $0xF;
	v0 =	vsel vm7, v0, v55  }
0x381: {  	v59 =	vbroadcast v22, $0xF;
	v0 =	vsel vm8, v0, v56  }
0x382: {  	v60 =	vbroadcast v21, $0xF;
	v61, _, _ =	vpop (xrf2);
	v0 =	vsel vm9, v0, v58  }
0x383: {  	v3 =	vbroadcast v61, $0xF;
	v0 =	vsel vm10, v0, v59  }
0x384: {  	v62 =	vbroadcast v54, $0xF;
	v0 =	vsel vm11, v0, v60  }
0x385: {  	v0 =	vsel vm12, v0, v3  }
0x386: {  	v63, _, _ =	vpop (xrf2);
	v0 =	vsel vm13, v0, v62  }
0x387: {  	s29 =	sadd.s32 $0x10, s29;
	v0 =	vsel vm14, v0, v63  }
0x388: {  	s28 =	sshra.s32 s30, $0x2;
	[tilespmem:s29+$0x0] =	vst v0  }
0x389: {  	v0 =	vld [tilespmem:s28+$0x95C0]  }
0x38a: {  	v21 =	vld [tilespmem:s28+$0x15DC0]  }
0x38b: {  	v4 =	vld [tilespmem:s28+$0x95D0]  }
0x38c: {  	v5 =	vld [tilespmem:s28+$0x15DD0]  }
0x38d: {  	v6 =	vld [tilespmem:s28+$0x95E0]  }
0x38e: {  	v7 =	vld [tilespmem:s28+$0x15DE0]  }
0x38f: {  	v26 =	vld [tilespmem:s28+$0x95B0]  }
0x390: {  	v31 =	vld [tilespmem:s28+$0x15DB0]  }
0x391: {  	v35 =	vld [tilespmem:s28+$0x9540]  }
0x392: {  	v37 =	vld [tilespmem:s28+$0x15D40]  }
0x393: {  	v8 =	vld [tilespmem:s28+$0x9570]  }
0x394: {  	v24 =	vld [tilespmem:s28+$0x9590]  }
0x395: {  	v25 =	vld [tilespmem:s28+$0x15D90]  }
0x396: {  	v32 =	vld [tilespmem:s28+$0x95A0]  }
0x397: {  	v48 =	vld [tilespmem:s28+$0x15DA0]  }
0x398: {  	v9 =	vld [tilespmem:s28+$0x9500]  }
0x399: {  	v22 =	vld [tilespmem:s28+$0x15D00]  }
0x39a: {  	v33 =	vld [tilespmem:s28+$0x9530]  }
0x39b: {  	v34 =	vld [tilespmem:s28+$0x15D30]  }
0x39c: {  	v10 =	vld [tilespmem:s28+$0x9550]  }
0x39d: {  	v11 =	vld [tilespmem:s28+$0x15D50]  }
0x39e: {  	v36 =	vld [tilespmem:s28+$0x9560]  }
0x39f: {  	v38 =	vld [tilespmem:s28+$0x15D60]  }
0x3a0: {  	v43 =	vld [tilespmem:s28+$0x94F0]  }
0x3a1: {  	v46 =	vld [tilespmem:s28+$0x15CF0]  }
0x3a2: {  	v53 =	vld [tilespmem:s28+$0x9510]  }
0x3a3: {  	v54 =	vld [tilespmem:s28+$0x15D10]  }
0x3a4: {  	v55 =	vld [tilespmem:s28+$0x9520]  }
0x3a5: {  	v56 =	vld [tilespmem:s28+$0x15D20]  }
0x3a6: {  	v39 =	vld [tilespmem:s28+$0x9480]  }
0x3a7: {  	v41 =	vld [tilespmem:s28+$0x15C80]  }
0x3a8: {  	v40 =	vld [tilespmem:s28+$0x94B0]  }
0x3a9: {  	v57 =	vld [tilespmem:s28+$0x94D0]  }
0x3aa: {  	v58 =	vld [tilespmem:s28+$0x15CD0]  }
0x3ab: {  	v59 =	vld [tilespmem:s28+$0x94E0]  }
0x3ac: {  	v60 =	vld [tilespmem:s28+$0x15CE0]  }
0x3ad: {  	v42 =	vld [tilespmem:s28+$0x9440]  }
0x3ae: {  	v44 =	vld [tilespmem:s28+$0x15C40]  }
0x3af: {  	v52 =	vld [tilespmem:s28+$0x15C70]  }
0x3b0: {  	v45 =	vld [tilespmem:s28+$0x9490]  }
0x3b1: {  	v47 =	vld [tilespmem:s28+$0x15C90]  }
0x3b2: {  	v49 =	vld [tilespmem:s28+$0x94A0]  }
0x3b3: {  	v50 =	vld [tilespmem:s28+$0x15CA0]  }
0x3b4: {  	v61 =	vld [tilespmem:s28+$0x9450]  }
0x3b5: {  	v62 =	vld [tilespmem:s28+$0x15C50]  }
0x3b6: {  	v63 =	vld [tilespmem:s28+$0x9460]  }
0x3b7: {  	v51 =	vld [tilespmem:s28+$0x93F0]  }
0x3b8: {  	v1 =	vld [tilespmem:s28+$0x9410]  }
0x3b9: {  	v2 =	vld [tilespmem:s28+$0x15C10]  }
0x3ba: {  	v3 =	vld [tilespmem:s28+$0x9420]  }
0x3bb: {  	v23 =	vld [tilespmem:s28+$0x15BD0]  }
0x3bc: {  	v12 =	vld [tilespmem:s28+$0x15BA0]  }
0x3bd: {  	v29 =	vld [tilespmem:s28+$0x9300]  }
0x3be: {  	v30 =	vld [tilespmem:s28+$0x15B00]  }
0x3bf: {  	v19 =	vld [tilespmem:s28+$0x9330]  }
0x3c0: {  	v13 =	vld [tilespmem:s28+$0x9350]  }
0x3c1: {  	v14 =	vld [tilespmem:s28+$0x15B50]  }
0x3c2: {  	v15 =	vld [tilespmem:s28+$0x9360]  }
0x3c3: {  	v16 =	vld [tilespmem:s28+$0x15B60]  }
0x3c4: {  	v27 =	vld [tilespmem:s28+$0x92C0]  }
0x3c5: {  	v28 =	vld [tilespmem:s28+$0x15AC0]  }
0x3c6: {  	v17 =	vld [tilespmem:s28+$0x92F0]  }
0x3c7: {  	v18 =	vld [tilespmem:s28+$0x15AF0]  }
0x3c8: {  	[tilespmem:$0x1FBC0] =	vst v36;
	v36 =	vld [tilespmem:s28+$0x9470]  }
0x3c9: {  	[tilespmem:$0x1FC10] =	vst v49;
	v49 =	vld [tilespmem:s28+$0x9430]  }
0x3ca: {  	[tilespmem:$0x1FBD0] =	vst v38;
	v38 =	vld [tilespmem:s28+$0x15C30]  }
0x3cb: {  	[tilespmem:$0x1F960] =	vst v0;
	v0 =	vld [tilespmem:s28+$0x15C60]  }
0x3cc: {  	[tilespmem:$0x1FBE0] =	vst v40;
	v40 =	vld [tilespmem:s28+$0x93C0]  }
0x3cd: {  	[tilespmem:$0x1F980] =	vst v39;
	v39 =	vld [tilespmem:s28+$0x15BC0]  }
0x3ce: {  	[tilespmem:$0x1FB50] =	vst v4;
	v4 =	vld [tilespmem:s28+$0x15C20]  }
0x3cf: {  	[tilespmem:$0x1F990] =	vst v42;
	v42 =	vld [tilespmem:s28+$0x9380]  }
0x3d0: {  	[tilespmem:$0x1FBF0] =	vst v45;
	v45 =	vld [tilespmem:s28+$0x15B80]  }
0x3d1: {  	[tilespmem:$0x1FB60] =	vst v5;
	v5 =	vld [tilespmem:s28+$0x93B0]  }
0x3d2: {  	[tilespmem:$0x1FB70] =	vst v6;
	v6 =	vld [tilespmem:s28+$0x15BB0]  }
0x3d3: {  	[tilespmem:$0x1FC20] =	vst v50;
	v50 =	vld [tilespmem:s28+$0x93D0]  }
0x3d4: {  	[tilespmem:$0x1FC00] =	vst v47;
	v47 =	vld [tilespmem:s28+$0x93E0]  }
0x3d5: {  	[tilespmem:$0x1F9A0] =	vst v44;
	v44 =	vld [tilespmem:s28+$0x15BE0]  }
0x3d6: {  	[tilespmem:$0x1FB80] =	vst v7;
	v7 =	vld [tilespmem:s28+$0x9370]  }
0x3d7: {  	[tilespmem:$0x1FB90] =	vst v8;
	v8 =	vld [tilespmem:s28+$0x15B70]  }
0x3d8: {  	[tilespmem:$0x1F970] =	vst v9;
	v9 =	vld [tilespmem:s28+$0x9390]  }
0x3d9: {  	[tilespmem:$0x1FBA0] =	vst v10;
	v10 =	vld [tilespmem:s28+$0x15B90]  }
0x3da: {  	[tilespmem:$0x1FBB0] =	vst v11;
	v11 =	vld [tilespmem:s28+$0x93A0]  }
0x3db: {  	[tilespmem:$0x1FC30] =	vst v51;
	v51 =	vld [tilespmem:s28+$0x9310]  }
0x3dc: {  	v20 =	vmul.f32 v25, v24;
	v24 =	vld [tilespmem:s28+$0x15B10]  }
0x3dd: {  	v32 =	vmul.f32 v48, v32;
	v25 =	vld [tilespmem:s28+$0x9320]  }
0x3de: {  	v48 =	vmul.f32 v54, v53;
	v53 =	vmul.f32 v56, v55;
	v56 =	vld [tilespmem:$0x1F960]  }
0x3df: {  	v60 =	vmul.f32 v60, v59;
	v59 =	vld [tilespmem:$0x1F970]  }
0x3e0: {  	v43 =	vmul.f32 v46, v43;
	v46 =	vld [tilespmem:$0x1F9A0]  }
0x3e1: {  	v20 =	vadd.f32 v32, v20;
	v32 =	vmul.f32 v31, v26;
	v26 =	vld [tilespmem:s28+$0x15B20]  }
0x3e2: {  	v58 =	vmul.f32 v58, v57;
	v31 =	vld [tilespmem:s28+$0x9240]  }
0x3e3: {  	v48 =	vadd.f32 v53, v48;
	v53 =	vmul.f32 v34, v33;
	v33 =	vld [tilespmem:s28+$0x92B0]  }
0x3e4: {  	v34 =	vld [tilespmem:s28+$0x15AB0];
	v57 =	vadd.f32 v60, v58  }
0x3e5: {  	v20 =	vadd.f32 v32, v20;
	v32 =	vld [tilespmem:s28+$0x15A40]  }
0x3e6: {  	v35 =	vmul.f32 v37, v35;
	v37 =	vadd.f32 v43, v57;
	v43 =	vld [tilespmem:s28+$0x15AE0]  }
0x3e7: {  	v60 =	vmul.f32 v52, v36;
	v36 =	vld [tilespmem:s28+$0x15A30];
	v21 =	vmul.f32 v21, v56  }
0x3e8: {  	v58 =	vmul.f32 v62, v61;
	v0 =	vmul.f32 v0, v63;
	v63 =	vld [tilespmem:$0x1F980]  }
0x3e9: {  	v61 =	vmul.f32 v4, v3;
	v3 =	vld [tilespmem:s28+$0x15A90];
	v20 =	vadd.f32 v21, v20;
	v21 =	vadd.f32 v53, v48  }
0x3ea: {  	v22 =	vmul.f32 v22, v59;
	v59 =	vmul.f32 v39, v40;
	v39 =	vld [tilespmem:s28+$0x9220]  }
0x3eb: {  	v40 =	vld [tilespmem:s28+$0x9250];
	v21 =	vadd.f32 v35, v21  }
0x3ec: {  	v48 =	vld [tilespmem:s28+$0x92D0];
	v62 =	vadd.f32 v22, v37;
	(xrf2) =	vadd.scan.msk.f32 $0xffff, v20  }
0x3ed: {  	v53 =	vld [tilespmem:s28+$0x92E0];
	(xrf2) =	vadd.scan.msk.f32 $0xffff, v21  }
0x3ee: {  	v0 =	vadd.f32 v0, v58;
	v4 =	vmul.f32 v41, v63;
	v41 =	vld [tilespmem:$0x1F990];
	(xrf2) =	vadd.scan.msk.f32 $0xffff, v62  }
0x3ef: {  	v1 =	vmul.f32 v2, v1;
	v9 =	vmul.f32 v10, v9;
	v22 =	vld [tilespmem:s28+$0x9290]  }
0x3f0: {  	v37 =	vmul.f32 v38, v49;
	v38 =	vmul.f32 v12, v11;
	v0 =	vadd.f32 v60, v0;
	v20 =	vld [tilespmem:s28+$0x15AD0]  }
0x3f1: {  	v57 =	vmul.f32 v16, v15;
	v5 =	vmul.f32 v6, v5;
	v1 =	vadd.f32 v61, v1;
	v11 =	vld [tilespmem:s28+$0x15AA0]  }
0x3f2: {  	v49 =	vmul.f32 v14, v13;
	v35 =	vld [tilespmem:s28+$0x9230];
	v9 =	vadd.f32 v38, v9;
	v0 =	vadd.f32 v4, v0  }
0x3f3: {  	p0 =	sne.s32 s30, $0x18FC0;
	v16 =	vmovc v23;
	v60 =	vmul.f32 v8, v7;
	v1 =	vadd.f32 v37, v1;
	v4 =	vld [tilespmem:s28+$0x92A0];
	v2 =	vmul.f32 v46, v41  }
.Ltmp1:
0x3f4: {  	v37 =	vld [tilespmem:s28+$0x15A10];
	v63 =	vmul.f32 v45, v42;
	v58 =	vadd.f32 v5, v9;
	(xrf2) =	vadd.scan.msk.f32 $0xffff, v0;
	v0 =	vadd.f32 v57, v49;
	(pc) =	sbr.rel @p0 .LBB2_5-.Ltmp1, $4  }
0x3f5: {  	v15 =	vmovc v50;
	v38 =	vld [tilespmem:s28+$0x9210];
	v62 =	vmul.f32 v43, v53;
	v61 =	vmul.f32 v20, v48;
	v1 =	vadd.f32 v2, v1  }
0x3f6: {  	v42 =	vld [tilespmem:s28+$0x15A50];
	v46 =	vmul.f32 v18, v17;
	v0 =	vadd.f32 v60, v0;
	v2 =	vadd.f32 v59, v58;
	v54, _, _ =	vpop (xrf2)  }
0x3f7: {  	v43 =	vld [tilespmem:s28+$0x9260];
	v18 =	vmov v44;
	v17 =	vmov v47;
	v47 =	vmul.f32 v3, v22;
	(xrf2) =	vadd.scan.msk.f32 $0xffff, v1;
	v21, _, _ =	vpop (xrf2)  }
0x3f8: {  	s30 =	sadd.s32 $0x1000, s30;
	v41 =	vld [tilespmem:s28+$0x15A20];
	v45 =	vadd.f32 v62, v61;
	v48 =	vmul.f32 v11, v4;
	v44 =	vadd.f32 v63, v0;
	(xrf2) =	vadd.scan.msk.f32 $0xffff, v2;
	v22, _, _ =	vpop (xrf2)  }
0x3f9: {  	v0 =	vld [tilespmem:s28+$0x15A60]  }
0x3fa: {  	v1 =	vld [tilespmem:s28+$0x9270]  }
0x3fb: {  	v4 =	vld [tilespmem:s28+$0x15A70]  }
0x3fc: {  	v7 =	vld [tilespmem:s28+$0x9280]  }
0x3fd: {  	v6 =	vmul.f32 v34, v33;
	v33 =	vld [tilespmem:s28+$0x15A80]  }
0x3fe: {  	v10 =	vld [tilespmem:s28+$0x15B30]  }
0x3ff: {  	v12 =	vld [tilespmem:s28+$0x9340]  }
0x400: {  	v14 =	vld [tilespmem:s28+$0x15BF0]  }
0x401: {  	v50 =	vld [tilespmem:s28+$0x15CB0]  }
0x402: {  	v52 =	vld [tilespmem:s28+$0x94C0]  }
0x403: {  	v53 =	vld [tilespmem:$0x1FC30]  }
0x404: {  	v55 =	vld [tilespmem:s28+$0x15CC0]  }
0x405: {  	v57 =	vld [tilespmem:$0x1FBF0]  }
0x406: {  	v58 =	vld [tilespmem:$0x1FC00]  }
0x407: {  	v59 =	vld [tilespmem:$0x1FC10]  }
0x408: {  	v60 =	vld [tilespmem:$0x1FC20]  }
0x409: {  	v61 =	vld [tilespmem:s28+$0x15D70]  }
0x40a: {  	v3 =	vmul.f32 v30, v29;
	v11 =	vmul.f32 v28, v27;
	v62 =	vld [tilespmem:s28+$0x9580]  }
0x40b: {  	v13 =	vmul.f32 v32, v31;
	v49 =	vmul.f32 v18, v17;
	v17 =	vld [tilespmem:$0x1FBE0]  }
0x40c: {  	v18 =	vld [tilespmem:s28+$0x15D80];
	v2 =	vadd.f32 v46, v45;
	v8 =	vmul.f32 v37, v38;
	v9 =	vmul.f32 v41, v39  }
0x40d: {  	v20 =	vld [tilespmem:$0x1FBA0];
	v5 =	vadd.f32 v48, v47;
	v34 =	vmul.f32 v42, v40;
	v0 =	vmul.f32 v0, v43  }
0x40e: {  	v23 =	vld [tilespmem:$0x1FBB0];
	v37 =	vmul.f32 v36, v35;
	v40 =	vmul.f32 v24, v51;
	v8 =	vadd.f32 v9, v8  }
0x40f: {  	v38 =	vld [tilespmem:s28+$0x15B40];
	v5 =	vadd.f32 v6, v5;
	v1 =	vmul.f32 v4, v1;
	v0 =	vadd.f32 v0, v34  }
0x410: {  	v31 =	vld [tilespmem:$0x1FB90];
	v2 =	vadd.f32 v3, v2;
	v41 =	vmul.f32 v26, v25;
	v39 =	vadd.f32 v37, v8  }
0x411: {  	(xrf2) =	vadd.scan.msk.f32 $0xffff, v44;
	v47 =	vld [tilespmem:s28+$0x15C00];
	v5 =	vadd.f32 v11, v5;
	v42 =	vmul.f32 v33, v7;
	v0 =	vadd.f32 v1, v0  }
0x412: {  	v43 =	vld [tilespmem:s28+$0x9400];
	(xrf2) =	vadd.scan.msk.f32 $0xffff, v2;
	v46 =	vmul.f32 v10, v19;
	v45 =	vadd.f32 v41, v40;
	v44 =	vadd.f32 v13, v39  }
0x413: {  	v48 =	vmul.f32 v16, v15;
	v24 =	vld [tilespmem:$0x1FBC0];
	(xrf2) =	vadd.scan.msk.f32 $0xffff, v5;
	v0 =	vadd.f32 v42, v0  }
0x414: {  	v25 =	vld [tilespmem:$0x1FBD0];
	v4 =	vmul.f32 v38, v12;
	v51 =	vadd.f32 v46, v45;
	(xrf2) =	vadd.scan.msk.f32 $0xffff, v44  }
0x415: {  	v35 =	vld [tilespmem:$0x1FB60];
	v5 =	vmul.f32 v14, v53;
	v1 =	vadd.f32 v49, v48;
	(xrf2) =	vadd.scan.msk.f32 $0xffff, v0  }
0x416: {  	v2 =	vmul.f32 v58, v57;
	v38 =	vld [tilespmem:$0x1FB70];
	v56 =	vadd.f32 v4, v51;
	v4 =	vmul.f32 v60, v59  }
0x417: {  	v34 =	vld [tilespmem:$0x1FB50];
	v3 =	vmul.f32 v47, v43;
	v1 =	vadd.f32 v5, v1  }
0x418: {  	v63, _, _ =	vpop (xrf2);
	v39 =	vld [tilespmem:$0x1FB80];
	v2 =	vadd.f32 v4, v2;
	v4 =	vmul.f32 v50, v17;
	(xrf2) =	vadd.scan.msk.f32 $0xffff, v56  }
0x419: {  	v29 =	vld [tilespmem:s28+$0x15DF0];
	v19, _, _ =	vpop (xrf2);
	v11 =	vmul.f32 v25, v24;
	v1 =	vadd.f32 v3, v1;
	v3 =	vmul.f32 v23, v20  }
0x41a: {  	v26 =	vld [tilespmem:s28+$0x95F0];
	v28 =	vmul.f32 v55, v52;
	v27, _, _ =	vpop (xrf2);
	v2 =	vadd.f32 v4, v2  }
0x41b: {  	v32 =	vld [tilespmem:s28+$0x9600];
	v10 =	vmul.f32 v61, v31;
	v30, _, _ =	vpop (xrf2);
	v3 =	vadd.f32 v11, v3;
	(xrf2) =	vadd.scan.msk.f32 $0xffff, v1  }
0x41c: {  	v36 =	vld [tilespmem:s28+$0x15E00];
	v5 =	vmul.f32 v18, v62;
	v33, _, _ =	vpop (xrf2);
	v2 =	vadd.f32 v28, v2  }
0x41d: {  	v4 =	vmul.f32 v35, v34;
	v9 =	vmul.f32 v39, v38;
	v37, _, _ =	vpop (xrf2);
	v3 =	vadd.f32 v10, v3  }
0x41e: {  	(xrf2) =	vadd.scan.msk.f32 $0xffff, v2;
	v40, _, _ =	vpop (xrf2)  }
0x41f: {  	v43 =	vmul.f32 v29, v26;
	v42 =	vadd.f32 v9, v4;
	v41 =	vadd.f32 v5, v3;
	v44, _, _ =	vpop (xrf2)  }
0x420: {  	v45 =	vbroadcast v40, $0xF;
	v5 =	vbroadcast v44, $0xF  }
0x421: {  	v47 =	vmul.f32 v36, v32;
	v46 =	vbroadcast v37, $0xF;
	v3 =	vadd.f32 v43, v42;
	(xrf2) =	vadd.scan.msk.f32 $0xffff, v41  }
0x422: {  	v1 =	vbroadcast v33, $0xF;
	v49, _, _ =	vpop (xrf2);
	v48 =	vsel vm0, v45, v5  }
0x423: {  	v3 =	vadd.f32 v47, v3;
	v5 =	vbroadcast v49, $0xF;
	v2 =	vsel vm1, v48, v46  }
0x424: {  	v50 =	vbroadcast v30, $0xF;
	v1 =	vsel vm2, v2, v1  }
0x425: {  	v51 =	vbroadcast v27, $0xF;
	(xrf2) =	vadd.scan.msk.f32 $0xffff, v3;
	v52, _, _ =	vpop (xrf2);
	v1 =	vsel vm3, v1, v5  }
0x426: {  	v53 =	vbroadcast v52, $0xF;
	v1 =	vsel vm4, v1, v50  }
0x427: {  	v0 =	vbroadcast v19, $0xF;
	v1 =	vsel vm5, v1, v51  }
0x428: {  	v55 =	vbroadcast v63, $0xF;
	v56, _, _ =	vpop (xrf2);
	v1 =	vsel vm6, v1, v53  }
0x429: {  	v57 =	vbroadcast v56, $0xF;
	v0 =	vsel vm7, v1, v0  }
0x42a: {  	v58 =	vbroadcast v22, $0xF;
	v0 =	vsel vm8, v0, v55  }
0x42b: {  	v59 =	vbroadcast v21, $0xF;
	v60, _, _ =	vpop (xrf2);
	v0 =	vsel vm9, v0, v57  }
0x42c: {  	v61 =	vbroadcast v60, $0xF;
	v0 =	vsel vm10, v0, v58  }
0x42d: {  	v62 =	vbroadcast v54, $0xF;
	v0 =	vsel vm11, v0, v59  }
0x42e: {  	s25 =	sadd.s32 $0x1, s25;
	v0 =	vsel vm12, v0, v61  }
0x42f: {  	p0 =	sne.s32 s25, $0x7;
	v63, _, _ =	vpop (xrf2);
	v0 =	vsel vm13, v0, v62  }
.Ltmp2:
0x430: {  	s29 =	sadd.s32 $0x10, s29;
	v0 =	vsel vm14, v0, v63;
	(pc) =	sbr.rel @p0 .LBB2_2-.Ltmp2, $4  }
0x431: {  	s30 =	sadd.s32 $0x4B0, s26;
	[tilespmem:s29+$0x0] =	vst v0  }
0x432: {  	[tilespmem:s14], [sflag:$0x2] =	stream.indirect.gather [hbm4b:s3+s11], $0x40, s30, s11, $0xb8;
	[tilespmem:$0x1DB00] =	vst v63  }
0x433: {  	s31 =	sadd.s32 $0x1DB0, s26;
	s24 =	sadd.s32 $0x320, s24;
	s23 =	sadd.s32 $0x320, s23  }
0x434: {  	[tilespmem:s16], [sflag:$0x4] =	stream.indirect.gather [hbm4b:s4+s11], $0x40, s31, s11, $0xb8;
	[tilespmem:$0x1DB00] =	vst v63  }
0x435: {  	_ =	swait.ge [sflag:s17], $0x6400  }
0x436: {  	[sflag:s17] =	ssyncset.done $0x0  }
0x437: {  	[sflag:s17] =	ssyncadd.s32 $0xFFFF9C00  }
0x438: {  	_ =	swait.ge [sflag:s18], $0x6400  }
0x439: {  	[sflag:s18] =	ssyncset.done $0x0  }
0x43a: {  	s23 =	simm.s32 $0x3F0;
	[sflag:s18] =	ssyncadd.s32 $0xFFFF9C00  }
0x43b: {  	v20 =	vld [tilespmem:s23+$0x31C0]  }
0x43c: {  	v21 =	vld [tilespmem:s23+$0xF9C0]  }
0x43d: {  	v0 =	vld [tilespmem:s23+$0x31D0]  }
0x43e: {  	v51 =	vld [tilespmem:s23+$0xF9D0]  }
0x43f: {  	v52 =	vld [tilespmem:s23+$0x31E0]  }
0x440: {  	v53 =	vld [tilespmem:s23+$0xF9E0]  }
0x441: {  	v22 =	vld [tilespmem:s23+$0x31B0]  }
0x442: {  	v23 =	vld [tilespmem:s23+$0xF9B0]  }
0x443: {  	v24 =	vld [tilespmem:s23+$0x3140]  }
0x444: {  	v25 =	vld [tilespmem:s23+$0xF940]  }
0x445: {  	v54 =	vld [tilespmem:s23+$0x3170]  }
0x446: {  	v26 =	vld [tilespmem:s23+$0x3190]  }
0x447: {  	v27 =	vld [tilespmem:s23+$0xF990]  }
0x448: {  	v28 =	vld [tilespmem:s23+$0x31A0]  }
0x449: {  	v29 =	vld [tilespmem:s23+$0xF9A0]  }
0x44a: {  	v55 =	vld [tilespmem:s23+$0x3100]  }
0x44b: {  	v56 =	vld [tilespmem:s23+$0xF900]  }
0x44c: {  	v32 =	vld [tilespmem:s23+$0x3130]  }
0x44d: {  	v33 =	vld [tilespmem:s23+$0xF930]  }
0x44e: {  	v57 =	vld [tilespmem:s23+$0x3150]  }
0x44f: {  	v58 =	vld [tilespmem:s23+$0xF950]  }
0x450: {  	v59 =	vld [tilespmem:s23+$0x3160]  }
0x451: {  	v60 =	vld [tilespmem:s23+$0xF960]  }
0x452: {  	v34 =	vld [tilespmem:s23+$0x30F0]  }
0x453: {  	v35 =	vld [tilespmem:s23+$0xF8F0]  }
0x454: {  	v36 =	vld [tilespmem:s23+$0x3110]  }
0x455: {  	v37 =	vld [tilespmem:s23+$0xF910]  }
0x456: {  	v38 =	vld [tilespmem:s23+$0x3120]  }
0x457: {  	v39 =	vld [tilespmem:s23+$0xF920]  }
0x458: {  	v40 =	vld [tilespmem:s23+$0x3080]  }
0x459: {  	v41 =	vld [tilespmem:s23+$0xF880]  }
0x45a: {  	v61 =	vld [tilespmem:s23+$0x30B0]  }
0x45b: {  	v42 =	vld [tilespmem:s23+$0x30D0]  }
0x45c: {  	v43 =	vld [tilespmem:s23+$0xF8D0]  }
0x45d: {  	v44 =	vld [tilespmem:s23+$0x30E0]  }
0x45e: {  	v45 =	vld [tilespmem:s23+$0xF8E0]  }
0x45f: {  	v46 =	vld [tilespmem:s23+$0x3040]  }
0x460: {  	v47 =	vld [tilespmem:s23+$0xF840]  }
0x461: {  	v48 =	vld [tilespmem:s23+$0x3070]  }
0x462: {  	v49 =	vld [tilespmem:s23+$0xF870]  }
0x463: {  	v62 =	vld [tilespmem:s23+$0x3090]  }
0x464: {  	v63 =	vld [tilespmem:s23+$0xF890]  }
0x465: {  	v4 =	vld [tilespmem:s23+$0x30A0]  }
0x466: {  	v5 =	vld [tilespmem:s23+$0xF8A0]  }
0x467: {  	v50 =	vld [tilespmem:s23+$0x3030]  }
0x468: {  	v6 =	vld [tilespmem:s23+$0x2FF0]  }
0x469: {  	v13 =	vld [tilespmem:s23+$0x2FB0]  }
0x46a: {  	v10 =	vld [tilespmem:s23+$0xF7B0]  }
0x46b: {  	v7 =	vld [tilespmem:s23+$0x2FD0]  }
0x46c: {  	v8 =	vld [tilespmem:s23+$0xF7D0]  }
0x46d: {  	v9 =	vld [tilespmem:s23+$0x2FE0]  }
0x46e: {  	v11 =	vld [tilespmem:s23+$0xF7E0]  }
0x46f: {  	v15 =	vld [tilespmem:s23+$0x2F70]  }
0x470: {  	v14 =	vld [tilespmem:s23+$0xF770]  }
0x471: {  	v3 =	vld [tilespmem:s23+$0x2F90]  }
0x472: {  	v2 =	vld [tilespmem:s23+$0xF790]  }
0x473: {  	v1 =	vld [tilespmem:s23+$0x2FA0]  }
0x474: {  	v17 =	vld [tilespmem:s23+$0x2F00]  }
0x475: {  	v16 =	vld [tilespmem:s23+$0xF700]  }
0x476: {  	v31 =	vld [tilespmem:s23+$0x2EC0]  }
0x477: {  	v30 =	vld [tilespmem:s23+$0xF6C0]  }
0x478: {  	v19 =	vld [tilespmem:s23+$0x2E40]  }
0x479: {  	v18 =	vld [tilespmem:s23+$0xF640]  }
0x47a: {  	v12 =	vld [tilespmem:s23+$0x2EB0]  }
0x47b: {  	[tilespmem:$0x1F7D0] =	vst v51;
	v51 =	vld [tilespmem:s23+$0xF830]  }
0x47c: {  	[tilespmem:$0x1F7E0] =	vst v52;
	v52 =	vld [tilespmem:s23+$0x3050]  }
0x47d: {  	[tilespmem:$0x1F7F0] =	vst v53;
	v53 =	vld [tilespmem:s23+$0xF850]  }
0x47e: {  	[tilespmem:$0x1F7B0] =	vst v54;
	v54 =	vld [tilespmem:s23+$0x3060]  }
0x47f: {  	[tilespmem:$0x1F660] =	vst v55;
	v55 =	vld [tilespmem:s23+$0xF860]  }
0x480: {  	[tilespmem:$0x1F670] =	vst v56;
	v56 =	vld [tilespmem:s23+$0x2FC0]  }
0x481: {  	[tilespmem:$0x1F770] =	vst v57;
	v57 =	vld [tilespmem:s23+$0xF7C0]  }
0x482: {  	[tilespmem:$0x1F780] =	vst v58;
	v58 =	vld [tilespmem:s23+$0x3010]  }
0x483: {  	[tilespmem:$0x1F790] =	vst v59;
	v59 =	vld [tilespmem:s23+$0xF810]  }
0x484: {  	[tilespmem:$0x1F7A0] =	vst v60;
	v60 =	vld [tilespmem:s23+$0x3020]  }
0x485: {  	[tilespmem:$0x1F760] =	vst v61;
	v61 =	vld [tilespmem:s23+$0xF820]  }
0x486: {  	[tilespmem:$0x1F720] =	vst v62;
	v62 =	vld [tilespmem:s23+$0x2F80]  }
0x487: {  	[tilespmem:$0x1F730] =	vst v63;
	v63 =	vld [tilespmem:s23+$0xF780]  }
0x488: {  	[tilespmem:$0x1F7C0] =	vst v0;
	v0 =	vld [tilespmem:s23+$0xF7A0]  }
0x489: {  	[tilespmem:$0x1F740] =	vst v4;
	v4 =	vld [tilespmem:s23+$0x2F30]  }
0x48a: {  	[tilespmem:$0x1F6D0] =	vst v7;
	v7 =	vld [tilespmem:s23+$0x2F50]  }
0x48b: {  	[tilespmem:$0x1F710] =	vst v6;
	v6 =	vld [tilespmem:s23+$0xF750]  }
0x48c: {  	[tilespmem:$0x1F750] =	vst v5;
	v5 =	vld [tilespmem:s23+$0x2F60]  }
0x48d: {  	[tilespmem:$0x1F6F0] =	vst v9;
	v9 =	vld [tilespmem:s23+$0x2EF0]  }
0x48e: {  	[tilespmem:$0x1F6E0] =	vst v8;
	v8 =	vld [tilespmem:s23+$0xF6F0]  }
0x48f: {  	[tilespmem:$0x1F700] =	vst v11;
	v11 =	vld [tilespmem:s23+$0x2F10]  }
0x490: {  	v26 =	vmul.f32 v27, v26;
	v27 =	vmul.f32 v29, v28;
	v28 =	vld [tilespmem:s23+$0x2ED0]  }
0x491: {  	v29 =	vmul.f32 v37, v36;
	v37 =	vld [tilespmem:s23+$0xF6D0]  }
0x492: {  	v22 =	vmul.f32 v23, v22;
	v23 =	vld [tilespmem:s23+$0x2EE0]  }
0x493: {  	v24 =	vmul.f32 v25, v24;
	v25 =	vld [tilespmem:s23+$0xF630]  }
0x494: {  	v36 =	vmul.f32 v39, v38;
	v39 =	vld [tilespmem:$0x1F6D0]  }
0x495: {  	v20 =	vmul.f32 v21, v20;
	v40 =	vmul.f32 v41, v40;
	v41 =	vld [tilespmem:$0x1F6F0]  }
0x496: {  	v26 =	vadd.f32 v27, v26;
	v21 =	vadd.f32 v36, v29;
	v27 =	vmul.f32 v33, v32;
	v29 =	vld [tilespmem:s23+$0xF6E0]  }
0x497: {  	v33 =	vld [tilespmem:s23+$0x2E30]  }
0x498: {  	v21 =	vadd.f32 v27, v21;
	v27 =	vld [tilespmem:s23+$0x2E90]  }
0x499: {  	[tilespmem:$0x1F6C0] =	vst v4;
	v4 =	vld [tilespmem:s23+$0xF760]  }
0x49a: {  	[tilespmem:$0x1F680] =	vst v11;
	v11 =	vld [tilespmem:s23+$0xF710]  }
0x49b: {  	v22 =	vadd.f32 v22, v26;
	v26 =	vmul.f32 v43, v42;
	v43 =	vmul.f32 v53, v52;
	v52 =	vld [tilespmem:s23+$0x2EA0]  }
0x49c: {  	v53 =	vld [tilespmem:$0x1F660]  }
0x49d: {  	v42 =	vmul.f32 v45, v44;
	v44 =	vmul.f32 v55, v54;
	v54 =	vld [tilespmem:$0x1F670]  }
0x49e: {  	v45 =	vmul.f32 v61, v60;
	v60 =	vld [tilespmem:s23+$0xF610]  }
0x49f: {  	v61 =	vld [tilespmem:s23+$0x2E10]  }
0x4a0: {  	v55 =	vmul.f32 v49, v48;
	v48 =	vmul.f32 v14, v15;
	v14 =	vld [tilespmem:s23+$0x2E60]  }
0x4a1: {  	v49 =	vld [tilespmem:s23+$0xF660]  }
0x4a2: {  	v21 =	vadd.f32 v24, v21;
	v24 =	vld [tilespmem:s23+$0xF690]  }
0x4a3: {  	v20 =	vadd.f32 v20, v22;
	v22 =	vadd.f32 v42, v26;
	v42 =	vld [tilespmem:s23+$0x2E20]  }
0x4a4: {  	v15 =	vmul.f32 v63, v62;
	v62 =	vld [tilespmem:$0x1F680]  }
0x4a5: {  	v26 =	vmul.f32 v35, v34;
	v35 =	vld [tilespmem:s23+$0x3000]  }
0x4a6: {  	v36 =	vld [tilespmem:$0x1F6C0]  }
0x4a7: {  	v32 =	vadd.f32 v44, v43;
	v43 =	vmul.f32 v10, v13;
	v44 =	vld [tilespmem:s23+$0xF620]  }
0x4a8: {  	v13 =	vmul.f32 v29, v23;
	v23 =	vmul.f32 v57, v56;
	v56 =	vld [tilespmem:s23+$0xF730]  }
0x4a9: {  	[tilespmem:$0x1F690] =	vst v11;
	v11 =	vld [tilespmem:s23+$0x2F20]  }
0x4aa: {  	v22 =	vadd.f32 v26, v22;
	v26 =	vmul.f32 v59, v58;
	v58 =	vld [tilespmem:s23+$0xF6A0]  }
0x4ab: {  	v59 =	vmul.f32 v51, v50;
	v51 =	vmul.f32 v16, v17;
	v16 =	vld [tilespmem:s23+$0xF670]  }
0x4ac: {  	v32 =	vadd.f32 v55, v32;
	v55 =	vmul.f32 v49, v14;
	v14 =	vld [tilespmem:s23+$0xF740]  }
0x4ad: {  	v38 =	vmul.f32 v54, v53;
	v26 =	vadd.f32 v45, v26;
	v50 =	vmul.f32 v24, v27;
	v24 =	vld [tilespmem:s23+$0x2E70]  }
0x4ae: {  	v6 =	vmul.f32 v6, v7;
	v4 =	vmul.f32 v4, v5;
	v32 =	vadd.f32 v40, v32;
	[tilespmem:$0x1F6A0] =	vst v11;
	v11 =	vld [tilespmem:s23+$0xF720]  }
0x4af: {  	(xrf2) =	vadd.scan.msk.f32 $0xffff, v20;
	v40 =	vld [tilespmem:$0x1F6E0];
	v38 =	vadd.f32 v38, v22;
	v22 =	vadd.f32 v59, v26;
	v26 =	vmul.f32 v47, v46  }
0x4b0: {  	(xrf2) =	vadd.scan.msk.f32 $0xffff, v21;
	v46 =	vld [tilespmem:s23+$0x2E50];
	v4 =	vadd.f32 v4, v6  }
0x4b1: {  	v2 =	vmul.f32 v2, v3;
	v0 =	vmul.f32 v0, v1;
	v45 =	vadd.f32 v26, v22;
	v22 =	vld [tilespmem:s23+$0xF650];
	(xrf2) =	vadd.scan.msk.f32 $0xffff, v38  }
0x4b2: {  	v4 =	vadd.f32 v48, v4;
	(xrf2) =	vadd.scan.msk.f32 $0xffff, v32;
	v32 =	vld [tilespmem:$0x1F6A0]  }
0x4b3: {  	v0 =	vadd.f32 v0, v2;
	[tilespmem:$0x1F6B0] =	vst v11;
	v11 =	vld [tilespmem:s23+$0xF6B0]  }
0x4b4: {  	v47 =	vmul.f32 v37, v28;
	v4 =	vadd.f32 v15, v4;
	v15 =	vld [tilespmem:$0x1F6B0]  }
0x4b5: {  	v0 =	vadd.f32 v43, v0;
	v37 =	vld [tilespmem:s23+$0xF800]  }
0x4b6: {  	v10 =	vmul.f32 v44, v42;
	v42 =	vld [tilespmem:$0x1F700];
	v2 =	vadd.f32 v13, v47;
	v13 =	vmul.f32 v58, v52  }
0x4b7: {  	v1 =	vmul.f32 v60, v61;
	v0 =	vadd.f32 v23, v0;
	v47 =	vld [tilespmem:$0x1F710]  }
0x4b8: {  	v6 =	vadd.f32 v13, v50;
	v13 =	vld [tilespmem:s23+$0x2F40];
	v54 =	vmul.f32 v22, v46;
	v11 =	vmul.f32 v11, v12  }
0x4b9: {  	v1 =	vadd.f32 v10, v1;
	v58 =	vmul.f32 v25, v33;
	v10 =	vmul.f32 v15, v32;
	v15 =	vld [tilespmem:s23+$0xF7F0]  }
0x4ba: {  	v52 =	vld [tilespmem:s23+$0xF680];
	(xrf2) =	vadd.scan.msk.f32 $0xffff, v45;
	v60 =	vmul.f32 v16, v24;
	v53 =	vadd.f32 v11, v6;
	v6 =	vadd.f32 v55, v54  }
0x4bb: {  	v61 =	vadd.f32 v58, v1;
	(xrf2) =	vadd.scan.msk.f32 $0xffff, v0;
	v12 =	vld [tilespmem:s23+$0x2E80]  }
0x4bc: {  	v58 =	vld [tilespmem:$0x1F770];
	(xrf2) =	vadd.scan.msk.f32 $0xffff, v4;
	v4 =	vmul.f32 v40, v39;
	v33 =	vadd.f32 v60, v6;
	v6 =	vmul.f32 v42, v41  }
0x4bd: {  	v45 =	vmul.f32 v14, v13;
	v14 =	vld [tilespmem:$0x1F780]  }
0x4be: {  	v17 =	vld [tilespmem:$0x1F7D0];
	v4 =	vadd.f32 v6, v4;
	v6 =	vmul.f32 v15, v47  }
0x4bf: {  	v63 =	vld [tilespmem:$0x1F690]  }
0x4c0: {  	v5 =	vmul.f32 v37, v35;
	v34 =	vmul.f32 v52, v12;
	v52 =	vld [tilespmem:$0x1F740];
	v4 =	vadd.f32 v6, v4  }
0x4c1: {  	v15 =	vld [tilespmem:$0x1F7A0]  }
0x4c2: {  	v4 =	vadd.f32 v5, v4;
	v5 =	vmul.f32 v14, v58;
	v14 =	vld [tilespmem:$0x1F790]  }
0x4c3: {  	v8 =	vmul.f32 v8, v9;
	v12 =	vld [tilespmem:$0x1F750]  }
0x4c4: {  	v43 =	vld [tilespmem:s23+$0xF8B0]  }
0x4c5: {  	v48 =	vld [tilespmem:s23+$0xF8C0];
	v2 =	vadd.f32 v8, v2  }
0x4c6: {  	v57 =	vmul.f32 v30, v31;
	v50 =	vld [tilespmem:$0x1F720]  }
0x4c7: {  	v59 =	vmul.f32 v18, v19;
	v2 =	vadd.f32 v51, v2;
	v51 =	vld [tilespmem:$0x1F730];
	v14 =	vmul.f32 v15, v14  }
0x4c8: {  	v1 =	vmul.f32 v63, v62;
	v11 =	vmul.f32 v12, v52;
	v12 =	vld [tilespmem:s23+$0xF970]  }
0x4c9: {  	v3 =	vadd.f32 v57, v53;
	v5 =	vadd.f32 v14, v5;
	v14 =	vld [tilespmem:$0x1F7B0]  }
0x4ca: {  	v0 =	vadd.f32 v59, v61;
	(xrf2) =	vadd.scan.msk.f32 $0xffff, v2;
	v2 =	vmul.f32 v56, v36;
	v55 =	vld [tilespmem:$0x1F760];
	v1 =	vadd.f32 v10, v1  }
0x4cb: {  	v62 =	vld [tilespmem:$0x1F7C0];
	(xrf2) =	vadd.scan.msk.f32 $0xffff, v3;
	v38 =	vadd.f32 v34, v33  }
0x4cc: {  	v46 =	vld [tilespmem:s23+$0x30C0];
	v44 =	vadd.f32 v2, v1;
	(xrf2) =	vadd.scan.msk.f32 $0xffff, v0  }
0x4cd: {  	v63 =	vld [tilespmem:$0x1F7E0];
	v9, _, _ =	vpop (xrf2);
	v1 =	vmul.f32 v51, v50;
	(xrf2) =	vadd.scan.msk.f32 $0xffff, v38  }
0x4ce: {  	v49, _, _ =	vpop (xrf2);
	v56 =	vld [tilespmem:s23+$0xF980];
	v0 =	vadd.f32 v45, v44;
	v12 =	vmul.f32 v12, v14  }
0x4cf: {  	v13, _, _ =	vpop (xrf2);
	v53 =	vld [tilespmem:s23+$0x3180];
	v8 =	vmul.f32 v43, v55;
	v1 =	vadd.f32 v11, v1  }
0x4d0: {  	v54, _, _ =	vpop (xrf2);
	(xrf2) =	vadd.scan.msk.f32 $0xffff, v0;
	v5 =	vadd.f32 v12, v5;
	v12 =	vld [tilespmem:$0x1F7F0]  }
0x4d1: {  	v59 =	vld [tilespmem:s23+$0xF9F0];
	v57, _, _ =	vpop (xrf2);
	v2 =	vmul.f32 v48, v46;
	v1 =	vadd.f32 v8, v1  }
0x4d2: {  	v16, _, _ =	vpop (xrf2);
	v15 =	vld [tilespmem:s23+$0x31F0]  }
0x4d3: {  	v60, _, _ =	vpop (xrf2);
	(xrf2) =	vadd.scan.msk.f32 $0xffff, v4;
	v1 =	vadd.f32 v2, v1;
	v2 =	vmul.f32 v17, v62;
	v17 =	vld [tilespmem:s23+$0xFA00]  }
0x4d4: {  	v61, _, _ =	vpop (xrf2);
	v14 =	vld [tilespmem:s23+$0x3200]  }
0x4d5: {  	v6 =	vmul.f32 v56, v53;
	v18, _, _ =	vpop (xrf2);
	v11 =	vmul.f32 v12, v63  }
0x4d6: {  	(xrf2) =	vadd.scan.msk.f32 $0xffff, v1;
	v12, _, _ =	vpop (xrf2)  }
0x4d7: {  	v33 =	vmul.f32 v59, v15;
	v32 =	vadd.f32 v6, v5;
	v34, _, _ =	vpop (xrf2);
	v2 =	vadd.f32 v11, v2  }
0x4d8: {  	v35 =	vbroadcast v12, $0xF;
	v6 =	vbroadcast v34, $0xF  }
0x4d9: {  	v36 =	vbroadcast v18, $0xF;
	v37 =	vmul.f32 v17, v14;
	(xrf2) =	vadd.scan.msk.f32 $0xffff, v32;
	v2 =	vadd.f32 v33, v2  }
0x4da: {  	v4 =	vbroadcast v61, $0xF;
	v39, _, _ =	vpop (xrf2);
	v38 =	vsel vm0, v35, v6  }
0x4db: {  	v6 =	vbroadcast v39, $0xF;
	v1 =	vsel vm1, v38, v36;
	v2 =	vadd.f32 v37, v2  }
0x4dc: {  	v40 =	vbroadcast v60, $0xF;
	v1 =	vsel vm2, v1, v4  }
0x4dd: {  	v41 =	vbroadcast v16, $0xF;
	v42, _, _ =	vpop (xrf2);
	v1 =	vsel vm3, v1, v6;
	(xrf2) =	vadd.scan.msk.f32 $0xffff, v2  }
0x4de: {  	v43 =	vbroadcast v42, $0xF;
	v1 =	vsel vm4, v1, v40  }
0x4df: {  	v0 =	vbroadcast v57, $0xF;
	v1 =	vsel vm5, v1, v41  }
0x4e0: {  	v44 =	vbroadcast v54, $0xF;
	v45, _, _ =	vpop (xrf2);
	v1 =	vsel vm6, v1, v43  }
0x4e1: {  	v46 =	vbroadcast v45, $0xF;
	v0 =	vsel vm7, v1, v0  }
0x4e2: {  	v47 =	vbroadcast v13, $0xF;
	v0 =	vsel vm8, v0, v44  }
0x4e3: {  	v48 =	vbroadcast v49, $0xF;
	v49, _, _ =	vpop (xrf2);
	v0 =	vsel vm9, v0, v46  }
0x4e4: {  	v50 =	vbroadcast v49, $0xF;
	v0 =	vsel vm10, v0, v47  }
0x4e5: {  	v51 =	vbroadcast v9, $0xF;
	v0 =	vsel vm11, v0, v48  }
0x4e6: {  	v0 =	vsel vm12, v0, v50  }
0x4e7: {  	v0 =	vsel vm13, v0, v51;
	v52, _, _ =	vpop (xrf2)  }
0x4e8: {  	s23 =	simm.s32 $0x1D7E0;
	v0 =	vsel vm14, v0, v52  }
0x4e9: {  	s24 =	simm.s32 $0x7F0;
	[tilespmem:s23+$0x0] =	vst v0  }
0x4ea: {  	v6 =	vld [tilespmem:s24+$0x31C0]  }
0x4eb: {  	v9 =	vld [tilespmem:s24+$0xF9C0]  }
0x4ec: {  	v0 =	vld [tilespmem:s24+$0x31D0]  }
0x4ed: {  	v53 =	vld [tilespmem:s24+$0xF9D0]  }
0x4ee: {  	v54 =	vld [tilespmem:s24+$0x31E0]  }
0x4ef: {  	v55 =	vld [tilespmem:s24+$0xF9E0]  }
0x4f0: {  	v56 =	vld [tilespmem:s24+$0x31B0]  }
0x4f1: {  	v31 =	vld [tilespmem:s24+$0xF9B0]  }
0x4f2: {  	v11 =	vld [tilespmem:s24+$0x3140]  }
0x4f3: {  	v12 =	vld [tilespmem:s24+$0xF940]  }
0x4f4: {  	v57 =	vld [tilespmem:s24+$0x3170]  }
0x4f5: {  	v26 =	vld [tilespmem:s24+$0x3190]  }
0x4f6: {  	v32 =	vld [tilespmem:s24+$0xF990]  }
0x4f7: {  	v33 =	vld [tilespmem:s24+$0x31A0]  }
0x4f8: {  	v35 =	vld [tilespmem:s24+$0xF9A0]  }
0x4f9: {  	v14 =	vld [tilespmem:s24+$0x3100]  }
0x4fa: {  	v23 =	vld [tilespmem:s24+$0xF900]  }
0x4fb: {  	v58 =	vld [tilespmem:s24+$0x3130]  }
0x4fc: {  	v63 =	vld [tilespmem:s24+$0xF930]  }
0x4fd: {  	v59 =	vld [tilespmem:s24+$0x3150]  }
0x4fe: {  	v60 =	vld [tilespmem:s24+$0xF950]  }
0x4ff: {  	v61 =	vld [tilespmem:s24+$0x3160]  }
0x500: {  	v62 =	vld [tilespmem:s24+$0xF960]  }
0x501: {  	v36 =	vld [tilespmem:s24+$0x30F0]  }
0x502: {  	v34 =	vld [tilespmem:s24+$0xF8F0]  }
0x503: {  	v43 =	vld [tilespmem:s24+$0x3110]  }
0x504: {  	v44 =	vld [tilespmem:s24+$0xF910]  }
0x505: {  	v45 =	vld [tilespmem:s24+$0x3120]  }
0x506: {  	v46 =	vld [tilespmem:s24+$0xF920]  }
0x507: {  	v5 =	vld [tilespmem:s24+$0x3080]  }
0x508: {  	v7 =	vld [tilespmem:s24+$0xF880]  }
0x509: {  	v4 =	vld [tilespmem:s24+$0x30B0]  }
0x50a: {  	v49 =	vld [tilespmem:s24+$0x30D0]  }
0x50b: {  	v1 =	vld [tilespmem:s24+$0xF8D0]  }
0x50c: {  	v2 =	vld [tilespmem:s24+$0x30E0]  }
0x50d: {  	v52 =	vld [tilespmem:s24+$0xF8E0]  }
0x50e: {  	v3 =	vld [tilespmem:s24+$0x3040]  }
0x50f: {  	v8 =	vld [tilespmem:s24+$0x3090]  }
0x510: {  	v10 =	vld [tilespmem:s24+$0xF890]  }
0x511: {  	v37 =	vld [tilespmem:s24+$0x30A0]  }
0x512: {  	v38 =	vld [tilespmem:s24+$0xF8A0]  }
0x513: {  	v50 =	vld [tilespmem:s24+$0x3030]  }
0x514: {  	v39 =	vld [tilespmem:s24+$0xF830]  }
0x515: {  	v13 =	vld [tilespmem:s24+$0x2FC0]  }
0x516: {  	v20 =	vld [tilespmem:s24+$0xF7C0]  }
0x517: {  	v40 =	vld [tilespmem:s24+$0x2FF0]  }
0x518: {  	v48 =	vld [tilespmem:s24+$0xF810]  }
0x519: {  	v47 =	vld [tilespmem:s24+$0xF820]  }
0x51a: {  	v15 =	vld [tilespmem:s24+$0x2FD0]  }
0x51b: {  	v16 =	vld [tilespmem:s24+$0xF7D0]  }
0x51c: {  	v17 =	vld [tilespmem:s24+$0x2FE0]  }
0x51d: {  	v18 =	vld [tilespmem:s24+$0xF7E0]  }
0x51e: {  	v41 =	vld [tilespmem:s24+$0x2F70]  }
0x51f: {  	v42 =	vld [tilespmem:s24+$0xF770]  }
0x520: {  	v22 =	vld [tilespmem:s24+$0xF790]  }
0x521: {  	v21 =	vld [tilespmem:s24+$0xF7A0]  }
0x522: {  	v29 =	vld [tilespmem:s24+$0x2F00]  }
0x523: {  	v30 =	vld [tilespmem:s24+$0xF700]  }
0x524: {  	v19 =	vld [tilespmem:s24+$0x2F30]  }
0x525: {  	v27 =	vld [tilespmem:s24+$0x2EC0]  }
0x526: {  	v28 =	vld [tilespmem:s24+$0xF6C0]  }
0x527: {  	v51 =	vld [tilespmem:s24+$0x2EF0]  }
0x528: {  	v24 =	vld [tilespmem:s24+$0xF710]  }
0x529: {  	v25 =	vld [tilespmem:s24+$0x2F20]  }
0x52a: {  	[tilespmem:$0x1F890] =	vst v4;
	v4 =	vld [tilespmem:s24+$0xF840]  }
0x52b: {  	[tilespmem:$0x1F900] =	vst v58;
	v58 =	vld [tilespmem:s24+$0x3070]  }
0x52c: {  	[tilespmem:$0x1F840] =	vst v57;
	v57 =	vld [tilespmem:s24+$0xF870]  }
0x52d: {  	[tilespmem:$0x1F850] =	vst v59;
	v59 =	vld [tilespmem:s24+$0x3050]  }
0x52e: {  	[tilespmem:$0x1F860] =	vst v60;
	v60 =	vld [tilespmem:s24+$0xF850]  }
0x52f: {  	[tilespmem:$0x1F870] =	vst v61;
	v61 =	vld [tilespmem:s24+$0x3060]  }
0x530: {  	[tilespmem:$0x1F880] =	vst v62;
	v62 =	vld [tilespmem:s24+$0xF860]  }
0x531: {  	[tilespmem:$0x1F820] =	vst v54;
	v54 =	vld [tilespmem:s24+$0x3010]  }
0x532: {  	[tilespmem:$0x1F810] =	vst v53;
	v53 =	vld [tilespmem:s24+$0x3020]  }
0x533: {  	[tilespmem:$0x1F8A0] =	vst v8;
	v8 =	vld [tilespmem:s24+$0x2F80]  }
0x534: {  	[tilespmem:$0x1F8B0] =	vst v10;
	v10 =	vld [tilespmem:s24+$0xF780]  }
0x535: {  	[tilespmem:$0x1F8F0] =	vst v56;
	v56 =	vld [tilespmem:s24+$0x2FB0]  }
0x536: {  	[tilespmem:$0x1F830] =	vst v55;
	v55 =	vld [tilespmem:s24+$0xF7B0]  }
0x537: {  	[tilespmem:$0x1F8D0] =	vst v38;
	v38 =	vld [tilespmem:s24+$0x2F90]  }
0x538: {  	[tilespmem:$0x1F8C0] =	vst v37;
	v37 =	vld [tilespmem:s24+$0x2FA0]  }
0x539: {  	[tilespmem:$0x1F930] =	vst v42;
	v42 =	vld [tilespmem:s24+$0x2F50]  }
0x53a: {  	[tilespmem:$0x1F8E0] =	vst v40;
	v40 =	vld [tilespmem:s24+$0xF750]  }
0x53b: {  	[tilespmem:$0x1F920] =	vst v41;
	v41 =	vld [tilespmem:s24+$0x2F60]  }
0x53c: {  	[tilespmem:$0x1F910] =	vst v39;
	v39 =	vld [tilespmem:s24+$0xF760]  }
0x53d: {  	[tilespmem:$0x1F940] =	vst v51;
	v51 =	vld [tilespmem:s24+$0xF6F0]  }
0x53e: {  	v32 =	vmul.f32 v32, v26;
	v26 =	vld [tilespmem:s24+$0xF720];
	v43 =	vmul.f32 v44, v43  }
0x53f: {  	v44 =	vmul.f32 v46, v45;
	v45 =	vmul.f32 v1, v49;
	v49 =	vld [tilespmem:s24+$0x2EE0]  }
0x540: {  	v1 =	vld [tilespmem:s24+$0x2E90]  }
0x541: {  	v33 =	vmul.f32 v35, v33;
	v35 =	vld [tilespmem:$0x1F8F0]  }
0x542: {  	v46 =	vmul.f32 v52, v2;
	v52 =	vld [tilespmem:$0x1F900]  }
0x543: {  	v5 =	vmul.f32 v7, v5;
	v7 =	vld [tilespmem:$0x1F910]  }
0x544: {  	[tilespmem:$0x1F800] =	vst v0;
	v0 =	vadd.f32 v33, v32;
	v32 =	vld [tilespmem:s24+$0xF640]  }
0x545: {  	v33 =	vld [tilespmem:s24+$0x2EB0]  }
0x546: {  	v45 =	vadd.f32 v46, v45;
	v46 =	vld [tilespmem:s24+$0x2ED0]  }
0x547: {  	v43 =	vadd.f32 v44, v43;
	v44 =	vld [tilespmem:s24+$0xF6D0]  }
0x548: {  	v6 =	vmul.f32 v9, v6;
	v34 =	vmul.f32 v34, v36;
	[tilespmem:$0x1F950] =	vst v51;
	v51 =	vld [tilespmem:s24+$0x2F10]  }
0x549: {  	v21 =	vmul.f32 v21, v37;
	v37 =	vld [tilespmem:s24+$0xF610];
	v35 =	vmul.f32 v31, v35  }
0x54a: {  	v22 =	vmul.f32 v22, v38;
	v38 =	vld [tilespmem:s24+$0x2E10];
	v2 =	vmul.f32 v63, v52  }
0x54b: {  	v11 =	vmul.f32 v12, v11;
	v39 =	vmul.f32 v39, v41;
	v41 =	vld [tilespmem:s24+$0xF620];
	v0 =	vadd.f32 v35, v0  }
0x54c: {  	v34 =	vadd.f32 v34, v45;
	v40 =	vmul.f32 v40, v42;
	v31 =	vld [tilespmem:s24+$0x2E40];
	v9 =	vadd.f32 v2, v43  }
0x54d: {  	v52 =	vmul.f32 v23, v14;
	v63 =	vmul.f32 v57, v58;
	v57 =	vld [tilespmem:$0x1F920];
	v0 =	vadd.f32 v6, v0  }
0x54e: {  	v58 =	vld [tilespmem:$0x1F930];
	v36 =	vadd.f32 v11, v9  }
0x54f: {  	v40 =	vadd.f32 v39, v40;
	v39 =	vld [tilespmem:s24+$0x2E20];
	v45 =	vadd.f32 v52, v34;
	(xrf2) =	vadd.scan.msk.f32 $0xffff, v0  }
0x550: {  	v60 =	vmul.f32 v60, v59;
	v62 =	vmul.f32 v62, v61;
	v35 =	vld [tilespmem:s24+$0xF6B0];
	(xrf2) =	vadd.scan.msk.f32 $0xffff, v36  }
0x551: {  	v48 =	vmul.f32 v48, v54;
	v47 =	vmul.f32 v47, v53;
	v43 =	vld [tilespmem:s24+$0xF6E0];
	(xrf2) =	vadd.scan.msk.f32 $0xffff, v45  }
0x552: {  	v21 =	vadd.f32 v21, v22;
	v52 =	vld [tilespmem:s24+$0xF690]  }
0x553: {  	v22 =	vmul.f32 v55, v56;
	v6 =	vadd.f32 v47, v48;
	v48 =	vld [tilespmem:s24+$0x2EA0];
	v0 =	vadd.f32 v62, v60  }
0x554: {  	v9 =	vmul.f32 v7, v50;
	v11 =	vld [tilespmem:s24+$0xF6A0]  }
0x555: {  	v21 =	vadd.f32 v22, v21;
	v22 =	vmul.f32 v20, v13;
	v62 =	vld [tilespmem:$0x1F940];
	v0 =	vadd.f32 v63, v0  }
0x556: {  	v56 =	vmul.f32 v4, v3;
	v55 =	vadd.f32 v9, v6;
	v63 =	vld [tilespmem:$0x1F950]  }
0x557: {  	v34 =	vld [tilespmem:s24+$0x2E30];
	v59 =	vmul.f32 v58, v57;
	v22 =	vadd.f32 v22, v21;
	v0 =	vadd.f32 v5, v0  }
0x558: {  	v44 =	vmul.f32 v44, v46;
	v36 =	vld [tilespmem:s24+$0xF630];
	v43 =	vmul.f32 v43, v49;
	v42 =	vadd.f32 v56, v55  }
0x559: {  	v61 =	vmul.f32 v10, v8;
	v60 =	vadd.f32 v59, v40;
	v40 =	vld [tilespmem:s24+$0x2E50];
	(xrf2) =	vadd.scan.msk.f32 $0xffff, v0;
	v54, _, _ =	vpop (xrf2)  }
0x55a: {  	v47 =	vmul.f32 v52, v1;
	v45 =	vadd.f32 v43, v44;
	v43 =	vld [tilespmem:s24+$0x2E60];
	(xrf2) =	vadd.scan.msk.f32 $0xffff, v42;
	v21, _, _ =	vpop (xrf2)  }
0x55b: {  	s25 =	simm.s32 $0x2FC0;
	v48 =	vmul.f32 v11, v48;
	v44 =	vadd.f32 v61, v60;
	v46 =	vmul.f32 v63, v62;
	v42 =	vld [tilespmem:s24+$0xF650];
	(xrf2) =	vadd.scan.msk.f32 $0xffff, v22;
	v22, _, _ =	vpop (xrf2)  }
.LBB2_8:
0x55c: {  	v49 =	vld [tilespmem:s24+$0xF660]  }
0x55d: {  	v10 =	vld [tilespmem:s24+$0xF670]  }
0x55e: {  	v11 =	vld [tilespmem:s24+$0x2E80]  }
0x55f: {  	v50 =	vld [tilespmem:s24+$0xF740]  }
0x560: {  	v15 =	vmul.f32 v16, v15;
	v16 =	vmul.f32 v18, v17;
	v17 =	vld [tilespmem:s24+$0xF8B0]  }
0x561: {  	v52 =	vld [tilespmem:$0x1F8A0]  }
0x562: {  	v1 =	vld [tilespmem:$0x1F8B0]  }
0x563: {  	v53 =	vld [tilespmem:$0x1F8C0]  }
0x564: {  	v55 =	vld [tilespmem:$0x1F8D0]  }
0x565: {  	v12 =	vld [tilespmem:s24+$0xF970]  }
0x566: {  	v56 =	vld [tilespmem:$0x1F890]  }
0x567: {  	v57 =	vld [tilespmem:s24+$0xF980]  }
0x568: {  	v58 =	vld [tilespmem:$0x1F850]  }
0x569: {  	v59 =	vld [tilespmem:$0x1F860]  }
0x56a: {  	v60 =	vld [tilespmem:$0x1F870]  }
0x56b: {  	v61 =	vld [tilespmem:$0x1F880]  }
0x56c: {  	v62 =	vld [tilespmem:$0x1F840];
	v45 =	vadd.f32 v46, v45;
	v0 =	vmul.f32 v30, v29;
	v33 =	vmul.f32 v35, v33  }
0x56d: {  	v7 =	vadd.f32 v48, v47;
	v30 =	vld [tilespmem:s24+$0x2E70];
	v8 =	vmul.f32 v37, v38;
	v9 =	vmul.f32 v41, v39  }
0x56e: {  	(xrf2) =	vadd.scan.msk.f32 $0xffff, v44;
	v47 =	vld [tilespmem:s24+$0xF730];
	v15 =	vadd.f32 v16, v15;
	v27 =	vmul.f32 v28, v27;
	v34 =	vmul.f32 v36, v34  }
0x56f: {  	v44 =	vld [tilespmem:s24+$0xF680];
	v31 =	vmul.f32 v32, v31;
	v0 =	vadd.f32 v0, v45;
	v33 =	vadd.f32 v33, v7  }
0x570: {  	v48 =	vld [tilespmem:s24+$0x2F40];
	v46 =	vmul.f32 v49, v43;
	v28 =	vadd.f32 v9, v8;
	v45 =	vmul.f32 v42, v40  }
0x571: {  	v16 =	vld [tilespmem:s24+$0xF8C0];
	v23 =	vmul.f32 v24, v51;
	v24 =	vmul.f32 v26, v25;
	v29, _, _ =	vpop (xrf2);
	(xrf2) =	vadd.scan.msk.f32 $0xffff, v0;
	v27 =	vadd.f32 v27, v33  }
0x572: {  	v25 =	vld [tilespmem:s24+$0xF7F0];
	v28 =	vadd.f32 v34, v28;
	v49 =	vadd.f32 v46, v45;
	v30 =	vmul.f32 v10, v30  }
0x573: {  	v51 =	vld [tilespmem:$0x1F8E0];
	v23 =	vadd.f32 v24, v23;
	v20 =	vmul.f32 v47, v19  }
0x574: {  	v24 =	vld [tilespmem:s24+$0xF800];
	v39, _, _ =	vpop (xrf2);
	(xrf2) =	vadd.scan.msk.f32 $0xffff, v27;
	v27 =	vadd.f32 v31, v28;
	v28 =	vadd.f32 v30, v49;
	v30 =	vmul.f32 v44, v11  }
0x575: {  	v31 =	vld [tilespmem:s24+$0x3000]  }
0x576: {  	v32 =	vld [tilespmem:$0x1F810];
	v20 =	vadd.f32 v20, v23;
	v23 =	vmul.f32 v50, v48;
	v26, _, _ =	vpop (xrf2);
	(xrf2) =	vadd.scan.msk.f32 $0xffff, v27;
	v27 =	vadd.f32 v30, v28  }
0x577: {  	v35 =	vld [tilespmem:$0x1F820];
	v10 =	vmul.f32 v1, v52;
	v11 =	vmul.f32 v55, v53  }
0x578: {  	v14 =	vmul.f32 v25, v51;
	v18, _, _ =	vpop (xrf2);
	v28 =	vld [tilespmem:s24+$0x30C0];
	(xrf2) =	vadd.scan.msk.f32 $0xffff, v27  }
0x579: {  	v36 =	vld [tilespmem:$0x1F830];
	v9 =	vmul.f32 v17, v56;
	v20 =	vadd.f32 v23, v20;
	v10 =	vadd.f32 v11, v10  }
0x57a: {  	v23 =	vld [tilespmem:s24+$0x3180];
	v14 =	vadd.f32 v14, v15;
	v15 =	vmul.f32 v24, v31  }
0x57b: {  	v9 =	vadd.f32 v9, v10;
	v10 =	vld [tilespmem:$0x1F800];
	v13, _, _ =	vpop (xrf2);
	(xrf2) =	vadd.scan.msk.f32 $0xffff, v20  }
0x57c: {  	v5 =	vmul.f32 v59, v58;
	v6 =	vmul.f32 v61, v60;
	v7 =	vld [tilespmem:s24+$0x31F0];
	v14 =	vadd.f32 v15, v14  }
0x57d: {  	v15 =	vld [tilespmem:s24+$0xF9F0];
	v16 =	vmul.f32 v16, v28  }
0x57e: {  	v63 =	vld [tilespmem:s24+$0x3200];
	v4 =	vmul.f32 v12, v62;
	v5 =	vadd.f32 v6, v5;
	v8, _, _ =	vpop (xrf2);
	(xrf2) =	vadd.scan.msk.f32 $0xffff, v14  }
0x57f: {  	v3 =	vld [tilespmem:s24+$0xFA00];
	v0 =	vmul.f32 v36, v35;
	v9 =	vadd.f32 v16, v9  }
0x580: {  	v12 =	vadd.f32 v4, v5;
	v34 =	vmul.f32 v57, v23;
	v2 =	vmul.f32 v32, v10  }
0x581: {  	v33, _, _ =	vpop (xrf2);
	(xrf2) =	vadd.scan.msk.f32 $0xffff, v9  }
0x582: {  	v37 =	vadd.f32 v34, v12;
	v0 =	vadd.f32 v0, v2;
	v38 =	vmul.f32 v15, v7;
	v40, _, _ =	vpop (xrf2)  }
0x583: {  	v41 =	vbroadcast v33, $0xF;
	v42 =	vbroadcast v40, $0xF  }
0x584: {  	v44 =	vmul.f32 v3, v63;
	v43 =	vbroadcast v8, $0xF;
	v0 =	vadd.f32 v38, v0;
	(xrf2) =	vadd.scan.msk.f32 $0xffff, v37  }
0x585: {  	v46 =	vbroadcast v13, $0xF;
	v45 =	vsel vm0, v41, v42;
	v47, _, _ =	vpop (xrf2)  }
0x586: {  	v0 =	vadd.f32 v44, v0;
	v1 =	vsel vm1, v45, v43;
	v48 =	vbroadcast v47, $0xF  }
0x587: {  	v49 =	vbroadcast v18, $0xF;
	v1 =	vsel vm2, v1, v46  }
0x588: {  	v50 =	vbroadcast v26, $0xF;
	v51, _, _ =	vpop (xrf2);
	(xrf2) =	vadd.scan.msk.f32 $0xffff, v0;
	v1 =	vsel vm3, v1, v48  }
0x589: {  	v53 =	vbroadcast v51, $0xF;
	v52 =	vsel vm4, v1, v49  }
0x58a: {  	v55 =	vbroadcast v39, $0xF;
	v0 =	vsel vm5, v52, v50  }
0x58b: {  	v56 =	vbroadcast v29, $0xF;
	v57, _, _ =	vpop (xrf2);
	v0 =	vsel vm6, v0, v53  }
0x58c: {  	v58 =	vbroadcast v57, $0xF;
	v0 =	vsel vm7, v0, v55  }
0x58d: {  	v59 =	vbroadcast v22, $0xF;
	v0 =	vsel vm8, v0, v56  }
0x58e: {  	v60 =	vbroadcast v21, $0xF;
	v61, _, _ =	vpop (xrf2);
	v0 =	vsel vm9, v0, v58  }
0x58f: {  	v3 =	vbroadcast v61, $0xF;
	v0 =	vsel vm10, v0, v59  }
0x590: {  	v62 =	vbroadcast v54, $0xF;
	v0 =	vsel vm11, v0, v60  }
0x591: {  	v0 =	vsel vm12, v0, v3  }
0x592: {  	v63, _, _ =	vpop (xrf2);
	v0 =	vsel vm13, v0, v62  }
0x593: {  	s23 =	sadd.s32 $0x10, s23;
	v0 =	vsel vm14, v0, v63  }
0x594: {  	s24 =	sshra.s32 s25, $0x2;
	[tilespmem:s23+$0x0] =	vst v0  }
0x595: {  	v0 =	vld [tilespmem:s24+$0x31C0]  }
0x596: {  	v21 =	vld [tilespmem:s24+$0xF9C0]  }
0x597: {  	v4 =	vld [tilespmem:s24+$0x31D0]  }
0x598: {  	v5 =	vld [tilespmem:s24+$0xF9D0]  }
0x599: {  	v6 =	vld [tilespmem:s24+$0x31E0]  }
0x59a: {  	v7 =	vld [tilespmem:s24+$0xF9E0]  }
0x59b: {  	v26 =	vld [tilespmem:s24+$0x31B0]  }
0x59c: {  	v31 =	vld [tilespmem:s24+$0xF9B0]  }
0x59d: {  	v34 =	vld [tilespmem:s24+$0x3140]  }
0x59e: {  	v37 =	vld [tilespmem:s24+$0xF940]  }
0x59f: {  	v8 =	vld [tilespmem:s24+$0x3170]  }
0x5a0: {  	v24 =	vld [tilespmem:s24+$0x3190]  }
0x5a1: {  	v25 =	vld [tilespmem:s24+$0xF990]  }
0x5a2: {  	v32 =	vld [tilespmem:s24+$0x31A0]  }
0x5a3: {  	v48 =	vld [tilespmem:s24+$0xF9A0]  }
0x5a4: {  	v9 =	vld [tilespmem:s24+$0x3100]  }
0x5a5: {  	v22 =	vld [tilespmem:s24+$0xF900]  }
0x5a6: {  	v33 =	vld [tilespmem:s24+$0x3130]  }
0x5a7: {  	v35 =	vld [tilespmem:s24+$0xF930]  }
0x5a8: {  	v10 =	vld [tilespmem:s24+$0x3150]  }
0x5a9: {  	v11 =	vld [tilespmem:s24+$0xF950]  }
0x5aa: {  	v36 =	vld [tilespmem:s24+$0x3160]  }
0x5ab: {  	v38 =	vld [tilespmem:s24+$0xF960]  }
0x5ac: {  	v43 =	vld [tilespmem:s24+$0x30F0]  }
0x5ad: {  	v46 =	vld [tilespmem:s24+$0xF8F0]  }
0x5ae: {  	v53 =	vld [tilespmem:s24+$0x3110]  }
0x5af: {  	v54 =	vld [tilespmem:s24+$0xF910]  }
0x5b0: {  	v55 =	vld [tilespmem:s24+$0x3120]  }
0x5b1: {  	v56 =	vld [tilespmem:s24+$0xF920]  }
0x5b2: {  	v39 =	vld [tilespmem:s24+$0x3080]  }
0x5b3: {  	v41 =	vld [tilespmem:s24+$0xF880]  }
0x5b4: {  	v40 =	vld [tilespmem:s24+$0x30B0]  }
0x5b5: {  	v57 =	vld [tilespmem:s24+$0x30D0]  }
0x5b6: {  	v58 =	vld [tilespmem:s24+$0xF8D0]  }
0x5b7: {  	v59 =	vld [tilespmem:s24+$0x30E0]  }
0x5b8: {  	v60 =	vld [tilespmem:s24+$0xF8E0]  }
0x5b9: {  	v42 =	vld [tilespmem:s24+$0x3040]  }
0x5ba: {  	v44 =	vld [tilespmem:s24+$0xF840]  }
0x5bb: {  	v52 =	vld [tilespmem:s24+$0xF870]  }
0x5bc: {  	v45 =	vld [tilespmem:s24+$0x3090]  }
0x5bd: {  	v47 =	vld [tilespmem:s24+$0xF890]  }
0x5be: {  	v49 =	vld [tilespmem:s24+$0x30A0]  }
0x5bf: {  	v50 =	vld [tilespmem:s24+$0xF8A0]  }
0x5c0: {  	v61 =	vld [tilespmem:s24+$0x3050]  }
0x5c1: {  	v62 =	vld [tilespmem:s24+$0xF850]  }
0x5c2: {  	v63 =	vld [tilespmem:s24+$0x3060]  }
0x5c3: {  	v51 =	vld [tilespmem:s24+$0x2FF0]  }
0x5c4: {  	v1 =	vld [tilespmem:s24+$0x3010]  }
0x5c5: {  	v2 =	vld [tilespmem:s24+$0xF810]  }
0x5c6: {  	v3 =	vld [tilespmem:s24+$0x3020]  }
0x5c7: {  	v23 =	vld [tilespmem:s24+$0xF7D0]  }
0x5c8: {  	v12 =	vld [tilespmem:s24+$0xF7A0]  }
0x5c9: {  	v29 =	vld [tilespmem:s24+$0x2F00]  }
0x5ca: {  	v30 =	vld [tilespmem:s24+$0xF700]  }
0x5cb: {  	v19 =	vld [tilespmem:s24+$0x2F30]  }
0x5cc: {  	v13 =	vld [tilespmem:s24+$0x2F50]  }
0x5cd: {  	v14 =	vld [tilespmem:s24+$0xF750]  }
0x5ce: {  	v15 =	vld [tilespmem:s24+$0x2F60]  }
0x5cf: {  	v16 =	vld [tilespmem:s24+$0xF760]  }
0x5d0: {  	v27 =	vld [tilespmem:s24+$0x2EC0]  }
0x5d1: {  	v28 =	vld [tilespmem:s24+$0xF6C0]  }
0x5d2: {  	v17 =	vld [tilespmem:s24+$0x2EF0]  }
0x5d3: {  	v18 =	vld [tilespmem:s24+$0xF6F0]  }
0x5d4: {  	[tilespmem:$0x1F870] =	vst v36;
	v36 =	vld [tilespmem:s24+$0x3070]  }
0x5d5: {  	[tilespmem:$0x1F8C0] =	vst v49;
	v49 =	vld [tilespmem:s24+$0x3030]  }
0x5d6: {  	[tilespmem:$0x1F880] =	vst v38;
	v38 =	vld [tilespmem:s24+$0xF830]  }
0x5d7: {  	[tilespmem:$0x1F610] =	vst v0;
	v0 =	vld [tilespmem:s24+$0xF860]  }
0x5d8: {  	[tilespmem:$0x1F890] =	vst v40;
	v40 =	vld [tilespmem:s24+$0x2FC0]  }
0x5d9: {  	[tilespmem:$0x1F630] =	vst v39;
	v39 =	vld [tilespmem:s24+$0xF7C0]  }
0x5da: {  	[tilespmem:$0x1F800] =	vst v4;
	v4 =	vld [tilespmem:s24+$0xF820]  }
0x5db: {  	[tilespmem:$0x1F640] =	vst v42;
	v42 =	vld [tilespmem:s24+$0x2F80]  }
0x5dc: {  	[tilespmem:$0x1F8A0] =	vst v45;
	v45 =	vld [tilespmem:s24+$0xF780]  }
0x5dd: {  	[tilespmem:$0x1F810] =	vst v5;
	v5 =	vld [tilespmem:s24+$0x2FB0]  }
0x5de: {  	[tilespmem:$0x1F820] =	vst v6;
	v6 =	vld [tilespmem:s24+$0xF7B0]  }
0x5df: {  	[tilespmem:$0x1F8D0] =	vst v50;
	v50 =	vld [tilespmem:s24+$0x2FD0]  }
0x5e0: {  	[tilespmem:$0x1F8B0] =	vst v47;
	v47 =	vld [tilespmem:s24+$0x2FE0]  }
0x5e1: {  	[tilespmem:$0x1F650] =	vst v44;
	v44 =	vld [tilespmem:s24+$0xF7E0]  }
0x5e2: {  	[tilespmem:$0x1F830] =	vst v7;
	v7 =	vld [tilespmem:s24+$0x2F70]  }
0x5e3: {  	[tilespmem:$0x1F840] =	vst v8;
	v8 =	vld [tilespmem:s24+$0xF770]  }
0x5e4: {  	[tilespmem:$0x1F620] =	vst v9;
	v9 =	vld [tilespmem:s24+$0x2F90]  }
0x5e5: {  	[tilespmem:$0x1F850] =	vst v10;
	v10 =	vld [tilespmem:s24+$0xF790]  }
0x5e6: {  	[tilespmem:$0x1F860] =	vst v11;
	v11 =	vld [tilespmem:s24+$0x2FA0]  }
0x5e7: {  	[tilespmem:$0x1F8E0] =	vst v51;
	v51 =	vld [tilespmem:s24+$0x2F10]  }
0x5e8: {  	v20 =	vmul.f32 v25, v24;
	v24 =	vld [tilespmem:s24+$0xF710]  }
0x5e9: {  	v32 =	vmul.f32 v48, v32;
	v25 =	vld [tilespmem:s24+$0x2F20]  }
0x5ea: {  	v48 =	vmul.f32 v54, v53;
	v53 =	vmul.f32 v56, v55;
	v56 =	vld [tilespmem:$0x1F610]  }
0x5eb: {  	v60 =	vmul.f32 v60, v59;
	v59 =	vld [tilespmem:$0x1F620]  }
0x5ec: {  	v43 =	vmul.f32 v46, v43;
	v46 =	vld [tilespmem:$0x1F650]  }
0x5ed: {  	v20 =	vadd.f32 v32, v20;
	v32 =	vmul.f32 v31, v26;
	v26 =	vld [tilespmem:s24+$0xF720]  }
0x5ee: {  	v58 =	vmul.f32 v58, v57;
	v31 =	vld [tilespmem:s24+$0x2E40]  }
0x5ef: {  	v48 =	vadd.f32 v53, v48;
	v53 =	vmul.f32 v35, v33;
	v33 =	vld [tilespmem:s24+$0x2EB0]  }
0x5f0: {  	v35 =	vld [tilespmem:s24+$0xF6B0];
	v57 =	vadd.f32 v60, v58  }
0x5f1: {  	v20 =	vadd.f32 v32, v20;
	v32 =	vld [tilespmem:s24+$0xF640]  }
0x5f2: {  	v34 =	vmul.f32 v37, v34;
	v37 =	vadd.f32 v43, v57;
	v43 =	vld [tilespmem:s24+$0xF6E0]  }
0x5f3: {  	v60 =	vmul.f32 v52, v36;
	v36 =	vld [tilespmem:s24+$0xF630];
	v21 =	vmul.f32 v21, v56  }
0x5f4: {  	v58 =	vmul.f32 v62, v61;
	v0 =	vmul.f32 v0, v63;
	v63 =	vld [tilespmem:$0x1F630]  }
0x5f5: {  	v61 =	vmul.f32 v4, v3;
	v3 =	vld [tilespmem:s24+$0xF690];
	v20 =	vadd.f32 v21, v20;
	v21 =	vadd.f32 v53, v48  }
0x5f6: {  	v22 =	vmul.f32 v22, v59;
	v59 =	vmul.f32 v39, v40;
	v39 =	vld [tilespmem:s24+$0x2E20]  }
0x5f7: {  	v40 =	vld [tilespmem:s24+$0x2E50];
	v21 =	vadd.f32 v34, v21  }
0x5f8: {  	v48 =	vld [tilespmem:s24+$0x2ED0];
	v62 =	vadd.f32 v22, v37;
	(xrf2) =	vadd.scan.msk.f32 $0xffff, v20  }
0x5f9: {  	v53 =	vld [tilespmem:s24+$0x2EE0];
	(xrf2) =	vadd.scan.msk.f32 $0xffff, v21  }
0x5fa: {  	v0 =	vadd.f32 v0, v58;
	v4 =	vmul.f32 v41, v63;
	v41 =	vld [tilespmem:$0x1F640];
	(xrf2) =	vadd.scan.msk.f32 $0xffff, v62  }
0x5fb: {  	v1 =	vmul.f32 v2, v1;
	v9 =	vmul.f32 v10, v9;
	v22 =	vld [tilespmem:s24+$0x2E90]  }
0x5fc: {  	v37 =	vmul.f32 v38, v49;
	v38 =	vmul.f32 v12, v11;
	v0 =	vadd.f32 v60, v0;
	v20 =	vld [tilespmem:s24+$0xF6D0]  }
0x5fd: {  	v57 =	vmul.f32 v16, v15;
	v5 =	vmul.f32 v6, v5;
	v1 =	vadd.f32 v61, v1;
	v11 =	vld [tilespmem:s24+$0xF6A0]  }
0x5fe: {  	v49 =	vmul.f32 v14, v13;
	v34 =	vld [tilespmem:s24+$0x2E30];
	v9 =	vadd.f32 v38, v9;
	v0 =	vadd.f32 v4, v0  }
0x5ff: {  	p0 =	sne.s32 s25, $0x18FC0;
	v16 =	vmovc v23;
	v60 =	vmul.f32 v8, v7;
	v1 =	vadd.f32 v37, v1;
	v4 =	vld [tilespmem:s24+$0x2EA0];
	v2 =	vmul.f32 v46, v41  }
.Ltmp3:
0x600: {  	v37 =	vld [tilespmem:s24+$0xF610];
	v63 =	vmul.f32 v45, v42;
	v58 =	vadd.f32 v5, v9;
	(xrf2) =	vadd.scan.msk.f32 $0xffff, v0;
	v0 =	vadd.f32 v57, v49;
	(pc) =	sbr.rel @p0 .LBB2_8-.Ltmp3, $4  }
0x601: {  	v15 =	vmovc v50;
	v38 =	vld [tilespmem:s24+$0x2E10];
	v62 =	vmul.f32 v43, v53;
	v61 =	vmul.f32 v20, v48;
	v1 =	vadd.f32 v2, v1  }
0x602: {  	v42 =	vld [tilespmem:s24+$0xF650];
	v46 =	vmul.f32 v18, v17;
	v0 =	vadd.f32 v60, v0;
	v2 =	vadd.f32 v59, v58;
	v54, _, _ =	vpop (xrf2)  }
0x603: {  	v43 =	vld [tilespmem:s24+$0x2E60];
	v18 =	vmov v44;
	v17 =	vmov v47;
	v47 =	vmul.f32 v3, v22;
	(xrf2) =	vadd.scan.msk.f32 $0xffff, v1;
	v21, _, _ =	vpop (xrf2)  }
0x604: {  	s25 =	sadd.s32 $0x1000, s25;
	v41 =	vld [tilespmem:s24+$0xF620];
	v45 =	vadd.f32 v62, v61;
	v48 =	vmul.f32 v11, v4;
	v44 =	vadd.f32 v63, v0;
	(xrf2) =	vadd.scan.msk.f32 $0xffff, v2;
	v22, _, _ =	vpop (xrf2)  }
0x605: {  	v0 =	vld [tilespmem:s24+$0xF660]  }
0x606: {  	v1 =	vld [tilespmem:s24+$0x2E70]  }
0x607: {  	v4 =	vld [tilespmem:s24+$0xF670]  }
0x608: {  	v7 =	vld [tilespmem:s24+$0x2E80]  }
0x609: {  	v10 =	vld [tilespmem:s24+$0xF730]  }
0x60a: {  	v12 =	vld [tilespmem:s24+$0x2F40]  }
0x60b: {  	v14 =	vld [tilespmem:s24+$0xF7F0]  }
0x60c: {  	v53 =	vld [tilespmem:s24+$0x3000]  }
0x60d: {  	v58 =	vld [tilespmem:s24+$0xF800]  }
0x60e: {  	v61 =	vld [tilespmem:s24+$0xF8B0]  }
0x60f: {  	v63 =	vld [tilespmem:s24+$0x30C0]  }
0x610: {  	v13 =	vmul.f32 v32, v31;
	v32 =	vld [tilespmem:$0x1F8E0]  }
0x611: {  	v6 =	vmul.f32 v35, v33;
	v33 =	vld [tilespmem:s24+$0xF8C0]  }
0x612: {  	v35 =	vld [tilespmem:$0x1F8A0]  }
0x613: {  	v2 =	vadd.f32 v46, v45;
	v45 =	vld [tilespmem:s24+$0xF680]  }
0x614: {  	v5 =	vadd.f32 v48, v47;
	v48 =	vld [tilespmem:s24+$0xF740]  }
0x615: {  	v47 =	vmul.f32 v36, v34;
	v36 =	vld [tilespmem:$0x1F8B0]  }
0x616: {  	v8 =	vmul.f32 v37, v38;
	v37 =	vld [tilespmem:$0x1F8C0]  }
0x617: {  	v50 =	vmul.f32 v24, v51;
	v51 =	vmul.f32 v26, v25;
	v38 =	vld [tilespmem:$0x1F8D0]  }
0x618: {  	v46 =	vmul.f32 v42, v40;
	v40 =	vld [tilespmem:s24+$0x3180];
	v9 =	vmul.f32 v41, v39  }
0x619: {  	v3 =	vmul.f32 v30, v29;
	v42 =	vld [tilespmem:$0x1F890];
	v0 =	vmul.f32 v0, v43  }
0x61a: {  	v11 =	vmul.f32 v28, v27;
	v56 =	vadd.f32 v51, v50;
	v51 =	vld [tilespmem:$0x1F840];
	v8 =	vadd.f32 v9, v8  }
0x61b: {  	v5 =	vadd.f32 v6, v5;
	v39 =	vld [tilespmem:s24+$0xF970];
	v1 =	vmul.f32 v4, v1;
	v0 =	vadd.f32 v0, v46  }
0x61c: {  	v2 =	vadd.f32 v3, v2;
	v43 =	vld [tilespmem:s24+$0xF980];
	v49 =	vadd.f32 v47, v8  }
0x61d: {  	(xrf2) =	vadd.scan.msk.f32 $0xffff, v44;
	v5 =	vadd.f32 v11, v5;
	v52 =	vmul.f32 v45, v7;
	v45 =	vld [tilespmem:$0x1F850];
	v0 =	vadd.f32 v1, v0  }
0x61e: {  	(xrf2) =	vadd.scan.msk.f32 $0xffff, v2;
	v57 =	vmul.f32 v10, v19;
	v4 =	vmul.f32 v48, v12;
	v12 =	vld [tilespmem:$0x1F880];
	v55 =	vadd.f32 v13, v49  }
0x61f: {  	v59 =	vmul.f32 v16, v15;
	v60 =	vmul.f32 v18, v17;
	(xrf2) =	vadd.scan.msk.f32 $0xffff, v5;
	v46 =	vld [tilespmem:$0x1F860];
	v0 =	vadd.f32 v52, v0  }
0x620: {  	v62 =	vadd.f32 v57, v56;
	v47 =	vld [tilespmem:$0x1F870];
	(xrf2) =	vadd.scan.msk.f32 $0xffff, v55  }
0x621: {  	v5 =	vmul.f32 v14, v32;
	v14 =	vld [tilespmem:$0x1F810];
	v1 =	vadd.f32 v60, v59;
	(xrf2) =	vadd.scan.msk.f32 $0xffff, v0  }
0x622: {  	v2 =	vmul.f32 v36, v35;
	v56 =	vld [tilespmem:$0x1F820];
	v34 =	vadd.f32 v4, v62;
	v4 =	vmul.f32 v38, v37  }
0x623: {  	v3 =	vmul.f32 v58, v53;
	v1 =	vadd.f32 v5, v1;
	v55 =	vld [tilespmem:$0x1F800]  }
0x624: {  	v41, _, _ =	vpop (xrf2);
	v57 =	vld [tilespmem:$0x1F830];
	v2 =	vadd.f32 v4, v2;
	v4 =	vmul.f32 v61, v42;
	(xrf2) =	vadd.scan.msk.f32 $0xffff, v34  }
0x625: {  	v44, _, _ =	vpop (xrf2);
	v49 =	vld [tilespmem:s24+$0xF9F0];
	v1 =	vadd.f32 v3, v1;
	v3 =	vmul.f32 v46, v45;
	v11 =	vmul.f32 v12, v47  }
0x626: {  	v48 =	vmul.f32 v33, v63;
	v13, _, _ =	vpop (xrf2);
	v12 =	vld [tilespmem:s24+$0x31F0];
	v2 =	vadd.f32 v4, v2  }
0x627: {  	v10 =	vmul.f32 v39, v51;
	v50, _, _ =	vpop (xrf2);
	v52 =	vld [tilespmem:s24+$0x3200];
	v3 =	vadd.f32 v11, v3;
	(xrf2) =	vadd.scan.msk.f32 $0xffff, v1  }
0x628: {  	v53, _, _ =	vpop (xrf2);
	v2 =	vadd.f32 v48, v2;
	v4 =	vmul.f32 v14, v55;
	v14 =	vld [tilespmem:s24+$0xFA00]  }
0x629: {  	v5 =	vmul.f32 v43, v40;
	v9 =	vmul.f32 v57, v56;
	v15, _, _ =	vpop (xrf2);
	v3 =	vadd.f32 v10, v3  }
0x62a: {  	(xrf2) =	vadd.scan.msk.f32 $0xffff, v2;
	v58, _, _ =	vpop (xrf2)  }
0x62b: {  	v61 =	vmul.f32 v49, v12;
	v59 =	vadd.f32 v5, v3;
	v60 =	vadd.f32 v9, v4;
	v62, _, _ =	vpop (xrf2)  }
0x62c: {  	v63 =	vbroadcast v58, $0xF;
	v5 =	vbroadcast v62, $0xF  }
0x62d: {  	v32 =	vbroadcast v15, $0xF;
	v3 =	vadd.f32 v61, v60;
	(xrf2) =	vadd.scan.msk.f32 $0xffff, v59;
	v33 =	vmul.f32 v14, v52  }
0x62e: {  	v1 =	vbroadcast v53, $0xF;
	v35, _, _ =	vpop (xrf2);
	v34 =	vsel vm0, v63, v5  }
0x62f: {  	v3 =	vadd.f32 v33, v3;
	v5 =	vbroadcast v35, $0xF;
	v2 =	vsel vm1, v34, v32  }
0x630: {  	v36 =	vbroadcast v50, $0xF;
	v1 =	vsel vm2, v2, v1  }
0x631: {  	v37 =	vbroadcast v13, $0xF;
	v38, _, _ =	vpop (xrf2);
	(xrf2) =	vadd.scan.msk.f32 $0xffff, v3;
	v1 =	vsel vm3, v1, v5  }
0x632: {  	v39 =	vbroadcast v38, $0xF;
	v1 =	vsel vm4, v1, v36  }
0x633: {  	v0 =	vbroadcast v44, $0xF;
	v1 =	vsel vm5, v1, v37  }
0x634: {  	v40 =	vbroadcast v41, $0xF;
	v41, _, _ =	vpop (xrf2);
	v1 =	vsel vm6, v1, v39  }
0x635: {  	v42 =	vbroadcast v41, $0xF;
	v0 =	vsel vm7, v1, v0  }
0x636: {  	v43 =	vbroadcast v22, $0xF;
	v0 =	vsel vm8, v0, v40  }
0x637: {  	v44 =	vbroadcast v21, $0xF;
	v45, _, _ =	vpop (xrf2);
	v0 =	vsel vm9, v0, v42  }
0x638: {  	v46 =	vbroadcast v45, $0xF;
	v0 =	vsel vm10, v0, v43  }
0x639: {  	v47 =	vbroadcast v54, $0xF;
	v0 =	vsel vm11, v0, v44  }
0x63a: {  	v0 =	vsel vm12, v0, v46  }
0x63b: {  	v48, _, _ =	vpop (xrf2);
	v0 =	vsel vm13, v0, v47  }
0x63c: {  	s23 =	sadd.s32 $0x10, s23;
	v0 =	vsel vm14, v0, v48  }
0x63d: {  	[tilespmem:s23+$0x0] =	vst v0  }
0x63e: {  	_ =	swait.ge [sflag:s19], $0x6400  }
0x63f: {  	[sflag:s19] =	ssyncset.done $0x0  }
0x640: {  	[sflag:s19] =	ssyncadd.s32 $0xFFFF9C00  }
0x641: {  	_ =	swait.ge [sflag:s20], $0x6400  }
0x642: {  	[sflag:s20] =	ssyncset.done $0x0  }
0x643: {  	s31 =	simm.s32 $0x3F0;
	[sflag:s20] =	ssyncadd.s32 $0xFFFF9C00  }
0x644: {  	v20 =	vld [tilespmem:s31+$0x95C0]  }
0x645: {  	v21 =	vld [tilespmem:s31+$0x15DC0]  }
0x646: {  	v49 =	vld [tilespmem:s31+$0x95D0]  }
0x647: {  	v50 =	vld [tilespmem:s31+$0x15DD0]  }
0x648: {  	v51 =	vld [tilespmem:s31+$0x95E0]  }
0x649: {  	v52 =	vld [tilespmem:s31+$0x15DE0]  }
0x64a: {  	v22 =	vld [tilespmem:s31+$0x95B0]  }
0x64b: {  	v23 =	vld [tilespmem:s31+$0x15DB0]  }
0x64c: {  	v24 =	vld [tilespmem:s31+$0x9540]  }
0x64d: {  	v25 =	vld [tilespmem:s31+$0x15D40]  }
0x64e: {  	v53 =	vld [tilespmem:s31+$0x9570]  }
0x64f: {  	v26 =	vld [tilespmem:s31+$0x9590]  }
0x650: {  	v27 =	vld [tilespmem:s31+$0x15D90]  }
0x651: {  	v28 =	vld [tilespmem:s31+$0x95A0]  }
0x652: {  	v29 =	vld [tilespmem:s31+$0x15DA0]  }
0x653: {  	v54 =	vld [tilespmem:s31+$0x9500]  }
0x654: {  	v55 =	vld [tilespmem:s31+$0x15D00]  }
0x655: {  	v32 =	vld [tilespmem:s31+$0x9530]  }
0x656: {  	v33 =	vld [tilespmem:s31+$0x15D30]  }
0x657: {  	v56 =	vld [tilespmem:s31+$0x9550]  }
0x658: {  	v57 =	vld [tilespmem:s31+$0x15D50]  }
0x659: {  	v58 =	vld [tilespmem:s31+$0x9560]  }
0x65a: {  	v59 =	vld [tilespmem:s31+$0x15D60]  }
0x65b: {  	v34 =	vld [tilespmem:s31+$0x94F0]  }
0x65c: {  	v35 =	vld [tilespmem:s31+$0x15CF0]  }
0x65d: {  	v36 =	vld [tilespmem:s31+$0x9510]  }
0x65e: {  	v37 =	vld [tilespmem:s31+$0x15D10]  }
0x65f: {  	v38 =	vld [tilespmem:s31+$0x9520]  }
0x660: {  	v39 =	vld [tilespmem:s31+$0x15D20]  }
0x661: {  	v40 =	vld [tilespmem:s31+$0x9480]  }
0x662: {  	v41 =	vld [tilespmem:s31+$0x15C80]  }
0x663: {  	v60 =	vld [tilespmem:s31+$0x94B0]  }
0x664: {  	v42 =	vld [tilespmem:s31+$0x94D0]  }
0x665: {  	v43 =	vld [tilespmem:s31+$0x15CD0]  }
0x666: {  	v44 =	vld [tilespmem:s31+$0x94E0]  }
0x667: {  	v45 =	vld [tilespmem:s31+$0x15CE0]  }
0x668: {  	v46 =	vld [tilespmem:s31+$0x9440]  }
0x669: {  	v47 =	vld [tilespmem:s31+$0x15C40]  }
0x66a: {  	v48 =	vld [tilespmem:s31+$0x9470]  }
0x66b: {  	v61 =	vld [tilespmem:s31+$0x9490]  }
0x66c: {  	v62 =	vld [tilespmem:s31+$0x15C90]  }
0x66d: {  	v63 =	vld [tilespmem:s31+$0x94A0]  }
0x66e: {  	v4 =	vld [tilespmem:s31+$0x15CA0]  }
0x66f: {  	v5 =	vld [tilespmem:s31+$0x93F0]  }
0x670: {  	v13 =	vld [tilespmem:s31+$0x93B0]  }
0x671: {  	v10 =	vld [tilespmem:s31+$0x15BB0]  }
0x672: {  	v6 =	vld [tilespmem:s31+$0x93D0]  }
0x673: {  	v7 =	vld [tilespmem:s31+$0x15BD0]  }
0x674: {  	v8 =	vld [tilespmem:s31+$0x93E0]  }
0x675: {  	v9 =	vld [tilespmem:s31+$0x15BE0]  }
0x676: {  	v15 =	vld [tilespmem:s31+$0x9370]  }
0x677: {  	v14 =	vld [tilespmem:s31+$0x15B70]  }
0x678: {  	v3 =	vld [tilespmem:s31+$0x9390]  }
0x679: {  	v2 =	vld [tilespmem:s31+$0x15B90]  }
0x67a: {  	v1 =	vld [tilespmem:s31+$0x93A0]  }
0x67b: {  	v0 =	vld [tilespmem:s31+$0x15BA0]  }
0x67c: {  	v17 =	vld [tilespmem:s31+$0x9300]  }
0x67d: {  	v16 =	vld [tilespmem:s31+$0x15B00]  }
0x67e: {  	v11 =	vld [tilespmem:s31+$0x9330]  }
0x67f: {  	v31 =	vld [tilespmem:s31+$0x92C0]  }
0x680: {  	v30 =	vld [tilespmem:s31+$0x15AC0]  }
0x681: {  	v19 =	vld [tilespmem:s31+$0x9240]  }
0x682: {  	v18 =	vld [tilespmem:s31+$0x15A40]  }
0x683: {  	v12 =	vld [tilespmem:s31+$0x92B0]  }
0x684: {  	[tilespmem:$0x1F470] =	vst v49;
	v49 =	vld [tilespmem:s31+$0x15C70]  }
0x685: {  	[tilespmem:$0x1F480] =	vst v50;
	v50 =	vld [tilespmem:s31+$0x9430]  }
0x686: {  	[tilespmem:$0x1F490] =	vst v51;
	v51 =	vld [tilespmem:s31+$0x15C30]  }
0x687: {  	[tilespmem:$0x1F4A0] =	vst v52;
	v52 =	vld [tilespmem:s31+$0x9450]  }
0x688: {  	[tilespmem:$0x1F460] =	vst v53;
	v53 =	vld [tilespmem:s31+$0x15C50]  }
0x689: {  	[tilespmem:$0x1F310] =	vst v54;
	v54 =	vld [tilespmem:s31+$0x9460]  }
0x68a: {  	[tilespmem:$0x1F320] =	vst v55;
	v55 =	vld [tilespmem:s31+$0x15C60]  }
0x68b: {  	[tilespmem:$0x1F420] =	vst v56;
	v56 =	vld [tilespmem:s31+$0x93C0]  }
0x68c: {  	[tilespmem:$0x1F430] =	vst v57;
	v57 =	vld [tilespmem:s31+$0x15BC0]  }
0x68d: {  	[tilespmem:$0x1F440] =	vst v58;
	v58 =	vld [tilespmem:s31+$0x9410]  }
0x68e: {  	[tilespmem:$0x1F450] =	vst v59;
	v59 =	vld [tilespmem:s31+$0x15C10]  }
0x68f: {  	[tilespmem:$0x1F410] =	vst v60;
	v60 =	vld [tilespmem:s31+$0x9420]  }
0x690: {  	[tilespmem:$0x1F3D0] =	vst v61;
	v61 =	vld [tilespmem:s31+$0x15C20]  }
0x691: {  	[tilespmem:$0x1F3E0] =	vst v62;
	v62 =	vld [tilespmem:s31+$0x9380]  }
0x692: {  	[tilespmem:$0x1F3F0] =	vst v63;
	v63 =	vld [tilespmem:s31+$0x15B80]  }
0x693: {  	[tilespmem:$0x1F390] =	vst v7;
	v7 =	vld [tilespmem:s31+$0x9350]  }
0x694: {  	[tilespmem:$0x1F380] =	vst v6;
	v6 =	vld [tilespmem:s31+$0x15B50]  }
0x695: {  	[tilespmem:$0x1F3C0] =	vst v5;
	v5 =	vld [tilespmem:s31+$0x9360]  }
0x696: {  	[tilespmem:$0x1F400] =	vst v4;
	v4 =	vld [tilespmem:s31+$0x15B60]  }
0x697: {  	[tilespmem:$0x1F3B0] =	vst v9;
	v9 =	vld [tilespmem:s31+$0x92F0]  }
0x698: {  	[tilespmem:$0x1F3A0] =	vst v8;
	v8 =	vld [tilespmem:s31+$0x15AF0]  }
0x699: {  	[tilespmem:$0x1F370] =	vst v11;
	v11 =	vld [tilespmem:s31+$0x9310]  }
0x69a: {  	v26 =	vmul.f32 v27, v26;
	v27 =	vmul.f32 v29, v28;
	v28 =	vld [tilespmem:s31+$0x92D0]  }
0x69b: {  	v29 =	vmul.f32 v37, v36;
	v37 =	vld [tilespmem:s31+$0x15AD0]  }
0x69c: {  	v22 =	vmul.f32 v23, v22;
	v23 =	vld [tilespmem:s31+$0x92E0]  }
0x69d: {  	v24 =	vmul.f32 v25, v24;
	v25 =	vld [tilespmem:s31+$0x15A30]  }
0x69e: {  	v36 =	vmul.f32 v39, v38;
	v39 =	vld [tilespmem:$0x1F380]  }
0x69f: {  	v40 =	vmul.f32 v41, v40;
	v41 =	vld [tilespmem:$0x1F3A0]  }
0x6a0: {  	v20 =	vmul.f32 v21, v20;
	v21 =	vadd.f32 v36, v29;
	v29 =	vld [tilespmem:s31+$0x15AE0]  }
0x6a1: {  	v26 =	vadd.f32 v27, v26;
	v27 =	vmul.f32 v33, v32;
	v33 =	vld [tilespmem:s31+$0x9230]  }
0x6a2: {  	v36 =	vld [tilespmem:$0x1F370]  }
0x6a3: {  	v21 =	vadd.f32 v27, v21;
	v27 =	vld [tilespmem:s31+$0x9290]  }
0x6a4: {  	[tilespmem:$0x1F330] =	vst v11;
	v11 =	vld [tilespmem:s31+$0x15B10]  }
0x6a5: {  	v22 =	vadd.f32 v22, v26;
	v26 =	vmul.f32 v43, v42;
	v43 =	vmul.f32 v53, v52;
	v52 =	vld [tilespmem:s31+$0x92A0]  }
0x6a6: {  	v53 =	vld [tilespmem:$0x1F310]  }
0x6a7: {  	v42 =	vmul.f32 v45, v44;
	v44 =	vmul.f32 v55, v54;
	v54 =	vld [tilespmem:$0x1F320]  }
0x6a8: {  	v45 =	vmul.f32 v61, v60;
	v60 =	vld [tilespmem:s31+$0x15A10]  }
0x6a9: {  	v61 =	vld [tilespmem:s31+$0x9210]  }
0x6aa: {  	v55 =	vmul.f32 v49, v48;
	v48 =	vmul.f32 v14, v15;
	v14 =	vld [tilespmem:s31+$0x9260]  }
0x6ab: {  	v49 =	vld [tilespmem:s31+$0x15A60]  }
0x6ac: {  	v21 =	vadd.f32 v24, v21;
	v24 =	vld [tilespmem:s31+$0x15A90]  }
0x6ad: {  	v20 =	vadd.f32 v20, v22;
	v22 =	vadd.f32 v42, v26;
	v42 =	vld [tilespmem:s31+$0x9220]  }
0x6ae: {  	v15 =	vmul.f32 v63, v62;
	v62 =	vld [tilespmem:$0x1F330]  }
0x6af: {  	v26 =	vmul.f32 v35, v34;
	v35 =	vld [tilespmem:s31+$0x9400]  }
0x6b0: {  	v32 =	vadd.f32 v44, v43;
	v43 =	vmul.f32 v10, v13;
	v44 =	vld [tilespmem:s31+$0x15A20]  }
0x6b1: {  	v13 =	vmul.f32 v29, v23;
	v23 =	vmul.f32 v57, v56;
	v56 =	vld [tilespmem:s31+$0x15B30]  }
0x6b2: {  	[tilespmem:$0x1F340] =	vst v11;
	v11 =	vld [tilespmem:s31+$0x9320]  }
0x6b3: {  	v22 =	vadd.f32 v26, v22;
	v26 =	vmul.f32 v59, v58;
	v58 =	vld [tilespmem:s31+$0x15AA0]  }
0x6b4: {  	v59 =	vmul.f32 v51, v50;
	v51 =	vmul.f32 v16, v17;
	v16 =	vld [tilespmem:s31+$0x15A70]  }
0x6b5: {  	v32 =	vadd.f32 v55, v32;
	v55 =	vmul.f32 v49, v14;
	v14 =	vld [tilespmem:s31+$0x15B40]  }
0x6b6: {  	v38 =	vmul.f32 v54, v53;
	v26 =	vadd.f32 v45, v26;
	v50 =	vmul.f32 v24, v27;
	v24 =	vld [tilespmem:s31+$0x9270]  }
0x6b7: {  	v6 =	vmul.f32 v6, v7;
	v4 =	vmul.f32 v4, v5;
	v32 =	vadd.f32 v40, v32;
	[tilespmem:$0x1F350] =	vst v11;
	v11 =	vld [tilespmem:s31+$0x15B20]  }
0x6b8: {  	(xrf2) =	vadd.scan.msk.f32 $0xffff, v20;
	v40 =	vld [tilespmem:$0x1F390];
	v38 =	vadd.f32 v38, v22;
	v22 =	vadd.f32 v59, v26;
	v26 =	vmul.f32 v47, v46  }
0x6b9: {  	v4 =	vadd.f32 v4, v6;
	(xrf2) =	vadd.scan.msk.f32 $0xffff, v21;
	v46 =	vld [tilespmem:s31+$0x9250]  }
0x6ba: {  	v2 =	vmul.f32 v2, v3;
	v0 =	vmul.f32 v0, v1;
	v45 =	vadd.f32 v26, v22;
	v22 =	vld [tilespmem:s31+$0x15A50];
	(xrf2) =	vadd.scan.msk.f32 $0xffff, v38  }
0x6bb: {  	v4 =	vadd.f32 v48, v4;
	(xrf2) =	vadd.scan.msk.f32 $0xffff, v32;
	v32 =	vld [tilespmem:$0x1F350]  }
0x6bc: {  	v0 =	vadd.f32 v0, v2;
	[tilespmem:$0x1F360] =	vst v11;
	v11 =	vld [tilespmem:s31+$0x15AB0]  }
0x6bd: {  	v4 =	vadd.f32 v15, v4;
	v47 =	vmul.f32 v37, v28;
	v15 =	vld [tilespmem:$0x1F360]  }
0x6be: {  	v0 =	vadd.f32 v43, v0;
	v37 =	vld [tilespmem:s31+$0x15C00]  }
0x6bf: {  	v10 =	vmul.f32 v44, v42;
	v42 =	vld [tilespmem:$0x1F3B0];
	v2 =	vadd.f32 v13, v47;
	v13 =	vmul.f32 v58, v52  }
0x6c0: {  	v1 =	vmul.f32 v60, v61;
	v0 =	vadd.f32 v23, v0;
	v47 =	vld [tilespmem:$0x1F3C0]  }
0x6c1: {  	v6 =	vadd.f32 v13, v50;
	v13 =	vld [tilespmem:s31+$0x9340];
	v54 =	vmul.f32 v22, v46;
	v11 =	vmul.f32 v11, v12  }
0x6c2: {  	v1 =	vadd.f32 v10, v1;
	v58 =	vmul.f32 v25, v33;
	v10 =	vmul.f32 v15, v32;
	v15 =	vld [tilespmem:s31+$0x15BF0]  }
0x6c3: {  	v52 =	vld [tilespmem:s31+$0x15A80];
	(xrf2) =	vadd.scan.msk.f32 $0xffff, v45;
	v60 =	vmul.f32 v16, v24;
	v53 =	vadd.f32 v11, v6;
	v6 =	vadd.f32 v55, v54  }
0x6c4: {  	v61 =	vadd.f32 v58, v1;
	(xrf2) =	vadd.scan.msk.f32 $0xffff, v0;
	v12 =	vld [tilespmem:s31+$0x9280]  }
0x6c5: {  	v58 =	vld [tilespmem:$0x1F420];
	(xrf2) =	vadd.scan.msk.f32 $0xffff, v4;
	v4 =	vmul.f32 v40, v39;
	v33 =	vadd.f32 v60, v6;
	v6 =	vmul.f32 v42, v41  }
0x6c6: {  	v45 =	vmul.f32 v14, v13;
	v14 =	vld [tilespmem:$0x1F430]  }
0x6c7: {  	v17 =	vld [tilespmem:$0x1F480];
	v4 =	vadd.f32 v6, v4;
	v6 =	vmul.f32 v15, v47  }
0x6c8: {  	v63 =	vld [tilespmem:$0x1F340]  }
0x6c9: {  	v5 =	vmul.f32 v37, v35;
	v34 =	vmul.f32 v52, v12;
	v52 =	vld [tilespmem:$0x1F3F0];
	v4 =	vadd.f32 v6, v4  }
0x6ca: {  	v15 =	vld [tilespmem:$0x1F450]  }
0x6cb: {  	v4 =	vadd.f32 v5, v4;
	v5 =	vmul.f32 v14, v58;
	v14 =	vld [tilespmem:$0x1F440]  }
0x6cc: {  	v8 =	vmul.f32 v8, v9;
	v12 =	vld [tilespmem:$0x1F400]  }
0x6cd: {  	v43 =	vld [tilespmem:s31+$0x15CB0]  }
0x6ce: {  	v48 =	vld [tilespmem:s31+$0x15CC0];
	v2 =	vadd.f32 v8, v2  }
0x6cf: {  	v57 =	vmul.f32 v30, v31;
	v50 =	vld [tilespmem:$0x1F3D0]  }
0x6d0: {  	v59 =	vmul.f32 v18, v19;
	v2 =	vadd.f32 v51, v2;
	v51 =	vld [tilespmem:$0x1F3E0];
	v14 =	vmul.f32 v15, v14  }
0x6d1: {  	v1 =	vmul.f32 v63, v62;
	v11 =	vmul.f32 v12, v52;
	v12 =	vld [tilespmem:s31+$0x15D70]  }
0x6d2: {  	v3 =	vadd.f32 v57, v53;
	v5 =	vadd.f32 v14, v5;
	v14 =	vld [tilespmem:$0x1F460]  }
0x6d3: {  	v0 =	vadd.f32 v59, v61;
	(xrf2) =	vadd.scan.msk.f32 $0xffff, v2;
	v2 =	vmul.f32 v56, v36;
	v55 =	vld [tilespmem:$0x1F410];
	v1 =	vadd.f32 v10, v1  }
0x6d4: {  	v62 =	vld [tilespmem:$0x1F470];
	(xrf2) =	vadd.scan.msk.f32 $0xffff, v3;
	v38 =	vadd.f32 v34, v33  }
0x6d5: {  	v46 =	vld [tilespmem:s31+$0x94C0];
	v44 =	vadd.f32 v2, v1;
	(xrf2) =	vadd.scan.msk.f32 $0xffff, v0  }
0x6d6: {  	v63 =	vld [tilespmem:$0x1F490];
	v9, _, _ =	vpop (xrf2);
	v1 =	vmul.f32 v51, v50;
	(xrf2) =	vadd.scan.msk.f32 $0xffff, v38  }
0x6d7: {  	v49, _, _ =	vpop (xrf2);
	v56 =	vld [tilespmem:s31+$0x15D80];
	v0 =	vadd.f32 v45, v44;
	v12 =	vmul.f32 v12, v14  }
0x6d8: {  	v13, _, _ =	vpop (xrf2);
	v53 =	vld [tilespmem:s31+$0x9580];
	v8 =	vmul.f32 v43, v55;
	v1 =	vadd.f32 v11, v1  }
0x6d9: {  	v54, _, _ =	vpop (xrf2);
	(xrf2) =	vadd.scan.msk.f32 $0xffff, v0;
	v5 =	vadd.f32 v12, v5;
	v12 =	vld [tilespmem:$0x1F4A0]  }
0x6da: {  	v59 =	vld [tilespmem:s31+$0x15DF0];
	v57, _, _ =	vpop (xrf2);
	v2 =	vmul.f32 v48, v46;
	v1 =	vadd.f32 v8, v1  }
0x6db: {  	v16, _, _ =	vpop (xrf2);
	v15 =	vld [tilespmem:s31+$0x95F0]  }
0x6dc: {  	v60, _, _ =	vpop (xrf2);
	(xrf2) =	vadd.scan.msk.f32 $0xffff, v4;
	v1 =	vadd.f32 v2, v1;
	v2 =	vmul.f32 v17, v62;
	v17 =	vld [tilespmem:s31+$0x15E00]  }
0x6dd: {  	v61, _, _ =	vpop (xrf2);
	v14 =	vld [tilespmem:s31+$0x9600]  }
0x6de: {  	v6 =	vmul.f32 v56, v53;
	v18, _, _ =	vpop (xrf2);
	v11 =	vmul.f32 v12, v63  }
0x6df: {  	(xrf2) =	vadd.scan.msk.f32 $0xffff, v1;
	v12, _, _ =	vpop (xrf2)  }
0x6e0: {  	v33 =	vmul.f32 v59, v15;
	v32 =	vadd.f32 v6, v5;
	v34, _, _ =	vpop (xrf2);
	v2 =	vadd.f32 v11, v2  }
0x6e1: {  	v35 =	vbroadcast v12, $0xF;
	v6 =	vbroadcast v34, $0xF  }
0x6e2: {  	v36 =	vbroadcast v18, $0xF;
	v37 =	vmul.f32 v17, v14;
	(xrf2) =	vadd.scan.msk.f32 $0xffff, v32;
	v2 =	vadd.f32 v33, v2  }
0x6e3: {  	v4 =	vbroadcast v61, $0xF;
	v39, _, _ =	vpop (xrf2);
	v38 =	vsel vm0, v35, v6  }
0x6e4: {  	v6 =	vbroadcast v39, $0xF;
	v1 =	vsel vm1, v38, v36;
	v2 =	vadd.f32 v37, v2  }
0x6e5: {  	v40 =	vbroadcast v60, $0xF;
	v1 =	vsel vm2, v1, v4  }
0x6e6: {  	v41 =	vbroadcast v16, $0xF;
	v42, _, _ =	vpop (xrf2);
	v1 =	vsel vm3, v1, v6;
	(xrf2) =	vadd.scan.msk.f32 $0xffff, v2  }
0x6e7: {  	v43 =	vbroadcast v42, $0xF;
	v1 =	vsel vm4, v1, v40  }
0x6e8: {  	v0 =	vbroadcast v57, $0xF;
	v1 =	vsel vm5, v1, v41  }
0x6e9: {  	v44 =	vbroadcast v54, $0xF;
	v45, _, _ =	vpop (xrf2);
	v1 =	vsel vm6, v1, v43  }
0x6ea: {  	v46 =	vbroadcast v45, $0xF;
	v0 =	vsel vm7, v1, v0  }
0x6eb: {  	v47 =	vbroadcast v13, $0xF;
	v0 =	vsel vm8, v0, v44  }
0x6ec: {  	v48 =	vbroadcast v49, $0xF;
	v49, _, _ =	vpop (xrf2);
	v0 =	vsel vm9, v0, v46  }
0x6ed: {  	v50 =	vbroadcast v49, $0xF;
	v0 =	vsel vm10, v0, v47  }
0x6ee: {  	v51 =	vbroadcast v9, $0xF;
	v0 =	vsel vm11, v0, v48  }
0x6ef: {  	v0 =	vsel vm12, v0, v50  }
0x6f0: {  	v0 =	vsel vm13, v0, v51;
	v52, _, _ =	vpop (xrf2)  }
0x6f1: {  	s23 =	simm.s32 $0x1D970;
	v0 =	vsel vm14, v0, v52  }
0x6f2: {  	s24 =	simm.s32 $0x7F0;
	[tilespmem:s23+$0x0] =	vst v0  }
0x6f3: {  	v6 =	vld [tilespmem:s24+$0x95C0]  }
0x6f4: {  	v9 =	vld [tilespmem:s24+$0x15DC0]  }
0x6f5: {  	v0 =	vld [tilespmem:s24+$0x95D0]  }
0x6f6: {  	v53 =	vld [tilespmem:s24+$0x15DD0]  }
0x6f7: {  	v54 =	vld [tilespmem:s24+$0x95E0]  }
0x6f8: {  	v55 =	vld [tilespmem:s24+$0x15DE0]  }
0x6f9: {  	v56 =	vld [tilespmem:s24+$0x95B0]  }
0x6fa: {  	v31 =	vld [tilespmem:s24+$0x15DB0]  }
0x6fb: {  	v11 =	vld [tilespmem:s24+$0x9540]  }
0x6fc: {  	v12 =	vld [tilespmem:s24+$0x15D40]  }
0x6fd: {  	v57 =	vld [tilespmem:s24+$0x9570]  }
0x6fe: {  	v26 =	vld [tilespmem:s24+$0x9590]  }
0x6ff: {  	v32 =	vld [tilespmem:s24+$0x15D90]  }
0x700: {  	v33 =	vld [tilespmem:s24+$0x95A0]  }
0x701: {  	v35 =	vld [tilespmem:s24+$0x15DA0]  }
0x702: {  	v14 =	vld [tilespmem:s24+$0x9500]  }
0x703: {  	v23 =	vld [tilespmem:s24+$0x15D00]  }
0x704: {  	v58 =	vld [tilespmem:s24+$0x9530]  }
0x705: {  	v63 =	vld [tilespmem:s24+$0x15D30]  }
0x706: {  	v59 =	vld [tilespmem:s24+$0x9550]  }
0x707: {  	v60 =	vld [tilespmem:s24+$0x15D50]  }
0x708: {  	v61 =	vld [tilespmem:s24+$0x9560]  }
0x709: {  	v62 =	vld [tilespmem:s24+$0x15D60]  }
0x70a: {  	v36 =	vld [tilespmem:s24+$0x94F0]  }
0x70b: {  	v34 =	vld [tilespmem:s24+$0x15CF0]  }
0x70c: {  	v43 =	vld [tilespmem:s24+$0x9510]  }
0x70d: {  	v44 =	vld [tilespmem:s24+$0x15D10]  }
0x70e: {  	v45 =	vld [tilespmem:s24+$0x9520]  }
0x70f: {  	v46 =	vld [tilespmem:s24+$0x15D20]  }
0x710: {  	v5 =	vld [tilespmem:s24+$0x9480]  }
0x711: {  	v7 =	vld [tilespmem:s24+$0x15C80]  }
0x712: {  	v4 =	vld [tilespmem:s24+$0x94B0]  }
0x713: {  	v49 =	vld [tilespmem:s24+$0x94D0]  }
0x714: {  	v1 =	vld [tilespmem:s24+$0x15CD0]  }
0x715: {  	v2 =	vld [tilespmem:s24+$0x94E0]  }
0x716: {  	v52 =	vld [tilespmem:s24+$0x15CE0]  }
0x717: {  	v3 =	vld [tilespmem:s24+$0x9440]  }
0x718: {  	v8 =	vld [tilespmem:s24+$0x9490]  }
0x719: {  	v10 =	vld [tilespmem:s24+$0x15C90]  }
0x71a: {  	v37 =	vld [tilespmem:s24+$0x94A0]  }
0x71b: {  	v38 =	vld [tilespmem:s24+$0x15CA0]  }
0x71c: {  	v50 =	vld [tilespmem:s24+$0x9430]  }
0x71d: {  	v39 =	vld [tilespmem:s24+$0x15C30]  }
0x71e: {  	v13 =	vld [tilespmem:s24+$0x93C0]  }
0x71f: {  	v20 =	vld [tilespmem:s24+$0x15BC0]  }
0x720: {  	v40 =	vld [tilespmem:s24+$0x93F0]  }
0x721: {  	v48 =	vld [tilespmem:s24+$0x15C10]  }
0x722: {  	v47 =	vld [tilespmem:s24+$0x15C20]  }
0x723: {  	v15 =	vld [tilespmem:s24+$0x93D0]  }
0x724: {  	v16 =	vld [tilespmem:s24+$0x15BD0]  }
0x725: {  	v17 =	vld [tilespmem:s24+$0x93E0]  }
0x726: {  	v18 =	vld [tilespmem:s24+$0x15BE0]  }
0x727: {  	v41 =	vld [tilespmem:s24+$0x9370]  }
0x728: {  	v42 =	vld [tilespmem:s24+$0x15B70]  }
0x729: {  	v22 =	vld [tilespmem:s24+$0x15B90]  }
0x72a: {  	v21 =	vld [tilespmem:s24+$0x15BA0]  }
0x72b: {  	v29 =	vld [tilespmem:s24+$0x9300]  }
0x72c: {  	v30 =	vld [tilespmem:s24+$0x15B00]  }
0x72d: {  	v19 =	vld [tilespmem:s24+$0x9330]  }
0x72e: {  	v27 =	vld [tilespmem:s24+$0x92C0]  }
0x72f: {  	v28 =	vld [tilespmem:s24+$0x15AC0]  }
0x730: {  	v51 =	vld [tilespmem:s24+$0x92F0]  }
0x731: {  	v24 =	vld [tilespmem:s24+$0x15B10]  }
0x732: {  	v25 =	vld [tilespmem:s24+$0x9320]  }
0x733: {  	[tilespmem:$0x1F540] =	vst v4;
	v4 =	vld [tilespmem:s24+$0x15C40]  }
0x734: {  	[tilespmem:$0x1F5B0] =	vst v58;
	v58 =	vld [tilespmem:s24+$0x9470]  }
0x735: {  	[tilespmem:$0x1F4F0] =	vst v57;
	v57 =	vld [tilespmem:s24+$0x15C70]  }
0x736: {  	[tilespmem:$0x1F500] =	vst v59;
	v59 =	vld [tilespmem:s24+$0x9450]  }
0x737: {  	[tilespmem:$0x1F510] =	vst v60;
	v60 =	vld [tilespmem:s24+$0x15C50]  }
0x738: {  	[tilespmem:$0x1F520] =	vst v61;
	v61 =	vld [tilespmem:s24+$0x9460]  }
0x739: {  	[tilespmem:$0x1F530] =	vst v62;
	v62 =	vld [tilespmem:s24+$0x15C60]  }
0x73a: {  	[tilespmem:$0x1F4D0] =	vst v54;
	v54 =	vld [tilespmem:s24+$0x9410]  }
0x73b: {  	[tilespmem:$0x1F4C0] =	vst v53;
	v53 =	vld [tilespmem:s24+$0x9420]  }
0x73c: {  	[tilespmem:$0x1F550] =	vst v8;
	v8 =	vld [tilespmem:s24+$0x9380]  }
0x73d: {  	[tilespmem:$0x1F560] =	vst v10;
	v10 =	vld [tilespmem:s24+$0x15B80]  }
0x73e: {  	[tilespmem:$0x1F5A0] =	vst v56;
	v56 =	vld [tilespmem:s24+$0x93B0]  }
0x73f: {  	[tilespmem:$0x1F4E0] =	vst v55;
	v55 =	vld [tilespmem:s24+$0x15BB0]  }
0x740: {  	[tilespmem:$0x1F580] =	vst v38;
	v38 =	vld [tilespmem:s24+$0x9390]  }
0x741: {  	[tilespmem:$0x1F570] =	vst v37;
	v37 =	vld [tilespmem:s24+$0x93A0]  }
0x742: {  	[tilespmem:$0x1F5E0] =	vst v42;
	v42 =	vld [tilespmem:s24+$0x9350]  }
0x743: {  	[tilespmem:$0x1F590] =	vst v40;
	v40 =	vld [tilespmem:s24+$0x15B50]  }
0x744: {  	[tilespmem:$0x1F5D0] =	vst v41;
	v41 =	vld [tilespmem:s24+$0x9360]  }
0x745: {  	[tilespmem:$0x1F5C0] =	vst v39;
	v39 =	vld [tilespmem:s24+$0x15B60]  }
0x746: {  	[tilespmem:$0x1F5F0] =	vst v51;
	v51 =	vld [tilespmem:s24+$0x15AF0]  }
0x747: {  	v32 =	vmul.f32 v32, v26;
	v26 =	vld [tilespmem:s24+$0x15B20];
	v43 =	vmul.f32 v44, v43  }
0x748: {  	v44 =	vmul.f32 v46, v45;
	v45 =	vmul.f32 v1, v49;
	v49 =	vld [tilespmem:s24+$0x92E0]  }
0x749: {  	v1 =	vld [tilespmem:s24+$0x9290]  }
0x74a: {  	v33 =	vmul.f32 v35, v33;
	v35 =	vld [tilespmem:$0x1F5A0]  }
0x74b: {  	v46 =	vmul.f32 v52, v2;
	v52 =	vld [tilespmem:$0x1F5B0]  }
0x74c: {  	v5 =	vmul.f32 v7, v5;
	v7 =	vld [tilespmem:$0x1F5C0]  }
0x74d: {  	[tilespmem:$0x1F4B0] =	vst v0;
	v0 =	vadd.f32 v33, v32;
	v32 =	vld [tilespmem:s24+$0x15A40]  }
0x74e: {  	v33 =	vld [tilespmem:s24+$0x92B0]  }
0x74f: {  	v45 =	vadd.f32 v46, v45;
	v46 =	vld [tilespmem:s24+$0x92D0]  }
0x750: {  	v43 =	vadd.f32 v44, v43;
	v44 =	vld [tilespmem:s24+$0x15AD0]  }
0x751: {  	v6 =	vmul.f32 v9, v6;
	v34 =	vmul.f32 v34, v36;
	[tilespmem:$0x1F600] =	vst v51;
	v51 =	vld [tilespmem:s24+$0x9310]  }
0x752: {  	v21 =	vmul.f32 v21, v37;
	v37 =	vld [tilespmem:s24+$0x15A10];
	v35 =	vmul.f32 v31, v35  }
0x753: {  	v22 =	vmul.f32 v22, v38;
	v38 =	vld [tilespmem:s24+$0x9210];
	v2 =	vmul.f32 v63, v52  }
0x754: {  	v11 =	vmul.f32 v12, v11;
	v39 =	vmul.f32 v39, v41;
	v41 =	vld [tilespmem:s24+$0x15A20];
	v0 =	vadd.f32 v35, v0  }
0x755: {  	v34 =	vadd.f32 v34, v45;
	v40 =	vmul.f32 v40, v42;
	v31 =	vld [tilespmem:s24+$0x9240];
	v9 =	vadd.f32 v2, v43  }
0x756: {  	v52 =	vmul.f32 v23, v14;
	v63 =	vmul.f32 v57, v58;
	v57 =	vld [tilespmem:$0x1F5D0];
	v0 =	vadd.f32 v6, v0  }
0x757: {  	v58 =	vld [tilespmem:$0x1F5E0];
	v36 =	vadd.f32 v11, v9  }
0x758: {  	v40 =	vadd.f32 v39, v40;
	v39 =	vld [tilespmem:s24+$0x9220];
	v45 =	vadd.f32 v52, v34;
	(xrf2) =	vadd.scan.msk.f32 $0xffff, v0  }
0x759: {  	v60 =	vmul.f32 v60, v59;
	v62 =	vmul.f32 v62, v61;
	v35 =	vld [tilespmem:s24+$0x15AB0];
	(xrf2) =	vadd.scan.msk.f32 $0xffff, v36  }
0x75a: {  	v48 =	vmul.f32 v48, v54;
	v47 =	vmul.f32 v47, v53;
	v43 =	vld [tilespmem:s24+$0x15AE0];
	(xrf2) =	vadd.scan.msk.f32 $0xffff, v45  }
0x75b: {  	v21 =	vadd.f32 v21, v22;
	v52 =	vld [tilespmem:s24+$0x15A90]  }
0x75c: {  	v22 =	vmul.f32 v55, v56;
	v6 =	vadd.f32 v47, v48;
	v48 =	vld [tilespmem:s24+$0x92A0];
	v0 =	vadd.f32 v62, v60  }
0x75d: {  	v9 =	vmul.f32 v7, v50;
	v11 =	vld [tilespmem:s24+$0x15AA0]  }
0x75e: {  	v21 =	vadd.f32 v22, v21;
	v22 =	vmul.f32 v20, v13;
	v62 =	vld [tilespmem:$0x1F5F0];
	v0 =	vadd.f32 v63, v0  }
0x75f: {  	v56 =	vmul.f32 v4, v3;
	v55 =	vadd.f32 v9, v6;
	v63 =	vld [tilespmem:$0x1F600]  }
0x760: {  	v34 =	vld [tilespmem:s24+$0x9230];
	v59 =	vmul.f32 v58, v57;
	v22 =	vadd.f32 v22, v21;
	v0 =	vadd.f32 v5, v0  }
0x761: {  	v44 =	vmul.f32 v44, v46;
	v36 =	vld [tilespmem:s24+$0x15A30];
	v43 =	vmul.f32 v43, v49;
	v42 =	vadd.f32 v56, v55  }
0x762: {  	v61 =	vmul.f32 v10, v8;
	v60 =	vadd.f32 v59, v40;
	v40 =	vld [tilespmem:s24+$0x9250];
	(xrf2) =	vadd.scan.msk.f32 $0xffff, v0;
	v54, _, _ =	vpop (xrf2)  }
0x763: {  	v47 =	vmul.f32 v52, v1;
	v45 =	vadd.f32 v43, v44;
	v43 =	vld [tilespmem:s24+$0x9260];
	(xrf2) =	vadd.scan.msk.f32 $0xffff, v42;
	v21, _, _ =	vpop (xrf2)  }
0x764: {  	s25 =	simm.s32 $0x2FC0;
	v48 =	vmul.f32 v11, v48;
	v44 =	vadd.f32 v61, v60;
	v46 =	vmul.f32 v63, v62;
	v42 =	vld [tilespmem:s24+$0x15A50];
	(xrf2) =	vadd.scan.msk.f32 $0xffff, v22;
	v22, _, _ =	vpop (xrf2)  }
.LBB2_10:
0x765: {  	v49 =	vld [tilespmem:s24+$0x15A60]  }
0x766: {  	v10 =	vld [tilespmem:s24+$0x15A70]  }
0x767: {  	v11 =	vld [tilespmem:s24+$0x9280]  }
0x768: {  	v50 =	vld [tilespmem:s24+$0x15B40]  }
0x769: {  	v15 =	vmul.f32 v16, v15;
	v16 =	vmul.f32 v18, v17;
	v17 =	vld [tilespmem:s24+$0x15CB0]  }
0x76a: {  	v52 =	vld [tilespmem:$0x1F550]  }
0x76b: {  	v1 =	vld [tilespmem:$0x1F560]  }
0x76c: {  	v53 =	vld [tilespmem:$0x1F570]  }
0x76d: {  	v55 =	vld [tilespmem:$0x1F580]  }
0x76e: {  	v12 =	vld [tilespmem:s24+$0x15D70]  }
0x76f: {  	v56 =	vld [tilespmem:$0x1F540]  }
0x770: {  	v57 =	vld [tilespmem:s24+$0x15D80]  }
0x771: {  	v58 =	vld [tilespmem:$0x1F500]  }
0x772: {  	v59 =	vld [tilespmem:$0x1F510]  }
0x773: {  	v60 =	vld [tilespmem:$0x1F520]  }
0x774: {  	v61 =	vld [tilespmem:$0x1F530]  }
0x775: {  	v62 =	vld [tilespmem:$0x1F4F0];
	v45 =	vadd.f32 v46, v45;
	v0 =	vmul.f32 v30, v29;
	v33 =	vmul.f32 v35, v33  }
0x776: {  	v7 =	vadd.f32 v48, v47;
	v30 =	vld [tilespmem:s24+$0x9270];
	v8 =	vmul.f32 v37, v38;
	v9 =	vmul.f32 v41, v39  }
0x777: {  	(xrf2) =	vadd.scan.msk.f32 $0xffff, v44;
	v47 =	vld [tilespmem:s24+$0x15B30];
	v15 =	vadd.f32 v16, v15;
	v27 =	vmul.f32 v28, v27;
	v34 =	vmul.f32 v36, v34  }
0x778: {  	v44 =	vld [tilespmem:s24+$0x15A80];
	v31 =	vmul.f32 v32, v31;
	v0 =	vadd.f32 v0, v45;
	v33 =	vadd.f32 v33, v7  }
0x779: {  	v48 =	vld [tilespmem:s24+$0x9340];
	v46 =	vmul.f32 v49, v43;
	v28 =	vadd.f32 v9, v8;
	v45 =	vmul.f32 v42, v40  }
0x77a: {  	v16 =	vld [tilespmem:s24+$0x15CC0];
	v23 =	vmul.f32 v24, v51;
	v24 =	vmul.f32 v26, v25;
	v29, _, _ =	vpop (xrf2);
	(xrf2) =	vadd.scan.msk.f32 $0xffff, v0;
	v27 =	vadd.f32 v27, v33  }
0x77b: {  	v25 =	vld [tilespmem:s24+$0x15BF0];
	v28 =	vadd.f32 v34, v28;
	v49 =	vadd.f32 v46, v45;
	v30 =	vmul.f32 v10, v30  }
0x77c: {  	v51 =	vld [tilespmem:$0x1F590];
	v23 =	vadd.f32 v24, v23;
	v20 =	vmul.f32 v47, v19  }
0x77d: {  	v24 =	vld [tilespmem:s24+$0x15C00];
	v39, _, _ =	vpop (xrf2);
	(xrf2) =	vadd.scan.msk.f32 $0xffff, v27;
	v27 =	vadd.f32 v31, v28;
	v28 =	vadd.f32 v30, v49;
	v30 =	vmul.f32 v44, v11  }
0x77e: {  	v31 =	vld [tilespmem:s24+$0x9400]  }
0x77f: {  	v32 =	vld [tilespmem:$0x1F4C0];
	v20 =	vadd.f32 v20, v23;
	v23 =	vmul.f32 v50, v48;
	v26, _, _ =	vpop (xrf2);
	(xrf2) =	vadd.scan.msk.f32 $0xffff, v27;
	v27 =	vadd.f32 v30, v28  }
0x780: {  	v35 =	vld [tilespmem:$0x1F4D0];
	v10 =	vmul.f32 v1, v52;
	v11 =	vmul.f32 v55, v53  }
0x781: {  	v14 =	vmul.f32 v25, v51;
	v18, _, _ =	vpop (xrf2);
	v28 =	vld [tilespmem:s24+$0x94C0];
	(xrf2) =	vadd.scan.msk.f32 $0xffff, v27  }
0x782: {  	v36 =	vld [tilespmem:$0x1F4E0];
	v9 =	vmul.f32 v17, v56;
	v20 =	vadd.f32 v23, v20;
	v10 =	vadd.f32 v11, v10  }
0x783: {  	v23 =	vld [tilespmem:s24+$0x9580];
	v14 =	vadd.f32 v14, v15;
	v15 =	vmul.f32 v24, v31  }
0x784: {  	v9 =	vadd.f32 v9, v10;
	v10 =	vld [tilespmem:$0x1F4B0];
	v13, _, _ =	vpop (xrf2);
	(xrf2) =	vadd.scan.msk.f32 $0xffff, v20  }
0x785: {  	v5 =	vmul.f32 v59, v58;
	v6 =	vmul.f32 v61, v60;
	v7 =	vld [tilespmem:s24+$0x95F0];
	v14 =	vadd.f32 v15, v14  }
0x786: {  	v15 =	vld [tilespmem:s24+$0x15DF0];
	v16 =	vmul.f32 v16, v28  }
0x787: {  	v63 =	vld [tilespmem:s24+$0x9600];
	v4 =	vmul.f32 v12, v62;
	v5 =	vadd.f32 v6, v5;
	v8, _, _ =	vpop (xrf2);
	(xrf2) =	vadd.scan.msk.f32 $0xffff, v14  }
0x788: {  	v3 =	vld [tilespmem:s24+$0x15E00];
	v0 =	vmul.f32 v36, v35;
	v9 =	vadd.f32 v16, v9  }
0x789: {  	v12 =	vadd.f32 v4, v5;
	v34 =	vmul.f32 v57, v23;
	v2 =	vmul.f32 v32, v10  }
0x78a: {  	v33, _, _ =	vpop (xrf2);
	(xrf2) =	vadd.scan.msk.f32 $0xffff, v9  }
0x78b: {  	v37 =	vadd.f32 v34, v12;
	v0 =	vadd.f32 v0, v2;
	v38 =	vmul.f32 v15, v7;
	v40, _, _ =	vpop (xrf2)  }
0x78c: {  	v41 =	vbroadcast v33, $0xF;
	v42 =	vbroadcast v40, $0xF  }
0x78d: {  	v44 =	vmul.f32 v3, v63;
	v43 =	vbroadcast v8, $0xF;
	v0 =	vadd.f32 v38, v0;
	(xrf2) =	vadd.scan.msk.f32 $0xffff, v37  }
0x78e: {  	v46 =	vbroadcast v13, $0xF;
	v45 =	vsel vm0, v41, v42;
	v47, _, _ =	vpop (xrf2)  }
0x78f: {  	v0 =	vadd.f32 v44, v0;
	v1 =	vsel vm1, v45, v43;
	v48 =	vbroadcast v47, $0xF  }
0x790: {  	v49 =	vbroadcast v18, $0xF;
	v1 =	vsel vm2, v1, v46  }
0x791: {  	v50 =	vbroadcast v26, $0xF;
	v51, _, _ =	vpop (xrf2);
	(xrf2) =	vadd.scan.msk.f32 $0xffff, v0;
	v1 =	vsel vm3, v1, v48  }
0x792: {  	v53 =	vbroadcast v51, $0xF;
	v52 =	vsel vm4, v1, v49  }
0x793: {  	v55 =	vbroadcast v39, $0xF;
	v0 =	vsel vm5, v52, v50  }
0x794: {  	v56 =	vbroadcast v29, $0xF;
	v57, _, _ =	vpop (xrf2);
	v0 =	vsel vm6, v0, v53  }
0x795: {  	v58 =	vbroadcast v57, $0xF;
	v0 =	vsel vm7, v0, v55  }
0x796: {  	v59 =	vbroadcast v22, $0xF;
	v0 =	vsel vm8, v0, v56  }
0x797: {  	v60 =	vbroadcast v21, $0xF;
	v61, _, _ =	vpop (xrf2);
	v0 =	vsel vm9, v0, v58  }
0x798: {  	v3 =	vbroadcast v61, $0xF;
	v0 =	vsel vm10, v0, v59  }
0x799: {  	v62 =	vbroadcast v54, $0xF;
	v0 =	vsel vm11, v0, v60  }
0x79a: {  	v0 =	vsel vm12, v0, v3  }
0x79b: {  	v63, _, _ =	vpop (xrf2);
	v0 =	vsel vm13, v0, v62  }
0x79c: {  	s23 =	sadd.s32 $0x10, s23;
	v0 =	vsel vm14, v0, v63  }
0x79d: {  	s24 =	sshra.s32 s25, $0x2;
	[tilespmem:s23+$0x0] =	vst v0  }
0x79e: {  	v0 =	vld [tilespmem:s24+$0x95C0]  }
0x79f: {  	v21 =	vld [tilespmem:s24+$0x15DC0]  }
0x7a0: {  	v4 =	vld [tilespmem:s24+$0x95D0]  }
0x7a1: {  	v5 =	vld [tilespmem:s24+$0x15DD0]  }
0x7a2: {  	v6 =	vld [tilespmem:s24+$0x95E0]  }
0x7a3: {  	v7 =	vld [tilespmem:s24+$0x15DE0]  }
0x7a4: {  	v26 =	vld [tilespmem:s24+$0x95B0]  }
0x7a5: {  	v31 =	vld [tilespmem:s24+$0x15DB0]  }
0x7a6: {  	v34 =	vld [tilespmem:s24+$0x9540]  }
0x7a7: {  	v37 =	vld [tilespmem:s24+$0x15D40]  }
0x7a8: {  	v8 =	vld [tilespmem:s24+$0x9570]  }
0x7a9: {  	v24 =	vld [tilespmem:s24+$0x9590]  }
0x7aa: {  	v25 =	vld [tilespmem:s24+$0x15D90]  }
0x7ab: {  	v32 =	vld [tilespmem:s24+$0x95A0]  }
0x7ac: {  	v48 =	vld [tilespmem:s24+$0x15DA0]  }
0x7ad: {  	v9 =	vld [tilespmem:s24+$0x9500]  }
0x7ae: {  	v22 =	vld [tilespmem:s24+$0x15D00]  }
0x7af: {  	v33 =	vld [tilespmem:s24+$0x9530]  }
0x7b0: {  	v35 =	vld [tilespmem:s24+$0x15D30]  }
0x7b1: {  	v10 =	vld [tilespmem:s24+$0x9550]  }
0x7b2: {  	v11 =	vld [tilespmem:s24+$0x15D50]  }
0x7b3: {  	v36 =	vld [tilespmem:s24+$0x9560]  }
0x7b4: {  	v38 =	vld [tilespmem:s24+$0x15D60]  }
0x7b5: {  	v43 =	vld [tilespmem:s24+$0x94F0]  }
0x7b6: {  	v46 =	vld [tilespmem:s24+$0x15CF0]  }
0x7b7: {  	v53 =	vld [tilespmem:s24+$0x9510]  }
0x7b8: {  	v54 =	vld [tilespmem:s24+$0x15D10]  }
0x7b9: {  	v55 =	vld [tilespmem:s24+$0x9520]  }
0x7ba: {  	v56 =	vld [tilespmem:s24+$0x15D20]  }
0x7bb: {  	v39 =	vld [tilespmem:s24+$0x9480]  }
0x7bc: {  	v41 =	vld [tilespmem:s24+$0x15C80]  }
0x7bd: {  	v40 =	vld [tilespmem:s24+$0x94B0]  }
0x7be: {  	v57 =	vld [tilespmem:s24+$0x94D0]  }
0x7bf: {  	v58 =	vld [tilespmem:s24+$0x15CD0]  }
0x7c0: {  	v59 =	vld [tilespmem:s24+$0x94E0]  }
0x7c1: {  	v60 =	vld [tilespmem:s24+$0x15CE0]  }
0x7c2: {  	v42 =	vld [tilespmem:s24+$0x9440]  }
0x7c3: {  	v44 =	vld [tilespmem:s24+$0x15C40]  }
0x7c4: {  	v52 =	vld [tilespmem:s24+$0x15C70]  }
0x7c5: {  	v45 =	vld [tilespmem:s24+$0x9490]  }
0x7c6: {  	v47 =	vld [tilespmem:s24+$0x15C90]  }
0x7c7: {  	v49 =	vld [tilespmem:s24+$0x94A0]  }
0x7c8: {  	v50 =	vld [tilespmem:s24+$0x15CA0]  }
0x7c9: {  	v61 =	vld [tilespmem:s24+$0x9450]  }
0x7ca: {  	v62 =	vld [tilespmem:s24+$0x15C50]  }
0x7cb: {  	v63 =	vld [tilespmem:s24+$0x9460]  }
0x7cc: {  	v51 =	vld [tilespmem:s24+$0x93F0]  }
0x7cd: {  	v1 =	vld [tilespmem:s24+$0x9410]  }
0x7ce: {  	v2 =	vld [tilespmem:s24+$0x15C10]  }
0x7cf: {  	v3 =	vld [tilespmem:s24+$0x9420]  }
0x7d0: {  	v23 =	vld [tilespmem:s24+$0x15BD0]  }
0x7d1: {  	v12 =	vld [tilespmem:s24+$0x15BA0]  }
0x7d2: {  	v29 =	vld [tilespmem:s24+$0x9300]  }
0x7d3: {  	v30 =	vld [tilespmem:s24+$0x15B00]  }
0x7d4: {  	v19 =	vld [tilespmem:s24+$0x9330]  }
0x7d5: {  	v13 =	vld [tilespmem:s24+$0x9350]  }
0x7d6: {  	v14 =	vld [tilespmem:s24+$0x15B50]  }
0x7d7: {  	v15 =	vld [tilespmem:s24+$0x9360]  }
0x7d8: {  	v16 =	vld [tilespmem:s24+$0x15B60]  }
0x7d9: {  	v27 =	vld [tilespmem:s24+$0x92C0]  }
0x7da: {  	v28 =	vld [tilespmem:s24+$0x15AC0]  }
0x7db: {  	v17 =	vld [tilespmem:s24+$0x92F0]  }
0x7dc: {  	v18 =	vld [tilespmem:s24+$0x15AF0]  }
0x7dd: {  	[tilespmem:$0x1F520] =	vst v36;
	v36 =	vld [tilespmem:s24+$0x9470]  }
0x7de: {  	[tilespmem:$0x1F570] =	vst v49;
	v49 =	vld [tilespmem:s24+$0x9430]  }
0x7df: {  	[tilespmem:$0x1F530] =	vst v38;
	v38 =	vld [tilespmem:s24+$0x15C30]  }
0x7e0: {  	[tilespmem:$0x1F2C0] =	vst v0;
	v0 =	vld [tilespmem:s24+$0x15C60]  }
0x7e1: {  	[tilespmem:$0x1F540] =	vst v40;
	v40 =	vld [tilespmem:s24+$0x93C0]  }
0x7e2: {  	[tilespmem:$0x1F2E0] =	vst v39;
	v39 =	vld [tilespmem:s24+$0x15BC0]  }
0x7e3: {  	[tilespmem:$0x1F4B0] =	vst v4;
	v4 =	vld [tilespmem:s24+$0x15C20]  }
0x7e4: {  	[tilespmem:$0x1F2F0] =	vst v42;
	v42 =	vld [tilespmem:s24+$0x9380]  }
0x7e5: {  	[tilespmem:$0x1F550] =	vst v45;
	v45 =	vld [tilespmem:s24+$0x15B80]  }
0x7e6: {  	[tilespmem:$0x1F4C0] =	vst v5;
	v5 =	vld [tilespmem:s24+$0x93B0]  }
0x7e7: {  	[tilespmem:$0x1F4D0] =	vst v6;
	v6 =	vld [tilespmem:s24+$0x15BB0]  }
0x7e8: {  	[tilespmem:$0x1F580] =	vst v50;
	v50 =	vld [tilespmem:s24+$0x93D0]  }
0x7e9: {  	[tilespmem:$0x1F560] =	vst v47;
	v47 =	vld [tilespmem:s24+$0x93E0]  }
0x7ea: {  	[tilespmem:$0x1F300] =	vst v44;
	v44 =	vld [tilespmem:s24+$0x15BE0]  }
0x7eb: {  	[tilespmem:$0x1F4E0] =	vst v7;
	v7 =	vld [tilespmem:s24+$0x9370]  }
0x7ec: {  	[tilespmem:$0x1F4F0] =	vst v8;
	v8 =	vld [tilespmem:s24+$0x15B70]  }
0x7ed: {  	[tilespmem:$0x1F2D0] =	vst v9;
	v9 =	vld [tilespmem:s24+$0x9390]  }
0x7ee: {  	[tilespmem:$0x1F500] =	vst v10;
	v10 =	vld [tilespmem:s24+$0x15B90]  }
0x7ef: {  	[tilespmem:$0x1F510] =	vst v11;
	v11 =	vld [tilespmem:s24+$0x93A0]  }
0x7f0: {  	[tilespmem:$0x1F590] =	vst v51;
	v51 =	vld [tilespmem:s24+$0x9310]  }
0x7f1: {  	v20 =	vmul.f32 v25, v24;
	v24 =	vld [tilespmem:s24+$0x15B10]  }
0x7f2: {  	v32 =	vmul.f32 v48, v32;
	v25 =	vld [tilespmem:s24+$0x9320]  }
0x7f3: {  	v48 =	vmul.f32 v54, v53;
	v53 =	vmul.f32 v56, v55;
	v56 =	vld [tilespmem:$0x1F2C0]  }
0x7f4: {  	v60 =	vmul.f32 v60, v59;
	v59 =	vld [tilespmem:$0x1F2D0]  }
0x7f5: {  	v43 =	vmul.f32 v46, v43;
	v46 =	vld [tilespmem:$0x1F300]  }
0x7f6: {  	v20 =	vadd.f32 v32, v20;
	v32 =	vmul.f32 v31, v26;
	v26 =	vld [tilespmem:s24+$0x15B20]  }
0x7f7: {  	v58 =	vmul.f32 v58, v57;
	v31 =	vld [tilespmem:s24+$0x9240]  }
0x7f8: {  	v48 =	vadd.f32 v53, v48;
	v53 =	vmul.f32 v35, v33;
	v33 =	vld [tilespmem:s24+$0x92B0]  }
0x7f9: {  	v35 =	vld [tilespmem:s24+$0x15AB0];
	v57 =	vadd.f32 v60, v58  }
0x7fa: {  	v20 =	vadd.f32 v32, v20;
	v32 =	vld [tilespmem:s24+$0x15A40]  }
0x7fb: {  	v34 =	vmul.f32 v37, v34;
	v37 =	vadd.f32 v43, v57;
	v43 =	vld [tilespmem:s24+$0x15AE0]  }
0x7fc: {  	v60 =	vmul.f32 v52, v36;
	v36 =	vld [tilespmem:s24+$0x15A30];
	v21 =	vmul.f32 v21, v56  }
0x7fd: {  	v58 =	vmul.f32 v62, v61;
	v0 =	vmul.f32 v0, v63;
	v63 =	vld [tilespmem:$0x1F2E0]  }
0x7fe: {  	v61 =	vmul.f32 v4, v3;
	v3 =	vld [tilespmem:s24+$0x15A90];
	v20 =	vadd.f32 v21, v20;
	v21 =	vadd.f32 v53, v48  }
0x7ff: {  	v22 =	vmul.f32 v22, v59;
	v59 =	vmul.f32 v39, v40;
	v39 =	vld [tilespmem:s24+$0x9220]  }
0x800: {  	v40 =	vld [tilespmem:s24+$0x9250];
	v21 =	vadd.f32 v34, v21  }
0x801: {  	v48 =	vld [tilespmem:s24+$0x92D0];
	v62 =	vadd.f32 v22, v37;
	(xrf2) =	vadd.scan.msk.f32 $0xffff, v20  }
0x802: {  	v53 =	vld [tilespmem:s24+$0x92E0];
	(xrf2) =	vadd.scan.msk.f32 $0xffff, v21  }
0x803: {  	v0 =	vadd.f32 v0, v58;
	v4 =	vmul.f32 v41, v63;
	v41 =	vld [tilespmem:$0x1F2F0];
	(xrf2) =	vadd.scan.msk.f32 $0xffff, v62  }
0x804: {  	v1 =	vmul.f32 v2, v1;
	v9 =	vmul.f32 v10, v9;
	v22 =	vld [tilespmem:s24+$0x9290]  }
0x805: {  	v37 =	vmul.f32 v38, v49;
	v38 =	vmul.f32 v12, v11;
	v0 =	vadd.f32 v60, v0;
	v20 =	vld [tilespmem:s24+$0x15AD0]  }
0x806: {  	v57 =	vmul.f32 v16, v15;
	v5 =	vmul.f32 v6, v5;
	v1 =	vadd.f32 v61, v1;
	v11 =	vld [tilespmem:s24+$0x15AA0]  }
0x807: {  	v49 =	vmul.f32 v14, v13;
	v34 =	vld [tilespmem:s24+$0x9230];
	v9 =	vadd.f32 v38, v9;
	v0 =	vadd.f32 v4, v0  }
0x808: {  	p0 =	sne.s32 s25, $0x18FC0;
	v16 =	vmovc v23;
	v60 =	vmul.f32 v8, v7;
	v1 =	vadd.f32 v37, v1;
	v4 =	vld [tilespmem:s24+$0x92A0];
	v2 =	vmul.f32 v46, v41  }
.Ltmp4:
0x809: {  	v37 =	vld [tilespmem:s24+$0x15A10];
	v63 =	vmul.f32 v45, v42;
	v58 =	vadd.f32 v5, v9;
	(xrf2) =	vadd.scan.msk.f32 $0xffff, v0;
	v0 =	vadd.f32 v57, v49;
	(pc) =	sbr.rel @p0 .LBB2_10-.Ltmp4, $4  }
0x80a: {  	v15 =	vmovc v50;
	v38 =	vld [tilespmem:s24+$0x9210];
	v62 =	vmul.f32 v43, v53;
	v61 =	vmul.f32 v20, v48;
	v1 =	vadd.f32 v2, v1  }
0x80b: {  	v42 =	vld [tilespmem:s24+$0x15A50];
	v46 =	vmul.f32 v18, v17;
	v0 =	vadd.f32 v60, v0;
	v2 =	vadd.f32 v59, v58;
	v54, _, _ =	vpop (xrf2)  }
0x80c: {  	v43 =	vld [tilespmem:s24+$0x9260];
	v18 =	vmov v44;
	v17 =	vmov v47;
	v47 =	vmul.f32 v3, v22;
	(xrf2) =	vadd.scan.msk.f32 $0xffff, v1;
	v21, _, _ =	vpop (xrf2)  }
0x80d: {  	s25 =	sadd.s32 $0x1000, s25;
	v41 =	vld [tilespmem:s24+$0x15A20];
	v45 =	vadd.f32 v62, v61;
	v48 =	vmul.f32 v11, v4;
	v44 =	vadd.f32 v63, v0;
	(xrf2) =	vadd.scan.msk.f32 $0xffff, v2;
	v22, _, _ =	vpop (xrf2)  }
0x80e: {  	v0 =	vld [tilespmem:s24+$0x15A60]  }
0x80f: {  	v1 =	vld [tilespmem:s24+$0x9270]  }
0x810: {  	v4 =	vld [tilespmem:s24+$0x15A70]  }
0x811: {  	v7 =	vld [tilespmem:s24+$0x9280]  }
0x812: {  	v6 =	vmul.f32 v35, v33;
	v33 =	vld [tilespmem:s24+$0x15A80]  }
0x813: {  	v10 =	vld [tilespmem:s24+$0x15B30]  }
0x814: {  	v12 =	vld [tilespmem:s24+$0x9340]  }
0x815: {  	v14 =	vld [tilespmem:s24+$0x15BF0]  }
0x816: {  	v50 =	vld [tilespmem:s24+$0x15CB0]  }
0x817: {  	v52 =	vld [tilespmem:s24+$0x94C0]  }
0x818: {  	v53 =	vld [tilespmem:$0x1F590]  }
0x819: {  	v55 =	vld [tilespmem:s24+$0x15CC0]  }
0x81a: {  	v57 =	vld [tilespmem:$0x1F550]  }
0x81b: {  	v58 =	vld [tilespmem:$0x1F560]  }
0x81c: {  	v59 =	vld [tilespmem:$0x1F570]  }
0x81d: {  	v60 =	vld [tilespmem:$0x1F580]  }
0x81e: {  	v61 =	vld [tilespmem:s24+$0x15D70]  }
0x81f: {  	v3 =	vmul.f32 v30, v29;
	v11 =	vmul.f32 v28, v27;
	v62 =	vld [tilespmem:s24+$0x9580]  }
0x820: {  	v13 =	vmul.f32 v32, v31;
	v49 =	vmul.f32 v18, v17;
	v17 =	vld [tilespmem:$0x1F540]  }
0x821: {  	v18 =	vld [tilespmem:s24+$0x15D80];
	v2 =	vadd.f32 v46, v45;
	v8 =	vmul.f32 v37, v38;
	v9 =	vmul.f32 v41, v39  }
0x822: {  	v20 =	vld [tilespmem:$0x1F500];
	v5 =	vadd.f32 v48, v47;
	v35 =	vmul.f32 v42, v40;
	v0 =	vmul.f32 v0, v43  }
0x823: {  	v23 =	vld [tilespmem:$0x1F510];
	v37 =	vmul.f32 v36, v34;
	v40 =	vmul.f32 v24, v51;
	v8 =	vadd.f32 v9, v8  }
0x824: {  	v38 =	vld [tilespmem:s24+$0x15B40];
	v5 =	vadd.f32 v6, v5;
	v1 =	vmul.f32 v4, v1;
	v0 =	vadd.f32 v0, v35  }
0x825: {  	v31 =	vld [tilespmem:$0x1F4F0];
	v2 =	vadd.f32 v3, v2;
	v41 =	vmul.f32 v26, v25;
	v39 =	vadd.f32 v37, v8  }
0x826: {  	(xrf2) =	vadd.scan.msk.f32 $0xffff, v44;
	v47 =	vld [tilespmem:s24+$0x15C00];
	v5 =	vadd.f32 v11, v5;
	v42 =	vmul.f32 v33, v7;
	v0 =	vadd.f32 v1, v0  }
0x827: {  	v43 =	vld [tilespmem:s24+$0x9400];
	(xrf2) =	vadd.scan.msk.f32 $0xffff, v2;
	v46 =	vmul.f32 v10, v19;
	v45 =	vadd.f32 v41, v40;
	v44 =	vadd.f32 v13, v39  }
0x828: {  	v48 =	vmul.f32 v16, v15;
	v24 =	vld [tilespmem:$0x1F520];
	(xrf2) =	vadd.scan.msk.f32 $0xffff, v5;
	v0 =	vadd.f32 v42, v0  }
0x829: {  	v25 =	vld [tilespmem:$0x1F530];
	v4 =	vmul.f32 v38, v12;
	v51 =	vadd.f32 v46, v45;
	(xrf2) =	vadd.scan.msk.f32 $0xffff, v44  }
0x82a: {  	v34 =	vld [tilespmem:$0x1F4B0];
	v5 =	vmul.f32 v14, v53;
	v1 =	vadd.f32 v49, v48;
	(xrf2) =	vadd.scan.msk.f32 $0xffff, v0  }
0x82b: {  	v2 =	vmul.f32 v58, v57;
	v38 =	vld [tilespmem:$0x1F4D0];
	v56 =	vadd.f32 v4, v51;
	v4 =	vmul.f32 v60, v59  }
0x82c: {  	v35 =	vld [tilespmem:$0x1F4C0];
	v3 =	vmul.f32 v47, v43;
	v1 =	vadd.f32 v5, v1  }
0x82d: {  	v63, _, _ =	vpop (xrf2);
	v39 =	vld [tilespmem:$0x1F4E0];
	v2 =	vadd.f32 v4, v2;
	v4 =	vmul.f32 v50, v17;
	(xrf2) =	vadd.scan.msk.f32 $0xffff, v56  }
0x82e: {  	v29 =	vld [tilespmem:s24+$0x15DF0];
	v19, _, _ =	vpop (xrf2);
	v11 =	vmul.f32 v25, v24;
	v1 =	vadd.f32 v3, v1;
	v3 =	vmul.f32 v23, v20  }
0x82f: {  	v26 =	vld [tilespmem:s24+$0x95F0];
	v28 =	vmul.f32 v55, v52;
	v27, _, _ =	vpop (xrf2);
	v2 =	vadd.f32 v4, v2  }
0x830: {  	v32 =	vld [tilespmem:s24+$0x9600];
	v10 =	vmul.f32 v61, v31;
	v30, _, _ =	vpop (xrf2);
	v3 =	vadd.f32 v11, v3;
	(xrf2) =	vadd.scan.msk.f32 $0xffff, v1  }
0x831: {  	v36 =	vld [tilespmem:s24+$0x15E00];
	v5 =	vmul.f32 v18, v62;
	v33, _, _ =	vpop (xrf2);
	v2 =	vadd.f32 v28, v2  }
0x832: {  	v4 =	vmul.f32 v35, v34;
	v9 =	vmul.f32 v39, v38;
	v37, _, _ =	vpop (xrf2);
	v3 =	vadd.f32 v10, v3  }
0x833: {  	(xrf2) =	vadd.scan.msk.f32 $0xffff, v2;
	v40, _, _ =	vpop (xrf2)  }
0x834: {  	v43 =	vmul.f32 v29, v26;
	v42 =	vadd.f32 v9, v4;
	v41 =	vadd.f32 v5, v3;
	v44, _, _ =	vpop (xrf2)  }
0x835: {  	v45 =	vbroadcast v40, $0xF;
	v5 =	vbroadcast v44, $0xF  }
0x836: {  	v47 =	vmul.f32 v36, v32;
	v46 =	vbroadcast v37, $0xF;
	v3 =	vadd.f32 v43, v42;
	(xrf2) =	vadd.scan.msk.f32 $0xffff, v41  }
0x837: {  	v1 =	vbroadcast v33, $0xF;
	v49, _, _ =	vpop (xrf2);
	v48 =	vsel vm0, v45, v5  }
0x838: {  	v3 =	vadd.f32 v47, v3;
	v5 =	vbroadcast v49, $0xF;
	v2 =	vsel vm1, v48, v46  }
0x839: {  	v50 =	vbroadcast v30, $0xF;
	v1 =	vsel vm2, v2, v1  }
0x83a: {  	v51 =	vbroadcast v27, $0xF;
	(xrf2) =	vadd.scan.msk.f32 $0xffff, v3;
	v52, _, _ =	vpop (xrf2);
	v1 =	vsel vm3, v1, v5  }
0x83b: {  	v53 =	vbroadcast v52, $0xF;
	v1 =	vsel vm4, v1, v50  }
0x83c: {  	v0 =	vbroadcast v19, $0xF;
	v1 =	vsel vm5, v1, v51  }
0x83d: {  	v55 =	vbroadcast v63, $0xF;
	v56, _, _ =	vpop (xrf2);
	v1 =	vsel vm6, v1, v53  }
0x83e: {  	v57 =	vbroadcast v56, $0xF;
	v0 =	vsel vm7, v1, v0  }
0x83f: {  	v58 =	vbroadcast v22, $0xF;
	v0 =	vsel vm8, v0, v55  }
0x840: {  	v59 =	vbroadcast v21, $0xF;
	v60, _, _ =	vpop (xrf2);
	v0 =	vsel vm9, v0, v57  }
0x841: {  	v61 =	vbroadcast v60, $0xF;
	v0 =	vsel vm10, v0, v58  }
0x842: {  	v62 =	vbroadcast v54, $0xF;
	v0 =	vsel vm11, v0, v59  }
0x843: {  	v0 =	vsel vm12, v0, v61  }
0x844: {  	s22 =	sadd.s32 $0x1, s22;
	v63, _, _ =	vpop (xrf2);
	v0 =	vsel vm13, v0, v62  }
0x845: {  	s23 =	sadd.s32 $0x10, s23;
	p0 =	sne.s32 s22, s8;
	v0 =	vsel vm14, v0, v63  }
.Ltmp5:
0x846: {  	[tilespmem:s23+$0x0] =	vst v0;
	(pc) =	sbr.rel @p0 .LBB2_1-.Ltmp5, $4  }
0x847: {  	[hbm4b:s7+s2] =	stream.linear.scatter [tilespmem:s21], [sflag:$0x5], $0x1900, $0x38;
	[tilespmem:$0x1DB00] =	vst v63  }
0x848: {  	_ =	swait.ge [sflag:s9], $0x1900  }
0x849: {  	[sflag:s9] =	ssyncset.done $0x0  }
0x84a: {  	[sflag:s9] =	ssyncadd.s32 $0xFFFFE700  }
0x84b: {  	_ =	sfence.sel $0x180000  }
0x84c: {  	[bflag:$0x0] =	sbarrier.arrive $0xFFFF  }
0x84d: {  	p0 =	sne.s32 s0, $0x0;
	_ =	strace $0x90000047  }
0x84e: {  	s0 =	sadd.s32 @!p0 $0x100000, s1;
	[bflag:$0x2] =	sbarrier.arrive $0xFFFF  }
0x84f: {  	[sflag:s0] =	ssyncadd.tile.s32 @!p0 $0x1;
	_ =	shalt  }
.Lfunc_end2:
_tile_overlayer_lowered:
.L_overlay_start_2:
0x850: {  	(tag) =	ssettag $0x2  }
0x851: {  	s0 =	rddreg [dreg:$0x0];
	s2 =	stileid.u32  }
0x852: {  	s1 =	rddreg [dreg:$0x1];
	p0 =	sne.s32 s2, $0x0  }
0x853: {  	s3 =	rddreg [dreg:$0x2];
	[bflag:$0x3] =	sbarrier.arrive $0xFFFF;
	s2 =	simm.s32 @!p0 $0x1C05  }
0x854: {  	[timem:s3], [sflag:s2] =	dma.local @!p0 [hbm:s0], s1  }
0x855: {  	s0 =	simm.s32 @!p0 $0x5  }
0x856: {  	_ =	swait.ge @!p0 [sflag:s0], s1  }
0x857: {  	s1 =	ssub.s32 @!p0 $0x0, s1;
	[sflag:s0] =	ssyncset.done @!p0 $0x0  }
0x858: {  	[sflag:s0] =	ssyncadd.s32 @!p0 s1  }
0x859: {  	[bflag:$0x3] =	sbarrier.arrive $0xFFFF  }
0x85a: {  	_ =	shalt  }

</sc_bundles>
